<compile_context>
chip_gen: v7x
topology: tpu7x:2x2x1
jax: 0.10.2.dev20260603
libtpu: 0.0.44.dev20260713+nightly
codegen_flags: <defaults>
</compile_context>

<pallas_src>
import functools
import math

import jax
import jax.numpy as jnp
from jax import lax
from jax.experimental import pallas as pl
from jax.experimental.pallas import tpu as pltpu
from jax.experimental.pallas import tpu_sc as plsc

N_NODES = 10000
N_EDGES = 320000
NUM_GRAPHS = 100
D_IN = 128
HID = 32
GH = 64
K1 = 25
H = 4
DH = GH // H
NUM_CLASSES = 6
SCALE = 1.0 / math.sqrt(GH)

NC, NS = 2, 16
NW = NC * NS
NPAD = 10016
SLAB = NPAD // NS
ECH = 128
EROWS = 2560
EP = EROWS * ECH
ERPW = EROWS // NW
CH = 4
RB = 1000
CB = 512
NKP = N_NODES + CB



def _sc_mesh():
    return plsc.VectorSubcoreMesh(
        core_axis_name="c", subcore_axis_name="s",
        num_cores=NC, num_subcores=NS)


_SC_PARAMS = pltpu.CompilerParams(use_tc_tiling_on_sc=False)


def _sc_degree(dstp, ones_rows, zslab):

    @functools.partial(
        pl.kernel,
        out_type=jax.ShapeDtypeStruct((NC, NPAD, 8), jnp.float32),
        mesh=_sc_mesh(),
        compiler_params=_SC_PARAMS,
        scratch_types=[
            pltpu.VMEM((ERPW, ECH), jnp.int32),
            pltpu.VMEM((ECH, 8), jnp.float32),
            pltpu.VMEM((SLAB, 8), jnp.float32),
            pltpu.VMEM_SHARED((NPAD, 8), jnp.float32),
        ],
    )
    def k(dst_hbm, ones_hbm, z_hbm, out_hbm, dst_v, ones_v, slab_v, acc):
        c = lax.axis_index("c")
        s = lax.axis_index("s")
        wid = c * NS + s
        pltpu.sync_copy(dst_hbm.at[pl.ds(wid * ERPW, ERPW)], dst_v)
        pltpu.sync_copy(ones_hbm, ones_v)
        pltpu.sync_copy(z_hbm, slab_v)
        pltpu.sync_copy(slab_v, acc.at[pl.ds(s * SLAB, SLAB)])
        plsc.subcore_barrier()

        @pl.loop(0, ERPW)
        def _(j):
            pltpu.sync_copy(ones_v, acc.at[dst_v.at[j]], add=True)

        plsc.subcore_barrier()
        pltpu.sync_copy(acc.at[pl.ds(s * SLAB, SLAB)], slab_v)
        pltpu.sync_copy(slab_v, out_hbm.at[c, pl.ds(s * SLAB, SLAB)])

    return k(dstp, ones_rows, zslab)


def _sc_aggregate(xs, srcp, dstp, zslab, d):

    @functools.partial(
        pl.kernel,
        out_type=jax.ShapeDtypeStruct((NC, NPAD, d), jnp.float32),
        mesh=_sc_mesh(),
        compiler_params=_SC_PARAMS,
        scratch_types=(
            [pltpu.VMEM((ERPW, ECH), jnp.int32)] * 2
            + [pltpu.VMEM((ECH, d), jnp.float32)] * CH
            + [pltpu.VMEM((SLAB, d), jnp.float32),
               pltpu.VMEM_SHARED((NPAD, d), jnp.float32)]
            + [pltpu.SemaphoreType.DMA] * (2 * CH)
        ),
    )
    def k(xs_hbm, src_hbm, dst_hbm, z_hbm, out_hbm,
          src_v, dst_v, r0, r1, r2, r3, slab_v, acc,
          g0, g1, g2, g3, s0, s1, s2, s3):
        rows = (r0, r1, r2, r3)
        gsem = (g0, g1, g2, g3)
        ssem = (s0, s1, s2, s3)
        c = lax.axis_index("c")
        s = lax.axis_index("s")
        wid = c * NS + s
        pltpu.sync_copy(src_hbm.at[pl.ds(wid * ERPW, ERPW)], src_v)
        pltpu.sync_copy(dst_hbm.at[pl.ds(wid * ERPW, ERPW)], dst_v)
        pltpu.sync_copy(z_hbm, slab_v)
        pltpu.sync_copy(slab_v, acc.at[pl.ds(s * SLAB, SLAB)])
        plsc.subcore_barrier()

        @pl.loop(0, ERPW, step=CH)
        def _(j):
            hg = [pltpu.async_copy(xs_hbm.at[src_v.at[j + b]], rows[b], gsem[b])
                  for b in range(CH)]
            hs = []
            for b in range(CH):
                hg[b].wait()
                hs.append(pltpu.async_copy(rows[b], acc.at[dst_v.at[j + b]],
                                           ssem[b], add=True))
            for hb in hs:
                hb.wait()

        plsc.subcore_barrier()
        pltpu.sync_copy(acc.at[pl.ds(s * SLAB, SLAB)], slab_v)
        pltpu.sync_copy(slab_v, out_hbm.at[c, pl.ds(s * SLAB, SLAB)])

    return k(xs, srcp, dstp, zslab)


def _sc_aggregate64_split(xs2, srcp, dstp, zslab):
    hw = GH // 2
    erpt = EROWS // NS

    @functools.partial(
        pl.kernel,
        out_type=jax.ShapeDtypeStruct((NC, NPAD, hw), jnp.float32),
        mesh=_sc_mesh(),
        compiler_params=_SC_PARAMS,
        scratch_types=(
            [pltpu.VMEM((erpt, ECH), jnp.int32)] * 2
            + [pltpu.VMEM((ECH, hw), jnp.float32)] * CH
            + [pltpu.VMEM((SLAB, hw), jnp.float32),
               pltpu.VMEM_SHARED((NPAD, hw), jnp.float32)]
            + [pltpu.SemaphoreType.DMA] * (2 * CH)
        ),
    )
    def k(xs_hbm, src_hbm, dst_hbm, z_hbm, out_hbm,
          src_v, dst_v, r0, r1, r2, r3, slab_v, acc,
          g0, g1, g2, g3, s0, s1, s2, s3):
        rows = (r0, r1, r2, r3)
        gsem = (g0, g1, g2, g3)
        ssem = (s0, s1, s2, s3)
        c = lax.axis_index("c")
        s = lax.axis_index("s")
        tab = xs_hbm.at[c]
        pltpu.sync_copy(src_hbm.at[pl.ds(s * erpt, erpt)], src_v)
        pltpu.sync_copy(dst_hbm.at[pl.ds(s * erpt, erpt)], dst_v)
        pltpu.sync_copy(z_hbm, slab_v)
        pltpu.sync_copy(slab_v, acc.at[pl.ds(s * SLAB, SLAB)])
        plsc.subcore_barrier()

        @pl.loop(0, erpt, step=CH)
        def _(j):
            hg = [pltpu.async_copy(tab.at[src_v.at[j + b]], rows[b], gsem[b])
                  for b in range(CH)]
            hs = []
            for b in range(CH):
                hg[b].wait()
                hs.append(pltpu.async_copy(rows[b], acc.at[dst_v.at[j + b]],
                                           ssem[b], add=True))
            for hb in hs:
                hb.wait()

        plsc.subcore_barrier()
        pltpu.sync_copy(acc.at[pl.ds(s * SLAB, SLAB)], slab_v)
        pltpu.sync_copy(slab_v, out_hbm.at[c, pl.ds(s * SLAB, SLAB)])

    return k(xs2, srcp, dstp, zslab)



def _tc_prep1(degp, x0, w1):
    def body(deg_ref, x_ref, w_ref, dinv_ref, xw_ref, xs_ref):
        deg = deg_ref[0, :, 0:1] + deg_ref[1, :, 0:1] + 1.0
        dinv = lax.rsqrt(deg)
        xw = jnp.dot(x_ref[...], w_ref[...], preferred_element_type=jnp.float32)
        dinv_ref[...] = dinv
        xw_ref[...] = xw
        xs_ref[...] = xw * dinv

    grid = N_NODES // RB
    return pl.pallas_call(
        body,
        grid=(grid,),
        in_specs=[
            pl.BlockSpec((NC, RB, 8), lambda i: (0, i, 0)),
            pl.BlockSpec((RB, D_IN), lambda i: (i, 0)),
            pl.BlockSpec((D_IN, HID), lambda i: (0, 0)),
        ],
        out_specs=[
            pl.BlockSpec((RB, 1), lambda i: (i, 0)),
            pl.BlockSpec((RB, HID), lambda i: (i, 0)),
            pl.BlockSpec((RB, HID), lambda i: (i, 0)),
        ],
        out_shape=[
            jax.ShapeDtypeStruct((N_NODES, 1), jnp.float32),
            jax.ShapeDtypeStruct((N_NODES, HID), jnp.float32),
            jax.ShapeDtypeStruct((N_NODES, HID), jnp.float32),
        ],
    )(degp, x0, w1)


def _tc_conv(aggp, xw, dinv, b, wn):

    def body(a_ref, xw_ref, dinv_ref, b_ref, w_ref, x_ref, xwn_ref, xsn_ref):
        dinv = dinv_ref[...]
        agg = a_ref[0] + a_ref[1]
        x = jax.nn.relu(dinv * agg + dinv * dinv * xw_ref[...] + b_ref[...])
        xwn = jnp.dot(x, w_ref[...], preferred_element_type=jnp.float32)
        x_ref[...] = x
        xwn_ref[...] = xwn
        xsn_ref[...] = xwn * dinv

    grid = N_NODES // RB
    return pl.pallas_call(
        body,
        grid=(grid,),
        in_specs=[
            pl.BlockSpec((NC, RB, HID), lambda i: (0, i, 0)),
            pl.BlockSpec((RB, HID), lambda i: (i, 0)),
            pl.BlockSpec((RB, 1), lambda i: (i, 0)),
            pl.BlockSpec((1, HID), lambda i: (0, 0)),
            pl.BlockSpec((HID, HID), lambda i: (0, 0)),
        ],
        out_specs=[pl.BlockSpec((RB, HID), lambda i: (i, 0))] * 3,
        out_shape=[jax.ShapeDtypeStruct((N_NODES, HID), jnp.float32)] * 3,
    )(aggp, xw, dinv, b, wn)


def _tc_gmt(aggp, xw3, dinv, b3, x1, x2, gw, gb):

    def body(a_ref, xw_ref, dinv_ref, b_ref, x1_ref, x2_ref, gw_ref, gb_ref,
             xg_ref, xgs_ref):
        dinv = dinv_ref[...]
        agg = a_ref[0] + a_ref[1]
        x3 = jax.nn.relu(dinv * agg + dinv * dinv * xw_ref[...] + b_ref[...])
        xc = jnp.concatenate([x1_ref[...], x2_ref[...], x3], axis=1)
        xg = jnp.dot(xc, gw_ref[...], preferred_element_type=jnp.float32) \
            + gb_ref[...]
        xg_ref[...] = xg
        xgs = xg * dinv
        xgs_ref[0, :, :] = xgs[:, :GH // 2]
        xgs_ref[1, :, :] = xgs[:, GH // 2:]

    grid = N_NODES // RB
    return pl.pallas_call(
        body,
        grid=(grid,),
        in_specs=[
            pl.BlockSpec((NC, RB, HID), lambda i: (0, i, 0)),
            pl.BlockSpec((RB, HID), lambda i: (i, 0)),
            pl.BlockSpec((RB, 1), lambda i: (i, 0)),
            pl.BlockSpec((1, HID), lambda i: (0, 0)),
            pl.BlockSpec((RB, HID), lambda i: (i, 0)),
            pl.BlockSpec((RB, HID), lambda i: (i, 0)),
            pl.BlockSpec((3 * HID, GH), lambda i: (0, 0)),
            pl.BlockSpec((1, GH), lambda i: (0, 0)),
        ],
        out_specs=[pl.BlockSpec((RB, GH), lambda i: (i, 0)),
                   pl.BlockSpec((NC, RB, GH // 2), lambda i: (0, i, 0))],
        out_shape=[jax.ShapeDtypeStruct((N_NODES, GH), jnp.float32),
                   jax.ShapeDtypeStruct((NC, N_NODES, GH // 2), jnp.float32)],
    )(aggp, xw3, dinv, b3, x1, x2, gw, gb)


def _tc_kv(aggp, xg, dinv, kw, kb, vw, vb):

    def body(a_ref, xg_ref, dinv_ref, kw_ref, kb_ref, vw_ref, vb_ref,
             k_ref, v_ref):
        dinv = dinv_ref[...]
        agg = jnp.concatenate([a_ref[0], a_ref[1]], axis=1)
        sxx = dinv * agg + dinv * dinv * xg_ref[...]
        k_ref[...] = jnp.dot(sxx, kw_ref[...],
                             preferred_element_type=jnp.float32) + kb_ref[...]
        v_ref[...] = jnp.dot(sxx, vw_ref[...],
                             preferred_element_type=jnp.float32) + vb_ref[...]

    grid = N_NODES // RB
    return pl.pallas_call(
        body,
        grid=(grid,),
        in_specs=[
            pl.BlockSpec((NC, RB, GH // 2), lambda i: (0, i, 0)),
            pl.BlockSpec((RB, GH), lambda i: (i, 0)),
            pl.BlockSpec((RB, 1), lambda i: (i, 0)),
            pl.BlockSpec((GH, GH), lambda i: (0, 0)),
            pl.BlockSpec((1, GH), lambda i: (0, 0)),
            pl.BlockSpec((GH, GH), lambda i: (0, 0)),
            pl.BlockSpec((1, GH), lambda i: (0, 0)),
        ],
        out_specs=[pl.BlockSpec((RB, GH), lambda i: (i, 0))] * 2,
        out_shape=[jax.ShapeDtypeStruct((N_NODES, GH), jnp.float32)] * 2,
    )(aggp, xg, dinv, kw, kb, vw, vb)


_TAIL_WNAMES = [
    'pma1_fcq_W', 'pma1_fcq_b', 'pma1_fco_W', 'pma1_fco_b',
    'sab_fcq_W', 'sab_fcq_b', 'sab_k_W', 'sab_k_b', 'sab_v_W', 'sab_v_b',
    'sab_fco_W', 'sab_fco_b',
    'pma2_fcq_W', 'pma2_fcq_b', 'pma2_k_W', 'pma2_k_b', 'pma2_v_W',
    'pma2_v_b', 'pma2_fco_W', 'pma2_fco_b',
    'gmt_lin2_W', 'gmt_lin2_b', 'lin1_W', 'lin1_b',
]


def _softmax_att(q, k, v, h):
    qh = q[:, h * DH:(h + 1) * DH]
    kh = k[:, h * DH:(h + 1) * DH]
    vh = v[:, h * DH:(h + 1) * DH]
    sc = lax.dot_general(qh * SCALE, kh, (((1,), (1,)), ((), ())),
                         preferred_element_type=jnp.float32)
    m = jnp.max(sc, axis=1, keepdims=True)
    p = jnp.exp(sc - m)
    a = p / jnp.sum(p, axis=1, keepdims=True)
    return qh + jnp.dot(a, vh, preferred_element_type=jnp.float32)


def _tc_tail(starts, knp, vnp, s1, s2, wts, l2w_p, l2b_p):
    def body(st_ref, k_ref, v_ref, s1_ref, s2_ref, *rest):
        wr = rest[:len(_TAIL_WNAMES)]
        l2w_ref, l2b_ref, out_ref = rest[len(_TAIL_WNAMES):]
        w = {n: wr[i][...] for i, n in enumerate(_TAIL_WNAMES)}
        g = pl.program_id(0)
        s0 = st_ref[g]
        cnt = st_ref[g + 1] - s0

        q1 = jnp.dot(s1_ref[...], w['pma1_fcq_W'],
                     preferred_element_type=jnp.float32) + w['pma1_fcq_b']

        heads = []
        for h in range(H):
            qh = q1[:, h * DH:(h + 1) * DH]
            qs = qh * SCALE

            def chunk(j, carry, qs=qs, h=h):
                m, l, acc = carry
                base = s0 + j * CB
                kb = k_ref[pl.ds(base, CB), h * DH:(h + 1) * DH]
                vb = v_ref[pl.ds(base, CB), h * DH:(h + 1) * DH]
                sc = lax.dot_general(qs, kb, (((1,), (1,)), ((), ())),
                                     preferred_element_type=jnp.float32)
                valid = (j * CB + lax.broadcasted_iota(jnp.int32, (1, CB), 1)
                         ) < cnt
                sc = jnp.where(valid, sc, -1e30)
                m_new = jnp.maximum(m, jnp.max(sc, axis=1, keepdims=True))
                alpha = jnp.exp(m - m_new)
                p = jnp.where(valid, jnp.exp(sc - m_new), 0.0)
                l = l * alpha + jnp.sum(p, axis=1, keepdims=True)
                acc = acc * alpha + jnp.dot(p, vb,
                                            preferred_element_type=jnp.float32)
                return m_new, l, acc

            init = (jnp.full((K1, 1), -1e30, jnp.float32),
                    jnp.zeros((K1, 1), jnp.float32),
                    jnp.zeros((K1, DH), jnp.float32))
            carry = chunk(0, init)
            nch = (cnt + CB - 1) // CB
            m, l, acc = lax.fori_loop(1, nch, chunk, carry)
            lsafe = jnp.where(l > 0.0, l, 1.0)
            heads.append(qh + acc / lsafe)
        bx = jnp.concatenate(heads, axis=1)
        bx = bx + jax.nn.relu(
            jnp.dot(bx, w['pma1_fco_W'], preferred_element_type=jnp.float32)
            + w['pma1_fco_b'])

        qs_ = jnp.dot(bx, w['sab_fcq_W'],
                      preferred_element_type=jnp.float32) + w['sab_fcq_b']
        ks_ = jnp.dot(bx, w['sab_k_W'],
                      preferred_element_type=jnp.float32) + w['sab_k_b']
        vs_ = jnp.dot(bx, w['sab_v_W'],
                      preferred_element_type=jnp.float32) + w['sab_v_b']
        bx = jnp.concatenate([_softmax_att(qs_, ks_, vs_, h)
                              for h in range(H)], axis=1)
        bx = bx + jax.nn.relu(
            jnp.dot(bx, w['sab_fco_W'], preferred_element_type=jnp.float32)
            + w['sab_fco_b'])

        q2 = jnp.dot(s2_ref[...], w['pma2_fcq_W'],
                     preferred_element_type=jnp.float32) + w['pma2_fcq_b']
        k2 = jnp.dot(bx, w['pma2_k_W'],
                     preferred_element_type=jnp.float32) + w['pma2_k_b']
        v2 = jnp.dot(bx, w['pma2_v_W'],
                     preferred_element_type=jnp.float32) + w['pma2_v_b']
        o = jnp.concatenate([_softmax_att(q2, k2, v2, h)
                             for h in range(H)], axis=1)
        o = o + jax.nn.relu(
            jnp.dot(o, w['pma2_fco_W'], preferred_element_type=jnp.float32)
            + w['pma2_fco_b'])

        gz = jnp.dot(o, w['gmt_lin2_W'],
                     preferred_element_type=jnp.float32) + w['gmt_lin2_b']
        gz = jax.nn.relu(jnp.dot(gz, w['lin1_W'],
                                 preferred_element_type=jnp.float32)
                         + w['lin1_b'])
        logits = jnp.dot(gz, l2w_ref[...],
                         preferred_element_type=jnp.float32) + l2b_ref[...]
        lane = lax.broadcasted_iota(jnp.int32, (1, 128), 1)
        logits = jnp.where(lane < NUM_CLASSES, logits, -1e30)
        mx = jnp.max(logits, axis=1, keepdims=True)
        lse = jnp.log(jnp.sum(jnp.exp(logits - mx), axis=1, keepdims=True)) \
            + mx
        out_ref[pl.ds(g, 1), :] = logits - lse

    full = lambda shape: pl.BlockSpec(shape, lambda i, st: tuple(0 for _ in shape))
    wspecs = [full(x.shape) for x in wts]
    grid_spec = pltpu.PrefetchScalarGridSpec(
        num_scalar_prefetch=1,
        grid=(NUM_GRAPHS,),
        in_specs=[
            full((NKP, GH)), full((NKP, GH)), full((K1, GH)), full((1, GH)),
            *wspecs, full((16, 128)), full((1, 128)),
        ],
        out_specs=pl.BlockSpec((NUM_GRAPHS, 128), lambda i, st: (0, 0)),
    )
    return pl.pallas_call(
        body,
        grid_spec=grid_spec,
        out_shape=jax.ShapeDtypeStruct((NUM_GRAPHS, 128), jnp.float32),
    )(starts, knp, vnp, s1, s2, *wts, l2w_p, l2b_p)



def kernel(x0, edge_index, batch, params):
    p = params
    f32 = jnp.float32
    src = edge_index[0]
    dst = edge_index[1]
    pad = EP - N_EDGES
    srcp = jnp.concatenate(
        [src, jnp.zeros((pad,), jnp.int32)]).reshape(EROWS, ECH)
    dstp = jnp.concatenate(
        [dst, jnp.full((pad,), N_NODES, jnp.int32)]).reshape(EROWS, ECH)
    starts = jnp.searchsorted(
        batch, jnp.arange(NUM_GRAPHS + 1, dtype=jnp.int32)).astype(jnp.int32)

    ones8 = jnp.ones((ECH, 8), f32)
    z8 = jnp.zeros((SLAB, 8), f32)
    z32 = jnp.zeros((SLAB, HID), f32)

    degp = _sc_degree(dstp, ones8, z8)
    dinv, xw1, xs1 = _tc_prep1(degp, x0, p['conv1_W'])
    a1 = _sc_aggregate(xs1, srcp, dstp, z32, HID)
    x1, xw2, xs2 = _tc_conv(a1, xw1, dinv, p['conv1_b'].reshape(1, HID),
                            p['conv2_W'])
    a2 = _sc_aggregate(xs2, srcp, dstp, z32, HID)
    x2, xw3, xs3 = _tc_conv(a2, xw2, dinv, p['conv2_b'].reshape(1, HID),
                            p['conv3_W'])
    a3 = _sc_aggregate(xs3, srcp, dstp, z32, HID)
    xg, xgs = _tc_gmt(a3, xw3, dinv, p['conv3_b'].reshape(1, HID), x1, x2,
                      p['gmt_lin1_W'], p['gmt_lin1_b'].reshape(1, GH))
    ag = _sc_aggregate64_split(xgs, srcp, dstp, z32)
    kn, vn = _tc_kv(ag, xg, dinv,
                    p['pma1_k_W'], p['pma1_k_b'].reshape(1, GH),
                    p['pma1_v_W'], p['pma1_v_b'].reshape(1, GH))
    knp = jnp.pad(kn, ((0, CB), (0, 0)))
    vnp = jnp.pad(vn, ((0, CB), (0, 0)))

    wts = []
    for n in _TAIL_WNAMES:
        a = p[n]
        wts.append(a.reshape(1, a.shape[0]) if a.ndim == 1 else a)
    l2w_p = jnp.pad(p['lin2_W'], ((0, 0), (0, 128 - NUM_CLASSES)))
    l2b_p = jnp.pad(p['lin2_b'], ((0, 128 - NUM_CLASSES))).reshape(1, 128)

    out = _tc_tail(starts, knp, vnp, p['pma1_S'].reshape(K1, GH),
                   p['pma2_S'].reshape(1, GH), wts, l2w_p, l2b_p)
    return out[:, :NUM_CLASSES]

# --- scband reference (transcript-rebuilt; emitter-appended) ---
"""Pipeline reference for scband-net-70901320122652 (READ-ONLY COPY).

The authoritative reference and input builder live on the scoring server;
editing this copy changes nothing except your own understanding.
"""

import math
import jax, jax.numpy as jnp
import numpy as np

N_NODES = 10000
N_EDGES = 320000
NUM_GRAPHS = 100
D_IN = 128
HID = 32
GMT_HID = 64
GMT_OUT = 32
NUM_HEADS = 4
NUM_CLASSES = 6
AVG_NUM_NODES = N_NODES // NUM_GRAPHS
K1 = math.ceil(AVG_NUM_NODES * 0.25)

def _lin(key, fin, fout):
    k1, k2 = jax.random.split(key)
    s = 1.0 / np.sqrt(fin)
    W = jax.random.uniform(k1, (fin, fout), jnp.float32, -s, s)
    b = jax.random.uniform(k2, (fout,), jnp.float32, -s, s)
    return W, b

def setup_inputs(seed: int = 0):
    key = jax.random.key(seed)
    ks = jax.random.split(key, 32)
    x0 = jax.random.normal(ks[0], (N_NODES, D_IN), jnp.float32)
    edge_index = jax.random.randint(ks[1], (2, N_EDGES), 0, N_NODES, dtype=jnp.int32)
    batch = jnp.sort(jax.random.randint(ks[2], (N_NODES,), 0, NUM_GRAPHS, dtype=jnp.int32))
    p = {}
    p['conv1_W'], p['conv1_b'] = _lin(ks[3], D_IN, HID)
    p['conv2_W'], p['conv2_b'] = _lin(ks[4], HID, HID)
    p['conv3_W'], p['conv3_b'] = _lin(ks[5], HID, HID)
    p['gmt_lin1_W'], p['gmt_lin1_b'] = _lin(ks[6], 3 * HID, GMT_HID)
    p['pma1_S'] = jax.random.normal(ks[7], (1, K1, GMT_HID), jnp.float32)
    p['pma1_fcq_W'], p['pma1_fcq_b'] = _lin(ks[8], GMT_HID, GMT_HID)
    p['pma1_k_W'], p['pma1_k_b'] = _lin(ks[9], GMT_HID, GMT_HID)
    p['pma1_v_W'], p['pma1_v_b'] = _lin(ks[10], GMT_HID, GMT_HID)
    p['pma1_fco_W'], p['pma1_fco_b'] = _lin(ks[11], GMT_HID, GMT_HID)
    p['sab_fcq_W'], p['sab_fcq_b'] = _lin(ks[12], GMT_HID, GMT_HID)
    p['sab_k_W'], p['sab_k_b'] = _lin(ks[13], GMT_HID, GMT_HID)
    p['sab_v_W'], p['sab_v_b'] = _lin(ks[14], GMT_HID, GMT_HID)
    p['sab_fco_W'], p['sab_fco_b'] = _lin(ks[15], GMT_HID, GMT_HID)
    p['pma2_S'] = jax.random.normal(ks[16], (1, 1, GMT_HID), jnp.float32)
    p['pma2_fcq_W'], p['pma2_fcq_b'] = _lin(ks[17], GMT_HID, GMT_HID)
    p['pma2_k_W'], p['pma2_k_b'] = _lin(ks[18], GMT_HID, GMT_HID)
    p['pma2_v_W'], p['pma2_v_b'] = _lin(ks[19], GMT_HID, GMT_HID)
    p['pma2_fco_W'], p['pma2_fco_b'] = _lin(ks[20], GMT_HID, GMT_HID)
    p['gmt_lin2_W'], p['gmt_lin2_b'] = _lin(ks[21], GMT_HID, GMT_OUT)
    p['lin1_W'], p['lin1_b'] = _lin(ks[22], GMT_OUT, 16)
    p['lin2_W'], p['lin2_b'] = _lin(ks[23], 16, NUM_CLASSES)
    return {'x0': x0, 'edge_index': edge_index, 'batch': batch, 'params': p}

def gcn(x, edge_index, W, b):
    n = x.shape[0]
    xw = x @ W
    loop = jnp.arange(n, dtype=edge_index.dtype)
    src = jnp.concatenate([edge_index[0], loop])
    dst = jnp.concatenate([edge_index[1], loop])
    deg = jnp.zeros((n,), xw.dtype).at[dst].add(1.0)
    dinv = jax.lax.rsqrt(deg)
    norm = dinv[src] * dinv[dst]
    out = jnp.zeros_like(xw).at[dst].add(xw[src] * norm[:, None])
    return out + b

def to_dense_batch(x, batch):
    counts = jnp.bincount(batch, length=NUM_GRAPHS)
    max_n = x.shape[0]
    starts = jnp.concatenate([jnp.zeros((1,), counts.dtype), jnp.cumsum(counts)[:-1]])
    pos = jnp.arange(x.shape[0]) - starts[batch]
    dense = jnp.zeros((NUM_GRAPHS, max_n) + x.shape[1:], x.dtype).at[batch, pos].set(x)
    mask = jnp.zeros((NUM_GRAPHS, max_n), dtype=bool).at[batch, pos].set(True)
    return dense, mask

def mab_core(Q, K, V, fco_W, fco_b, mask=None):
    h = NUM_HEADS
    Q_ = jnp.concatenate(jnp.split(Q, h, axis=2), axis=0)
    K_ = jnp.concatenate(jnp.split(K, h, axis=2), axis=0)
    V_ = jnp.concatenate(jnp.split(V, h, axis=2), axis=0)
    score = jnp.einsum('bqd,bkd->bqk', Q_, K_) / math.sqrt(GMT_HID)
    if mask is not None:
        score = score + jnp.concatenate([mask] * h, axis=0)
    A = jax.nn.softmax(score, axis=-1)
    out = Q_ + jnp.einsum('bqk,bkd->bqd', A, V_)
    out = jnp.concatenate(jnp.split(out, h, axis=0), axis=2)
    out = out + jax.nn.relu(out @ fco_W + fco_b)
    return out

def forward(x0, edge_index, batch, p):
    x1 = jax.nn.relu(gcn(x0, edge_index, p['conv1_W'], p['conv1_b']))
    x2 = jax.nn.relu(gcn(x1, edge_index, p['conv2_W'], p['conv2_b']))
    x3 = jax.nn.relu(gcn(x2, edge_index, p['conv3_W'], p['conv3_b']))
    x = jnp.concatenate([x1, x2, x3], axis=-1)
    x = x @ p['gmt_lin1_W'] + p['gmt_lin1_b']
    batch_x, node_mask = to_dense_batch(x, batch)
    mask = (~node_mask)[:, None, :].astype(jnp.float32) * -1e9
    B = NUM_GRAPHS
    Q = jnp.tile(p['pma1_S'], (B, 1, 1)) @ p['pma1_fcq_W'] + p['pma1_fcq_b']
    Kd, _ = to_dense_batch(gcn(x, edge_index, p['pma1_k_W'], p['pma1_k_b']), batch)
    Vd, _ = to_dense_batch(gcn(x, edge_index, p['pma1_v_W'], p['pma1_v_b']), batch)
    batch_x = mab_core(Q, Kd, Vd, p['pma1_fco_W'], p['pma1_fco_b'], mask)
    Q = batch_x @ p['sab_fcq_W'] + p['sab_fcq_b']
    K = batch_x @ p['sab_k_W'] + p['sab_k_b']
    V = batch_x @ p['sab_v_W'] + p['sab_v_b']
    batch_x = mab_core(Q, K, V, p['sab_fco_W'], p['sab_fco_b'])
    Q = jnp.tile(p['pma2_S'], (B, 1, 1)) @ p['pma2_fcq_W'] + p['pma2_fcq_b']
    K = batch_x @ p['pma2_k_W'] + p['pma2_k_b']
    V = batch_x @ p['pma2_v_W'] + p['pma2_v_b']
    batch_x = mab_core(Q, K, V, p['pma2_fco_W'], p['pma2_fco_b'])
    g = batch_x[:, 0, :] @ p['gmt_lin2_W'] + p['gmt_lin2_b']
    g = jax.nn.relu(g @ p['lin1_W'] + p['lin1_b'])
    g = g @ p['lin2_W'] + p['lin2_b']
    return jax.nn.log_softmax(g, axis=-1)

def reference(x0, edge_index, batch, params):
    return forward(x0, edge_index, batch, params)

if __name__ == "__main__":
    import jax
    _d = setup_inputs()
    print(jax.jit(kernel)(*tuple(_d.values())))

</pallas_src>

<mosaic_0001>
#map = affine_map<(d0, d1) -> (0, 0)>
#map1 = affine_map<(d0, d1) -> (0, 0, 0)>
module attributes {stable_mosaic.version = 14 : i64} {
  func.func @k(%arg0: i32, %arg1: i32, %arg2: memref<10000x32xf32, #tpu.memory_space<hbm>>, %arg3: memref<2560x128xi32, #tpu.memory_space<hbm>>, %arg4: memref<2560x128xi32, #tpu.memory_space<hbm>>, %arg5: memref<626x32xf32, #tpu.memory_space<hbm>>, %arg6: memref<2x10016x32xf32, #tpu.memory_space<hbm>>, %arg7: memref<80x128xi32, #tpu.memory_space<vmem>>, %arg8: memref<80x128xi32, #tpu.memory_space<vmem>>, %arg9: memref<128x32xf32, #tpu.memory_space<vmem>>, %arg10: memref<128x32xf32, #tpu.memory_space<vmem>>, %arg11: memref<128x32xf32, #tpu.memory_space<vmem>>, %arg12: memref<128x32xf32, #tpu.memory_space<vmem>>, %arg13: memref<626x32xf32, #tpu.memory_space<vmem>>, %arg14: memref<10016x32xf32, #tpu.memory_space<vmem_shared>>, %arg15: memref<!tpu.dma_semaphore, #tpu.memory_space<semaphore_mem>>, %arg16: memref<!tpu.dma_semaphore, #tpu.memory_space<semaphore_mem>>, %arg17: memref<!tpu.dma_semaphore, #tpu.memory_space<semaphore_mem>>, %arg18: memref<!tpu.dma_semaphore, #tpu.memory_space<semaphore_mem>>, %arg19: memref<!tpu.dma_semaphore, #tpu.memory_space<semaphore_mem>>, %arg20: memref<!tpu.dma_semaphore, #tpu.memory_space<semaphore_mem>>, %arg21: memref<!tpu.dma_semaphore, #tpu.memory_space<semaphore_mem>>, %arg22: memref<!tpu.dma_semaphore, #tpu.memory_space<semaphore_mem>>) attributes {dimension_semantics = [#tpu.dimension_semantics<core_parallel>, #tpu.dimension_semantics<subcore_parallel>], iteration_bounds = array<i64: 2, 16>, scalar_prefetch = 0 : i64, scratch_operands = 16 : i64, tpu.core_type = #tpu.core_type<sc_vector_subcore>, window_params = [{transform_indices = #map}, {transform_indices = #map}, {transform_indices = #map}, {transform_indices = #map}, {transform_indices = #map1}]} {
    %mul3A = arith.constant 16 : i32
    %mul3A_0 = arith.muli %arg0, %mul3A : i32
    %add3A = arith.addi %mul3A_0, %arg1 : i32
    %mul3A_1 = arith.constant 80 : i32
    %mul3A_2 = arith.muli %add3A, %mul3A_1 : i32
    "tpu.region"() ({
      %run_scoped3A = tpu.sem_alloc : memref<!tpu.dma_semaphore, #tpu.memory_space<semaphore_mem>>
      %dma_start3A = arith.constant 0 : i32
      %dma_start3A_16 = tpu.memref_slice %arg3[%mul3A_2, %dma_start3A] : memref<2560x128xi32, #tpu.memory_space<hbm>> -> memref<80x128xi32, #tpu.memory_space<hbm>>
      %dma_start3A_17 = arith.constant 0 : i32
      %dma_start3A_18 = tpu.memref_slice %arg3[%mul3A_2, %dma_start3A_17] : memref<2560x128xi32, #tpu.memory_space<hbm>> -> memref<80x128xi32, #tpu.memory_space<hbm>>
      tpu.enqueue_dma source(%dma_start3A_18 : memref<80x128xi32, #tpu.memory_space<hbm>>) target(%arg7 : memref<80x128xi32, #tpu.memory_space<vmem>>) target_semaphore(%run_scoped3A : memref<!tpu.dma_semaphore, #tpu.memory_space<semaphore_mem>>)
      %dma_wait3A = arith.constant 0 : i32
      %dma_wait3A_19 = tpu.memref_slice %arg3[%mul3A_2, %dma_wait3A] : memref<2560x128xi32, #tpu.memory_space<hbm>> -> memref<80x128xi32, #tpu.memory_space<hbm>>
      %dma_wait3A_20 = arith.constant 0 : i32
      %dma_wait3A_21 = tpu.memref_slice %arg3[%mul3A_2, %dma_wait3A_20] : memref<2560x128xi32, #tpu.memory_space<hbm>> -> memref<80x128xi32, #tpu.memory_space<hbm>>
      tpu.wait_dma2 semaphore(%run_scoped3A : memref<!tpu.dma_semaphore, #tpu.memory_space<semaphore_mem>>) src(%dma_wait3A_21 : memref<80x128xi32, #tpu.memory_space<hbm>>) dst(%arg7 : memref<80x128xi32, #tpu.memory_space<vmem>>)
      tpu.yield
    }) : () -> ()
    %mul3A_3 = arith.constant 80 : i32
    %mul3A_4 = arith.muli %add3A, %mul3A_3 : i32
    "tpu.region"() ({
      %run_scoped3A = tpu.sem_alloc : memref<!tpu.dma_semaphore, #tpu.memory_space<semaphore_mem>>
      %dma_start3A = arith.constant 0 : i32
      %dma_start3A_16 = tpu.memref_slice %arg4[%mul3A_4, %dma_start3A] : memref<2560x128xi32, #tpu.memory_space<hbm>> -> memref<80x128xi32, #tpu.memory_space<hbm>>
      %dma_start3A_17 = arith.constant 0 : i32
      %dma_start3A_18 = tpu.memref_slice %arg4[%mul3A_4, %dma_start3A_17] : memref<2560x128xi32, #tpu.memory_space<hbm>> -> memref<80x128xi32, #tpu.memory_space<hbm>>
      tpu.enqueue_dma source(%dma_start3A_18 : memref<80x128xi32, #tpu.memory_space<hbm>>) target(%arg8 : memref<80x128xi32, #tpu.memory_space<vmem>>) target_semaphore(%run_scoped3A : memref<!tpu.dma_semaphore, #tpu.memory_space<semaphore_mem>>)
      %dma_wait3A = arith.constant 0 : i32
      %dma_wait3A_19 = tpu.memref_slice %arg4[%mul3A_4, %dma_wait3A] : memref<2560x128xi32, #tpu.memory_space<hbm>> -> memref<80x128xi32, #tpu.memory_space<hbm>>
      %dma_wait3A_20 = arith.constant 0 : i32
      %dma_wait3A_21 = tpu.memref_slice %arg4[%mul3A_4, %dma_wait3A_20] : memref<2560x128xi32, #tpu.memory_space<hbm>> -> memref<80x128xi32, #tpu.memory_space<hbm>>
      tpu.wait_dma2 semaphore(%run_scoped3A : memref<!tpu.dma_semaphore, #tpu.memory_space<semaphore_mem>>) src(%dma_wait3A_21 : memref<80x128xi32, #tpu.memory_space<hbm>>) dst(%arg8 : memref<80x128xi32, #tpu.memory_space<vmem>>)
      tpu.yield
    }) : () -> ()
    "tpu.region"() ({
      %run_scoped3A = tpu.sem_alloc : memref<!tpu.dma_semaphore, #tpu.memory_space<semaphore_mem>>
      tpu.enqueue_dma source(%arg5 : memref<626x32xf32, #tpu.memory_space<hbm>>) target(%arg13 : memref<626x32xf32, #tpu.memory_space<vmem>>) target_semaphore(%run_scoped3A : memref<!tpu.dma_semaphore, #tpu.memory_space<semaphore_mem>>)
      tpu.wait_dma2 semaphore(%run_scoped3A : memref<!tpu.dma_semaphore, #tpu.memory_space<semaphore_mem>>) src(%arg5 : memref<626x32xf32, #tpu.memory_space<hbm>>) dst(%arg13 : memref<626x32xf32, #tpu.memory_space<vmem>>)
      tpu.yield
    }) : () -> ()
    %mul3A_5 = arith.constant 626 : i32
    %mul3A_6 = arith.muli %arg1, %mul3A_5 : i32
    "tpu.region"() ({
      %run_scoped3A = tpu.sem_alloc : memref<!tpu.dma_semaphore, #tpu.memory_space<semaphore_mem>>
      %dma_start3A = arith.constant 0 : i32
      %dma_start3A_16 = tpu.memref_slice %arg14[%mul3A_6, %dma_start3A] : memref<10016x32xf32, #tpu.memory_space<vmem_shared>> -> memref<626x32xf32, #tpu.memory_space<vmem_shared>>
      %dma_start3A_17 = arith.constant 0 : i32
      %dma_start3A_18 = tpu.memref_slice %arg14[%mul3A_6, %dma_start3A_17] : memref<10016x32xf32, #tpu.memory_space<vmem_shared>> -> memref<626x32xf32, #tpu.memory_space<vmem_shared>>
      tpu.enqueue_dma source(%arg13 : memref<626x32xf32, #tpu.memory_space<vmem>>) target(%dma_start3A_18 : memref<626x32xf32, #tpu.memory_space<vmem_shared>>) target_semaphore(%run_scoped3A : memref<!tpu.dma_semaphore, #tpu.memory_space<semaphore_mem>>)
      %dma_wait3A = arith.constant 0 : i32
      %dma_wait3A_19 = tpu.memref_slice %arg14[%mul3A_6, %dma_wait3A] : memref<10016x32xf32, #tpu.memory_space<vmem_shared>> -> memref<626x32xf32, #tpu.memory_space<vmem_shared>>
      %dma_wait3A_20 = arith.constant 0 : i32
      %dma_wait3A_21 = tpu.memref_slice %arg14[%mul3A_6, %dma_wait3A_20] : memref<10016x32xf32, #tpu.memory_space<vmem_shared>> -> memref<626x32xf32, #tpu.memory_space<vmem_shared>>
      tpu.wait_dma2 semaphore(%run_scoped3A : memref<!tpu.dma_semaphore, #tpu.memory_space<semaphore_mem>>) src(%arg13 : memref<626x32xf32, #tpu.memory_space<vmem>>) dst(%dma_wait3A_21 : memref<626x32xf32, #tpu.memory_space<vmem_shared>>)
      tpu.yield
    }) : () -> ()
    %barrier3A = arith.constant 0 : index
    tpu.barrier barrier_id(%barrier3A)
    %scan3A = arith.constant 0 : i32
    %scan3A_7 = arith.constant 20 : i32
    %scan3A_8 = arith.addi %scan3A, %scan3A_7 : i32
    %scan3A_9 = arith.constant 1 : i32
    scf.for %scan3A_16 = %scan3A to %scan3A_8 step %scan3A_9  : i32 {
      %mul3A_17 = arith.constant 4 : i32
      %mul3A_18 = arith.muli %scan3A_16, %mul3A_17 : i32
      %add3A_19 = arith.constant 0 : i32
      %add3A_20 = arith.addi %add3A_19, %mul3A_18 : i32
      %add3A_21 = arith.constant 0 : i32
      %add3A_22 = arith.addi %add3A_20, %add3A_21 : i32
      %dma_start3A = arith.constant 0 : i32
      %dma_start3A_23 = tpu.memref_slice %arg7[%add3A_22, %dma_start3A] : memref<80x128xi32, #tpu.memory_space<vmem>> -> memref<1x128xi32, #tpu.memory_space<vmem>>
      %dma_start3A_24 = tpu.memref_squeeze %dma_start3A_23 : memref<1x128xi32, #tpu.memory_space<vmem>> -> memref<128xi32, #tpu.memory_space<vmem>>
      %dma_start3A_25 = arith.constant 0 : i32
      %dma_start3A_26 = arith.constant 0 : i32
      %dma_start3A_27 = tpu.memref_slice %arg2[%dma_start3A_25, %dma_start3A_26] : memref<10000x32xf32, #tpu.memory_space<hbm>> -> memref<10000x32xf32, #tpu.memory_space<hbm>>
      tpu.enqueue_indirect_dma source(%dma_start3A_27 : memref<10000x32xf32, #tpu.memory_space<hbm>>) target(%arg9 : memref<128x32xf32, #tpu.memory_space<vmem>>) offsets(%dma_start3A_24 : memref<128xi32, #tpu.memory_space<vmem>>) semaphore(%arg15 : memref<!tpu.dma_semaphore, #tpu.memory_space<semaphore_mem>>)
      %add3A_28 = arith.constant 1 : i32
      %add3A_29 = arith.addi %add3A_20, %add3A_28 : i32
      %dma_start3A_30 = arith.constant 0 : i32
      %dma_start3A_31 = tpu.memref_slice %arg7[%add3A_29, %dma_start3A_30] : memref<80x128xi32, #tpu.memory_space<vmem>> -> memref<1x128xi32, #tpu.memory_space<vmem>>
      %dma_start3A_32 = tpu.memref_squeeze %dma_start3A_31 : memref<1x128xi32, #tpu.memory_space<vmem>> -> memref<128xi32, #tpu.memory_space<vmem>>
      %dma_start3A_33 = arith.constant 0 : i32
      %dma_start3A_34 = arith.constant 0 : i32
      %dma_start3A_35 = tpu.memref_slice %arg2[%dma_start3A_33, %dma_start3A_34] : memref<10000x32xf32, #tpu.memory_space<hbm>> -> memref<10000x32xf32, #tpu.memory_space<hbm>>
      tpu.enqueue_indirect_dma source(%dma_start3A_35 : memref<10000x32xf32, #tpu.memory_space<hbm>>) target(%arg10 : memref<128x32xf32, #tpu.memory_space<vmem>>) offsets(%dma_start3A_32 : memref<128xi32, #tpu.memory_space<vmem>>) semaphore(%arg16 : memref<!tpu.dma_semaphore, #tpu.memory_space<semaphore_mem>>)
      %add3A_36 = arith.constant 2 : i32
      %add3A_37 = arith.addi %add3A_20, %add3A_36 : i32
      %dma_start3A_38 = arith.constant 0 : i32
      %dma_start3A_39 = tpu.memref_slice %arg7[%add3A_37, %dma_start3A_38] : memref<80x128xi32, #tpu.memory_space<vmem>> -> memref<1x128xi32, #tpu.memory_space<vmem>>
      %dma_start3A_40 = tpu.memref_squeeze %dma_start3A_39 : memref<1x128xi32, #tpu.memory_space<vmem>> -> memref<128xi32, #tpu.memory_space<vmem>>
      %dma_start3A_41 = arith.constant 0 : i32
      %dma_start3A_42 = arith.constant 0 : i32
      %dma_start3A_43 = tpu.memref_slice %arg2[%dma_start3A_41, %dma_start3A_42] : memref<10000x32xf32, #tpu.memory_space<hbm>> -> memref<10000x32xf32, #tpu.memory_space<hbm>>
      tpu.enqueue_indirect_dma source(%dma_start3A_43 : memref<10000x32xf32, #tpu.memory_space<hbm>>) target(%arg11 : memref<128x32xf32, #tpu.memory_space<vmem>>) offsets(%dma_start3A_40 : memref<128xi32, #tpu.memory_space<vmem>>) semaphore(%arg17 : memref<!tpu.dma_semaphore, #tpu.memory_space<semaphore_mem>>)
      %add3A_44 = arith.constant 3 : i32
      %add3A_45 = arith.addi %add3A_20, %add3A_44 : i32
      %dma_start3A_46 = arith.constant 0 : i32
      %dma_start3A_47 = tpu.memref_slice %arg7[%add3A_45, %dma_start3A_46] : memref<80x128xi32, #tpu.memory_space<vmem>> -> memref<1x128xi32, #tpu.memory_space<vmem>>
      %dma_start3A_48 = tpu.memref_squeeze %dma_start3A_47 : memref<1x128xi32, #tpu.memory_space<vmem>> -> memref<128xi32, #tpu.memory_space<vmem>>
      %dma_start3A_49 = arith.constant 0 : i32
      %dma_start3A_50 = arith.constant 0 : i32
      %dma_start3A_51 = tpu.memref_slice %arg2[%dma_start3A_49, %dma_start3A_50] : memref<10000x32xf32, #tpu.memory_space<hbm>> -> memref<10000x32xf32, #tpu.memory_space<hbm>>
      tpu.enqueue_indirect_dma source(%dma_start3A_51 : memref<10000x32xf32, #tpu.memory_space<hbm>>) target(%arg12 : memref<128x32xf32, #tpu.memory_space<vmem>>) offsets(%dma_start3A_48 : memref<128xi32, #tpu.memory_space<vmem>>) semaphore(%arg18 : memref<!tpu.dma_semaphore, #tpu.memory_space<semaphore_mem>>)
      %dma_wait3A = arith.constant 0 : i32
      %dma_wait3A_52 = tpu.memref_slice %arg7[%add3A_22, %dma_wait3A] : memref<80x128xi32, #tpu.memory_space<vmem>> -> memref<1x128xi32, #tpu.memory_space<vmem>>
      %dma_wait3A_53 = tpu.memref_squeeze %dma_wait3A_52 : memref<1x128xi32, #tpu.memory_space<vmem>> -> memref<128xi32, #tpu.memory_space<vmem>>
      %dma_wait3A_54 = arith.constant 0 : i32
      %dma_wait3A_55 = arith.constant 0 : i32
      %dma_wait3A_56 = tpu.memref_slice %arg2[%dma_wait3A_54, %dma_wait3A_55] : memref<10000x32xf32, #tpu.memory_space<hbm>> -> memref<10000x32xf32, #tpu.memory_space<hbm>>
      tpu.wait_indirect_dma semaphore(%arg15 : memref<!tpu.dma_semaphore, #tpu.memory_space<semaphore_mem>>) src(%dma_wait3A_56 : memref<10000x32xf32, #tpu.memory_space<hbm>>) dst(%arg9 : memref<128x32xf32, #tpu.memory_space<vmem>>)
      %add3A_57 = arith.constant 0 : i32
      %add3A_58 = arith.addi %add3A_20, %add3A_57 : i32
      %dma_start3A_59 = arith.constant 0 : i32
      %dma_start3A_60 = tpu.memref_slice %arg8[%add3A_58, %dma_start3A_59] : memref<80x128xi32, #tpu.memory_space<vmem>> -> memref<1x128xi32, #tpu.memory_space<vmem>>
      %dma_start3A_61 = tpu.memref_squeeze %dma_start3A_60 : memref<1x128xi32, #tpu.memory_space<vmem>> -> memref<128xi32, #tpu.memory_space<vmem>>
      %dma_start3A_62 = arith.constant 0 : i32
      %dma_start3A_63 = arith.constant 0 : i32
      %dma_start3A_64 = tpu.memref_slice %arg14[%dma_start3A_62, %dma_start3A_63] : memref<10016x32xf32, #tpu.memory_space<vmem_shared>> -> memref<10016x32xf32, #tpu.memory_space<vmem_shared>>
      tpu.enqueue_indirect_dma source(%arg9 : memref<128x32xf32, #tpu.memory_space<vmem>>) target(%dma_start3A_64 : memref<10016x32xf32, #tpu.memory_space<vmem_shared>>) offsets(%dma_start3A_61 : memref<128xi32, #tpu.memory_space<vmem>>) semaphore(%arg19 : memref<!tpu.dma_semaphore, #tpu.memory_space<semaphore_mem>>) {add = true}
      %dma_wait3A_65 = arith.constant 0 : i32
      %dma_wait3A_66 = tpu.memref_slice %arg7[%add3A_29, %dma_wait3A_65] : memref<80x128xi32, #tpu.memory_space<vmem>> -> memref<1x128xi32, #tpu.memory_space<vmem>>
      %dma_wait3A_67 = tpu.memref_squeeze %dma_wait3A_66 : memref<1x128xi32, #tpu.memory_space<vmem>> -> memref<128xi32, #tpu.memory_space<vmem>>
      %dma_wait3A_68 = arith.constant 0 : i32
      %dma_wait3A_69 = arith.constant 0 : i32
      %dma_wait3A_70 = tpu.memref_slice %arg2[%dma_wait3A_68, %dma_wait3A_69] : memref<10000x32xf32, #tpu.memory_space<hbm>> -> memref<10000x32xf32, #tpu.memory_space<hbm>>
      tpu.wait_indirect_dma semaphore(%arg16 : memref<!tpu.dma_semaphore, #tpu.memory_space<semaphore_mem>>) src(%dma_wait3A_70 : memref<10000x32xf32, #tpu.memory_space<hbm>>) dst(%arg10 : memref<128x32xf32, #tpu.memory_space<vmem>>)
      %add3A_71 = arith.constant 1 : i32
      %add3A_72 = arith.addi %add3A_20, %add3A_71 : i32
      %dma_start3A_73 = arith.constant 0 : i32
      %dma_start3A_74 = tpu.memref_slice %arg8[%add3A_72, %dma_start3A_73] : memref<80x128xi32, #tpu.memory_space<vmem>> -> memref<1x128xi32, #tpu.memory_space<vmem>>
      %dma_start3A_75 = tpu.memref_squeeze %dma_start3A_74 : memref<1x128xi32, #tpu.memory_space<vmem>> -> memref<128xi32, #tpu.memory_space<vmem>>
      %dma_start3A_76 = arith.constant 0 : i32
      %dma_start3A_77 = arith.constant 0 : i32
      %dma_start3A_78 = tpu.memref_slice %arg14[%dma_start3A_76, %dma_start3A_77] : memref<10016x32xf32, #tpu.memory_space<vmem_shared>> -> memref<10016x32xf32, #tpu.memory_space<vmem_shared>>
      tpu.enqueue_indirect_dma source(%arg10 : memref<128x32xf32, #tpu.memory_space<vmem>>) target(%dma_start3A_78 : memref<10016x32xf32, #tpu.memory_space<vmem_shared>>) offsets(%dma_start3A_75 : memref<128xi32, #tpu.memory_space<vmem>>) semaphore(%arg20 : memref<!tpu.dma_semaphore, #tpu.memory_space<semaphore_mem>>) {add = true}
      %dma_wait3A_79 = arith.constant 0 : i32
      %dma_wait3A_80 = tpu.memref_slice %arg7[%add3A_37, %dma_wait3A_79] : memref<80x128xi32, #tpu.memory_space<vmem>> -> memref<1x128xi32, #tpu.memory_space<vmem>>
      %dma_wait3A_81 = tpu.memref_squeeze %dma_wait3A_80 : memref<1x128xi32, #tpu.memory_space<vmem>> -> memref<128xi32, #tpu.memory_space<vmem>>
      %dma_wait3A_82 = arith.constant 0 : i32
      %dma_wait3A_83 = arith.constant 0 : i32
      %dma_wait3A_84 = tpu.memref_slice %arg2[%dma_wait3A_82, %dma_wait3A_83] : memref<10000x32xf32, #tpu.memory_space<hbm>> -> memref<10000x32xf32, #tpu.memory_space<hbm>>
      tpu.wait_indirect_dma semaphore(%arg17 : memref<!tpu.dma_semaphore, #tpu.memory_space<semaphore_mem>>) src(%dma_wait3A_84 : memref<10000x32xf32, #tpu.memory_space<hbm>>) dst(%arg11 : memref<128x32xf32, #tpu.memory_space<vmem>>)
      %add3A_85 = arith.constant 2 : i32
      %add3A_86 = arith.addi %add3A_20, %add3A_85 : i32
      %dma_start3A_87 = arith.constant 0 : i32
      %dma_start3A_88 = tpu.memref_slice %arg8[%add3A_86, %dma_start3A_87] : memref<80x128xi32, #tpu.memory_space<vmem>> -> memref<1x128xi32, #tpu.memory_space<vmem>>
      %dma_start3A_89 = tpu.memref_squeeze %dma_start3A_88 : memref<1x128xi32, #tpu.memory_space<vmem>> -> memref<128xi32, #tpu.memory_space<vmem>>
      %dma_start3A_90 = arith.constant 0 : i32
      %dma_start3A_91 = arith.constant 0 : i32
      %dma_start3A_92 = tpu.memref_slice %arg14[%dma_start3A_90, %dma_start3A_91] : memref<10016x32xf32, #tpu.memory_space<vmem_shared>> -> memref<10016x32xf32, #tpu.memory_space<vmem_shared>>
      tpu.enqueue_indirect_dma source(%arg11 : memref<128x32xf32, #tpu.memory_space<vmem>>) target(%dma_start3A_92 : memref<10016x32xf32, #tpu.memory_space<vmem_shared>>) offsets(%dma_start3A_89 : memref<128xi32, #tpu.memory_space<vmem>>) semaphore(%arg21 : memref<!tpu.dma_semaphore, #tpu.memory_space<semaphore_mem>>) {add = true}
      %dma_wait3A_93 = arith.constant 0 : i32
      %dma_wait3A_94 = tpu.memref_slice %arg7[%add3A_45, %dma_wait3A_93] : memref<80x128xi32, #tpu.memory_space<vmem>> -> memref<1x128xi32, #tpu.memory_space<vmem>>
      %dma_wait3A_95 = tpu.memref_squeeze %dma_wait3A_94 : memref<1x128xi32, #tpu.memory_space<vmem>> -> memref<128xi32, #tpu.memory_space<vmem>>
      %dma_wait3A_96 = arith.constant 0 : i32
      %dma_wait3A_97 = arith.constant 0 : i32
      %dma_wait3A_98 = tpu.memref_slice %arg2[%dma_wait3A_96, %dma_wait3A_97] : memref<10000x32xf32, #tpu.memory_space<hbm>> -> memref<10000x32xf32, #tpu.memory_space<hbm>>
      tpu.wait_indirect_dma semaphore(%arg18 : memref<!tpu.dma_semaphore, #tpu.memory_space<semaphore_mem>>) src(%dma_wait3A_98 : memref<10000x32xf32, #tpu.memory_space<hbm>>) dst(%arg12 : memref<128x32xf32, #tpu.memory_space<vmem>>)
      %add3A_99 = arith.constant 3 : i32
      %add3A_100 = arith.addi %add3A_20, %add3A_99 : i32
      %dma_start3A_101 = arith.constant 0 : i32
      %dma_start3A_102 = tpu.memref_slice %arg8[%add3A_100, %dma_start3A_101] : memref<80x128xi32, #tpu.memory_space<vmem>> -> memref<1x128xi32, #tpu.memory_space<vmem>>
      %dma_start3A_103 = tpu.memref_squeeze %dma_start3A_102 : memref<1x128xi32, #tpu.memory_space<vmem>> -> memref<128xi32, #tpu.memory_space<vmem>>
      %dma_start3A_104 = arith.constant 0 : i32
      %dma_start3A_105 = arith.constant 0 : i32
      %dma_start3A_106 = tpu.memref_slice %arg14[%dma_start3A_104, %dma_start3A_105] : memref<10016x32xf32, #tpu.memory_space<vmem_shared>> -> memref<10016x32xf32, #tpu.memory_space<vmem_shared>>
      tpu.enqueue_indirect_dma source(%arg12 : memref<128x32xf32, #tpu.memory_space<vmem>>) target(%dma_start3A_106 : memref<10016x32xf32, #tpu.memory_space<vmem_shared>>) offsets(%dma_start3A_103 : memref<128xi32, #tpu.memory_space<vmem>>) semaphore(%arg22 : memref<!tpu.dma_semaphore, #tpu.memory_space<semaphore_mem>>) {add = true}
      %dma_wait3A_107 = arith.constant 0 : i32
      %dma_wait3A_108 = tpu.memref_slice %arg8[%add3A_58, %dma_wait3A_107] : memref<80x128xi32, #tpu.memory_space<vmem>> -> memref<1x128xi32, #tpu.memory_space<vmem>>
      %dma_wait3A_109 = tpu.memref_squeeze %dma_wait3A_108 : memref<1x128xi32, #tpu.memory_space<vmem>> -> memref<128xi32, #tpu.memory_space<vmem>>
      %dma_wait3A_110 = arith.constant 0 : i32
      %dma_wait3A_111 = arith.constant 0 : i32
      %dma_wait3A_112 = tpu.memref_slice %arg14[%dma_wait3A_110, %dma_wait3A_111] : memref<10016x32xf32, #tpu.memory_space<vmem_shared>> -> memref<10016x32xf32, #tpu.memory_space<vmem_shared>>
      tpu.wait_indirect_dma semaphore(%arg19 : memref<!tpu.dma_semaphore, #tpu.memory_space<semaphore_mem>>) src(%arg9 : memref<128x32xf32, #tpu.memory_space<vmem>>) dst(%dma_wait3A_112 : memref<10016x32xf32, #tpu.memory_space<vmem_shared>>)
      %dma_wait3A_113 = arith.constant 0 : i32
      %dma_wait3A_114 = tpu.memref_slice %arg8[%add3A_72, %dma_wait3A_113] : memref<80x128xi32, #tpu.memory_space<vmem>> -> memref<1x128xi32, #tpu.memory_space<vmem>>
      %dma_wait3A_115 = tpu.memref_squeeze %dma_wait3A_114 : memref<1x128xi32, #tpu.memory_space<vmem>> -> memref<128xi32, #tpu.memory_space<vmem>>
      %dma_wait3A_116 = arith.constant 0 : i32
      %dma_wait3A_117 = arith.constant 0 : i32
      %dma_wait3A_118 = tpu.memref_slice %arg14[%dma_wait3A_116, %dma_wait3A_117] : memref<10016x32xf32, #tpu.memory_space<vmem_shared>> -> memref<10016x32xf32, #tpu.memory_space<vmem_shared>>
      tpu.wait_indirect_dma semaphore(%arg20 : memref<!tpu.dma_semaphore, #tpu.memory_space<semaphore_mem>>) src(%arg10 : memref<128x32xf32, #tpu.memory_space<vmem>>) dst(%dma_wait3A_118 : memref<10016x32xf32, #tpu.memory_space<vmem_shared>>)
      %dma_wait3A_119 = arith.constant 0 : i32
      %dma_wait3A_120 = tpu.memref_slice %arg8[%add3A_86, %dma_wait3A_119] : memref<80x128xi32, #tpu.memory_space<vmem>> -> memref<1x128xi32, #tpu.memory_space<vmem>>
      %dma_wait3A_121 = tpu.memref_squeeze %dma_wait3A_120 : memref<1x128xi32, #tpu.memory_space<vmem>> -> memref<128xi32, #tpu.memory_space<vmem>>
      %dma_wait3A_122 = arith.constant 0 : i32
      %dma_wait3A_123 = arith.constant 0 : i32
      %dma_wait3A_124 = tpu.memref_slice %arg14[%dma_wait3A_122, %dma_wait3A_123] : memref<10016x32xf32, #tpu.memory_space<vmem_shared>> -> memref<10016x32xf32, #tpu.memory_space<vmem_shared>>
      tpu.wait_indirect_dma semaphore(%arg21 : memref<!tpu.dma_semaphore, #tpu.memory_space<semaphore_mem>>) src(%arg11 : memref<128x32xf32, #tpu.memory_space<vmem>>) dst(%dma_wait3A_124 : memref<10016x32xf32, #tpu.memory_space<vmem_shared>>)
      %dma_wait3A_125 = arith.constant 0 : i32
      %dma_wait3A_126 = tpu.memref_slice %arg8[%add3A_100, %dma_wait3A_125] : memref<80x128xi32, #tpu.memory_space<vmem>> -> memref<1x128xi32, #tpu.memory_space<vmem>>
      %dma_wait3A_127 = tpu.memref_squeeze %dma_wait3A_126 : memref<1x128xi32, #tpu.memory_space<vmem>> -> memref<128xi32, #tpu.memory_space<vmem>>
      %dma_wait3A_128 = arith.constant 0 : i32
      %dma_wait3A_129 = arith.constant 0 : i32
      %dma_wait3A_130 = tpu.memref_slice %arg14[%dma_wait3A_128, %dma_wait3A_129] : memref<10016x32xf32, #tpu.memory_space<vmem_shared>> -> memref<10016x32xf32, #tpu.memory_space<vmem_shared>>
      tpu.wait_indirect_dma semaphore(%arg22 : memref<!tpu.dma_semaphore, #tpu.memory_space<semaphore_mem>>) src(%arg12 : memref<128x32xf32, #tpu.memory_space<vmem>>) dst(%dma_wait3A_130 : memref<10016x32xf32, #tpu.memory_space<vmem_shared>>)
    }
    %scan3A_10 = arith.constant 20 : i32
    %barrier3A_11 = arith.constant 0 : index
    tpu.barrier barrier_id(%barrier3A_11)
    %mul3A_12 = arith.constant 626 : i32
    %mul3A_13 = arith.muli %arg1, %mul3A_12 : i32
    "tpu.region"() ({
      %run_scoped3A = tpu.sem_alloc : memref<!tpu.dma_semaphore, #tpu.memory_space<semaphore_mem>>
      %dma_start3A = arith.constant 0 : i32
      %dma_start3A_16 = tpu.memref_slice %arg14[%mul3A_13, %dma_start3A] : memref<10016x32xf32, #tpu.memory_space<vmem_shared>> -> memref<626x32xf32, #tpu.memory_space<vmem_shared>>
      %dma_start3A_17 = arith.constant 0 : i32
      %dma_start3A_18 = tpu.memref_slice %arg14[%mul3A_13, %dma_start3A_17] : memref<10016x32xf32, #tpu.memory_space<vmem_shared>> -> memref<626x32xf32, #tpu.memory_space<vmem_shared>>
      tpu.enqueue_dma source(%dma_start3A_18 : memref<626x32xf32, #tpu.memory_space<vmem_shared>>) target(%arg13 : memref<626x32xf32, #tpu.memory_space<vmem>>) target_semaphore(%run_scoped3A : memref<!tpu.dma_semaphore, #tpu.memory_space<semaphore_mem>>)
      %dma_wait3A = arith.constant 0 : i32
      %dma_wait3A_19 = tpu.memref_slice %arg14[%mul3A_13, %dma_wait3A] : memref<10016x32xf32, #tpu.memory_space<vmem_shared>> -> memref<626x32xf32, #tpu.memory_space<vmem_shared>>
      %dma_wait3A_20 = arith.constant 0 : i32
      %dma_wait3A_21 = tpu.memref_slice %arg14[%mul3A_13, %dma_wait3A_20] : memref<10016x32xf32, #tpu.memory_space<vmem_shared>> -> memref<626x32xf32, #tpu.memory_space<vmem_shared>>
      tpu.wait_dma2 semaphore(%run_scoped3A : memref<!tpu.dma_semaphore, #tpu.memory_space<semaphore_mem>>) src(%dma_wait3A_21 : memref<626x32xf32, #tpu.memory_space<vmem_shared>>) dst(%arg13 : memref<626x32xf32, #tpu.memory_space<vmem>>)
      tpu.yield
    }) : () -> ()
    %mul3A_14 = arith.constant 626 : i32
    %mul3A_15 = arith.muli %arg1, %mul3A_14 : i32
    "tpu.region"() ({
      %run_scoped3A = tpu.sem_alloc : memref<!tpu.dma_semaphore, #tpu.memory_space<semaphore_mem>>
      %dma_start3A = arith.constant 0 : i32
      %dma_start3A_16 = tpu.memref_slice %arg6[%arg0, %mul3A_15, %dma_start3A] : memref<2x10016x32xf32, #tpu.memory_space<hbm>> -> memref<1x626x32xf32, #tpu.memory_space<hbm>>
      %dma_start3A_17 = tpu.memref_squeeze %dma_start3A_16 : memref<1x626x32xf32, #tpu.memory_space<hbm>> -> memref<626x32xf32, #tpu.memory_space<hbm>>
      %dma_start3A_18 = arith.constant 0 : i32
      %dma_start3A_19 = tpu.memref_slice %arg6[%arg0, %mul3A_15, %dma_start3A_18] : memref<2x10016x32xf32, #tpu.memory_space<hbm>> -> memref<1x626x32xf32, #tpu.memory_space<hbm>>
      %dma_start3A_20 = tpu.memref_squeeze %dma_start3A_19 : memref<1x626x32xf32, #tpu.memory_space<hbm>> -> memref<626x32xf32, #tpu.memory_space<hbm>>
      tpu.enqueue_dma source(%arg13 : memref<626x32xf32, #tpu.memory_space<vmem>>) target(%dma_start3A_20 : memref<626x32xf32, #tpu.memory_space<hbm>>) target_semaphore(%run_scoped3A : memref<!tpu.dma_semaphore, #tpu.memory_space<semaphore_mem>>)
      %dma_wait3A = arith.constant 0 : i32
      %dma_wait3A_21 = tpu.memref_slice %arg6[%arg0, %mul3A_15, %dma_wait3A] : memref<2x10016x32xf32, #tpu.memory_space<hbm>> -> memref<1x626x32xf32, #tpu.memory_space<hbm>>
      %dma_wait3A_22 = tpu.memref_squeeze %dma_wait3A_21 : memref<1x626x32xf32, #tpu.memory_space<hbm>> -> memref<626x32xf32, #tpu.memory_space<hbm>>
      %dma_wait3A_23 = arith.constant 0 : i32
      %dma_wait3A_24 = tpu.memref_slice %arg6[%arg0, %mul3A_15, %dma_wait3A_23] : memref<2x10016x32xf32, #tpu.memory_space<hbm>> -> memref<1x626x32xf32, #tpu.memory_space<hbm>>
      %dma_wait3A_25 = tpu.memref_squeeze %dma_wait3A_24 : memref<1x626x32xf32, #tpu.memory_space<hbm>> -> memref<626x32xf32, #tpu.memory_space<hbm>>
      tpu.wait_dma2 semaphore(%run_scoped3A : memref<!tpu.dma_semaphore, #tpu.memory_space<semaphore_mem>>) src(%arg13 : memref<626x32xf32, #tpu.memory_space<vmem>>) dst(%dma_wait3A_25 : memref<626x32xf32, #tpu.memory_space<hbm>>)
      tpu.yield
    }) : () -> ()
    return
  }
}

#map = affine_map<(d0, d1) -> (0, 0)>
#map1 = affine_map<(d0, d1) -> (0, 0, 0)>
module attributes {stable_mosaic.version = 14 : i64} {
  func.func @k(%arg0: i32, %arg1: i32, %arg2: memref<2560x128xi32, #tpu.memory_space<hbm>>, %arg3: memref<128x8xf32, #tpu.memory_space<hbm>>, %arg4: memref<626x8xf32, #tpu.memory_space<hbm>>, %arg5: memref<2x10016x8xf32, #tpu.memory_space<hbm>>, %arg6: memref<80x128xi32, #tpu.memory_space<vmem>>, %arg7: memref<128x8xf32, #tpu.memory_space<vmem>>, %arg8: memref<626x8xf32, #tpu.memory_space<vmem>>, %arg9: memref<10016x8xf32, #tpu.memory_space<vmem_shared>>) attributes {dimension_semantics = [#tpu.dimension_semantics<core_parallel>, #tpu.dimension_semantics<subcore_parallel>], iteration_bounds = array<i64: 2, 16>, scalar_prefetch = 0 : i64, scratch_operands = 4 : i64, tpu.core_type = #tpu.core_type<sc_vector_subcore>, window_params = [{transform_indices = #map}, {transform_indices = #map}, {transform_indices = #map}, {transform_indices = #map1}]} {
    %mul3A = arith.constant 16 : i32
    %mul3A_0 = arith.muli %arg0, %mul3A : i32
    %add3A = arith.addi %mul3A_0, %arg1 : i32
    %mul3A_1 = arith.constant 80 : i32
    %mul3A_2 = arith.muli %add3A, %mul3A_1 : i32
    "tpu.region"() ({
      %run_scoped3A = tpu.sem_alloc : memref<!tpu.dma_semaphore, #tpu.memory_space<semaphore_mem>>
      %dma_start3A = arith.constant 0 : i32
      %dma_start3A_14 = tpu.memref_slice %arg2[%mul3A_2, %dma_start3A] : memref<2560x128xi32, #tpu.memory_space<hbm>> -> memref<80x128xi32, #tpu.memory_space<hbm>>
      %dma_start3A_15 = arith.constant 0 : i32
      %dma_start3A_16 = tpu.memref_slice %arg2[%mul3A_2, %dma_start3A_15] : memref<2560x128xi32, #tpu.memory_space<hbm>> -> memref<80x128xi32, #tpu.memory_space<hbm>>
      tpu.enqueue_dma source(%dma_start3A_16 : memref<80x128xi32, #tpu.memory_space<hbm>>) target(%arg6 : memref<80x128xi32, #tpu.memory_space<vmem>>) target_semaphore(%run_scoped3A : memref<!tpu.dma_semaphore, #tpu.memory_space<semaphore_mem>>)
      %dma_wait3A = arith.constant 0 : i32
      %dma_wait3A_17 = tpu.memref_slice %arg2[%mul3A_2, %dma_wait3A] : memref<2560x128xi32, #tpu.memory_space<hbm>> -> memref<80x128xi32, #tpu.memory_space<hbm>>
      %dma_wait3A_18 = arith.constant 0 : i32
      %dma_wait3A_19 = tpu.memref_slice %arg2[%mul3A_2, %dma_wait3A_18] : memref<2560x128xi32, #tpu.memory_space<hbm>> -> memref<80x128xi32, #tpu.memory_space<hbm>>
      tpu.wait_dma2 semaphore(%run_scoped3A : memref<!tpu.dma_semaphore, #tpu.memory_space<semaphore_mem>>) src(%dma_wait3A_19 : memref<80x128xi32, #tpu.memory_space<hbm>>) dst(%arg6 : memref<80x128xi32, #tpu.memory_space<vmem>>)
      tpu.yield
    }) : () -> ()
    "tpu.region"() ({
      %run_scoped3A = tpu.sem_alloc : memref<!tpu.dma_semaphore, #tpu.memory_space<semaphore_mem>>
      tpu.enqueue_dma source(%arg3 : memref<128x8xf32, #tpu.memory_space<hbm>>) target(%arg7 : memref<128x8xf32, #tpu.memory_space<vmem>>) target_semaphore(%run_scoped3A : memref<!tpu.dma_semaphore, #tpu.memory_space<semaphore_mem>>)
      tpu.wait_dma2 semaphore(%run_scoped3A : memref<!tpu.dma_semaphore, #tpu.memory_space<semaphore_mem>>) src(%arg3 : memref<128x8xf32, #tpu.memory_space<hbm>>) dst(%arg7 : memref<128x8xf32, #tpu.memory_space<vmem>>)
      tpu.yield
    }) : () -> ()
    "tpu.region"() ({
      %run_scoped3A = tpu.sem_alloc : memref<!tpu.dma_semaphore, #tpu.memory_space<semaphore_mem>>
      tpu.enqueue_dma source(%arg4 : memref<626x8xf32, #tpu.memory_space<hbm>>) target(%arg8 : memref<626x8xf32, #tpu.memory_space<vmem>>) target_semaphore(%run_scoped3A : memref<!tpu.dma_semaphore, #tpu.memory_space<semaphore_mem>>)
      tpu.wait_dma2 semaphore(%run_scoped3A : memref<!tpu.dma_semaphore, #tpu.memory_space<semaphore_mem>>) src(%arg4 : memref<626x8xf32, #tpu.memory_space<hbm>>) dst(%arg8 : memref<626x8xf32, #tpu.memory_space<vmem>>)
      tpu.yield
    }) : () -> ()
    %mul3A_3 = arith.constant 626 : i32
    %mul3A_4 = arith.muli %arg1, %mul3A_3 : i32
    "tpu.region"() ({
      %run_scoped3A = tpu.sem_alloc : memref<!tpu.dma_semaphore, #tpu.memory_space<semaphore_mem>>
      %dma_start3A = arith.constant 0 : i32
      %dma_start3A_14 = tpu.memref_slice %arg9[%mul3A_4, %dma_start3A] : memref<10016x8xf32, #tpu.memory_space<vmem_shared>> -> memref<626x8xf32, #tpu.memory_space<vmem_shared>>
      %dma_start3A_15 = arith.constant 0 : i32
      %dma_start3A_16 = tpu.memref_slice %arg9[%mul3A_4, %dma_start3A_15] : memref<10016x8xf32, #tpu.memory_space<vmem_shared>> -> memref<626x8xf32, #tpu.memory_space<vmem_shared>>
      tpu.enqueue_dma source(%arg8 : memref<626x8xf32, #tpu.memory_space<vmem>>) target(%dma_start3A_16 : memref<626x8xf32, #tpu.memory_space<vmem_shared>>) target_semaphore(%run_scoped3A : memref<!tpu.dma_semaphore, #tpu.memory_space<semaphore_mem>>)
      %dma_wait3A = arith.constant 0 : i32
      %dma_wait3A_17 = tpu.memref_slice %arg9[%mul3A_4, %dma_wait3A] : memref<10016x8xf32, #tpu.memory_space<vmem_shared>> -> memref<626x8xf32, #tpu.memory_space<vmem_shared>>
      %dma_wait3A_18 = arith.constant 0 : i32
      %dma_wait3A_19 = tpu.memref_slice %arg9[%mul3A_4, %dma_wait3A_18] : memref<10016x8xf32, #tpu.memory_space<vmem_shared>> -> memref<626x8xf32, #tpu.memory_space<vmem_shared>>
      tpu.wait_dma2 semaphore(%run_scoped3A : memref<!tpu.dma_semaphore, #tpu.memory_space<semaphore_mem>>) src(%arg8 : memref<626x8xf32, #tpu.memory_space<vmem>>) dst(%dma_wait3A_19 : memref<626x8xf32, #tpu.memory_space<vmem_shared>>)
      tpu.yield
    }) : () -> ()
    %barrier3A = arith.constant 0 : index
    tpu.barrier barrier_id(%barrier3A)
    %scan3A = arith.constant 0 : i32
    %scan3A_5 = arith.constant 80 : i32
    %scan3A_6 = arith.addi %scan3A, %scan3A_5 : i32
    %scan3A_7 = arith.constant 1 : i32
    scf.for %scan3A_14 = %scan3A to %scan3A_6 step %scan3A_7  : i32 {
      %mul3A_15 = arith.constant 1 : i32
      %mul3A_16 = arith.muli %scan3A_14, %mul3A_15 : i32
      %add3A_17 = arith.constant 0 : i32
      %add3A_18 = arith.addi %add3A_17, %mul3A_16 : i32
      "tpu.region"() ({
        %run_scoped3A = tpu.sem_alloc : memref<!tpu.dma_semaphore, #tpu.memory_space<semaphore_mem>>
        %dma_start3A = arith.constant 0 : i32
        %dma_start3A_19 = tpu.memref_slice %arg6[%add3A_18, %dma_start3A] : memref<80x128xi32, #tpu.memory_space<vmem>> -> memref<1x128xi32, #tpu.memory_space<vmem>>
        %dma_start3A_20 = tpu.memref_squeeze %dma_start3A_19 : memref<1x128xi32, #tpu.memory_space<vmem>> -> memref<128xi32, #tpu.memory_space<vmem>>
        %dma_start3A_21 = arith.constant 0 : i32
        %dma_start3A_22 = arith.constant 0 : i32
        %dma_start3A_23 = tpu.memref_slice %arg9[%dma_start3A_21, %dma_start3A_22] : memref<10016x8xf32, #tpu.memory_space<vmem_shared>> -> memref<10016x8xf32, #tpu.memory_space<vmem_shared>>
        tpu.enqueue_indirect_dma source(%arg7 : memref<128x8xf32, #tpu.memory_space<vmem>>) target(%dma_start3A_23 : memref<10016x8xf32, #tpu.memory_space<vmem_shared>>) offsets(%dma_start3A_20 : memref<128xi32, #tpu.memory_space<vmem>>) semaphore(%run_scoped3A : memref<!tpu.dma_semaphore, #tpu.memory_space<semaphore_mem>>) {add = true}
        %dma_wait3A = arith.constant 0 : i32
        %dma_wait3A_24 = tpu.memref_slice %arg6[%add3A_18, %dma_wait3A] : memref<80x128xi32, #tpu.memory_space<vmem>> -> memref<1x128xi32, #tpu.memory_space<vmem>>
        %dma_wait3A_25 = tpu.memref_squeeze %dma_wait3A_24 : memref<1x128xi32, #tpu.memory_space<vmem>> -> memref<128xi32, #tpu.memory_space<vmem>>
        %dma_wait3A_26 = arith.constant 0 : i32
        %dma_wait3A_27 = arith.constant 0 : i32
        %dma_wait3A_28 = tpu.memref_slice %arg9[%dma_wait3A_26, %dma_wait3A_27] : memref<10016x8xf32, #tpu.memory_space<vmem_shared>> -> memref<10016x8xf32, #tpu.memory_space<vmem_shared>>
        tpu.wait_indirect_dma semaphore(%run_scoped3A : memref<!tpu.dma_semaphore, #tpu.memory_space<semaphore_mem>>) src(%arg7 : memref<128x8xf32, #tpu.memory_space<vmem>>) dst(%dma_wait3A_28 : memref<10016x8xf32, #tpu.memory_space<vmem_shared>>)
        tpu.yield
      }) : () -> ()
    }
    %scan3A_8 = arith.constant 80 : i32
    %barrier3A_9 = arith.constant 0 : index
    tpu.barrier barrier_id(%barrier3A_9)
    %mul3A_10 = arith.constant 626 : i32
    %mul3A_11 = arith.muli %arg1, %mul3A_10 : i32
    "tpu.region"() ({
      %run_scoped3A = tpu.sem_alloc : memref<!tpu.dma_semaphore, #tpu.memory_space<semaphore_mem>>
      %dma_start3A = arith.constant 0 : i32
      %dma_start3A_14 = tpu.memref_slice %arg9[%mul3A_11, %dma_start3A] : memref<10016x8xf32, #tpu.memory_space<vmem_shared>> -> memref<626x8xf32, #tpu.memory_space<vmem_shared>>
      %dma_start3A_15 = arith.constant 0 : i32
      %dma_start3A_16 = tpu.memref_slice %arg9[%mul3A_11, %dma_start3A_15] : memref<10016x8xf32, #tpu.memory_space<vmem_shared>> -> memref<626x8xf32, #tpu.memory_space<vmem_shared>>
      tpu.enqueue_dma source(%dma_start3A_16 : memref<626x8xf32, #tpu.memory_space<vmem_shared>>) target(%arg8 : memref<626x8xf32, #tpu.memory_space<vmem>>) target_semaphore(%run_scoped3A : memref<!tpu.dma_semaphore, #tpu.memory_space<semaphore_mem>>)
      %dma_wait3A = arith.constant 0 : i32
      %dma_wait3A_17 = tpu.memref_slice %arg9[%mul3A_11, %dma_wait3A] : memref<10016x8xf32, #tpu.memory_space<vmem_shared>> -> memref<626x8xf32, #tpu.memory_space<vmem_shared>>
      %dma_wait3A_18 = arith.constant 0 : i32
      %dma_wait3A_19 = tpu.memref_slice %arg9[%mul3A_11, %dma_wait3A_18] : memref<10016x8xf32, #tpu.memory_space<vmem_shared>> -> memref<626x8xf32, #tpu.memory_space<vmem_shared>>
      tpu.wait_dma2 semaphore(%run_scoped3A : memref<!tpu.dma_semaphore, #tpu.memory_space<semaphore_mem>>) src(%dma_wait3A_19 : memref<626x8xf32, #tpu.memory_space<vmem_shared>>) dst(%arg8 : memref<626x8xf32, #tpu.memory_space<vmem>>)
      tpu.yield
    }) : () -> ()
    %mul3A_12 = arith.constant 626 : i32
    %mul3A_13 = arith.muli %arg1, %mul3A_12 : i32
    "tpu.region"() ({
      %run_scoped3A = tpu.sem_alloc : memref<!tpu.dma_semaphore, #tpu.memory_space<semaphore_mem>>
      %dma_start3A = arith.constant 0 : i32
      %dma_start3A_14 = tpu.memref_slice %arg5[%arg0, %mul3A_13, %dma_start3A] : memref<2x10016x8xf32, #tpu.memory_space<hbm>> -> memref<1x626x8xf32, #tpu.memory_space<hbm>>
      %dma_start3A_15 = tpu.memref_squeeze %dma_start3A_14 : memref<1x626x8xf32, #tpu.memory_space<hbm>> -> memref<626x8xf32, #tpu.memory_space<hbm>>
      %dma_start3A_16 = arith.constant 0 : i32
      %dma_start3A_17 = tpu.memref_slice %arg5[%arg0, %mul3A_13, %dma_start3A_16] : memref<2x10016x8xf32, #tpu.memory_space<hbm>> -> memref<1x626x8xf32, #tpu.memory_space<hbm>>
      %dma_start3A_18 = tpu.memref_squeeze %dma_start3A_17 : memref<1x626x8xf32, #tpu.memory_space<hbm>> -> memref<626x8xf32, #tpu.memory_space<hbm>>
      tpu.enqueue_dma source(%arg8 : memref<626x8xf32, #tpu.memory_space<vmem>>) target(%dma_start3A_18 : memref<626x8xf32, #tpu.memory_space<hbm>>) target_semaphore(%run_scoped3A : memref<!tpu.dma_semaphore, #tpu.memory_space<semaphore_mem>>)
      %dma_wait3A = arith.constant 0 : i32
      %dma_wait3A_19 = tpu.memref_slice %arg5[%arg0, %mul3A_13, %dma_wait3A] : memref<2x10016x8xf32, #tpu.memory_space<hbm>> -> memref<1x626x8xf32, #tpu.memory_space<hbm>>
      %dma_wait3A_20 = tpu.memref_squeeze %dma_wait3A_19 : memref<1x626x8xf32, #tpu.memory_space<hbm>> -> memref<626x8xf32, #tpu.memory_space<hbm>>
      %dma_wait3A_21 = arith.constant 0 : i32
      %dma_wait3A_22 = tpu.memref_slice %arg5[%arg0, %mul3A_13, %dma_wait3A_21] : memref<2x10016x8xf32, #tpu.memory_space<hbm>> -> memref<1x626x8xf32, #tpu.memory_space<hbm>>
      %dma_wait3A_23 = tpu.memref_squeeze %dma_wait3A_22 : memref<1x626x8xf32, #tpu.memory_space<hbm>> -> memref<626x8xf32, #tpu.memory_space<hbm>>
      tpu.wait_dma2 semaphore(%run_scoped3A : memref<!tpu.dma_semaphore, #tpu.memory_space<semaphore_mem>>) src(%arg8 : memref<626x8xf32, #tpu.memory_space<vmem>>) dst(%dma_wait3A_23 : memref<626x8xf32, #tpu.memory_space<hbm>>)
      tpu.yield
    }) : () -> ()
    return
  }
}

#map = affine_map<(d0, d1) -> (0, 0)>
#map1 = affine_map<(d0, d1) -> (0, 0, 0)>
module attributes {stable_mosaic.version = 14 : i64} {
  func.func @k(%arg0: i32, %arg1: i32, %arg2: memref<10000x32xf32, #tpu.memory_space<hbm>>, %arg3: memref<2560x128xi32, #tpu.memory_space<hbm>>, %arg4: memref<2560x128xi32, #tpu.memory_space<hbm>>, %arg5: memref<626x32xf32, #tpu.memory_space<hbm>>, %arg6: memref<2x10016x32xf32, #tpu.memory_space<hbm>>, %arg7: memref<80x128xi32, #tpu.memory_space<vmem>>, %arg8: memref<80x128xi32, #tpu.memory_space<vmem>>, %arg9: memref<128x32xf32, #tpu.memory_space<vmem>>, %arg10: memref<128x32xf32, #tpu.memory_space<vmem>>, %arg11: memref<128x32xf32, #tpu.memory_space<vmem>>, %arg12: memref<128x32xf32, #tpu.memory_space<vmem>>, %arg13: memref<626x32xf32, #tpu.memory_space<vmem>>, %arg14: memref<10016x32xf32, #tpu.memory_space<vmem_shared>>, %arg15: memref<!tpu.dma_semaphore, #tpu.memory_space<semaphore_mem>>, %arg16: memref<!tpu.dma_semaphore, #tpu.memory_space<semaphore_mem>>, %arg17: memref<!tpu.dma_semaphore, #tpu.memory_space<semaphore_mem>>, %arg18: memref<!tpu.dma_semaphore, #tpu.memory_space<semaphore_mem>>, %arg19: memref<!tpu.dma_semaphore, #tpu.memory_space<semaphore_mem>>, %arg20: memref<!tpu.dma_semaphore, #tpu.memory_space<semaphore_mem>>, %arg21: memref<!tpu.dma_semaphore, #tpu.memory_space<semaphore_mem>>, %arg22: memref<!tpu.dma_semaphore, #tpu.memory_space<semaphore_mem>>) attributes {dimension_semantics = [#tpu.dimension_semantics<core_parallel>, #tpu.dimension_semantics<subcore_parallel>], iteration_bounds = array<i64: 2, 16>, scalar_prefetch = 0 : i64, scratch_operands = 16 : i64, tpu.core_type = #tpu.core_type<sc_vector_subcore>, window_params = [{transform_indices = #map}, {transform_indices = #map}, {transform_indices = #map}, {transform_indices = #map}, {transform_indices = #map1}]} {
    %mul3A = arith.constant 16 : i32
    %mul3A_0 = arith.muli %arg0, %mul3A : i32
    %add3A = arith.addi %mul3A_0, %arg1 : i32
    %mul3A_1 = arith.constant 80 : i32
    %mul3A_2 = arith.muli %add3A, %mul3A_1 : i32
    "tpu.region"() ({
      %run_scoped3A = tpu.sem_alloc : memref<!tpu.dma_semaphore, #tpu.memory_space<semaphore_mem>>
      %dma_start3A = arith.constant 0 : i32
      %dma_start3A_16 = tpu.memref_slice %arg3[%mul3A_2, %dma_start3A] : memref<2560x128xi32, #tpu.memory_space<hbm>> -> memref<80x128xi32, #tpu.memory_space<hbm>>
      %dma_start3A_17 = arith.constant 0 : i32
      %dma_start3A_18 = tpu.memref_slice %arg3[%mul3A_2, %dma_start3A_17] : memref<2560x128xi32, #tpu.memory_space<hbm>> -> memref<80x128xi32, #tpu.memory_space<hbm>>
      tpu.enqueue_dma source(%dma_start3A_18 : memref<80x128xi32, #tpu.memory_space<hbm>>) target(%arg7 : memref<80x128xi32, #tpu.memory_space<vmem>>) target_semaphore(%run_scoped3A : memref<!tpu.dma_semaphore, #tpu.memory_space<semaphore_mem>>)
      %dma_wait3A = arith.constant 0 : i32
      %dma_wait3A_19 = tpu.memref_slice %arg3[%mul3A_2, %dma_wait3A] : memref<2560x128xi32, #tpu.memory_space<hbm>> -> memref<80x128xi32, #tpu.memory_space<hbm>>
      %dma_wait3A_20 = arith.constant 0 : i32
      %dma_wait3A_21 = tpu.memref_slice %arg3[%mul3A_2, %dma_wait3A_20] : memref<2560x128xi32, #tpu.memory_space<hbm>> -> memref<80x128xi32, #tpu.memory_space<hbm>>
      tpu.wait_dma2 semaphore(%run_scoped3A : memref<!tpu.dma_semaphore, #tpu.memory_space<semaphore_mem>>) src(%dma_wait3A_21 : memref<80x128xi32, #tpu.memory_space<hbm>>) dst(%arg7 : memref<80x128xi32, #tpu.memory_space<vmem>>)
      tpu.yield
    }) : () -> ()
    %mul3A_3 = arith.constant 80 : i32
    %mul3A_4 = arith.muli %add3A, %mul3A_3 : i32
    "tpu.region"() ({
      %run_scoped3A = tpu.sem_alloc : memref<!tpu.dma_semaphore, #tpu.memory_space<semaphore_mem>>
      %dma_start3A = arith.constant 0 : i32
      %dma_start3A_16 = tpu.memref_slice %arg4[%mul3A_4, %dma_start3A] : memref<2560x128xi32, #tpu.memory_space<hbm>> -> memref<80x128xi32, #tpu.memory_space<hbm>>
      %dma_start3A_17 = arith.constant 0 : i32
      %dma_start3A_18 = tpu.memref_slice %arg4[%mul3A_4, %dma_start3A_17] : memref<2560x128xi32, #tpu.memory_space<hbm>> -> memref<80x128xi32, #tpu.memory_space<hbm>>
      tpu.enqueue_dma source(%dma_start3A_18 : memref<80x128xi32, #tpu.memory_space<hbm>>) target(%arg8 : memref<80x128xi32, #tpu.memory_space<vmem>>) target_semaphore(%run_scoped3A : memref<!tpu.dma_semaphore, #tpu.memory_space<semaphore_mem>>)
      %dma_wait3A = arith.constant 0 : i32
      %dma_wait3A_19 = tpu.memref_slice %arg4[%mul3A_4, %dma_wait3A] : memref<2560x128xi32, #tpu.memory_space<hbm>> -> memref<80x128xi32, #tpu.memory_space<hbm>>
      %dma_wait3A_20 = arith.constant 0 : i32
      %dma_wait3A_21 = tpu.memref_slice %arg4[%mul3A_4, %dma_wait3A_20] : memref<2560x128xi32, #tpu.memory_space<hbm>> -> memref<80x128xi32, #tpu.memory_space<hbm>>
      tpu.wait_dma2 semaphore(%run_scoped3A : memref<!tpu.dma_semaphore, #tpu.memory_space<semaphore_mem>>) src(%dma_wait3A_21 : memref<80x128xi32, #tpu.memory_space<hbm>>) dst(%arg8 : memref<80x128xi32, #tpu.memory_space<vmem>>)
      tpu.yield
    }) : () -> ()
    "tpu.region"() ({
      %run_scoped3A = tpu.sem_alloc : memref<!tpu.dma_semaphore, #tpu.memory_space<semaphore_mem>>
      tpu.enqueue_dma source(%arg5 : memref<626x32xf32, #tpu.memory_space<hbm>>) target(%arg13 : memref<626x32xf32, #tpu.memory_space<vmem>>) target_semaphore(%run_scoped3A : memref<!tpu.dma_semaphore, #tpu.memory_space<semaphore_mem>>)
      tpu.wait_dma2 semaphore(%run_scoped3A : memref<!tpu.dma_semaphore, #tpu.memory_space<semaphore_mem>>) src(%arg5 : memref<626x32xf32, #tpu.memory_space<hbm>>) dst(%arg13 : memref<626x32xf32, #tpu.memory_space<vmem>>)
      tpu.yield
    }) : () -> ()
    %mul3A_5 = arith.constant 626 : i32
    %mul3A_6 = arith.muli %arg1, %mul3A_5 : i32
    "tpu.region"() ({
      %run_scoped3A = tpu.sem_alloc : memref<!tpu.dma_semaphore, #tpu.memory_space<semaphore_mem>>
      %dma_start3A = arith.constant 0 : i32
      %dma_start3A_16 = tpu.memref_slice %arg14[%mul3A_6, %dma_start3A] : memref<10016x32xf32, #tpu.memory_space<vmem_shared>> -> memref<626x32xf32, #tpu.memory_space<vmem_shared>>
      %dma_start3A_17 = arith.constant 0 : i32
      %dma_start3A_18 = tpu.memref_slice %arg14[%mul3A_6, %dma_start3A_17] : memref<10016x32xf32, #tpu.memory_space<vmem_shared>> -> memref<626x32xf32, #tpu.memory_space<vmem_shared>>
      tpu.enqueue_dma source(%arg13 : memref<626x32xf32, #tpu.memory_space<vmem>>) target(%dma_start3A_18 : memref<626x32xf32, #tpu.memory_space<vmem_shared>>) target_semaphore(%run_scoped3A : memref<!tpu.dma_semaphore, #tpu.memory_space<semaphore_mem>>)
      %dma_wait3A = arith.constant 0 : i32
      %dma_wait3A_19 = tpu.memref_slice %arg14[%mul3A_6, %dma_wait3A] : memref<10016x32xf32, #tpu.memory_space<vmem_shared>> -> memref<626x32xf32, #tpu.memory_space<vmem_shared>>
      %dma_wait3A_20 = arith.constant 0 : i32
      %dma_wait3A_21 = tpu.memref_slice %arg14[%mul3A_6, %dma_wait3A_20] : memref<10016x32xf32, #tpu.memory_space<vmem_shared>> -> memref<626x32xf32, #tpu.memory_space<vmem_shared>>
      tpu.wait_dma2 semaphore(%run_scoped3A : memref<!tpu.dma_semaphore, #tpu.memory_space<semaphore_mem>>) src(%arg13 : memref<626x32xf32, #tpu.memory_space<vmem>>) dst(%dma_wait3A_21 : memref<626x32xf32, #tpu.memory_space<vmem_shared>>)
      tpu.yield
    }) : () -> ()
    %barrier3A = arith.constant 0 : index
    tpu.barrier barrier_id(%barrier3A)
    %scan3A = arith.constant 0 : i32
    %scan3A_7 = arith.constant 20 : i32
    %scan3A_8 = arith.addi %scan3A, %scan3A_7 : i32
    %scan3A_9 = arith.constant 1 : i32
    scf.for %scan3A_16 = %scan3A to %scan3A_8 step %scan3A_9  : i32 {
      %mul3A_17 = arith.constant 4 : i32
      %mul3A_18 = arith.muli %scan3A_16, %mul3A_17 : i32
      %add3A_19 = arith.constant 0 : i32
      %add3A_20 = arith.addi %add3A_19, %mul3A_18 : i32
      %add3A_21 = arith.constant 0 : i32
      %add3A_22 = arith.addi %add3A_20, %add3A_21 : i32
      %dma_start3A = arith.constant 0 : i32
      %dma_start3A_23 = tpu.memref_slice %arg7[%add3A_22, %dma_start3A] : memref<80x128xi32, #tpu.memory_space<vmem>> -> memref<1x128xi32, #tpu.memory_space<vmem>>
      %dma_start3A_24 = tpu.memref_squeeze %dma_start3A_23 : memref<1x128xi32, #tpu.memory_space<vmem>> -> memref<128xi32, #tpu.memory_space<vmem>>
      %dma_start3A_25 = arith.constant 0 : i32
      %dma_start3A_26 = arith.constant 0 : i32
      %dma_start3A_27 = tpu.memref_slice %arg2[%dma_start3A_25, %dma_start3A_26] : memref<10000x32xf32, #tpu.memory_space<hbm>> -> memref<10000x32xf32, #tpu.memory_space<hbm>>
      tpu.enqueue_indirect_dma source(%dma_start3A_27 : memref<10000x32xf32, #tpu.memory_space<hbm>>) target(%arg9 : memref<128x32xf32, #tpu.memory_space<vmem>>) offsets(%dma_start3A_24 : memref<128xi32, #tpu.memory_space<vmem>>) semaphore(%arg15 : memref<!tpu.dma_semaphore, #tpu.memory_space<semaphore_mem>>)
      %add3A_28 = arith.constant 1 : i32
      %add3A_29 = arith.addi %add3A_20, %add3A_28 : i32
      %dma_start3A_30 = arith.constant 0 : i32
      %dma_start3A_31 = tpu.memref_slice %arg7[%add3A_29, %dma_start3A_30] : memref<80x128xi32, #tpu.memory_space<vmem>> -> memref<1x128xi32, #tpu.memory_space<vmem>>
      %dma_start3A_32 = tpu.memref_squeeze %dma_start3A_31 : memref<1x128xi32, #tpu.memory_space<vmem>> -> memref<128xi32, #tpu.memory_space<vmem>>
      %dma_start3A_33 = arith.constant 0 : i32
      %dma_start3A_34 = arith.constant 0 : i32
      %dma_start3A_35 = tpu.memref_slice %arg2[%dma_start3A_33, %dma_start3A_34] : memref<10000x32xf32, #tpu.memory_space<hbm>> -> memref<10000x32xf32, #tpu.memory_space<hbm>>
      tpu.enqueue_indirect_dma source(%dma_start3A_35 : memref<10000x32xf32, #tpu.memory_space<hbm>>) target(%arg10 : memref<128x32xf32, #tpu.memory_space<vmem>>) offsets(%dma_start3A_32 : memref<128xi32, #tpu.memory_space<vmem>>) semaphore(%arg16 : memref<!tpu.dma_semaphore, #tpu.memory_space<semaphore_mem>>)
      %add3A_36 = arith.constant 2 : i32
      %add3A_37 = arith.addi %add3A_20, %add3A_36 : i32
      %dma_start3A_38 = arith.constant 0 : i32
      %dma_start3A_39 = tpu.memref_slice %arg7[%add3A_37, %dma_start3A_38] : memref<80x128xi32, #tpu.memory_space<vmem>> -> memref<1x128xi32, #tpu.memory_space<vmem>>
      %dma_start3A_40 = tpu.memref_squeeze %dma_start3A_39 : memref<1x128xi32, #tpu.memory_space<vmem>> -> memref<128xi32, #tpu.memory_space<vmem>>
      %dma_start3A_41 = arith.constant 0 : i32
      %dma_start3A_42 = arith.constant 0 : i32
      %dma_start3A_43 = tpu.memref_slice %arg2[%dma_start3A_41, %dma_start3A_42] : memref<10000x32xf32, #tpu.memory_space<hbm>> -> memref<10000x32xf32, #tpu.memory_space<hbm>>
      tpu.enqueue_indirect_dma source(%dma_start3A_43 : memref<10000x32xf32, #tpu.memory_space<hbm>>) target(%arg11 : memref<128x32xf32, #tpu.memory_space<vmem>>) offsets(%dma_start3A_40 : memref<128xi32, #tpu.memory_space<vmem>>) semaphore(%arg17 : memref<!tpu.dma_semaphore, #tpu.memory_space<semaphore_mem>>)
      %add3A_44 = arith.constant 3 : i32
      %add3A_45 = arith.addi %add3A_20, %add3A_44 : i32
      %dma_start3A_46 = arith.constant 0 : i32
      %dma_start3A_47 = tpu.memref_slice %arg7[%add3A_45, %dma_start3A_46] : memref<80x128xi32, #tpu.memory_space<vmem>> -> memref<1x128xi32, #tpu.memory_space<vmem>>
      %dma_start3A_48 = tpu.memref_squeeze %dma_start3A_47 : memref<1x128xi32, #tpu.memory_space<vmem>> -> memref<128xi32, #tpu.memory_space<vmem>>
      %dma_start3A_49 = arith.constant 0 : i32
      %dma_start3A_50 = arith.constant 0 : i32
      %dma_start3A_51 = tpu.memref_slice %arg2[%dma_start3A_49, %dma_start3A_50] : memref<10000x32xf32, #tpu.memory_space<hbm>> -> memref<10000x32xf32, #tpu.memory_space<hbm>>
      tpu.enqueue_indirect_dma source(%dma_start3A_51 : memref<10000x32xf32, #tpu.memory_space<hbm>>) target(%arg12 : memref<128x32xf32, #tpu.memory_space<vmem>>) offsets(%dma_start3A_48 : memref<128xi32, #tpu.memory_space<vmem>>) semaphore(%arg18 : memref<!tpu.dma_semaphore, #tpu.memory_space<semaphore_mem>>)
      %dma_wait3A = arith.constant 0 : i32
      %dma_wait3A_52 = tpu.memref_slice %arg7[%add3A_22, %dma_wait3A] : memref<80x128xi32, #tpu.memory_space<vmem>> -> memref<1x128xi32, #tpu.memory_space<vmem>>
      %dma_wait3A_53 = tpu.memref_squeeze %dma_wait3A_52 : memref<1x128xi32, #tpu.memory_space<vmem>> -> memref<128xi32, #tpu.memory_space<vmem>>
      %dma_wait3A_54 = arith.constant 0 : i32
      %dma_wait3A_55 = arith.constant 0 : i32
      %dma_wait3A_56 = tpu.memref_slice %arg2[%dma_wait3A_54, %dma_wait3A_55] : memref<10000x32xf32, #tpu.memory_space<hbm>> -> memref<10000x32xf32, #tpu.memory_space<hbm>>
      tpu.wait_indirect_dma semaphore(%arg15 : memref<!tpu.dma_semaphore, #tpu.memory_space<semaphore_mem>>) src(%dma_wait3A_56 : memref<10000x32xf32, #tpu.memory_space<hbm>>) dst(%arg9 : memref<128x32xf32, #tpu.memory_space<vmem>>)
      %add3A_57 = arith.constant 0 : i32
      %add3A_58 = arith.addi %add3A_20, %add3A_57 : i32
      %dma_start3A_59 = arith.constant 0 : i32
      %dma_start3A_60 = tpu.memref_slice %arg8[%add3A_58, %dma_start3A_59] : memref<80x128xi32, #tpu.memory_space<vmem>> -> memref<1x128xi32, #tpu.memory_space<vmem>>
      %dma_start3A_61 = tpu.memref_squeeze %dma_start3A_60 : memref<1x128xi32, #tpu.memory_space<vmem>> -> memref<128xi32, #tpu.memory_space<vmem>>
      %dma_start3A_62 = arith.constant 0 : i32
      %dma_start3A_63 = arith.constant 0 : i32
      %dma_start3A_64 = tpu.memref_slice %arg14[%dma_start3A_62, %dma_start3A_63] : memref<10016x32xf32, #tpu.memory_space<vmem_shared>> -> memref<10016x32xf32, #tpu.memory_space<vmem_shared>>
      tpu.enqueue_indirect_dma source(%arg9 : memref<128x32xf32, #tpu.memory_space<vmem>>) target(%dma_start3A_64 : memref<10016x32xf32, #tpu.memory_space<vmem_shared>>) offsets(%dma_start3A_61 : memref<128xi32, #tpu.memory_space<vmem>>) semaphore(%arg19 : memref<!tpu.dma_semaphore, #tpu.memory_space<semaphore_mem>>) {add = true}
      %dma_wait3A_65 = arith.constant 0 : i32
      %dma_wait3A_66 = tpu.memref_slice %arg7[%add3A_29, %dma_wait3A_65] : memref<80x128xi32, #tpu.memory_space<vmem>> -> memref<1x128xi32, #tpu.memory_space<vmem>>
      %dma_wait3A_67 = tpu.memref_squeeze %dma_wait3A_66 : memref<1x128xi32, #tpu.memory_space<vmem>> -> memref<128xi32, #tpu.memory_space<vmem>>
      %dma_wait3A_68 = arith.constant 0 : i32
      %dma_wait3A_69 = arith.constant 0 : i32
      %dma_wait3A_70 = tpu.memref_slice %arg2[%dma_wait3A_68, %dma_wait3A_69] : memref<10000x32xf32, #tpu.memory_space<hbm>> -> memref<10000x32xf32, #tpu.memory_space<hbm>>
      tpu.wait_indirect_dma semaphore(%arg16 : memref<!tpu.dma_semaphore, #tpu.memory_space<semaphore_mem>>) src(%dma_wait3A_70 : memref<10000x32xf32, #tpu.memory_space<hbm>>) dst(%arg10 : memref<128x32xf32, #tpu.memory_space<vmem>>)
      %add3A_71 = arith.constant 1 : i32
      %add3A_72 = arith.addi %add3A_20, %add3A_71 : i32
      %dma_start3A_73 = arith.constant 0 : i32
      %dma_start3A_74 = tpu.memref_slice %arg8[%add3A_72, %dma_start3A_73] : memref<80x128xi32, #tpu.memory_space<vmem>> -> memref<1x128xi32, #tpu.memory_space<vmem>>
      %dma_start3A_75 = tpu.memref_squeeze %dma_start3A_74 : memref<1x128xi32, #tpu.memory_space<vmem>> -> memref<128xi32, #tpu.memory_space<vmem>>
      %dma_start3A_76 = arith.constant 0 : i32
      %dma_start3A_77 = arith.constant 0 : i32
      %dma_start3A_78 = tpu.memref_slice %arg14[%dma_start3A_76, %dma_start3A_77] : memref<10016x32xf32, #tpu.memory_space<vmem_shared>> -> memref<10016x32xf32, #tpu.memory_space<vmem_shared>>
      tpu.enqueue_indirect_dma source(%arg10 : memref<128x32xf32, #tpu.memory_space<vmem>>) target(%dma_start3A_78 : memref<10016x32xf32, #tpu.memory_space<vmem_shared>>) offsets(%dma_start3A_75 : memref<128xi32, #tpu.memory_space<vmem>>) semaphore(%arg20 : memref<!tpu.dma_semaphore, #tpu.memory_space<semaphore_mem>>) {add = true}
      %dma_wait3A_79 = arith.constant 0 : i32
      %dma_wait3A_80 = tpu.memref_slice %arg7[%add3A_37, %dma_wait3A_79] : memref<80x128xi32, #tpu.memory_space<vmem>> -> memref<1x128xi32, #tpu.memory_space<vmem>>
      %dma_wait3A_81 = tpu.memref_squeeze %dma_wait3A_80 : memref<1x128xi32, #tpu.memory_space<vmem>> -> memref<128xi32, #tpu.memory_space<vmem>>
      %dma_wait3A_82 = arith.constant 0 : i32
      %dma_wait3A_83 = arith.constant 0 : i32
      %dma_wait3A_84 = tpu.memref_slice %arg2[%dma_wait3A_82, %dma_wait3A_83] : memref<10000x32xf32, #tpu.memory_space<hbm>> -> memref<10000x32xf32, #tpu.memory_space<hbm>>
      tpu.wait_indirect_dma semaphore(%arg17 : memref<!tpu.dma_semaphore, #tpu.memory_space<semaphore_mem>>) src(%dma_wait3A_84 : memref<10000x32xf32, #tpu.memory_space<hbm>>) dst(%arg11 : memref<128x32xf32, #tpu.memory_space<vmem>>)
      %add3A_85 = arith.constant 2 : i32
      %add3A_86 = arith.addi %add3A_20, %add3A_85 : i32
      %dma_start3A_87 = arith.constant 0 : i32
      %dma_start3A_88 = tpu.memref_slice %arg8[%add3A_86, %dma_start3A_87] : memref<80x128xi32, #tpu.memory_space<vmem>> -> memref<1x128xi32, #tpu.memory_space<vmem>>
      %dma_start3A_89 = tpu.memref_squeeze %dma_start3A_88 : memref<1x128xi32, #tpu.memory_space<vmem>> -> memref<128xi32, #tpu.memory_space<vmem>>
      %dma_start3A_90 = arith.constant 0 : i32
      %dma_start3A_91 = arith.constant 0 : i32
      %dma_start3A_92 = tpu.memref_slice %arg14[%dma_start3A_90, %dma_start3A_91] : memref<10016x32xf32, #tpu.memory_space<vmem_shared>> -> memref<10016x32xf32, #tpu.memory_space<vmem_shared>>
      tpu.enqueue_indirect_dma source(%arg11 : memref<128x32xf32, #tpu.memory_space<vmem>>) target(%dma_start3A_92 : memref<10016x32xf32, #tpu.memory_space<vmem_shared>>) offsets(%dma_start3A_89 : memref<128xi32, #tpu.memory_space<vmem>>) semaphore(%arg21 : memref<!tpu.dma_semaphore, #tpu.memory_space<semaphore_mem>>) {add = true}
      %dma_wait3A_93 = arith.constant 0 : i32
      %dma_wait3A_94 = tpu.memref_slice %arg7[%add3A_45, %dma_wait3A_93] : memref<80x128xi32, #tpu.memory_space<vmem>> -> memref<1x128xi32, #tpu.memory_space<vmem>>
      %dma_wait3A_95 = tpu.memref_squeeze %dma_wait3A_94 : memref<1x128xi32, #tpu.memory_space<vmem>> -> memref<128xi32, #tpu.memory_space<vmem>>
      %dma_wait3A_96 = arith.constant 0 : i32
      %dma_wait3A_97 = arith.constant 0 : i32
      %dma_wait3A_98 = tpu.memref_slice %arg2[%dma_wait3A_96, %dma_wait3A_97] : memref<10000x32xf32, #tpu.memory_space<hbm>> -> memref<10000x32xf32, #tpu.memory_space<hbm>>
      tpu.wait_indirect_dma semaphore(%arg18 : memref<!tpu.dma_semaphore, #tpu.memory_space<semaphore_mem>>) src(%dma_wait3A_98 : memref<10000x32xf32, #tpu.memory_space<hbm>>) dst(%arg12 : memref<128x32xf32, #tpu.memory_space<vmem>>)
      %add3A_99 = arith.constant 3 : i32
      %add3A_100 = arith.addi %add3A_20, %add3A_99 : i32
      %dma_start3A_101 = arith.constant 0 : i32
      %dma_start3A_102 = tpu.memref_slice %arg8[%add3A_100, %dma_start3A_101] : memref<80x128xi32, #tpu.memory_space<vmem>> -> memref<1x128xi32, #tpu.memory_space<vmem>>
      %dma_start3A_103 = tpu.memref_squeeze %dma_start3A_102 : memref<1x128xi32, #tpu.memory_space<vmem>> -> memref<128xi32, #tpu.memory_space<vmem>>
      %dma_start3A_104 = arith.constant 0 : i32
      %dma_start3A_105 = arith.constant 0 : i32
      %dma_start3A_106 = tpu.memref_slice %arg14[%dma_start3A_104, %dma_start3A_105] : memref<10016x32xf32, #tpu.memory_space<vmem_shared>> -> memref<10016x32xf32, #tpu.memory_space<vmem_shared>>
      tpu.enqueue_indirect_dma source(%arg12 : memref<128x32xf32, #tpu.memory_space<vmem>>) target(%dma_start3A_106 : memref<10016x32xf32, #tpu.memory_space<vmem_shared>>) offsets(%dma_start3A_103 : memref<128xi32, #tpu.memory_space<vmem>>) semaphore(%arg22 : memref<!tpu.dma_semaphore, #tpu.memory_space<semaphore_mem>>) {add = true}
      %dma_wait3A_107 = arith.constant 0 : i32
      %dma_wait3A_108 = tpu.memref_slice %arg8[%add3A_58, %dma_wait3A_107] : memref<80x128xi32, #tpu.memory_space<vmem>> -> memref<1x128xi32, #tpu.memory_space<vmem>>
      %dma_wait3A_109 = tpu.memref_squeeze %dma_wait3A_108 : memref<1x128xi32, #tpu.memory_space<vmem>> -> memref<128xi32, #tpu.memory_space<vmem>>
      %dma_wait3A_110 = arith.constant 0 : i32
      %dma_wait3A_111 = arith.constant 0 : i32
      %dma_wait3A_112 = tpu.memref_slice %arg14[%dma_wait3A_110, %dma_wait3A_111] : memref<10016x32xf32, #tpu.memory_space<vmem_shared>> -> memref<10016x32xf32, #tpu.memory_space<vmem_shared>>
      tpu.wait_indirect_dma semaphore(%arg19 : memref<!tpu.dma_semaphore, #tpu.memory_space<semaphore_mem>>) src(%arg9 : memref<128x32xf32, #tpu.memory_space<vmem>>) dst(%dma_wait3A_112 : memref<10016x32xf32, #tpu.memory_space<vmem_shared>>)
      %dma_wait3A_113 = arith.constant 0 : i32
      %dma_wait3A_114 = tpu.memref_slice %arg8[%add3A_72, %dma_wait3A_113] : memref<80x128xi32, #tpu.memory_space<vmem>> -> memref<1x128xi32, #tpu.memory_space<vmem>>
      %dma_wait3A_115 = tpu.memref_squeeze %dma_wait3A_114 : memref<1x128xi32, #tpu.memory_space<vmem>> -> memref<128xi32, #tpu.memory_space<vmem>>
      %dma_wait3A_116 = arith.constant 0 : i32
      %dma_wait3A_117 = arith.constant 0 : i32
      %dma_wait3A_118 = tpu.memref_slice %arg14[%dma_wait3A_116, %dma_wait3A_117] : memref<10016x32xf32, #tpu.memory_space<vmem_shared>> -> memref<10016x32xf32, #tpu.memory_space<vmem_shared>>
      tpu.wait_indirect_dma semaphore(%arg20 : memref<!tpu.dma_semaphore, #tpu.memory_space<semaphore_mem>>) src(%arg10 : memref<128x32xf32, #tpu.memory_space<vmem>>) dst(%dma_wait3A_118 : memref<10016x32xf32, #tpu.memory_space<vmem_shared>>)
      %dma_wait3A_119 = arith.constant 0 : i32
      %dma_wait3A_120 = tpu.memref_slice %arg8[%add3A_86, %dma_wait3A_119] : memref<80x128xi32, #tpu.memory_space<vmem>> -> memref<1x128xi32, #tpu.memory_space<vmem>>
      %dma_wait3A_121 = tpu.memref_squeeze %dma_wait3A_120 : memref<1x128xi32, #tpu.memory_space<vmem>> -> memref<128xi32, #tpu.memory_space<vmem>>
      %dma_wait3A_122 = arith.constant 0 : i32
      %dma_wait3A_123 = arith.constant 0 : i32
      %dma_wait3A_124 = tpu.memref_slice %arg14[%dma_wait3A_122, %dma_wait3A_123] : memref<10016x32xf32, #tpu.memory_space<vmem_shared>> -> memref<10016x32xf32, #tpu.memory_space<vmem_shared>>
      tpu.wait_indirect_dma semaphore(%arg21 : memref<!tpu.dma_semaphore, #tpu.memory_space<semaphore_mem>>) src(%arg11 : memref<128x32xf32, #tpu.memory_space<vmem>>) dst(%dma_wait3A_124 : memref<10016x32xf32, #tpu.memory_space<vmem_shared>>)
      %dma_wait3A_125 = arith.constant 0 : i32
      %dma_wait3A_126 = tpu.memref_slice %arg8[%add3A_100, %dma_wait3A_125] : memref<80x128xi32, #tpu.memory_space<vmem>> -> memref<1x128xi32, #tpu.memory_space<vmem>>
      %dma_wait3A_127 = tpu.memref_squeeze %dma_wait3A_126 : memref<1x128xi32, #tpu.memory_space<vmem>> -> memref<128xi32, #tpu.memory_space<vmem>>
      %dma_wait3A_128 = arith.constant 0 : i32
      %dma_wait3A_129 = arith.constant 0 : i32
      %dma_wait3A_130 = tpu.memref_slice %arg14[%dma_wait3A_128, %dma_wait3A_129] : memref<10016x32xf32, #tpu.memory_space<vmem_shared>> -> memref<10016x32xf32, #tpu.memory_space<vmem_shared>>
      tpu.wait_indirect_dma semaphore(%arg22 : memref<!tpu.dma_semaphore, #tpu.memory_space<semaphore_mem>>) src(%arg12 : memref<128x32xf32, #tpu.memory_space<vmem>>) dst(%dma_wait3A_130 : memref<10016x32xf32, #tpu.memory_space<vmem_shared>>)
    }
    %scan3A_10 = arith.constant 20 : i32
    %barrier3A_11 = arith.constant 0 : index
    tpu.barrier barrier_id(%barrier3A_11)
    %mul3A_12 = arith.constant 626 : i32
    %mul3A_13 = arith.muli %arg1, %mul3A_12 : i32
    "tpu.region"() ({
      %run_scoped3A = tpu.sem_alloc : memref<!tpu.dma_semaphore, #tpu.memory_space<semaphore_mem>>
      %dma_start3A = arith.constant 0 : i32
      %dma_start3A_16 = tpu.memref_slice %arg14[%mul3A_13, %dma_start3A] : memref<10016x32xf32, #tpu.memory_space<vmem_shared>> -> memref<626x32xf32, #tpu.memory_space<vmem_shared>>
      %dma_start3A_17 = arith.constant 0 : i32
      %dma_start3A_18 = tpu.memref_slice %arg14[%mul3A_13, %dma_start3A_17] : memref<10016x32xf32, #tpu.memory_space<vmem_shared>> -> memref<626x32xf32, #tpu.memory_space<vmem_shared>>
      tpu.enqueue_dma source(%dma_start3A_18 : memref<626x32xf32, #tpu.memory_space<vmem_shared>>) target(%arg13 : memref<626x32xf32, #tpu.memory_space<vmem>>) target_semaphore(%run_scoped3A : memref<!tpu.dma_semaphore, #tpu.memory_space<semaphore_mem>>)
      %dma_wait3A = arith.constant 0 : i32
      %dma_wait3A_19 = tpu.memref_slice %arg14[%mul3A_13, %dma_wait3A] : memref<10016x32xf32, #tpu.memory_space<vmem_shared>> -> memref<626x32xf32, #tpu.memory_space<vmem_shared>>
      %dma_wait3A_20 = arith.constant 0 : i32
      %dma_wait3A_21 = tpu.memref_slice %arg14[%mul3A_13, %dma_wait3A_20] : memref<10016x32xf32, #tpu.memory_space<vmem_shared>> -> memref<626x32xf32, #tpu.memory_space<vmem_shared>>
      tpu.wait_dma2 semaphore(%run_scoped3A : memref<!tpu.dma_semaphore, #tpu.memory_space<semaphore_mem>>) src(%dma_wait3A_21 : memref<626x32xf32, #tpu.memory_space<vmem_shared>>) dst(%arg13 : memref<626x32xf32, #tpu.memory_space<vmem>>)
      tpu.yield
    }) : () -> ()
    %mul3A_14 = arith.constant 626 : i32
    %mul3A_15 = arith.muli %arg1, %mul3A_14 : i32
    "tpu.region"() ({
      %run_scoped3A = tpu.sem_alloc : memref<!tpu.dma_semaphore, #tpu.memory_space<semaphore_mem>>
      %dma_start3A = arith.constant 0 : i32
      %dma_start3A_16 = tpu.memref_slice %arg6[%arg0, %mul3A_15, %dma_start3A] : memref<2x10016x32xf32, #tpu.memory_space<hbm>> -> memref<1x626x32xf32, #tpu.memory_space<hbm>>
      %dma_start3A_17 = tpu.memref_squeeze %dma_start3A_16 : memref<1x626x32xf32, #tpu.memory_space<hbm>> -> memref<626x32xf32, #tpu.memory_space<hbm>>
      %dma_start3A_18 = arith.constant 0 : i32
      %dma_start3A_19 = tpu.memref_slice %arg6[%arg0, %mul3A_15, %dma_start3A_18] : memref<2x10016x32xf32, #tpu.memory_space<hbm>> -> memref<1x626x32xf32, #tpu.memory_space<hbm>>
      %dma_start3A_20 = tpu.memref_squeeze %dma_start3A_19 : memref<1x626x32xf32, #tpu.memory_space<hbm>> -> memref<626x32xf32, #tpu.memory_space<hbm>>
      tpu.enqueue_dma source(%arg13 : memref<626x32xf32, #tpu.memory_space<vmem>>) target(%dma_start3A_20 : memref<626x32xf32, #tpu.memory_space<hbm>>) target_semaphore(%run_scoped3A : memref<!tpu.dma_semaphore, #tpu.memory_space<semaphore_mem>>)
      %dma_wait3A = arith.constant 0 : i32
      %dma_wait3A_21 = tpu.memref_slice %arg6[%arg0, %mul3A_15, %dma_wait3A] : memref<2x10016x32xf32, #tpu.memory_space<hbm>> -> memref<1x626x32xf32, #tpu.memory_space<hbm>>
      %dma_wait3A_22 = tpu.memref_squeeze %dma_wait3A_21 : memref<1x626x32xf32, #tpu.memory_space<hbm>> -> memref<626x32xf32, #tpu.memory_space<hbm>>
      %dma_wait3A_23 = arith.constant 0 : i32
      %dma_wait3A_24 = tpu.memref_slice %arg6[%arg0, %mul3A_15, %dma_wait3A_23] : memref<2x10016x32xf32, #tpu.memory_space<hbm>> -> memref<1x626x32xf32, #tpu.memory_space<hbm>>
      %dma_wait3A_25 = tpu.memref_squeeze %dma_wait3A_24 : memref<1x626x32xf32, #tpu.memory_space<hbm>> -> memref<626x32xf32, #tpu.memory_space<hbm>>
      tpu.wait_dma2 semaphore(%run_scoped3A : memref<!tpu.dma_semaphore, #tpu.memory_space<semaphore_mem>>) src(%arg13 : memref<626x32xf32, #tpu.memory_space<vmem>>) dst(%dma_wait3A_25 : memref<626x32xf32, #tpu.memory_space<hbm>>)
      tpu.yield
    }) : () -> ()
    return
  }
}

#map = affine_map<(d0, d1) -> (0, 0)>
#map1 = affine_map<(d0, d1) -> (0, 0, 0)>
module attributes {stable_mosaic.version = 14 : i64} {
  func.func @k(%arg0: i32, %arg1: i32, %arg2: memref<10000x32xf32, #tpu.memory_space<hbm>>, %arg3: memref<2560x128xi32, #tpu.memory_space<hbm>>, %arg4: memref<2560x128xi32, #tpu.memory_space<hbm>>, %arg5: memref<626x32xf32, #tpu.memory_space<hbm>>, %arg6: memref<2x10016x32xf32, #tpu.memory_space<hbm>>, %arg7: memref<80x128xi32, #tpu.memory_space<vmem>>, %arg8: memref<80x128xi32, #tpu.memory_space<vmem>>, %arg9: memref<128x32xf32, #tpu.memory_space<vmem>>, %arg10: memref<128x32xf32, #tpu.memory_space<vmem>>, %arg11: memref<128x32xf32, #tpu.memory_space<vmem>>, %arg12: memref<128x32xf32, #tpu.memory_space<vmem>>, %arg13: memref<626x32xf32, #tpu.memory_space<vmem>>, %arg14: memref<10016x32xf32, #tpu.memory_space<vmem_shared>>, %arg15: memref<!tpu.dma_semaphore, #tpu.memory_space<semaphore_mem>>, %arg16: memref<!tpu.dma_semaphore, #tpu.memory_space<semaphore_mem>>, %arg17: memref<!tpu.dma_semaphore, #tpu.memory_space<semaphore_mem>>, %arg18: memref<!tpu.dma_semaphore, #tpu.memory_space<semaphore_mem>>, %arg19: memref<!tpu.dma_semaphore, #tpu.memory_space<semaphore_mem>>, %arg20: memref<!tpu.dma_semaphore, #tpu.memory_space<semaphore_mem>>, %arg21: memref<!tpu.dma_semaphore, #tpu.memory_space<semaphore_mem>>, %arg22: memref<!tpu.dma_semaphore, #tpu.memory_space<semaphore_mem>>) attributes {dimension_semantics = [#tpu.dimension_semantics<core_parallel>, #tpu.dimension_semantics<subcore_parallel>], iteration_bounds = array<i64: 2, 16>, scalar_prefetch = 0 : i64, scratch_operands = 16 : i64, tpu.core_type = #tpu.core_type<sc_vector_subcore>, window_params = [{transform_indices = #map}, {transform_indices = #map}, {transform_indices = #map}, {transform_indices = #map}, {transform_indices = #map1}]} {
    %mul3A = arith.constant 16 : i32
    %mul3A_0 = arith.muli %arg0, %mul3A : i32
    %add3A = arith.addi %mul3A_0, %arg1 : i32
    %mul3A_1 = arith.constant 80 : i32
    %mul3A_2 = arith.muli %add3A, %mul3A_1 : i32
    "tpu.region"() ({
      %run_scoped3A = tpu.sem_alloc : memref<!tpu.dma_semaphore, #tpu.memory_space<semaphore_mem>>
      %dma_start3A = arith.constant 0 : i32
      %dma_start3A_16 = tpu.memref_slice %arg3[%mul3A_2, %dma_start3A] : memref<2560x128xi32, #tpu.memory_space<hbm>> -> memref<80x128xi32, #tpu.memory_space<hbm>>
      %dma_start3A_17 = arith.constant 0 : i32
      %dma_start3A_18 = tpu.memref_slice %arg3[%mul3A_2, %dma_start3A_17] : memref<2560x128xi32, #tpu.memory_space<hbm>> -> memref<80x128xi32, #tpu.memory_space<hbm>>
      tpu.enqueue_dma source(%dma_start3A_18 : memref<80x128xi32, #tpu.memory_space<hbm>>) target(%arg7 : memref<80x128xi32, #tpu.memory_space<vmem>>) target_semaphore(%run_scoped3A : memref<!tpu.dma_semaphore, #tpu.memory_space<semaphore_mem>>)
      %dma_wait3A = arith.constant 0 : i32
      %dma_wait3A_19 = tpu.memref_slice %arg3[%mul3A_2, %dma_wait3A] : memref<2560x128xi32, #tpu.memory_space<hbm>> -> memref<80x128xi32, #tpu.memory_space<hbm>>
      %dma_wait3A_20 = arith.constant 0 : i32
      %dma_wait3A_21 = tpu.memref_slice %arg3[%mul3A_2, %dma_wait3A_20] : memref<2560x128xi32, #tpu.memory_space<hbm>> -> memref<80x128xi32, #tpu.memory_space<hbm>>
      tpu.wait_dma2 semaphore(%run_scoped3A : memref<!tpu.dma_semaphore, #tpu.memory_space<semaphore_mem>>) src(%dma_wait3A_21 : memref<80x128xi32, #tpu.memory_space<hbm>>) dst(%arg7 : memref<80x128xi32, #tpu.memory_space<vmem>>)
      tpu.yield
    }) : () -> ()
    %mul3A_3 = arith.constant 80 : i32
    %mul3A_4 = arith.muli %add3A, %mul3A_3 : i32
    "tpu.region"() ({
      %run_scoped3A = tpu.sem_alloc : memref<!tpu.dma_semaphore, #tpu.memory_space<semaphore_mem>>
      %dma_start3A = arith.constant 0 : i32
      %dma_start3A_16 = tpu.memref_slice %arg4[%mul3A_4, %dma_start3A] : memref<2560x128xi32, #tpu.memory_space<hbm>> -> memref<80x128xi32, #tpu.memory_space<hbm>>
      %dma_start3A_17 = arith.constant 0 : i32
      %dma_start3A_18 = tpu.memref_slice %arg4[%mul3A_4, %dma_start3A_17] : memref<2560x128xi32, #tpu.memory_space<hbm>> -> memref<80x128xi32, #tpu.memory_space<hbm>>
      tpu.enqueue_dma source(%dma_start3A_18 : memref<80x128xi32, #tpu.memory_space<hbm>>) target(%arg8 : memref<80x128xi32, #tpu.memory_space<vmem>>) target_semaphore(%run_scoped3A : memref<!tpu.dma_semaphore, #tpu.memory_space<semaphore_mem>>)
      %dma_wait3A = arith.constant 0 : i32
      %dma_wait3A_19 = tpu.memref_slice %arg4[%mul3A_4, %dma_wait3A] : memref<2560x128xi32, #tpu.memory_space<hbm>> -> memref<80x128xi32, #tpu.memory_space<hbm>>
      %dma_wait3A_20 = arith.constant 0 : i32
      %dma_wait3A_21 = tpu.memref_slice %arg4[%mul3A_4, %dma_wait3A_20] : memref<2560x128xi32, #tpu.memory_space<hbm>> -> memref<80x128xi32, #tpu.memory_space<hbm>>
      tpu.wait_dma2 semaphore(%run_scoped3A : memref<!tpu.dma_semaphore, #tpu.memory_space<semaphore_mem>>) src(%dma_wait3A_21 : memref<80x128xi32, #tpu.memory_space<hbm>>) dst(%arg8 : memref<80x128xi32, #tpu.memory_space<vmem>>)
      tpu.yield
    }) : () -> ()
    "tpu.region"() ({
      %run_scoped3A = tpu.sem_alloc : memref<!tpu.dma_semaphore, #tpu.memory_space<semaphore_mem>>
      tpu.enqueue_dma source(%arg5 : memref<626x32xf32, #tpu.memory_space<hbm>>) target(%arg13 : memref<626x32xf32, #tpu.memory_space<vmem>>) target_semaphore(%run_scoped3A : memref<!tpu.dma_semaphore, #tpu.memory_space<semaphore_mem>>)
      tpu.wait_dma2 semaphore(%run_scoped3A : memref<!tpu.dma_semaphore, #tpu.memory_space<semaphore_mem>>) src(%arg5 : memref<626x32xf32, #tpu.memory_space<hbm>>) dst(%arg13 : memref<626x32xf32, #tpu.memory_space<vmem>>)
      tpu.yield
    }) : () -> ()
    %mul3A_5 = arith.constant 626 : i32
    %mul3A_6 = arith.muli %arg1, %mul3A_5 : i32
    "tpu.region"() ({
      %run_scoped3A = tpu.sem_alloc : memref<!tpu.dma_semaphore, #tpu.memory_space<semaphore_mem>>
      %dma_start3A = arith.constant 0 : i32
      %dma_start3A_16 = tpu.memref_slice %arg14[%mul3A_6, %dma_start3A] : memref<10016x32xf32, #tpu.memory_space<vmem_shared>> -> memref<626x32xf32, #tpu.memory_space<vmem_shared>>
      %dma_start3A_17 = arith.constant 0 : i32
      %dma_start3A_18 = tpu.memref_slice %arg14[%mul3A_6, %dma_start3A_17] : memref<10016x32xf32, #tpu.memory_space<vmem_shared>> -> memref<626x32xf32, #tpu.memory_space<vmem_shared>>
      tpu.enqueue_dma source(%arg13 : memref<626x32xf32, #tpu.memory_space<vmem>>) target(%dma_start3A_18 : memref<626x32xf32, #tpu.memory_space<vmem_shared>>) target_semaphore(%run_scoped3A : memref<!tpu.dma_semaphore, #tpu.memory_space<semaphore_mem>>)
      %dma_wait3A = arith.constant 0 : i32
      %dma_wait3A_19 = tpu.memref_slice %arg14[%mul3A_6, %dma_wait3A] : memref<10016x32xf32, #tpu.memory_space<vmem_shared>> -> memref<626x32xf32, #tpu.memory_space<vmem_shared>>
      %dma_wait3A_20 = arith.constant 0 : i32
      %dma_wait3A_21 = tpu.memref_slice %arg14[%mul3A_6, %dma_wait3A_20] : memref<10016x32xf32, #tpu.memory_space<vmem_shared>> -> memref<626x32xf32, #tpu.memory_space<vmem_shared>>
      tpu.wait_dma2 semaphore(%run_scoped3A : memref<!tpu.dma_semaphore, #tpu.memory_space<semaphore_mem>>) src(%arg13 : memref<626x32xf32, #tpu.memory_space<vmem>>) dst(%dma_wait3A_21 : memref<626x32xf32, #tpu.memory_space<vmem_shared>>)
      tpu.yield
    }) : () -> ()
    %barrier3A = arith.constant 0 : index
    tpu.barrier barrier_id(%barrier3A)
    %scan3A = arith.constant 0 : i32
    %scan3A_7 = arith.constant 20 : i32
    %scan3A_8 = arith.addi %scan3A, %scan3A_7 : i32
    %scan3A_9 = arith.constant 1 : i32
    scf.for %scan3A_16 = %scan3A to %scan3A_8 step %scan3A_9  : i32 {
      %mul3A_17 = arith.constant 4 : i32
      %mul3A_18 = arith.muli %scan3A_16, %mul3A_17 : i32
      %add3A_19 = arith.constant 0 : i32
      %add3A_20 = arith.addi %add3A_19, %mul3A_18 : i32
      %add3A_21 = arith.constant 0 : i32
      %add3A_22 = arith.addi %add3A_20, %add3A_21 : i32
      %dma_start3A = arith.constant 0 : i32
      %dma_start3A_23 = tpu.memref_slice %arg7[%add3A_22, %dma_start3A] : memref<80x128xi32, #tpu.memory_space<vmem>> -> memref<1x128xi32, #tpu.memory_space<vmem>>
      %dma_start3A_24 = tpu.memref_squeeze %dma_start3A_23 : memref<1x128xi32, #tpu.memory_space<vmem>> -> memref<128xi32, #tpu.memory_space<vmem>>
      %dma_start3A_25 = arith.constant 0 : i32
      %dma_start3A_26 = arith.constant 0 : i32
      %dma_start3A_27 = tpu.memref_slice %arg2[%dma_start3A_25, %dma_start3A_26] : memref<10000x32xf32, #tpu.memory_space<hbm>> -> memref<10000x32xf32, #tpu.memory_space<hbm>>
      tpu.enqueue_indirect_dma source(%dma_start3A_27 : memref<10000x32xf32, #tpu.memory_space<hbm>>) target(%arg9 : memref<128x32xf32, #tpu.memory_space<vmem>>) offsets(%dma_start3A_24 : memref<128xi32, #tpu.memory_space<vmem>>) semaphore(%arg15 : memref<!tpu.dma_semaphore, #tpu.memory_space<semaphore_mem>>)
      %add3A_28 = arith.constant 1 : i32
      %add3A_29 = arith.addi %add3A_20, %add3A_28 : i32
      %dma_start3A_30 = arith.constant 0 : i32
      %dma_start3A_31 = tpu.memref_slice %arg7[%add3A_29, %dma_start3A_30] : memref<80x128xi32, #tpu.memory_space<vmem>> -> memref<1x128xi32, #tpu.memory_space<vmem>>
      %dma_start3A_32 = tpu.memref_squeeze %dma_start3A_31 : memref<1x128xi32, #tpu.memory_space<vmem>> -> memref<128xi32, #tpu.memory_space<vmem>>
      %dma_start3A_33 = arith.constant 0 : i32
      %dma_start3A_34 = arith.constant 0 : i32
      %dma_start3A_35 = tpu.memref_slice %arg2[%dma_start3A_33, %dma_start3A_34] : memref<10000x32xf32, #tpu.memory_space<hbm>> -> memref<10000x32xf32, #tpu.memory_space<hbm>>
      tpu.enqueue_indirect_dma source(%dma_start3A_35 : memref<10000x32xf32, #tpu.memory_space<hbm>>) target(%arg10 : memref<128x32xf32, #tpu.memory_space<vmem>>) offsets(%dma_start3A_32 : memref<128xi32, #tpu.memory_space<vmem>>) semaphore(%arg16 : memref<!tpu.dma_semaphore, #tpu.memory_space<semaphore_mem>>)
      %add3A_36 = arith.constant 2 : i32
      %add3A_37 = arith.addi %add3A_20, %add3A_36 : i32
      %dma_start3A_38 = arith.constant 0 : i32
      %dma_start3A_39 = tpu.memref_slice %arg7[%add3A_37, %dma_start3A_38] : memref<80x128xi32, #tpu.memory_space<vmem>> -> memref<1x128xi32, #tpu.memory_space<vmem>>
      %dma_start3A_40 = tpu.memref_squeeze %dma_start3A_39 : memref<1x128xi32, #tpu.memory_space<vmem>> -> memref<128xi32, #tpu.memory_space<vmem>>
      %dma_start3A_41 = arith.constant 0 : i32
      %dma_start3A_42 = arith.constant 0 : i32
      %dma_start3A_43 = tpu.memref_slice %arg2[%dma_start3A_41, %dma_start3A_42] : memref<10000x32xf32, #tpu.memory_space<hbm>> -> memref<10000x32xf32, #tpu.memory_space<hbm>>
      tpu.enqueue_indirect_dma source(%dma_start3A_43 : memref<10000x32xf32, #tpu.memory_space<hbm>>) target(%arg11 : memref<128x32xf32, #tpu.memory_space<vmem>>) offsets(%dma_start3A_40 : memref<128xi32, #tpu.memory_space<vmem>>) semaphore(%arg17 : memref<!tpu.dma_semaphore, #tpu.memory_space<semaphore_mem>>)
      %add3A_44 = arith.constant 3 : i32
      %add3A_45 = arith.addi %add3A_20, %add3A_44 : i32
      %dma_start3A_46 = arith.constant 0 : i32
      %dma_start3A_47 = tpu.memref_slice %arg7[%add3A_45, %dma_start3A_46] : memref<80x128xi32, #tpu.memory_space<vmem>> -> memref<1x128xi32, #tpu.memory_space<vmem>>
      %dma_start3A_48 = tpu.memref_squeeze %dma_start3A_47 : memref<1x128xi32, #tpu.memory_space<vmem>> -> memref<128xi32, #tpu.memory_space<vmem>>
      %dma_start3A_49 = arith.constant 0 : i32
      %dma_start3A_50 = arith.constant 0 : i32
      %dma_start3A_51 = tpu.memref_slice %arg2[%dma_start3A_49, %dma_start3A_50] : memref<10000x32xf32, #tpu.memory_space<hbm>> -> memref<10000x32xf32, #tpu.memory_space<hbm>>
      tpu.enqueue_indirect_dma source(%dma_start3A_51 : memref<10000x32xf32, #tpu.memory_space<hbm>>) target(%arg12 : memref<128x32xf32, #tpu.memory_space<vmem>>) offsets(%dma_start3A_48 : memref<128xi32, #tpu.memory_space<vmem>>) semaphore(%arg18 : memref<!tpu.dma_semaphore, #tpu.memory_space<semaphore_mem>>)
      %dma_wait3A = arith.constant 0 : i32
      %dma_wait3A_52 = tpu.memref_slice %arg7[%add3A_22, %dma_wait3A] : memref<80x128xi32, #tpu.memory_space<vmem>> -> memref<1x128xi32, #tpu.memory_space<vmem>>
      %dma_wait3A_53 = tpu.memref_squeeze %dma_wait3A_52 : memref<1x128xi32, #tpu.memory_space<vmem>> -> memref<128xi32, #tpu.memory_space<vmem>>
      %dma_wait3A_54 = arith.constant 0 : i32
      %dma_wait3A_55 = arith.constant 0 : i32
      %dma_wait3A_56 = tpu.memref_slice %arg2[%dma_wait3A_54, %dma_wait3A_55] : memref<10000x32xf32, #tpu.memory_space<hbm>> -> memref<10000x32xf32, #tpu.memory_space<hbm>>
      tpu.wait_indirect_dma semaphore(%arg15 : memref<!tpu.dma_semaphore, #tpu.memory_space<semaphore_mem>>) src(%dma_wait3A_56 : memref<10000x32xf32, #tpu.memory_space<hbm>>) dst(%arg9 : memref<128x32xf32, #tpu.memory_space<vmem>>)
      %add3A_57 = arith.constant 0 : i32
      %add3A_58 = arith.addi %add3A_20, %add3A_57 : i32
      %dma_start3A_59 = arith.constant 0 : i32
      %dma_start3A_60 = tpu.memref_slice %arg8[%add3A_58, %dma_start3A_59] : memref<80x128xi32, #tpu.memory_space<vmem>> -> memref<1x128xi32, #tpu.memory_space<vmem>>
      %dma_start3A_61 = tpu.memref_squeeze %dma_start3A_60 : memref<1x128xi32, #tpu.memory_space<vmem>> -> memref<128xi32, #tpu.memory_space<vmem>>
      %dma_start3A_62 = arith.constant 0 : i32
      %dma_start3A_63 = arith.constant 0 : i32
      %dma_start3A_64 = tpu.memref_slice %arg14[%dma_start3A_62, %dma_start3A_63] : memref<10016x32xf32, #tpu.memory_space<vmem_shared>> -> memref<10016x32xf32, #tpu.memory_space<vmem_shared>>
      tpu.enqueue_indirect_dma source(%arg9 : memref<128x32xf32, #tpu.memory_space<vmem>>) target(%dma_start3A_64 : memref<10016x32xf32, #tpu.memory_space<vmem_shared>>) offsets(%dma_start3A_61 : memref<128xi32, #tpu.memory_space<vmem>>) semaphore(%arg19 : memref<!tpu.dma_semaphore, #tpu.memory_space<semaphore_mem>>) {add = true}
      %dma_wait3A_65 = arith.constant 0 : i32
      %dma_wait3A_66 = tpu.memref_slice %arg7[%add3A_29, %dma_wait3A_65] : memref<80x128xi32, #tpu.memory_space<vmem>> -> memref<1x128xi32, #tpu.memory_space<vmem>>
      %dma_wait3A_67 = tpu.memref_squeeze %dma_wait3A_66 : memref<1x128xi32, #tpu.memory_space<vmem>> -> memref<128xi32, #tpu.memory_space<vmem>>
      %dma_wait3A_68 = arith.constant 0 : i32
      %dma_wait3A_69 = arith.constant 0 : i32
      %dma_wait3A_70 = tpu.memref_slice %arg2[%dma_wait3A_68, %dma_wait3A_69] : memref<10000x32xf32, #tpu.memory_space<hbm>> -> memref<10000x32xf32, #tpu.memory_space<hbm>>
      tpu.wait_indirect_dma semaphore(%arg16 : memref<!tpu.dma_semaphore, #tpu.memory_space<semaphore_mem>>) src(%dma_wait3A_70 : memref<10000x32xf32, #tpu.memory_space<hbm>>) dst(%arg10 : memref<128x32xf32, #tpu.memory_space<vmem>>)
      %add3A_71 = arith.constant 1 : i32
      %add3A_72 = arith.addi %add3A_20, %add3A_71 : i32
      %dma_start3A_73 = arith.constant 0 : i32
      %dma_start3A_74 = tpu.memref_slice %arg8[%add3A_72, %dma_start3A_73] : memref<80x128xi32, #tpu.memory_space<vmem>> -> memref<1x128xi32, #tpu.memory_space<vmem>>
      %dma_start3A_75 = tpu.memref_squeeze %dma_start3A_74 : memref<1x128xi32, #tpu.memory_space<vmem>> -> memref<128xi32, #tpu.memory_space<vmem>>
      %dma_start3A_76 = arith.constant 0 : i32
      %dma_start3A_77 = arith.constant 0 : i32
      %dma_start3A_78 = tpu.memref_slice %arg14[%dma_start3A_76, %dma_start3A_77] : memref<10016x32xf32, #tpu.memory_space<vmem_shared>> -> memref<10016x32xf32, #tpu.memory_space<vmem_shared>>
      tpu.enqueue_indirect_dma source(%arg10 : memref<128x32xf32, #tpu.memory_space<vmem>>) target(%dma_start3A_78 : memref<10016x32xf32, #tpu.memory_space<vmem_shared>>) offsets(%dma_start3A_75 : memref<128xi32, #tpu.memory_space<vmem>>) semaphore(%arg20 : memref<!tpu.dma_semaphore, #tpu.memory_space<semaphore_mem>>) {add = true}
      %dma_wait3A_79 = arith.constant 0 : i32
      %dma_wait3A_80 = tpu.memref_slice %arg7[%add3A_37, %dma_wait3A_79] : memref<80x128xi32, #tpu.memory_space<vmem>> -> memref<1x128xi32, #tpu.memory_space<vmem>>
      %dma_wait3A_81 = tpu.memref_squeeze %dma_wait3A_80 : memref<1x128xi32, #tpu.memory_space<vmem>> -> memref<128xi32, #tpu.memory_space<vmem>>
      %dma_wait3A_82 = arith.constant 0 : i32
      %dma_wait3A_83 = arith.constant 0 : i32
      %dma_wait3A_84 = tpu.memref_slice %arg2[%dma_wait3A_82, %dma_wait3A_83] : memref<10000x32xf32, #tpu.memory_space<hbm>> -> memref<10000x32xf32, #tpu.memory_space<hbm>>
      tpu.wait_indirect_dma semaphore(%arg17 : memref<!tpu.dma_semaphore, #tpu.memory_space<semaphore_mem>>) src(%dma_wait3A_84 : memref<10000x32xf32, #tpu.memory_space<hbm>>) dst(%arg11 : memref<128x32xf32, #tpu.memory_space<vmem>>)
      %add3A_85 = arith.constant 2 : i32
      %add3A_86 = arith.addi %add3A_20, %add3A_85 : i32
      %dma_start3A_87 = arith.constant 0 : i32
      %dma_start3A_88 = tpu.memref_slice %arg8[%add3A_86, %dma_start3A_87] : memref<80x128xi32, #tpu.memory_space<vmem>> -> memref<1x128xi32, #tpu.memory_space<vmem>>
      %dma_start3A_89 = tpu.memref_squeeze %dma_start3A_88 : memref<1x128xi32, #tpu.memory_space<vmem>> -> memref<128xi32, #tpu.memory_space<vmem>>
      %dma_start3A_90 = arith.constant 0 : i32
      %dma_start3A_91 = arith.constant 0 : i32
      %dma_start3A_92 = tpu.memref_slice %arg14[%dma_start3A_90, %dma_start3A_91] : memref<10016x32xf32, #tpu.memory_space<vmem_shared>> -> memref<10016x32xf32, #tpu.memory_space<vmem_shared>>
      tpu.enqueue_indirect_dma source(%arg11 : memref<128x32xf32, #tpu.memory_space<vmem>>) target(%dma_start3A_92 : memref<10016x32xf32, #tpu.memory_space<vmem_shared>>) offsets(%dma_start3A_89 : memref<128xi32, #tpu.memory_space<vmem>>) semaphore(%arg21 : memref<!tpu.dma_semaphore, #tpu.memory_space<semaphore_mem>>) {add = true}
      %dma_wait3A_93 = arith.constant 0 : i32
      %dma_wait3A_94 = tpu.memref_slice %arg7[%add3A_45, %dma_wait3A_93] : memref<80x128xi32, #tpu.memory_space<vmem>> -> memref<1x128xi32, #tpu.memory_space<vmem>>
      %dma_wait3A_95 = tpu.memref_squeeze %dma_wait3A_94 : memref<1x128xi32, #tpu.memory_space<vmem>> -> memref<128xi32, #tpu.memory_space<vmem>>
      %dma_wait3A_96 = arith.constant 0 : i32
      %dma_wait3A_97 = arith.constant 0 : i32
      %dma_wait3A_98 = tpu.memref_slice %arg2[%dma_wait3A_96, %dma_wait3A_97] : memref<10000x32xf32, #tpu.memory_space<hbm>> -> memref<10000x32xf32, #tpu.memory_space<hbm>>
      tpu.wait_indirect_dma semaphore(%arg18 : memref<!tpu.dma_semaphore, #tpu.memory_space<semaphore_mem>>) src(%dma_wait3A_98 : memref<10000x32xf32, #tpu.memory_space<hbm>>) dst(%arg12 : memref<128x32xf32, #tpu.memory_space<vmem>>)
      %add3A_99 = arith.constant 3 : i32
      %add3A_100 = arith.addi %add3A_20, %add3A_99 : i32
      %dma_start3A_101 = arith.constant 0 : i32
      %dma_start3A_102 = tpu.memref_slice %arg8[%add3A_100, %dma_start3A_101] : memref<80x128xi32, #tpu.memory_space<vmem>> -> memref<1x128xi32, #tpu.memory_space<vmem>>
      %dma_start3A_103 = tpu.memref_squeeze %dma_start3A_102 : memref<1x128xi32, #tpu.memory_space<vmem>> -> memref<128xi32, #tpu.memory_space<vmem>>
      %dma_start3A_104 = arith.constant 0 : i32
      %dma_start3A_105 = arith.constant 0 : i32
      %dma_start3A_106 = tpu.memref_slice %arg14[%dma_start3A_104, %dma_start3A_105] : memref<10016x32xf32, #tpu.memory_space<vmem_shared>> -> memref<10016x32xf32, #tpu.memory_space<vmem_shared>>
      tpu.enqueue_indirect_dma source(%arg12 : memref<128x32xf32, #tpu.memory_space<vmem>>) target(%dma_start3A_106 : memref<10016x32xf32, #tpu.memory_space<vmem_shared>>) offsets(%dma_start3A_103 : memref<128xi32, #tpu.memory_space<vmem>>) semaphore(%arg22 : memref<!tpu.dma_semaphore, #tpu.memory_space<semaphore_mem>>) {add = true}
      %dma_wait3A_107 = arith.constant 0 : i32
      %dma_wait3A_108 = tpu.memref_slice %arg8[%add3A_58, %dma_wait3A_107] : memref<80x128xi32, #tpu.memory_space<vmem>> -> memref<1x128xi32, #tpu.memory_space<vmem>>
      %dma_wait3A_109 = tpu.memref_squeeze %dma_wait3A_108 : memref<1x128xi32, #tpu.memory_space<vmem>> -> memref<128xi32, #tpu.memory_space<vmem>>
      %dma_wait3A_110 = arith.constant 0 : i32
      %dma_wait3A_111 = arith.constant 0 : i32
      %dma_wait3A_112 = tpu.memref_slice %arg14[%dma_wait3A_110, %dma_wait3A_111] : memref<10016x32xf32, #tpu.memory_space<vmem_shared>> -> memref<10016x32xf32, #tpu.memory_space<vmem_shared>>
      tpu.wait_indirect_dma semaphore(%arg19 : memref<!tpu.dma_semaphore, #tpu.memory_space<semaphore_mem>>) src(%arg9 : memref<128x32xf32, #tpu.memory_space<vmem>>) dst(%dma_wait3A_112 : memref<10016x32xf32, #tpu.memory_space<vmem_shared>>)
      %dma_wait3A_113 = arith.constant 0 : i32
      %dma_wait3A_114 = tpu.memref_slice %arg8[%add3A_72, %dma_wait3A_113] : memref<80x128xi32, #tpu.memory_space<vmem>> -> memref<1x128xi32, #tpu.memory_space<vmem>>
      %dma_wait3A_115 = tpu.memref_squeeze %dma_wait3A_114 : memref<1x128xi32, #tpu.memory_space<vmem>> -> memref<128xi32, #tpu.memory_space<vmem>>
      %dma_wait3A_116 = arith.constant 0 : i32
      %dma_wait3A_117 = arith.constant 0 : i32
      %dma_wait3A_118 = tpu.memref_slice %arg14[%dma_wait3A_116, %dma_wait3A_117] : memref<10016x32xf32, #tpu.memory_space<vmem_shared>> -> memref<10016x32xf32, #tpu.memory_space<vmem_shared>>
      tpu.wait_indirect_dma semaphore(%arg20 : memref<!tpu.dma_semaphore, #tpu.memory_space<semaphore_mem>>) src(%arg10 : memref<128x32xf32, #tpu.memory_space<vmem>>) dst(%dma_wait3A_118 : memref<10016x32xf32, #tpu.memory_space<vmem_shared>>)
      %dma_wait3A_119 = arith.constant 0 : i32
      %dma_wait3A_120 = tpu.memref_slice %arg8[%add3A_86, %dma_wait3A_119] : memref<80x128xi32, #tpu.memory_space<vmem>> -> memref<1x128xi32, #tpu.memory_space<vmem>>
      %dma_wait3A_121 = tpu.memref_squeeze %dma_wait3A_120 : memref<1x128xi32, #tpu.memory_space<vmem>> -> memref<128xi32, #tpu.memory_space<vmem>>
      %dma_wait3A_122 = arith.constant 0 : i32
      %dma_wait3A_123 = arith.constant 0 : i32
      %dma_wait3A_124 = tpu.memref_slice %arg14[%dma_wait3A_122, %dma_wait3A_123] : memref<10016x32xf32, #tpu.memory_space<vmem_shared>> -> memref<10016x32xf32, #tpu.memory_space<vmem_shared>>
      tpu.wait_indirect_dma semaphore(%arg21 : memref<!tpu.dma_semaphore, #tpu.memory_space<semaphore_mem>>) src(%arg11 : memref<128x32xf32, #tpu.memory_space<vmem>>) dst(%dma_wait3A_124 : memref<10016x32xf32, #tpu.memory_space<vmem_shared>>)
      %dma_wait3A_125 = arith.constant 0 : i32
      %dma_wait3A_126 = tpu.memref_slice %arg8[%add3A_100, %dma_wait3A_125] : memref<80x128xi32, #tpu.memory_space<vmem>> -> memref<1x128xi32, #tpu.memory_space<vmem>>
      %dma_wait3A_127 = tpu.memref_squeeze %dma_wait3A_126 : memref<1x128xi32, #tpu.memory_space<vmem>> -> memref<128xi32, #tpu.memory_space<vmem>>
      %dma_wait3A_128 = arith.constant 0 : i32
      %dma_wait3A_129 = arith.constant 0 : i32
      %dma_wait3A_130 = tpu.memref_slice %arg14[%dma_wait3A_128, %dma_wait3A_129] : memref<10016x32xf32, #tpu.memory_space<vmem_shared>> -> memref<10016x32xf32, #tpu.memory_space<vmem_shared>>
      tpu.wait_indirect_dma semaphore(%arg22 : memref<!tpu.dma_semaphore, #tpu.memory_space<semaphore_mem>>) src(%arg12 : memref<128x32xf32, #tpu.memory_space<vmem>>) dst(%dma_wait3A_130 : memref<10016x32xf32, #tpu.memory_space<vmem_shared>>)
    }
    %scan3A_10 = arith.constant 20 : i32
    %barrier3A_11 = arith.constant 0 : index
    tpu.barrier barrier_id(%barrier3A_11)
    %mul3A_12 = arith.constant 626 : i32
    %mul3A_13 = arith.muli %arg1, %mul3A_12 : i32
    "tpu.region"() ({
      %run_scoped3A = tpu.sem_alloc : memref<!tpu.dma_semaphore, #tpu.memory_space<semaphore_mem>>
      %dma_start3A = arith.constant 0 : i32
      %dma_start3A_16 = tpu.memref_slice %arg14[%mul3A_13, %dma_start3A] : memref<10016x32xf32, #tpu.memory_space<vmem_shared>> -> memref<626x32xf32, #tpu.memory_space<vmem_shared>>
      %dma_start3A_17 = arith.constant 0 : i32
      %dma_start3A_18 = tpu.memref_slice %arg14[%mul3A_13, %dma_start3A_17] : memref<10016x32xf32, #tpu.memory_space<vmem_shared>> -> memref<626x32xf32, #tpu.memory_space<vmem_shared>>
      tpu.enqueue_dma source(%dma_start3A_18 : memref<626x32xf32, #tpu.memory_space<vmem_shared>>) target(%arg13 : memref<626x32xf32, #tpu.memory_space<vmem>>) target_semaphore(%run_scoped3A : memref<!tpu.dma_semaphore, #tpu.memory_space<semaphore_mem>>)
      %dma_wait3A = arith.constant 0 : i32
      %dma_wait3A_19 = tpu.memref_slice %arg14[%mul3A_13, %dma_wait3A] : memref<10016x32xf32, #tpu.memory_space<vmem_shared>> -> memref<626x32xf32, #tpu.memory_space<vmem_shared>>
      %dma_wait3A_20 = arith.constant 0 : i32
      %dma_wait3A_21 = tpu.memref_slice %arg14[%mul3A_13, %dma_wait3A_20] : memref<10016x32xf32, #tpu.memory_space<vmem_shared>> -> memref<626x32xf32, #tpu.memory_space<vmem_shared>>
      tpu.wait_dma2 semaphore(%run_scoped3A : memref<!tpu.dma_semaphore, #tpu.memory_space<semaphore_mem>>) src(%dma_wait3A_21 : memref<626x32xf32, #tpu.memory_space<vmem_shared>>) dst(%arg13 : memref<626x32xf32, #tpu.memory_space<vmem>>)
      tpu.yield
    }) : () -> ()
    %mul3A_14 = arith.constant 626 : i32
    %mul3A_15 = arith.muli %arg1, %mul3A_14 : i32
    "tpu.region"() ({
      %run_scoped3A = tpu.sem_alloc : memref<!tpu.dma_semaphore, #tpu.memory_space<semaphore_mem>>
      %dma_start3A = arith.constant 0 : i32
      %dma_start3A_16 = tpu.memref_slice %arg6[%arg0, %mul3A_15, %dma_start3A] : memref<2x10016x32xf32, #tpu.memory_space<hbm>> -> memref<1x626x32xf32, #tpu.memory_space<hbm>>
      %dma_start3A_17 = tpu.memref_squeeze %dma_start3A_16 : memref<1x626x32xf32, #tpu.memory_space<hbm>> -> memref<626x32xf32, #tpu.memory_space<hbm>>
      %dma_start3A_18 = arith.constant 0 : i32
      %dma_start3A_19 = tpu.memref_slice %arg6[%arg0, %mul3A_15, %dma_start3A_18] : memref<2x10016x32xf32, #tpu.memory_space<hbm>> -> memref<1x626x32xf32, #tpu.memory_space<hbm>>
      %dma_start3A_20 = tpu.memref_squeeze %dma_start3A_19 : memref<1x626x32xf32, #tpu.memory_space<hbm>> -> memref<626x32xf32, #tpu.memory_space<hbm>>
      tpu.enqueue_dma source(%arg13 : memref<626x32xf32, #tpu.memory_space<vmem>>) target(%dma_start3A_20 : memref<626x32xf32, #tpu.memory_space<hbm>>) target_semaphore(%run_scoped3A : memref<!tpu.dma_semaphore, #tpu.memory_space<semaphore_mem>>)
      %dma_wait3A = arith.constant 0 : i32
      %dma_wait3A_21 = tpu.memref_slice %arg6[%arg0, %mul3A_15, %dma_wait3A] : memref<2x10016x32xf32, #tpu.memory_space<hbm>> -> memref<1x626x32xf32, #tpu.memory_space<hbm>>
      %dma_wait3A_22 = tpu.memref_squeeze %dma_wait3A_21 : memref<1x626x32xf32, #tpu.memory_space<hbm>> -> memref<626x32xf32, #tpu.memory_space<hbm>>
      %dma_wait3A_23 = arith.constant 0 : i32
      %dma_wait3A_24 = tpu.memref_slice %arg6[%arg0, %mul3A_15, %dma_wait3A_23] : memref<2x10016x32xf32, #tpu.memory_space<hbm>> -> memref<1x626x32xf32, #tpu.memory_space<hbm>>
      %dma_wait3A_25 = tpu.memref_squeeze %dma_wait3A_24 : memref<1x626x32xf32, #tpu.memory_space<hbm>> -> memref<626x32xf32, #tpu.memory_space<hbm>>
      tpu.wait_dma2 semaphore(%run_scoped3A : memref<!tpu.dma_semaphore, #tpu.memory_space<semaphore_mem>>) src(%arg13 : memref<626x32xf32, #tpu.memory_space<vmem>>) dst(%dma_wait3A_25 : memref<626x32xf32, #tpu.memory_space<hbm>>)
      tpu.yield
    }) : () -> ()
    return
  }
}

#map = affine_map<(d0, d1) -> (0, 0, 0)>
#map1 = affine_map<(d0, d1) -> (0, 0)>
module attributes {stable_mosaic.version = 14 : i64} {
  func.func @k(%arg0: i32, %arg1: i32, %arg2: memref<2x10000x32xf32, #tpu.memory_space<hbm>>, %arg3: memref<2560x128xi32, #tpu.memory_space<hbm>>, %arg4: memref<2560x128xi32, #tpu.memory_space<hbm>>, %arg5: memref<626x32xf32, #tpu.memory_space<hbm>>, %arg6: memref<2x10016x32xf32, #tpu.memory_space<hbm>>, %arg7: memref<160x128xi32, #tpu.memory_space<vmem>>, %arg8: memref<160x128xi32, #tpu.memory_space<vmem>>, %arg9: memref<128x32xf32, #tpu.memory_space<vmem>>, %arg10: memref<128x32xf32, #tpu.memory_space<vmem>>, %arg11: memref<128x32xf32, #tpu.memory_space<vmem>>, %arg12: memref<128x32xf32, #tpu.memory_space<vmem>>, %arg13: memref<626x32xf32, #tpu.memory_space<vmem>>, %arg14: memref<10016x32xf32, #tpu.memory_space<vmem_shared>>, %arg15: memref<!tpu.dma_semaphore, #tpu.memory_space<semaphore_mem>>, %arg16: memref<!tpu.dma_semaphore, #tpu.memory_space<semaphore_mem>>, %arg17: memref<!tpu.dma_semaphore, #tpu.memory_space<semaphore_mem>>, %arg18: memref<!tpu.dma_semaphore, #tpu.memory_space<semaphore_mem>>, %arg19: memref<!tpu.dma_semaphore, #tpu.memory_space<semaphore_mem>>, %arg20: memref<!tpu.dma_semaphore, #tpu.memory_space<semaphore_mem>>, %arg21: memref<!tpu.dma_semaphore, #tpu.memory_space<semaphore_mem>>, %arg22: memref<!tpu.dma_semaphore, #tpu.memory_space<semaphore_mem>>) attributes {dimension_semantics = [#tpu.dimension_semantics<core_parallel>, #tpu.dimension_semantics<subcore_parallel>], iteration_bounds = array<i64: 2, 16>, scalar_prefetch = 0 : i64, scratch_operands = 16 : i64, tpu.core_type = #tpu.core_type<sc_vector_subcore>, window_params = [{transform_indices = #map}, {transform_indices = #map1}, {transform_indices = #map1}, {transform_indices = #map1}, {transform_indices = #map}]} {
    %mul3A = arith.constant 160 : i32
    %mul3A_0 = arith.muli %arg1, %mul3A : i32
    "tpu.region"() ({
      %run_scoped3A = tpu.sem_alloc : memref<!tpu.dma_semaphore, #tpu.memory_space<semaphore_mem>>
      %dma_start3A = arith.constant 0 : i32
      %dma_start3A_14 = tpu.memref_slice %arg3[%mul3A_0, %dma_start3A] : memref<2560x128xi32, #tpu.memory_space<hbm>> -> memref<160x128xi32, #tpu.memory_space<hbm>>
      %dma_start3A_15 = arith.constant 0 : i32
      %dma_start3A_16 = tpu.memref_slice %arg3[%mul3A_0, %dma_start3A_15] : memref<2560x128xi32, #tpu.memory_space<hbm>> -> memref<160x128xi32, #tpu.memory_space<hbm>>
      tpu.enqueue_dma source(%dma_start3A_16 : memref<160x128xi32, #tpu.memory_space<hbm>>) target(%arg7 : memref<160x128xi32, #tpu.memory_space<vmem>>) target_semaphore(%run_scoped3A : memref<!tpu.dma_semaphore, #tpu.memory_space<semaphore_mem>>)
      %dma_wait3A = arith.constant 0 : i32
      %dma_wait3A_17 = tpu.memref_slice %arg3[%mul3A_0, %dma_wait3A] : memref<2560x128xi32, #tpu.memory_space<hbm>> -> memref<160x128xi32, #tpu.memory_space<hbm>>
      %dma_wait3A_18 = arith.constant 0 : i32
      %dma_wait3A_19 = tpu.memref_slice %arg3[%mul3A_0, %dma_wait3A_18] : memref<2560x128xi32, #tpu.memory_space<hbm>> -> memref<160x128xi32, #tpu.memory_space<hbm>>
      tpu.wait_dma2 semaphore(%run_scoped3A : memref<!tpu.dma_semaphore, #tpu.memory_space<semaphore_mem>>) src(%dma_wait3A_19 : memref<160x128xi32, #tpu.memory_space<hbm>>) dst(%arg7 : memref<160x128xi32, #tpu.memory_space<vmem>>)
      tpu.yield
    }) : () -> ()
    %mul3A_1 = arith.constant 160 : i32
    %mul3A_2 = arith.muli %arg1, %mul3A_1 : i32
    "tpu.region"() ({
      %run_scoped3A = tpu.sem_alloc : memref<!tpu.dma_semaphore, #tpu.memory_space<semaphore_mem>>
      %dma_start3A = arith.constant 0 : i32
      %dma_start3A_14 = tpu.memref_slice %arg4[%mul3A_2, %dma_start3A] : memref<2560x128xi32, #tpu.memory_space<hbm>> -> memref<160x128xi32, #tpu.memory_space<hbm>>
      %dma_start3A_15 = arith.constant 0 : i32
      %dma_start3A_16 = tpu.memref_slice %arg4[%mul3A_2, %dma_start3A_15] : memref<2560x128xi32, #tpu.memory_space<hbm>> -> memref<160x128xi32, #tpu.memory_space<hbm>>
      tpu.enqueue_dma source(%dma_start3A_16 : memref<160x128xi32, #tpu.memory_space<hbm>>) target(%arg8 : memref<160x128xi32, #tpu.memory_space<vmem>>) target_semaphore(%run_scoped3A : memref<!tpu.dma_semaphore, #tpu.memory_space<semaphore_mem>>)
      %dma_wait3A = arith.constant 0 : i32
      %dma_wait3A_17 = tpu.memref_slice %arg4[%mul3A_2, %dma_wait3A] : memref<2560x128xi32, #tpu.memory_space<hbm>> -> memref<160x128xi32, #tpu.memory_space<hbm>>
      %dma_wait3A_18 = arith.constant 0 : i32
      %dma_wait3A_19 = tpu.memref_slice %arg4[%mul3A_2, %dma_wait3A_18] : memref<2560x128xi32, #tpu.memory_space<hbm>> -> memref<160x128xi32, #tpu.memory_space<hbm>>
      tpu.wait_dma2 semaphore(%run_scoped3A : memref<!tpu.dma_semaphore, #tpu.memory_space<semaphore_mem>>) src(%dma_wait3A_19 : memref<160x128xi32, #tpu.memory_space<hbm>>) dst(%arg8 : memref<160x128xi32, #tpu.memory_space<vmem>>)
      tpu.yield
    }) : () -> ()
    "tpu.region"() ({
      %run_scoped3A = tpu.sem_alloc : memref<!tpu.dma_semaphore, #tpu.memory_space<semaphore_mem>>
      tpu.enqueue_dma source(%arg5 : memref<626x32xf32, #tpu.memory_space<hbm>>) target(%arg13 : memref<626x32xf32, #tpu.memory_space<vmem>>) target_semaphore(%run_scoped3A : memref<!tpu.dma_semaphore, #tpu.memory_space<semaphore_mem>>)
      tpu.wait_dma2 semaphore(%run_scoped3A : memref<!tpu.dma_semaphore, #tpu.memory_space<semaphore_mem>>) src(%arg5 : memref<626x32xf32, #tpu.memory_space<hbm>>) dst(%arg13 : memref<626x32xf32, #tpu.memory_space<vmem>>)
      tpu.yield
    }) : () -> ()
    %mul3A_3 = arith.constant 626 : i32
    %mul3A_4 = arith.muli %arg1, %mul3A_3 : i32
    "tpu.region"() ({
      %run_scoped3A = tpu.sem_alloc : memref<!tpu.dma_semaphore, #tpu.memory_space<semaphore_mem>>
      %dma_start3A = arith.constant 0 : i32
      %dma_start3A_14 = tpu.memref_slice %arg14[%mul3A_4, %dma_start3A] : memref<10016x32xf32, #tpu.memory_space<vmem_shared>> -> memref<626x32xf32, #tpu.memory_space<vmem_shared>>
      %dma_start3A_15 = arith.constant 0 : i32
      %dma_start3A_16 = tpu.memref_slice %arg14[%mul3A_4, %dma_start3A_15] : memref<10016x32xf32, #tpu.memory_space<vmem_shared>> -> memref<626x32xf32, #tpu.memory_space<vmem_shared>>
      tpu.enqueue_dma source(%arg13 : memref<626x32xf32, #tpu.memory_space<vmem>>) target(%dma_start3A_16 : memref<626x32xf32, #tpu.memory_space<vmem_shared>>) target_semaphore(%run_scoped3A : memref<!tpu.dma_semaphore, #tpu.memory_space<semaphore_mem>>)
      %dma_wait3A = arith.constant 0 : i32
      %dma_wait3A_17 = tpu.memref_slice %arg14[%mul3A_4, %dma_wait3A] : memref<10016x32xf32, #tpu.memory_space<vmem_shared>> -> memref<626x32xf32, #tpu.memory_space<vmem_shared>>
      %dma_wait3A_18 = arith.constant 0 : i32
      %dma_wait3A_19 = tpu.memref_slice %arg14[%mul3A_4, %dma_wait3A_18] : memref<10016x32xf32, #tpu.memory_space<vmem_shared>> -> memref<626x32xf32, #tpu.memory_space<vmem_shared>>
      tpu.wait_dma2 semaphore(%run_scoped3A : memref<!tpu.dma_semaphore, #tpu.memory_space<semaphore_mem>>) src(%arg13 : memref<626x32xf32, #tpu.memory_space<vmem>>) dst(%dma_wait3A_19 : memref<626x32xf32, #tpu.memory_space<vmem_shared>>)
      tpu.yield
    }) : () -> ()
    %barrier3A = arith.constant 0 : index
    tpu.barrier barrier_id(%barrier3A)
    %scan3A = arith.constant 0 : i32
    %scan3A_5 = arith.constant 40 : i32
    %scan3A_6 = arith.addi %scan3A, %scan3A_5 : i32
    %scan3A_7 = arith.constant 1 : i32
    scf.for %scan3A_14 = %scan3A to %scan3A_6 step %scan3A_7  : i32 {
      %mul3A_15 = arith.constant 4 : i32
      %mul3A_16 = arith.muli %scan3A_14, %mul3A_15 : i32
      %add3A = arith.constant 0 : i32
      %add3A_17 = arith.addi %add3A, %mul3A_16 : i32
      %add3A_18 = arith.constant 0 : i32
      %add3A_19 = arith.addi %add3A_17, %add3A_18 : i32
      %dma_start3A = arith.constant 0 : i32
      %dma_start3A_20 = tpu.memref_slice %arg7[%add3A_19, %dma_start3A] : memref<160x128xi32, #tpu.memory_space<vmem>> -> memref<1x128xi32, #tpu.memory_space<vmem>>
      %dma_start3A_21 = tpu.memref_squeeze %dma_start3A_20 : memref<1x128xi32, #tpu.memory_space<vmem>> -> memref<128xi32, #tpu.memory_space<vmem>>
      %dma_start3A_22 = arith.constant 0 : i32
      %dma_start3A_23 = arith.constant 0 : i32
      %dma_start3A_24 = tpu.memref_slice %arg2[%arg0, %dma_start3A_22, %dma_start3A_23] : memref<2x10000x32xf32, #tpu.memory_space<hbm>> -> memref<1x10000x32xf32, #tpu.memory_space<hbm>>
      %dma_start3A_25 = tpu.memref_squeeze %dma_start3A_24 : memref<1x10000x32xf32, #tpu.memory_space<hbm>> -> memref<10000x32xf32, #tpu.memory_space<hbm>>
      %dma_start3A_26 = arith.constant 0 : i32
      %dma_start3A_27 = arith.constant 0 : i32
      %dma_start3A_28 = tpu.memref_slice %dma_start3A_25[%dma_start3A_26, %dma_start3A_27] : memref<10000x32xf32, #tpu.memory_space<hbm>> -> memref<10000x32xf32, #tpu.memory_space<hbm>>
      tpu.enqueue_indirect_dma source(%dma_start3A_28 : memref<10000x32xf32, #tpu.memory_space<hbm>>) target(%arg9 : memref<128x32xf32, #tpu.memory_space<vmem>>) offsets(%dma_start3A_21 : memref<128xi32, #tpu.memory_space<vmem>>) semaphore(%arg15 : memref<!tpu.dma_semaphore, #tpu.memory_space<semaphore_mem>>)
      %add3A_29 = arith.constant 1 : i32
      %add3A_30 = arith.addi %add3A_17, %add3A_29 : i32
      %dma_start3A_31 = arith.constant 0 : i32
      %dma_start3A_32 = tpu.memref_slice %arg7[%add3A_30, %dma_start3A_31] : memref<160x128xi32, #tpu.memory_space<vmem>> -> memref<1x128xi32, #tpu.memory_space<vmem>>
      %dma_start3A_33 = tpu.memref_squeeze %dma_start3A_32 : memref<1x128xi32, #tpu.memory_space<vmem>> -> memref<128xi32, #tpu.memory_space<vmem>>
      %dma_start3A_34 = arith.constant 0 : i32
      %dma_start3A_35 = arith.constant 0 : i32
      %dma_start3A_36 = tpu.memref_slice %arg2[%arg0, %dma_start3A_34, %dma_start3A_35] : memref<2x10000x32xf32, #tpu.memory_space<hbm>> -> memref<1x10000x32xf32, #tpu.memory_space<hbm>>
      %dma_start3A_37 = tpu.memref_squeeze %dma_start3A_36 : memref<1x10000x32xf32, #tpu.memory_space<hbm>> -> memref<10000x32xf32, #tpu.memory_space<hbm>>
      %dma_start3A_38 = arith.constant 0 : i32
      %dma_start3A_39 = arith.constant 0 : i32
      %dma_start3A_40 = tpu.memref_slice %dma_start3A_37[%dma_start3A_38, %dma_start3A_39] : memref<10000x32xf32, #tpu.memory_space<hbm>> -> memref<10000x32xf32, #tpu.memory_space<hbm>>
      tpu.enqueue_indirect_dma source(%dma_start3A_40 : memref<10000x32xf32, #tpu.memory_space<hbm>>) target(%arg10 : memref<128x32xf32, #tpu.memory_space<vmem>>) offsets(%dma_start3A_33 : memref<128xi32, #tpu.memory_space<vmem>>) semaphore(%arg16 : memref<!tpu.dma_semaphore, #tpu.memory_space<semaphore_mem>>)
      %add3A_41 = arith.constant 2 : i32
      %add3A_42 = arith.addi %add3A_17, %add3A_41 : i32
      %dma_start3A_43 = arith.constant 0 : i32
      %dma_start3A_44 = tpu.memref_slice %arg7[%add3A_42, %dma_start3A_43] : memref<160x128xi32, #tpu.memory_space<vmem>> -> memref<1x128xi32, #tpu.memory_space<vmem>>
      %dma_start3A_45 = tpu.memref_squeeze %dma_start3A_44 : memref<1x128xi32, #tpu.memory_space<vmem>> -> memref<128xi32, #tpu.memory_space<vmem>>
      %dma_start3A_46 = arith.constant 0 : i32
      %dma_start3A_47 = arith.constant 0 : i32
      %dma_start3A_48 = tpu.memref_slice %arg2[%arg0, %dma_start3A_46, %dma_start3A_47] : memref<2x10000x32xf32, #tpu.memory_space<hbm>> -> memref<1x10000x32xf32, #tpu.memory_space<hbm>>
      %dma_start3A_49 = tpu.memref_squeeze %dma_start3A_48 : memref<1x10000x32xf32, #tpu.memory_space<hbm>> -> memref<10000x32xf32, #tpu.memory_space<hbm>>
      %dma_start3A_50 = arith.constant 0 : i32
      %dma_start3A_51 = arith.constant 0 : i32
      %dma_start3A_52 = tpu.memref_slice %dma_start3A_49[%dma_start3A_50, %dma_start3A_51] : memref<10000x32xf32, #tpu.memory_space<hbm>> -> memref<10000x32xf32, #tpu.memory_space<hbm>>
      tpu.enqueue_indirect_dma source(%dma_start3A_52 : memref<10000x32xf32, #tpu.memory_space<hbm>>) target(%arg11 : memref<128x32xf32, #tpu.memory_space<vmem>>) offsets(%dma_start3A_45 : memref<128xi32, #tpu.memory_space<vmem>>) semaphore(%arg17 : memref<!tpu.dma_semaphore, #tpu.memory_space<semaphore_mem>>)
      %add3A_53 = arith.constant 3 : i32
      %add3A_54 = arith.addi %add3A_17, %add3A_53 : i32
      %dma_start3A_55 = arith.constant 0 : i32
      %dma_start3A_56 = tpu.memref_slice %arg7[%add3A_54, %dma_start3A_55] : memref<160x128xi32, #tpu.memory_space<vmem>> -> memref<1x128xi32, #tpu.memory_space<vmem>>
      %dma_start3A_57 = tpu.memref_squeeze %dma_start3A_56 : memref<1x128xi32, #tpu.memory_space<vmem>> -> memref<128xi32, #tpu.memory_space<vmem>>
      %dma_start3A_58 = arith.constant 0 : i32
      %dma_start3A_59 = arith.constant 0 : i32
      %dma_start3A_60 = tpu.memref_slice %arg2[%arg0, %dma_start3A_58, %dma_start3A_59] : memref<2x10000x32xf32, #tpu.memory_space<hbm>> -> memref<1x10000x32xf32, #tpu.memory_space<hbm>>
      %dma_start3A_61 = tpu.memref_squeeze %dma_start3A_60 : memref<1x10000x32xf32, #tpu.memory_space<hbm>> -> memref<10000x32xf32, #tpu.memory_space<hbm>>
      %dma_start3A_62 = arith.constant 0 : i32
      %dma_start3A_63 = arith.constant 0 : i32
      %dma_start3A_64 = tpu.memref_slice %dma_start3A_61[%dma_start3A_62, %dma_start3A_63] : memref<10000x32xf32, #tpu.memory_space<hbm>> -> memref<10000x32xf32, #tpu.memory_space<hbm>>
      tpu.enqueue_indirect_dma source(%dma_start3A_64 : memref<10000x32xf32, #tpu.memory_space<hbm>>) target(%arg12 : memref<128x32xf32, #tpu.memory_space<vmem>>) offsets(%dma_start3A_57 : memref<128xi32, #tpu.memory_space<vmem>>) semaphore(%arg18 : memref<!tpu.dma_semaphore, #tpu.memory_space<semaphore_mem>>)
      %dma_wait3A = arith.constant 0 : i32
      %dma_wait3A_65 = tpu.memref_slice %arg7[%add3A_19, %dma_wait3A] : memref<160x128xi32, #tpu.memory_space<vmem>> -> memref<1x128xi32, #tpu.memory_space<vmem>>
      %dma_wait3A_66 = tpu.memref_squeeze %dma_wait3A_65 : memref<1x128xi32, #tpu.memory_space<vmem>> -> memref<128xi32, #tpu.memory_space<vmem>>
      %dma_wait3A_67 = arith.constant 0 : i32
      %dma_wait3A_68 = arith.constant 0 : i32
      %dma_wait3A_69 = tpu.memref_slice %arg2[%arg0, %dma_wait3A_67, %dma_wait3A_68] : memref<2x10000x32xf32, #tpu.memory_space<hbm>> -> memref<1x10000x32xf32, #tpu.memory_space<hbm>>
      %dma_wait3A_70 = tpu.memref_squeeze %dma_wait3A_69 : memref<1x10000x32xf32, #tpu.memory_space<hbm>> -> memref<10000x32xf32, #tpu.memory_space<hbm>>
      %dma_wait3A_71 = arith.constant 0 : i32
      %dma_wait3A_72 = arith.constant 0 : i32
      %dma_wait3A_73 = tpu.memref_slice %dma_wait3A_70[%dma_wait3A_71, %dma_wait3A_72] : memref<10000x32xf32, #tpu.memory_space<hbm>> -> memref<10000x32xf32, #tpu.memory_space<hbm>>
      tpu.wait_indirect_dma semaphore(%arg15 : memref<!tpu.dma_semaphore, #tpu.memory_space<semaphore_mem>>) src(%dma_wait3A_73 : memref<10000x32xf32, #tpu.memory_space<hbm>>) dst(%arg9 : memref<128x32xf32, #tpu.memory_space<vmem>>)
      %add3A_74 = arith.constant 0 : i32
      %add3A_75 = arith.addi %add3A_17, %add3A_74 : i32
      %dma_start3A_76 = arith.constant 0 : i32
      %dma_start3A_77 = tpu.memref_slice %arg8[%add3A_75, %dma_start3A_76] : memref<160x128xi32, #tpu.memory_space<vmem>> -> memref<1x128xi32, #tpu.memory_space<vmem>>
      %dma_start3A_78 = tpu.memref_squeeze %dma_start3A_77 : memref<1x128xi32, #tpu.memory_space<vmem>> -> memref<128xi32, #tpu.memory_space<vmem>>
      %dma_start3A_79 = arith.constant 0 : i32
      %dma_start3A_80 = arith.constant 0 : i32
      %dma_start3A_81 = tpu.memref_slice %arg14[%dma_start3A_79, %dma_start3A_80] : memref<10016x32xf32, #tpu.memory_space<vmem_shared>> -> memref<10016x32xf32, #tpu.memory_space<vmem_shared>>
      tpu.enqueue_indirect_dma source(%arg9 : memref<128x32xf32, #tpu.memory_space<vmem>>) target(%dma_start3A_81 : memref<10016x32xf32, #tpu.memory_space<vmem_shared>>) offsets(%dma_start3A_78 : memref<128xi32, #tpu.memory_space<vmem>>) semaphore(%arg19 : memref<!tpu.dma_semaphore, #tpu.memory_space<semaphore_mem>>) {add = true}
      %dma_wait3A_82 = arith.constant 0 : i32
      %dma_wait3A_83 = tpu.memref_slice %arg7[%add3A_30, %dma_wait3A_82] : memref<160x128xi32, #tpu.memory_space<vmem>> -> memref<1x128xi32, #tpu.memory_space<vmem>>
      %dma_wait3A_84 = tpu.memref_squeeze %dma_wait3A_83 : memref<1x128xi32, #tpu.memory_space<vmem>> -> memref<128xi32, #tpu.memory_space<vmem>>
      %dma_wait3A_85 = arith.constant 0 : i32
      %dma_wait3A_86 = arith.constant 0 : i32
      %dma_wait3A_87 = tpu.memref_slice %arg2[%arg0, %dma_wait3A_85, %dma_wait3A_86] : memref<2x10000x32xf32, #tpu.memory_space<hbm>> -> memref<1x10000x32xf32, #tpu.memory_space<hbm>>
      %dma_wait3A_88 = tpu.memref_squeeze %dma_wait3A_87 : memref<1x10000x32xf32, #tpu.memory_space<hbm>> -> memref<10000x32xf32, #tpu.memory_space<hbm>>
      %dma_wait3A_89 = arith.constant 0 : i32
      %dma_wait3A_90 = arith.constant 0 : i32
      %dma_wait3A_91 = tpu.memref_slice %dma_wait3A_88[%dma_wait3A_89, %dma_wait3A_90] : memref<10000x32xf32, #tpu.memory_space<hbm>> -> memref<10000x32xf32, #tpu.memory_space<hbm>>
      tpu.wait_indirect_dma semaphore(%arg16 : memref<!tpu.dma_semaphore, #tpu.memory_space<semaphore_mem>>) src(%dma_wait3A_91 : memref<10000x32xf32, #tpu.memory_space<hbm>>) dst(%arg10 : memref<128x32xf32, #tpu.memory_space<vmem>>)
      %add3A_92 = arith.constant 1 : i32
      %add3A_93 = arith.addi %add3A_17, %add3A_92 : i32
      %dma_start3A_94 = arith.constant 0 : i32
      %dma_start3A_95 = tpu.memref_slice %arg8[%add3A_93, %dma_start3A_94] : memref<160x128xi32, #tpu.memory_space<vmem>> -> memref<1x128xi32, #tpu.memory_space<vmem>>
      %dma_start3A_96 = tpu.memref_squeeze %dma_start3A_95 : memref<1x128xi32, #tpu.memory_space<vmem>> -> memref<128xi32, #tpu.memory_space<vmem>>
      %dma_start3A_97 = arith.constant 0 : i32
      %dma_start3A_98 = arith.constant 0 : i32
      %dma_start3A_99 = tpu.memref_slice %arg14[%dma_start3A_97, %dma_start3A_98] : memref<10016x32xf32, #tpu.memory_space<vmem_shared>> -> memref<10016x32xf32, #tpu.memory_space<vmem_shared>>
      tpu.enqueue_indirect_dma source(%arg10 : memref<128x32xf32, #tpu.memory_space<vmem>>) target(%dma_start3A_99 : memref<10016x32xf32, #tpu.memory_space<vmem_shared>>) offsets(%dma_start3A_96 : memref<128xi32, #tpu.memory_space<vmem>>) semaphore(%arg20 : memref<!tpu.dma_semaphore, #tpu.memory_space<semaphore_mem>>) {add = true}
      %dma_wait3A_100 = arith.constant 0 : i32
      %dma_wait3A_101 = tpu.memref_slice %arg7[%add3A_42, %dma_wait3A_100] : memref<160x128xi32, #tpu.memory_space<vmem>> -> memref<1x128xi32, #tpu.memory_space<vmem>>
      %dma_wait3A_102 = tpu.memref_squeeze %dma_wait3A_101 : memref<1x128xi32, #tpu.memory_space<vmem>> -> memref<128xi32, #tpu.memory_space<vmem>>
      %dma_wait3A_103 = arith.constant 0 : i32
      %dma_wait3A_104 = arith.constant 0 : i32
      %dma_wait3A_105 = tpu.memref_slice %arg2[%arg0, %dma_wait3A_103, %dma_wait3A_104] : memref<2x10000x32xf32, #tpu.memory_space<hbm>> -> memref<1x10000x32xf32, #tpu.memory_space<hbm>>
      %dma_wait3A_106 = tpu.memref_squeeze %dma_wait3A_105 : memref<1x10000x32xf32, #tpu.memory_space<hbm>> -> memref<10000x32xf32, #tpu.memory_space<hbm>>
      %dma_wait3A_107 = arith.constant 0 : i32
      %dma_wait3A_108 = arith.constant 0 : i32
      %dma_wait3A_109 = tpu.memref_slice %dma_wait3A_106[%dma_wait3A_107, %dma_wait3A_108] : memref<10000x32xf32, #tpu.memory_space<hbm>> -> memref<10000x32xf32, #tpu.memory_space<hbm>>
      tpu.wait_indirect_dma semaphore(%arg17 : memref<!tpu.dma_semaphore, #tpu.memory_space<semaphore_mem>>) src(%dma_wait3A_109 : memref<10000x32xf32, #tpu.memory_space<hbm>>) dst(%arg11 : memref<128x32xf32, #tpu.memory_space<vmem>>)
      %add3A_110 = arith.constant 2 : i32
      %add3A_111 = arith.addi %add3A_17, %add3A_110 : i32
      %dma_start3A_112 = arith.constant 0 : i32
      %dma_start3A_113 = tpu.memref_slice %arg8[%add3A_111, %dma_start3A_112] : memref<160x128xi32, #tpu.memory_space<vmem>> -> memref<1x128xi32, #tpu.memory_space<vmem>>
      %dma_start3A_114 = tpu.memref_squeeze %dma_start3A_113 : memref<1x128xi32, #tpu.memory_space<vmem>> -> memref<128xi32, #tpu.memory_space<vmem>>
      %dma_start3A_115 = arith.constant 0 : i32
      %dma_start3A_116 = arith.constant 0 : i32
      %dma_start3A_117 = tpu.memref_slice %arg14[%dma_start3A_115, %dma_start3A_116] : memref<10016x32xf32, #tpu.memory_space<vmem_shared>> -> memref<10016x32xf32, #tpu.memory_space<vmem_shared>>
      tpu.enqueue_indirect_dma source(%arg11 : memref<128x32xf32, #tpu.memory_space<vmem>>) target(%dma_start3A_117 : memref<10016x32xf32, #tpu.memory_space<vmem_shared>>) offsets(%dma_start3A_114 : memref<128xi32, #tpu.memory_space<vmem>>) semaphore(%arg21 : memref<!tpu.dma_semaphore, #tpu.memory_space<semaphore_mem>>) {add = true}
      %dma_wait3A_118 = arith.constant 0 : i32
      %dma_wait3A_119 = tpu.memref_slice %arg7[%add3A_54, %dma_wait3A_118] : memref<160x128xi32, #tpu.memory_space<vmem>> -> memref<1x128xi32, #tpu.memory_space<vmem>>
      %dma_wait3A_120 = tpu.memref_squeeze %dma_wait3A_119 : memref<1x128xi32, #tpu.memory_space<vmem>> -> memref<128xi32, #tpu.memory_space<vmem>>
      %dma_wait3A_121 = arith.constant 0 : i32
      %dma_wait3A_122 = arith.constant 0 : i32
      %dma_wait3A_123 = tpu.memref_slice %arg2[%arg0, %dma_wait3A_121, %dma_wait3A_122] : memref<2x10000x32xf32, #tpu.memory_space<hbm>> -> memref<1x10000x32xf32, #tpu.memory_space<hbm>>
      %dma_wait3A_124 = tpu.memref_squeeze %dma_wait3A_123 : memref<1x10000x32xf32, #tpu.memory_space<hbm>> -> memref<10000x32xf32, #tpu.memory_space<hbm>>
      %dma_wait3A_125 = arith.constant 0 : i32
      %dma_wait3A_126 = arith.constant 0 : i32
      %dma_wait3A_127 = tpu.memref_slice %dma_wait3A_124[%dma_wait3A_125, %dma_wait3A_126] : memref<10000x32xf32, #tpu.memory_space<hbm>> -> memref<10000x32xf32, #tpu.memory_space<hbm>>
      tpu.wait_indirect_dma semaphore(%arg18 : memref<!tpu.dma_semaphore, #tpu.memory_space<semaphore_mem>>) src(%dma_wait3A_127 : memref<10000x32xf32, #tpu.memory_space<hbm>>) dst(%arg12 : memref<128x32xf32, #tpu.memory_space<vmem>>)
      %add3A_128 = arith.constant 3 : i32
      %add3A_129 = arith.addi %add3A_17, %add3A_128 : i32
      %dma_start3A_130 = arith.constant 0 : i32
      %dma_start3A_131 = tpu.memref_slice %arg8[%add3A_129, %dma_start3A_130] : memref<160x128xi32, #tpu.memory_space<vmem>> -> memref<1x128xi32, #tpu.memory_space<vmem>>
      %dma_start3A_132 = tpu.memref_squeeze %dma_start3A_131 : memref<1x128xi32, #tpu.memory_space<vmem>> -> memref<128xi32, #tpu.memory_space<vmem>>
      %dma_start3A_133 = arith.constant 0 : i32
      %dma_start3A_134 = arith.constant 0 : i32
      %dma_start3A_135 = tpu.memref_slice %arg14[%dma_start3A_133, %dma_start3A_134] : memref<10016x32xf32, #tpu.memory_space<vmem_shared>> -> memref<10016x32xf32, #tpu.memory_space<vmem_shared>>
      tpu.enqueue_indirect_dma source(%arg12 : memref<128x32xf32, #tpu.memory_space<vmem>>) target(%dma_start3A_135 : memref<10016x32xf32, #tpu.memory_space<vmem_shared>>) offsets(%dma_start3A_132 : memref<128xi32, #tpu.memory_space<vmem>>) semaphore(%arg22 : memref<!tpu.dma_semaphore, #tpu.memory_space<semaphore_mem>>) {add = true}
      %dma_wait3A_136 = arith.constant 0 : i32
      %dma_wait3A_137 = tpu.memref_slice %arg8[%add3A_75, %dma_wait3A_136] : memref<160x128xi32, #tpu.memory_space<vmem>> -> memref<1x128xi32, #tpu.memory_space<vmem>>
      %dma_wait3A_138 = tpu.memref_squeeze %dma_wait3A_137 : memref<1x128xi32, #tpu.memory_space<vmem>> -> memref<128xi32, #tpu.memory_space<vmem>>
      %dma_wait3A_139 = arith.constant 0 : i32
      %dma_wait3A_140 = arith.constant 0 : i32
      %dma_wait3A_141 = tpu.memref_slice %arg14[%dma_wait3A_139, %dma_wait3A_140] : memref<10016x32xf32, #tpu.memory_space<vmem_shared>> -> memref<10016x32xf32, #tpu.memory_space<vmem_shared>>
      tpu.wait_indirect_dma semaphore(%arg19 : memref<!tpu.dma_semaphore, #tpu.memory_space<semaphore_mem>>) src(%arg9 : memref<128x32xf32, #tpu.memory_space<vmem>>) dst(%dma_wait3A_141 : memref<10016x32xf32, #tpu.memory_space<vmem_shared>>)
      %dma_wait3A_142 = arith.constant 0 : i32
      %dma_wait3A_143 = tpu.memref_slice %arg8[%add3A_93, %dma_wait3A_142] : memref<160x128xi32, #tpu.memory_space<vmem>> -> memref<1x128xi32, #tpu.memory_space<vmem>>
      %dma_wait3A_144 = tpu.memref_squeeze %dma_wait3A_143 : memref<1x128xi32, #tpu.memory_space<vmem>> -> memref<128xi32, #tpu.memory_space<vmem>>
      %dma_wait3A_145 = arith.constant 0 : i32
      %dma_wait3A_146 = arith.constant 0 : i32
      %dma_wait3A_147 = tpu.memref_slice %arg14[%dma_wait3A_145, %dma_wait3A_146] : memref<10016x32xf32, #tpu.memory_space<vmem_shared>> -> memref<10016x32xf32, #tpu.memory_space<vmem_shared>>
      tpu.wait_indirect_dma semaphore(%arg20 : memref<!tpu.dma_semaphore, #tpu.memory_space<semaphore_mem>>) src(%arg10 : memref<128x32xf32, #tpu.memory_space<vmem>>) dst(%dma_wait3A_147 : memref<10016x32xf32, #tpu.memory_space<vmem_shared>>)
      %dma_wait3A_148 = arith.constant 0 : i32
      %dma_wait3A_149 = tpu.memref_slice %arg8[%add3A_111, %dma_wait3A_148] : memref<160x128xi32, #tpu.memory_space<vmem>> -> memref<1x128xi32, #tpu.memory_space<vmem>>
      %dma_wait3A_150 = tpu.memref_squeeze %dma_wait3A_149 : memref<1x128xi32, #tpu.memory_space<vmem>> -> memref<128xi32, #tpu.memory_space<vmem>>
      %dma_wait3A_151 = arith.constant 0 : i32
      %dma_wait3A_152 = arith.constant 0 : i32
      %dma_wait3A_153 = tpu.memref_slice %arg14[%dma_wait3A_151, %dma_wait3A_152] : memref<10016x32xf32, #tpu.memory_space<vmem_shared>> -> memref<10016x32xf32, #tpu.memory_space<vmem_shared>>
      tpu.wait_indirect_dma semaphore(%arg21 : memref<!tpu.dma_semaphore, #tpu.memory_space<semaphore_mem>>) src(%arg11 : memref<128x32xf32, #tpu.memory_space<vmem>>) dst(%dma_wait3A_153 : memref<10016x32xf32, #tpu.memory_space<vmem_shared>>)
      %dma_wait3A_154 = arith.constant 0 : i32
      %dma_wait3A_155 = tpu.memref_slice %arg8[%add3A_129, %dma_wait3A_154] : memref<160x128xi32, #tpu.memory_space<vmem>> -> memref<1x128xi32, #tpu.memory_space<vmem>>
      %dma_wait3A_156 = tpu.memref_squeeze %dma_wait3A_155 : memref<1x128xi32, #tpu.memory_space<vmem>> -> memref<128xi32, #tpu.memory_space<vmem>>
      %dma_wait3A_157 = arith.constant 0 : i32
      %dma_wait3A_158 = arith.constant 0 : i32
      %dma_wait3A_159 = tpu.memref_slice %arg14[%dma_wait3A_157, %dma_wait3A_158] : memref<10016x32xf32, #tpu.memory_space<vmem_shared>> -> memref<10016x32xf32, #tpu.memory_space<vmem_shared>>
      tpu.wait_indirect_dma semaphore(%arg22 : memref<!tpu.dma_semaphore, #tpu.memory_space<semaphore_mem>>) src(%arg12 : memref<128x32xf32, #tpu.memory_space<vmem>>) dst(%dma_wait3A_159 : memref<10016x32xf32, #tpu.memory_space<vmem_shared>>)
    }
    %scan3A_8 = arith.constant 40 : i32
    %barrier3A_9 = arith.constant 0 : index
    tpu.barrier barrier_id(%barrier3A_9)
    %mul3A_10 = arith.constant 626 : i32
    %mul3A_11 = arith.muli %arg1, %mul3A_10 : i32
    "tpu.region"() ({
      %run_scoped3A = tpu.sem_alloc : memref<!tpu.dma_semaphore, #tpu.memory_space<semaphore_mem>>
      %dma_start3A = arith.constant 0 : i32
      %dma_start3A_14 = tpu.memref_slice %arg14[%mul3A_11, %dma_start3A] : memref<10016x32xf32, #tpu.memory_space<vmem_shared>> -> memref<626x32xf32, #tpu.memory_space<vmem_shared>>
      %dma_start3A_15 = arith.constant 0 : i32
      %dma_start3A_16 = tpu.memref_slice %arg14[%mul3A_11, %dma_start3A_15] : memref<10016x32xf32, #tpu.memory_space<vmem_shared>> -> memref<626x32xf32, #tpu.memory_space<vmem_shared>>
      tpu.enqueue_dma source(%dma_start3A_16 : memref<626x32xf32, #tpu.memory_space<vmem_shared>>) target(%arg13 : memref<626x32xf32, #tpu.memory_space<vmem>>) target_semaphore(%run_scoped3A : memref<!tpu.dma_semaphore, #tpu.memory_space<semaphore_mem>>)
      %dma_wait3A = arith.constant 0 : i32
      %dma_wait3A_17 = tpu.memref_slice %arg14[%mul3A_11, %dma_wait3A] : memref<10016x32xf32, #tpu.memory_space<vmem_shared>> -> memref<626x32xf32, #tpu.memory_space<vmem_shared>>
      %dma_wait3A_18 = arith.constant 0 : i32
      %dma_wait3A_19 = tpu.memref_slice %arg14[%mul3A_11, %dma_wait3A_18] : memref<10016x32xf32, #tpu.memory_space<vmem_shared>> -> memref<626x32xf32, #tpu.memory_space<vmem_shared>>
      tpu.wait_dma2 semaphore(%run_scoped3A : memref<!tpu.dma_semaphore, #tpu.memory_space<semaphore_mem>>) src(%dma_wait3A_19 : memref<626x32xf32, #tpu.memory_space<vmem_shared>>) dst(%arg13 : memref<626x32xf32, #tpu.memory_space<vmem>>)
      tpu.yield
    }) : () -> ()
    %mul3A_12 = arith.constant 626 : i32
    %mul3A_13 = arith.muli %arg1, %mul3A_12 : i32
    "tpu.region"() ({
      %run_scoped3A = tpu.sem_alloc : memref<!tpu.dma_semaphore, #tpu.memory_space<semaphore_mem>>
      %dma_start3A = arith.constant 0 : i32
      %dma_start3A_14 = tpu.memref_slice %arg6[%arg0, %mul3A_13, %dma_start3A] : memref<2x10016x32xf32, #tpu.memory_space<hbm>> -> memref<1x626x32xf32, #tpu.memory_space<hbm>>
      %dma_start3A_15 = tpu.memref_squeeze %dma_start3A_14 : memref<1x626x32xf32, #tpu.memory_space<hbm>> -> memref<626x32xf32, #tpu.memory_space<hbm>>
      %dma_start3A_16 = arith.constant 0 : i32
      %dma_start3A_17 = tpu.memref_slice %arg6[%arg0, %mul3A_13, %dma_start3A_16] : memref<2x10016x32xf32, #tpu.memory_space<hbm>> -> memref<1x626x32xf32, #tpu.memory_space<hbm>>
      %dma_start3A_18 = tpu.memref_squeeze %dma_start3A_17 : memref<1x626x32xf32, #tpu.memory_space<hbm>> -> memref<626x32xf32, #tpu.memory_space<hbm>>
      tpu.enqueue_dma source(%arg13 : memref<626x32xf32, #tpu.memory_space<vmem>>) target(%dma_start3A_18 : memref<626x32xf32, #tpu.memory_space<hbm>>) target_semaphore(%run_scoped3A : memref<!tpu.dma_semaphore, #tpu.memory_space<semaphore_mem>>)
      %dma_wait3A = arith.constant 0 : i32
      %dma_wait3A_19 = tpu.memref_slice %arg6[%arg0, %mul3A_13, %dma_wait3A] : memref<2x10016x32xf32, #tpu.memory_space<hbm>> -> memref<1x626x32xf32, #tpu.memory_space<hbm>>
      %dma_wait3A_20 = tpu.memref_squeeze %dma_wait3A_19 : memref<1x626x32xf32, #tpu.memory_space<hbm>> -> memref<626x32xf32, #tpu.memory_space<hbm>>
      %dma_wait3A_21 = arith.constant 0 : i32
      %dma_wait3A_22 = tpu.memref_slice %arg6[%arg0, %mul3A_13, %dma_wait3A_21] : memref<2x10016x32xf32, #tpu.memory_space<hbm>> -> memref<1x626x32xf32, #tpu.memory_space<hbm>>
      %dma_wait3A_23 = tpu.memref_squeeze %dma_wait3A_22 : memref<1x626x32xf32, #tpu.memory_space<hbm>> -> memref<626x32xf32, #tpu.memory_space<hbm>>
      tpu.wait_dma2 semaphore(%run_scoped3A : memref<!tpu.dma_semaphore, #tpu.memory_space<semaphore_mem>>) src(%arg13 : memref<626x32xf32, #tpu.memory_space<vmem>>) dst(%dma_wait3A_23 : memref<626x32xf32, #tpu.memory_space<hbm>>)
      tpu.yield
    }) : () -> ()
    return
  }
}

module attributes {stable_mosaic.version = 14 : i64} {
  func.func @body(%arg0: i32, %arg1: memref<2x1000x8xf32, #tpu.memory_space<vmem>>, %arg2: memref<1000x128xf32, #tpu.memory_space<vmem>>, %arg3: memref<128x32xf32, #tpu.memory_space<vmem>>, %arg4: memref<1000x1xf32, #tpu.memory_space<vmem>>, %arg5: memref<1000x32xf32, #tpu.memory_space<vmem>>, %arg6: memref<1000x32xf32, #tpu.memory_space<vmem>>) attributes {dimension_semantics = [#tpu.dimension_semantics<arbitrary>], iteration_bounds = array<i64: 10>, scalar_prefetch = 0 : i64, scratch_operands = 0 : i64, tpu.core_type = #tpu.core_type<tc>, window_params = [{transform_indices = @transform_0, window_bounds = array<i64: 2, 1000, 8>}, {transform_indices = @transform_1, window_bounds = array<i64: 1000, 128>}, {pipeline_mode = #tpu.pipeline_mode<synchronous>, transform_indices = @transform_2, window_bounds = array<i64: 128, 32>}, {transform_indices = @transform_3, window_bounds = array<i64: 1000, 1>}, {transform_indices = @transform_4, window_bounds = array<i64: 1000, 32>}, {transform_indices = @transform_5, window_bounds = array<i64: 1000, 32>}]} {
    %get3A = arith.constant 0 : index
    %get3A_0 = arith.constant 0 : index
    %get3A_1 = arith.constant 0 : index
    %get3A_2 = vector.load %arg1[%get3A, %get3A_0, %get3A_1] : memref<2x1000x8xf32, #tpu.memory_space<vmem>>, vector<1x1000x1xf32>
    %get3A_3 = vector.shape_cast %get3A_2 : vector<1x1000x1xf32> to vector<1000x1xf32>
    %get3A_4 = arith.constant 1 : index
    %get3A_5 = arith.constant 0 : index
    %get3A_6 = arith.constant 0 : index
    %get3A_7 = vector.load %arg1[%get3A_4, %get3A_5, %get3A_6] : memref<2x1000x8xf32, #tpu.memory_space<vmem>>, vector<1x1000x1xf32>
    %get3A_8 = vector.shape_cast %get3A_7 : vector<1x1000x1xf32> to vector<1000x1xf32>
    %add3A = arith.addf %get3A_3, %get3A_8 : vector<1000x1xf32>
    %add3A_9 = arith.constant 1.000000e+00 : f32
    %add3A_10 = vector.broadcast %add3A_9 : f32 to vector<1000x1xf32>
    %add3A_11 = arith.addf %add3A, %add3A_10 : vector<1000x1xf32>
    %rsqrt3A = math.rsqrt %add3A_11 : vector<1000x1xf32>
    %get3A_12 = arith.constant 0 : index
    %get3A_13 = arith.constant 0 : index
    %get3A_14 = vector.load %arg2[%get3A_12, %get3A_13] : memref<1000x128xf32, #tpu.memory_space<vmem>>, vector<1000x128xf32>
    %get3A_15 = arith.constant 0 : index
    %get3A_16 = arith.constant 0 : index
    %get3A_17 = vector.load %arg3[%get3A_15, %get3A_16] : memref<128x32xf32, #tpu.memory_space<vmem>>, vector<128x32xf32>
    %dot_general3A = arith.constant dense<0.000000e+00> : vector<1000x32xf32>
    %dot_general3A_18 = tpu.matmul %get3A_14, %get3A_17, %dot_general3A {dimension_numbers = #tpu.dot_dimension_numbers<[1], [0], [0], [1], [0, 0, 1, 1], [], []>, transpose_lhs_hint = false} : vector<1000x128xf32>, vector<128x32xf32>, vector<1000x32xf32> -> vector<1000x32xf32>
    %swap3A = arith.constant 0 : index
    %swap3A_19 = arith.constant 0 : index
    %swap3A_20 = vector.load %arg4[%swap3A, %swap3A_19] : memref<1000x1xf32, #tpu.memory_space<vmem>>, vector<1000x1xf32>
    tpu.vector_store %arg4[%swap3A, %swap3A_19], %rsqrt3A {strides = array<i32>} : memref<1000x1xf32, #tpu.memory_space<vmem>>, vector<1000x1xf32>,
    %swap3A_21 = arith.constant 0 : index
    %swap3A_22 = arith.constant 0 : index
    %swap3A_23 = vector.load %arg5[%swap3A_21, %swap3A_22] : memref<1000x32xf32, #tpu.memory_space<vmem>>, vector<1000x32xf32>
    tpu.vector_store %arg5[%swap3A_21, %swap3A_22], %dot_general3A_18 {strides = array<i32>} : memref<1000x32xf32, #tpu.memory_space<vmem>>, vector<1000x32xf32>,
    %mul3A = vector.broadcast %rsqrt3A : vector<1000x1xf32> to vector<1000x32xf32>
    %mul3A_24 = arith.mulf %dot_general3A_18, %mul3A : vector<1000x32xf32>
    %swap3A_25 = arith.constant 0 : index
    %swap3A_26 = arith.constant 0 : index
    %swap3A_27 = vector.load %arg6[%swap3A_25, %swap3A_26] : memref<1000x32xf32, #tpu.memory_space<vmem>>, vector<1000x32xf32>
    tpu.vector_store %arg6[%swap3A_25, %swap3A_26], %mul3A_24 {strides = array<i32>} : memref<1000x32xf32, #tpu.memory_space<vmem>>, vector<1000x32xf32>,
    return
  }
  func.func @transform_0(%arg0: i32) -> (i32, i32, i32) {
    %c0_i32 = arith.constant 0 : i32
    %c0_i32_0 = arith.constant 0 : i32
    %c0_i32_1 = arith.constant 0 : i32
    return %c0_i32, %arg0, %c0_i32_0 : i32, i32, i32
  }
  func.func @transform_1(%arg0: i32) -> (i32, i32) {
    %c0_i32 = arith.constant 0 : i32
    %c0_i32_0 = arith.constant 0 : i32
    return %arg0, %c0_i32 : i32, i32
  }
  func.func @transform_2(%arg0: i32) -> (i32, i32) {
    %c0_i32 = arith.constant 0 : i32
    %c0_i32_0 = arith.constant 0 : i32
    %c0_i32_1 = arith.constant 0 : i32
    return %c0_i32, %c0_i32_0 : i32, i32
  }
  func.func @transform_3(%arg0: i32) -> (i32, i32) {
    %c0_i32 = arith.constant 0 : i32
    %c0_i32_0 = arith.constant 0 : i32
    return %arg0, %c0_i32 : i32, i32
  }
  func.func @transform_4(%arg0: i32) -> (i32, i32) {
    %c0_i32 = arith.constant 0 : i32
    %c0_i32_0 = arith.constant 0 : i32
    return %arg0, %c0_i32 : i32, i32
  }
  func.func @transform_5(%arg0: i32) -> (i32, i32) {
    %c0_i32 = arith.constant 0 : i32
    %c0_i32_0 = arith.constant 0 : i32
    return %arg0, %c0_i32 : i32, i32
  }
}

module attributes {stable_mosaic.version = 14 : i64} {
  func.func @body(%arg0: i32, %arg1: memref<2x1000x32xf32, #tpu.memory_space<vmem>>, %arg2: memref<1000x32xf32, #tpu.memory_space<vmem>>, %arg3: memref<1000x1xf32, #tpu.memory_space<vmem>>, %arg4: memref<1x32xf32, #tpu.memory_space<vmem>>, %arg5: memref<32x32xf32, #tpu.memory_space<vmem>>, %arg6: memref<1000x32xf32, #tpu.memory_space<vmem>>, %arg7: memref<1000x32xf32, #tpu.memory_space<vmem>>, %arg8: memref<1000x32xf32, #tpu.memory_space<vmem>>) attributes {dimension_semantics = [#tpu.dimension_semantics<arbitrary>], iteration_bounds = array<i64: 10>, scalar_prefetch = 0 : i64, scratch_operands = 0 : i64, tpu.core_type = #tpu.core_type<tc>, window_params = [{transform_indices = @transform_0, window_bounds = array<i64: 2, 1000, 32>}, {transform_indices = @transform_1, window_bounds = array<i64: 1000, 32>}, {transform_indices = @transform_2, window_bounds = array<i64: 1000, 1>}, {pipeline_mode = #tpu.pipeline_mode<synchronous>, transform_indices = @transform_3, window_bounds = array<i64: 1, 32>}, {pipeline_mode = #tpu.pipeline_mode<synchronous>, transform_indices = @transform_4, window_bounds = array<i64: 32, 32>}, {transform_indices = @transform_5, window_bounds = array<i64: 1000, 32>}, {transform_indices = @transform_6, window_bounds = array<i64: 1000, 32>}, {transform_indices = @transform_7, window_bounds = array<i64: 1000, 32>}]} {
    %get3A = arith.constant 0 : index
    %get3A_0 = arith.constant 0 : index
    %get3A_1 = vector.load %arg3[%get3A, %get3A_0] : memref<1000x1xf32, #tpu.memory_space<vmem>>, vector<1000x1xf32>
    %get3A_2 = arith.constant 0 : index
    %get3A_3 = arith.constant 0 : index
    %get3A_4 = arith.constant 0 : index
    %get3A_5 = vector.load %arg1[%get3A_2, %get3A_3, %get3A_4] : memref<2x1000x32xf32, #tpu.memory_space<vmem>>, vector<1x1000x32xf32>
    %get3A_6 = vector.shape_cast %get3A_5 : vector<1x1000x32xf32> to vector<1000x32xf32>
    %get3A_7 = arith.constant 1 : index
    %get3A_8 = arith.constant 0 : index
    %get3A_9 = arith.constant 0 : index
    %get3A_10 = vector.load %arg1[%get3A_7, %get3A_8, %get3A_9] : memref<2x1000x32xf32, #tpu.memory_space<vmem>>, vector<1x1000x32xf32>
    %get3A_11 = vector.shape_cast %get3A_10 : vector<1x1000x32xf32> to vector<1000x32xf32>
    %add3A = arith.addf %get3A_6, %get3A_11 : vector<1000x32xf32>
    %mul3A = vector.broadcast %get3A_1 : vector<1000x1xf32> to vector<1000x32xf32>
    %mul3A_12 = arith.mulf %mul3A, %add3A : vector<1000x32xf32>
    %mul3A_13 = arith.mulf %get3A_1, %get3A_1 : vector<1000x1xf32>
    %get3A_14 = arith.constant 0 : index
    %get3A_15 = arith.constant 0 : index
    %get3A_16 = vector.load %arg2[%get3A_14, %get3A_15] : memref<1000x32xf32, #tpu.memory_space<vmem>>, vector<1000x32xf32>
    %mul3A_17 = vector.broadcast %mul3A_13 : vector<1000x1xf32> to vector<1000x32xf32>
    %mul3A_18 = arith.mulf %mul3A_17, %get3A_16 : vector<1000x32xf32>
    %add3A_19 = arith.addf %mul3A_12, %mul3A_18 : vector<1000x32xf32>
    %get3A_20 = arith.constant 0 : index
    %get3A_21 = arith.constant 0 : index
    %get3A_22 = vector.load %arg4[%get3A_20, %get3A_21] : memref<1x32xf32, #tpu.memory_space<vmem>>, vector<1x32xf32>
    %add3A_23 = vector.broadcast %get3A_22 : vector<1x32xf32> to vector<1000x32xf32>
    %add3A_24 = arith.addf %add3A_19, %add3A_23 : vector<1000x32xf32>
    %max3A = arith.constant 0.000000e+00 : f32
    %max3A_25 = vector.broadcast %max3A : f32 to vector<1000x32xf32>
    %max3A_26 = arith.maximumf %add3A_24, %max3A_25 : vector<1000x32xf32>
    %get3A_27 = arith.constant 0 : index
    %get3A_28 = arith.constant 0 : index
    %get3A_29 = vector.load %arg5[%get3A_27, %get3A_28] : memref<32x32xf32, #tpu.memory_space<vmem>>, vector<32x32xf32>
    %dot_general3A = arith.constant dense<0.000000e+00> : vector<1000x32xf32>
    %dot_general3A_30 = tpu.matmul %max3A_26, %get3A_29, %dot_general3A {dimension_numbers = #tpu.dot_dimension_numbers<[1], [0], [0], [1], [0, 0, 1, 1], [], []>, transpose_lhs_hint = false} : vector<1000x32xf32>, vector<32x32xf32>, vector<1000x32xf32> -> vector<1000x32xf32>
    %swap3A = arith.constant 0 : index
    %swap3A_31 = arith.constant 0 : index
    %swap3A_32 = vector.load %arg6[%swap3A, %swap3A_31] : memref<1000x32xf32, #tpu.memory_space<vmem>>, vector<1000x32xf32>
    tpu.vector_store %arg6[%swap3A, %swap3A_31], %max3A_26 {strides = array<i32>} : memref<1000x32xf32, #tpu.memory_space<vmem>>, vector<1000x32xf32>,
    %swap3A_33 = arith.constant 0 : index
    %swap3A_34 = arith.constant 0 : index
    %swap3A_35 = vector.load %arg7[%swap3A_33, %swap3A_34] : memref<1000x32xf32, #tpu.memory_space<vmem>>, vector<1000x32xf32>
    tpu.vector_store %arg7[%swap3A_33, %swap3A_34], %dot_general3A_30 {strides = array<i32>} : memref<1000x32xf32, #tpu.memory_space<vmem>>, vector<1000x32xf32>,
    %mul3A_36 = vector.broadcast %get3A_1 : vector<1000x1xf32> to vector<1000x32xf32>
    %mul3A_37 = arith.mulf %dot_general3A_30, %mul3A_36 : vector<1000x32xf32>
    %swap3A_38 = arith.constant 0 : index
    %swap3A_39 = arith.constant 0 : index
    %swap3A_40 = vector.load %arg8[%swap3A_38, %swap3A_39] : memref<1000x32xf32, #tpu.memory_space<vmem>>, vector<1000x32xf32>
    tpu.vector_store %arg8[%swap3A_38, %swap3A_39], %mul3A_37 {strides = array<i32>} : memref<1000x32xf32, #tpu.memory_space<vmem>>, vector<1000x32xf32>,
    return
  }
  func.func @transform_0(%arg0: i32) -> (i32, i32, i32) {
    %c0_i32 = arith.constant 0 : i32
    %c0_i32_0 = arith.constant 0 : i32
    %c0_i32_1 = arith.constant 0 : i32
    return %c0_i32, %arg0, %c0_i32_0 : i32, i32, i32
  }
  func.func @transform_1(%arg0: i32) -> (i32, i32) {
    %c0_i32 = arith.constant 0 : i32
    %c0_i32_0 = arith.constant 0 : i32
    return %arg0, %c0_i32 : i32, i32
  }
  func.func @transform_2(%arg0: i32) -> (i32, i32) {
    %c0_i32 = arith.constant 0 : i32
    %c0_i32_0 = arith.constant 0 : i32
    return %arg0, %c0_i32 : i32, i32
  }
  func.func @transform_3(%arg0: i32) -> (i32, i32) {
    %c0_i32 = arith.constant 0 : i32
    %c0_i32_0 = arith.constant 0 : i32
    %c0_i32_1 = arith.constant 0 : i32
    return %c0_i32, %c0_i32_0 : i32, i32
  }
  func.func @transform_4(%arg0: i32) -> (i32, i32) {
    %c0_i32 = arith.constant 0 : i32
    %c0_i32_0 = arith.constant 0 : i32
    %c0_i32_1 = arith.constant 0 : i32
    return %c0_i32, %c0_i32_0 : i32, i32
  }
  func.func @transform_5(%arg0: i32) -> (i32, i32) {
    %c0_i32 = arith.constant 0 : i32
    %c0_i32_0 = arith.constant 0 : i32
    return %arg0, %c0_i32 : i32, i32
  }
  func.func @transform_6(%arg0: i32) -> (i32, i32) {
    %c0_i32 = arith.constant 0 : i32
    %c0_i32_0 = arith.constant 0 : i32
    return %arg0, %c0_i32 : i32, i32
  }
  func.func @transform_7(%arg0: i32) -> (i32, i32) {
    %c0_i32 = arith.constant 0 : i32
    %c0_i32_0 = arith.constant 0 : i32
    return %arg0, %c0_i32 : i32, i32
  }
}

module attributes {stable_mosaic.version = 14 : i64} {
  func.func @body(%arg0: i32, %arg1: memref<2x1000x32xf32, #tpu.memory_space<vmem>>, %arg2: memref<1000x32xf32, #tpu.memory_space<vmem>>, %arg3: memref<1000x1xf32, #tpu.memory_space<vmem>>, %arg4: memref<1x32xf32, #tpu.memory_space<vmem>>, %arg5: memref<1000x32xf32, #tpu.memory_space<vmem>>, %arg6: memref<1000x32xf32, #tpu.memory_space<vmem>>, %arg7: memref<96x64xf32, #tpu.memory_space<vmem>>, %arg8: memref<1x64xf32, #tpu.memory_space<vmem>>, %arg9: memref<1000x64xf32, #tpu.memory_space<vmem>>, %arg10: memref<2x1000x32xf32, #tpu.memory_space<vmem>>) attributes {dimension_semantics = [#tpu.dimension_semantics<arbitrary>], iteration_bounds = array<i64: 10>, scalar_prefetch = 0 : i64, scratch_operands = 0 : i64, tpu.core_type = #tpu.core_type<tc>, window_params = [{transform_indices = @transform_0, window_bounds = array<i64: 2, 1000, 32>}, {transform_indices = @transform_1, window_bounds = array<i64: 1000, 32>}, {transform_indices = @transform_2, window_bounds = array<i64: 1000, 1>}, {pipeline_mode = #tpu.pipeline_mode<synchronous>, transform_indices = @transform_3, window_bounds = array<i64: 1, 32>}, {transform_indices = @transform_4, window_bounds = array<i64: 1000, 32>}, {transform_indices = @transform_5, window_bounds = array<i64: 1000, 32>}, {pipeline_mode = #tpu.pipeline_mode<synchronous>, transform_indices = @transform_6, window_bounds = array<i64: 96, 64>}, {pipeline_mode = #tpu.pipeline_mode<synchronous>, transform_indices = @transform_7, window_bounds = array<i64: 1, 64>}, {transform_indices = @transform_8, window_bounds = array<i64: 1000, 64>}, {transform_indices = @transform_9, window_bounds = array<i64: 2, 1000, 32>}]} {
    %get3A = arith.constant 0 : index
    %get3A_0 = arith.constant 0 : index
    %get3A_1 = vector.load %arg3[%get3A, %get3A_0] : memref<1000x1xf32, #tpu.memory_space<vmem>>, vector<1000x1xf32>
    %get3A_2 = arith.constant 0 : index
    %get3A_3 = arith.constant 0 : index
    %get3A_4 = arith.constant 0 : index
    %get3A_5 = vector.load %arg1[%get3A_2, %get3A_3, %get3A_4] : memref<2x1000x32xf32, #tpu.memory_space<vmem>>, vector<1x1000x32xf32>
    %get3A_6 = vector.shape_cast %get3A_5 : vector<1x1000x32xf32> to vector<1000x32xf32>
    %get3A_7 = arith.constant 1 : index
    %get3A_8 = arith.constant 0 : index
    %get3A_9 = arith.constant 0 : index
    %get3A_10 = vector.load %arg1[%get3A_7, %get3A_8, %get3A_9] : memref<2x1000x32xf32, #tpu.memory_space<vmem>>, vector<1x1000x32xf32>
    %get3A_11 = vector.shape_cast %get3A_10 : vector<1x1000x32xf32> to vector<1000x32xf32>
    %add3A = arith.addf %get3A_6, %get3A_11 : vector<1000x32xf32>
    %mul3A = vector.broadcast %get3A_1 : vector<1000x1xf32> to vector<1000x32xf32>
    %mul3A_12 = arith.mulf %mul3A, %add3A : vector<1000x32xf32>
    %mul3A_13 = arith.mulf %get3A_1, %get3A_1 : vector<1000x1xf32>
    %get3A_14 = arith.constant 0 : index
    %get3A_15 = arith.constant 0 : index
    %get3A_16 = vector.load %arg2[%get3A_14, %get3A_15] : memref<1000x32xf32, #tpu.memory_space<vmem>>, vector<1000x32xf32>
    %mul3A_17 = vector.broadcast %mul3A_13 : vector<1000x1xf32> to vector<1000x32xf32>
    %mul3A_18 = arith.mulf %mul3A_17, %get3A_16 : vector<1000x32xf32>
    %add3A_19 = arith.addf %mul3A_12, %mul3A_18 : vector<1000x32xf32>
    %get3A_20 = arith.constant 0 : index
    %get3A_21 = arith.constant 0 : index
    %get3A_22 = vector.load %arg4[%get3A_20, %get3A_21] : memref<1x32xf32, #tpu.memory_space<vmem>>, vector<1x32xf32>
    %add3A_23 = vector.broadcast %get3A_22 : vector<1x32xf32> to vector<1000x32xf32>
    %add3A_24 = arith.addf %add3A_19, %add3A_23 : vector<1000x32xf32>
    %max3A = arith.constant 0.000000e+00 : f32
    %max3A_25 = vector.broadcast %max3A : f32 to vector<1000x32xf32>
    %max3A_26 = arith.maximumf %add3A_24, %max3A_25 : vector<1000x32xf32>
    %get3A_27 = arith.constant 0 : index
    %get3A_28 = arith.constant 0 : index
    %get3A_29 = vector.load %arg5[%get3A_27, %get3A_28] : memref<1000x32xf32, #tpu.memory_space<vmem>>, vector<1000x32xf32>
    %get3A_30 = arith.constant 0 : index
    %get3A_31 = arith.constant 0 : index
    %get3A_32 = vector.load %arg6[%get3A_30, %get3A_31] : memref<1000x32xf32, #tpu.memory_space<vmem>>, vector<1000x32xf32>
    %concatenate3A = tpu.concatenate %get3A_29, %get3A_32, %max3A_26 in 1 : vector<1000x32xf32>, vector<1000x32xf32>, vector<1000x32xf32> -> vector<1000x96xf32>
    %get3A_33 = arith.constant 0 : index
    %get3A_34 = arith.constant 0 : index
    %get3A_35 = vector.load %arg7[%get3A_33, %get3A_34] : memref<96x64xf32, #tpu.memory_space<vmem>>, vector<96x64xf32>
    %dot_general3A = arith.constant dense<0.000000e+00> : vector<1000x64xf32>
    %dot_general3A_36 = tpu.matmul %concatenate3A, %get3A_35, %dot_general3A {dimension_numbers = #tpu.dot_dimension_numbers<[1], [0], [0], [1], [0, 0, 1, 1], [], []>, transpose_lhs_hint = false} : vector<1000x96xf32>, vector<96x64xf32>, vector<1000x64xf32> -> vector<1000x64xf32>
    %get3A_37 = arith.constant 0 : index
    %get3A_38 = arith.constant 0 : index
    %get3A_39 = vector.load %arg8[%get3A_37, %get3A_38] : memref<1x64xf32, #tpu.memory_space<vmem>>, vector<1x64xf32>
    %add3A_40 = vector.broadcast %get3A_39 : vector<1x64xf32> to vector<1000x64xf32>
    %add3A_41 = arith.addf %dot_general3A_36, %add3A_40 : vector<1000x64xf32>
    %swap3A = arith.constant 0 : index
    %swap3A_42 = arith.constant 0 : index
    %swap3A_43 = vector.load %arg9[%swap3A, %swap3A_42] : memref<1000x64xf32, #tpu.memory_space<vmem>>, vector<1000x64xf32>
    tpu.vector_store %arg9[%swap3A, %swap3A_42], %add3A_41 {strides = array<i32>} : memref<1000x64xf32, #tpu.memory_space<vmem>>, vector<1000x64xf32>,
    %mul3A_44 = vector.broadcast %get3A_1 : vector<1000x1xf32> to vector<1000x64xf32>
    %mul3A_45 = arith.mulf %add3A_41, %mul3A_44 : vector<1000x64xf32>
    %slice3A = vector.extract_strided_slice %mul3A_45 {offsets = [0, 0], sizes = [1000, 32], strides = [1, 1]} : vector<1000x64xf32> to vector<1000x32xf32>
    %swap3A_46 = arith.constant 0 : index
    %swap3A_47 = arith.constant 0 : index
    %swap3A_48 = arith.constant 0 : index
    %swap3A_49 = vector.load %arg10[%swap3A_46, %swap3A_47, %swap3A_48] : memref<2x1000x32xf32, #tpu.memory_space<vmem>>, vector<1x1000x32xf32>
    %swap3A_50 = vector.shape_cast %swap3A_49 : vector<1x1000x32xf32> to vector<1000x32xf32>
    %swap3A_51 = vector.shape_cast %slice3A : vector<1000x32xf32> to vector<1x1000x32xf32>
    tpu.vector_store %arg10[%swap3A_46, %swap3A_47, %swap3A_48], %swap3A_51 {strides = array<i32>} : memref<2x1000x32xf32, #tpu.memory_space<vmem>>, vector<1x1000x32xf32>,
    %slice3A_52 = vector.extract_strided_slice %mul3A_45 {offsets = [0, 32], sizes = [1000, 32], strides = [1, 1]} : vector<1000x64xf32> to vector<1000x32xf32>
    %swap3A_53 = arith.constant 1 : index
    %swap3A_54 = arith.constant 0 : index
    %swap3A_55 = arith.constant 0 : index
    %swap3A_56 = vector.load %arg10[%swap3A_53, %swap3A_54, %swap3A_55] : memref<2x1000x32xf32, #tpu.memory_space<vmem>>, vector<1x1000x32xf32>
    %swap3A_57 = vector.shape_cast %swap3A_56 : vector<1x1000x32xf32> to vector<1000x32xf32>
    %swap3A_58 = vector.shape_cast %slice3A_52 : vector<1000x32xf32> to vector<1x1000x32xf32>
    tpu.vector_store %arg10[%swap3A_53, %swap3A_54, %swap3A_55], %swap3A_58 {strides = array<i32>} : memref<2x1000x32xf32, #tpu.memory_space<vmem>>, vector<1x1000x32xf32>,
    return
  }
  func.func @transform_0(%arg0: i32) -> (i32, i32, i32) {
    %c0_i32 = arith.constant 0 : i32
    %c0_i32_0 = arith.constant 0 : i32
    %c0_i32_1 = arith.constant 0 : i32
    return %c0_i32, %arg0, %c0_i32_0 : i32, i32, i32
  }
  func.func @transform_1(%arg0: i32) -> (i32, i32) {
    %c0_i32 = arith.constant 0 : i32
    %c0_i32_0 = arith.constant 0 : i32
    return %arg0, %c0_i32 : i32, i32
  }
  func.func @transform_2(%arg0: i32) -> (i32, i32) {
    %c0_i32 = arith.constant 0 : i32
    %c0_i32_0 = arith.constant 0 : i32
    return %arg0, %c0_i32 : i32, i32
  }
  func.func @transform_3(%arg0: i32) -> (i32, i32) {
    %c0_i32 = arith.constant 0 : i32
    %c0_i32_0 = arith.constant 0 : i32
    %c0_i32_1 = arith.constant 0 : i32
    return %c0_i32, %c0_i32_0 : i32, i32
  }
  func.func @transform_4(%arg0: i32) -> (i32, i32) {
    %c0_i32 = arith.constant 0 : i32
    %c0_i32_0 = arith.constant 0 : i32
    return %arg0, %c0_i32 : i32, i32
  }
  func.func @transform_5(%arg0: i32) -> (i32, i32) {
    %c0_i32 = arith.constant 0 : i32
    %c0_i32_0 = arith.constant 0 : i32
    return %arg0, %c0_i32 : i32, i32
  }
  func.func @transform_6(%arg0: i32) -> (i32, i32) {
    %c0_i32 = arith.constant 0 : i32
    %c0_i32_0 = arith.constant 0 : i32
    %c0_i32_1 = arith.constant 0 : i32
    return %c0_i32, %c0_i32_0 : i32, i32
  }
  func.func @transform_7(%arg0: i32) -> (i32, i32) {
    %c0_i32 = arith.constant 0 : i32
    %c0_i32_0 = arith.constant 0 : i32
    %c0_i32_1 = arith.constant 0 : i32
    return %c0_i32, %c0_i32_0 : i32, i32
  }
  func.func @transform_8(%arg0: i32) -> (i32, i32) {
    %c0_i32 = arith.constant 0 : i32
    %c0_i32_0 = arith.constant 0 : i32
    return %arg0, %c0_i32 : i32, i32
  }
  func.func @transform_9(%arg0: i32) -> (i32, i32, i32) {
    %c0_i32 = arith.constant 0 : i32
    %c0_i32_0 = arith.constant 0 : i32
    %c0_i32_1 = arith.constant 0 : i32
    return %c0_i32, %arg0, %c0_i32_0 : i32, i32, i32
  }
}

module attributes {stable_mosaic.version = 14 : i64} {
  func.func @body(%arg0: i32, %arg1: memref<2x1000x32xf32, #tpu.memory_space<vmem>>, %arg2: memref<1000x64xf32, #tpu.memory_space<vmem>>, %arg3: memref<1000x1xf32, #tpu.memory_space<vmem>>, %arg4: memref<64x64xf32, #tpu.memory_space<vmem>>, %arg5: memref<1x64xf32, #tpu.memory_space<vmem>>, %arg6: memref<64x64xf32, #tpu.memory_space<vmem>>, %arg7: memref<1x64xf32, #tpu.memory_space<vmem>>, %arg8: memref<1000x64xf32, #tpu.memory_space<vmem>>, %arg9: memref<1000x64xf32, #tpu.memory_space<vmem>>) attributes {dimension_semantics = [#tpu.dimension_semantics<arbitrary>], iteration_bounds = array<i64: 10>, scalar_prefetch = 0 : i64, scratch_operands = 0 : i64, tpu.core_type = #tpu.core_type<tc>, window_params = [{transform_indices = @transform_0, window_bounds = array<i64: 2, 1000, 32>}, {transform_indices = @transform_1, window_bounds = array<i64: 1000, 64>}, {transform_indices = @transform_2, window_bounds = array<i64: 1000, 1>}, {pipeline_mode = #tpu.pipeline_mode<synchronous>, transform_indices = @transform_3, window_bounds = array<i64: 64, 64>}, {pipeline_mode = #tpu.pipeline_mode<synchronous>, transform_indices = @transform_4, window_bounds = array<i64: 1, 64>}, {pipeline_mode = #tpu.pipeline_mode<synchronous>, transform_indices = @transform_5, window_bounds = array<i64: 64, 64>}, {pipeline_mode = #tpu.pipeline_mode<synchronous>, transform_indices = @transform_6, window_bounds = array<i64: 1, 64>}, {transform_indices = @transform_7, window_bounds = array<i64: 1000, 64>}, {transform_indices = @transform_8, window_bounds = array<i64: 1000, 64>}]} {
    %get3A = arith.constant 0 : index
    %get3A_0 = arith.constant 0 : index
    %get3A_1 = vector.load %arg3[%get3A, %get3A_0] : memref<1000x1xf32, #tpu.memory_space<vmem>>, vector<1000x1xf32>
    %get3A_2 = arith.constant 0 : index
    %get3A_3 = arith.constant 0 : index
    %get3A_4 = arith.constant 0 : index
    %get3A_5 = vector.load %arg1[%get3A_2, %get3A_3, %get3A_4] : memref<2x1000x32xf32, #tpu.memory_space<vmem>>, vector<1x1000x32xf32>
    %get3A_6 = vector.shape_cast %get3A_5 : vector<1x1000x32xf32> to vector<1000x32xf32>
    %get3A_7 = arith.constant 1 : index
    %get3A_8 = arith.constant 0 : index
    %get3A_9 = arith.constant 0 : index
    %get3A_10 = vector.load %arg1[%get3A_7, %get3A_8, %get3A_9] : memref<2x1000x32xf32, #tpu.memory_space<vmem>>, vector<1x1000x32xf32>
    %get3A_11 = vector.shape_cast %get3A_10 : vector<1x1000x32xf32> to vector<1000x32xf32>
    %concatenate3A = tpu.concatenate %get3A_6, %get3A_11 in 1 : vector<1000x32xf32>, vector<1000x32xf32> -> vector<1000x64xf32>
    %mul3A = vector.broadcast %get3A_1 : vector<1000x1xf32> to vector<1000x64xf32>
    %mul3A_12 = arith.mulf %mul3A, %concatenate3A : vector<1000x64xf32>
    %mul3A_13 = arith.mulf %get3A_1, %get3A_1 : vector<1000x1xf32>
    %get3A_14 = arith.constant 0 : index
    %get3A_15 = arith.constant 0 : index
    %get3A_16 = vector.load %arg2[%get3A_14, %get3A_15] : memref<1000x64xf32, #tpu.memory_space<vmem>>, vector<1000x64xf32>
    %mul3A_17 = vector.broadcast %mul3A_13 : vector<1000x1xf32> to vector<1000x64xf32>
    %mul3A_18 = arith.mulf %mul3A_17, %get3A_16 : vector<1000x64xf32>
    %add3A = arith.addf %mul3A_12, %mul3A_18 : vector<1000x64xf32>
    %get3A_19 = arith.constant 0 : index
    %get3A_20 = arith.constant 0 : index
    %get3A_21 = vector.load %arg4[%get3A_19, %get3A_20] : memref<64x64xf32, #tpu.memory_space<vmem>>, vector<64x64xf32>
    %dot_general3A = arith.constant dense<0.000000e+00> : vector<1000x64xf32>
    %dot_general3A_22 = tpu.matmul %add3A, %get3A_21, %dot_general3A {dimension_numbers = #tpu.dot_dimension_numbers<[1], [0], [0], [1], [0, 0, 1, 1], [], []>, transpose_lhs_hint = false} : vector<1000x64xf32>, vector<64x64xf32>, vector<1000x64xf32> -> vector<1000x64xf32>
    %get3A_23 = arith.constant 0 : index
    %get3A_24 = arith.constant 0 : index
    %get3A_25 = vector.load %arg5[%get3A_23, %get3A_24] : memref<1x64xf32, #tpu.memory_space<vmem>>, vector<1x64xf32>
    %add3A_26 = vector.broadcast %get3A_25 : vector<1x64xf32> to vector<1000x64xf32>
    %add3A_27 = arith.addf %dot_general3A_22, %add3A_26 : vector<1000x64xf32>
    %swap3A = arith.constant 0 : index
    %swap3A_28 = arith.constant 0 : index
    %swap3A_29 = vector.load %arg8[%swap3A, %swap3A_28] : memref<1000x64xf32, #tpu.memory_space<vmem>>, vector<1000x64xf32>
    tpu.vector_store %arg8[%swap3A, %swap3A_28], %add3A_27 {strides = array<i32>} : memref<1000x64xf32, #tpu.memory_space<vmem>>, vector<1000x64xf32>,
    %get3A_30 = arith.constant 0 : index
    %get3A_31 = arith.constant 0 : index
    %get3A_32 = vector.load %arg6[%get3A_30, %get3A_31] : memref<64x64xf32, #tpu.memory_space<vmem>>, vector<64x64xf32>
    %dot_general3A_33 = arith.constant dense<0.000000e+00> : vector<1000x64xf32>
    %dot_general3A_34 = tpu.matmul %add3A, %get3A_32, %dot_general3A_33 {dimension_numbers = #tpu.dot_dimension_numbers<[1], [0], [0], [1], [0, 0, 1, 1], [], []>, transpose_lhs_hint = false} : vector<1000x64xf32>, vector<64x64xf32>, vector<1000x64xf32> -> vector<1000x64xf32>
    %get3A_35 = arith.constant 0 : index
    %get3A_36 = arith.constant 0 : index
    %get3A_37 = vector.load %arg7[%get3A_35, %get3A_36] : memref<1x64xf32, #tpu.memory_space<vmem>>, vector<1x64xf32>
    %add3A_38 = vector.broadcast %get3A_37 : vector<1x64xf32> to vector<1000x64xf32>
    %add3A_39 = arith.addf %dot_general3A_34, %add3A_38 : vector<1000x64xf32>
    %swap3A_40 = arith.constant 0 : index
    %swap3A_41 = arith.constant 0 : index
    %swap3A_42 = vector.load %arg9[%swap3A_40, %swap3A_41] : memref<1000x64xf32, #tpu.memory_space<vmem>>, vector<1000x64xf32>
    tpu.vector_store %arg9[%swap3A_40, %swap3A_41], %add3A_39 {strides = array<i32>} : memref<1000x64xf32, #tpu.memory_space<vmem>>, vector<1000x64xf32>,
    return
  }
  func.func @transform_0(%arg0: i32) -> (i32, i32, i32) {
    %c0_i32 = arith.constant 0 : i32
    %c0_i32_0 = arith.constant 0 : i32
    %c0_i32_1 = arith.constant 0 : i32
    return %c0_i32, %arg0, %c0_i32_0 : i32, i32, i32
  }
  func.func @transform_1(%arg0: i32) -> (i32, i32) {
    %c0_i32 = arith.constant 0 : i32
    %c0_i32_0 = arith.constant 0 : i32
    return %arg0, %c0_i32 : i32, i32
  }
  func.func @transform_2(%arg0: i32) -> (i32, i32) {
    %c0_i32 = arith.constant 0 : i32
    %c0_i32_0 = arith.constant 0 : i32
    return %arg0, %c0_i32 : i32, i32
  }
  func.func @transform_3(%arg0: i32) -> (i32, i32) {
    %c0_i32 = arith.constant 0 : i32
    %c0_i32_0 = arith.constant 0 : i32
    %c0_i32_1 = arith.constant 0 : i32
    return %c0_i32, %c0_i32_0 : i32, i32
  }
  func.func @transform_4(%arg0: i32) -> (i32, i32) {
    %c0_i32 = arith.constant 0 : i32
    %c0_i32_0 = arith.constant 0 : i32
    %c0_i32_1 = arith.constant 0 : i32
    return %c0_i32, %c0_i32_0 : i32, i32
  }
  func.func @transform_5(%arg0: i32) -> (i32, i32) {
    %c0_i32 = arith.constant 0 : i32
    %c0_i32_0 = arith.constant 0 : i32
    %c0_i32_1 = arith.constant 0 : i32
    return %c0_i32, %c0_i32_0 : i32, i32
  }
  func.func @transform_6(%arg0: i32) -> (i32, i32) {
    %c0_i32 = arith.constant 0 : i32
    %c0_i32_0 = arith.constant 0 : i32
    %c0_i32_1 = arith.constant 0 : i32
    return %c0_i32, %c0_i32_0 : i32, i32
  }
  func.func @transform_7(%arg0: i32) -> (i32, i32) {
    %c0_i32 = arith.constant 0 : i32
    %c0_i32_0 = arith.constant 0 : i32
    return %arg0, %c0_i32 : i32, i32
  }
  func.func @transform_8(%arg0: i32) -> (i32, i32) {
    %c0_i32 = arith.constant 0 : i32
    %c0_i32_0 = arith.constant 0 : i32
    return %arg0, %c0_i32 : i32, i32
  }
}

module attributes {stable_mosaic.version = 14 : i64} {
  func.func @body(%arg0: i32, %arg1: memref<101xi32, #tpu.memory_space<smem>>, %arg2: memref<10512x64xf32, #tpu.memory_space<vmem>>, %arg3: memref<10512x64xf32, #tpu.memory_space<vmem>>, %arg4: memref<25x64xf32, #tpu.memory_space<vmem>>, %arg5: memref<1x64xf32, #tpu.memory_space<vmem>>, %arg6: memref<64x64xf32, #tpu.memory_space<vmem>>, %arg7: memref<1x64xf32, #tpu.memory_space<vmem>>, %arg8: memref<64x64xf32, #tpu.memory_space<vmem>>, %arg9: memref<1x64xf32, #tpu.memory_space<vmem>>, %arg10: memref<64x64xf32, #tpu.memory_space<vmem>>, %arg11: memref<1x64xf32, #tpu.memory_space<vmem>>, %arg12: memref<64x64xf32, #tpu.memory_space<vmem>>, %arg13: memref<1x64xf32, #tpu.memory_space<vmem>>, %arg14: memref<64x64xf32, #tpu.memory_space<vmem>>, %arg15: memref<1x64xf32, #tpu.memory_space<vmem>>, %arg16: memref<64x64xf32, #tpu.memory_space<vmem>>, %arg17: memref<1x64xf32, #tpu.memory_space<vmem>>, %arg18: memref<64x64xf32, #tpu.memory_space<vmem>>, %arg19: memref<1x64xf32, #tpu.memory_space<vmem>>, %arg20: memref<64x64xf32, #tpu.memory_space<vmem>>, %arg21: memref<1x64xf32, #tpu.memory_space<vmem>>, %arg22: memref<64x64xf32, #tpu.memory_space<vmem>>, %arg23: memref<1x64xf32, #tpu.memory_space<vmem>>, %arg24: memref<64x64xf32, #tpu.memory_space<vmem>>, %arg25: memref<1x64xf32, #tpu.memory_space<vmem>>, %arg26: memref<64x32xf32, #tpu.memory_space<vmem>>, %arg27: memref<1x32xf32, #tpu.memory_space<vmem>>, %arg28: memref<32x16xf32, #tpu.memory_space<vmem>>, %arg29: memref<1x16xf32, #tpu.memory_space<vmem>>, %arg30: memref<16x128xf32, #tpu.memory_space<vmem>>, %arg31: memref<1x128xf32, #tpu.memory_space<vmem>>, %arg32: memref<100x128xf32, #tpu.memory_space<vmem>>) attributes {dimension_semantics = [#tpu.dimension_semantics<arbitrary>], iteration_bounds = array<i64: 100>, scalar_prefetch = 1 : i64, scratch_operands = 0 : i64, tpu.core_type = #tpu.core_type<tc>, window_params = [{pipeline_mode = #tpu.pipeline_mode<synchronous>, transform_indices = @transform_0, window_bounds = array<i64: 10512, 64>}, {pipeline_mode = #tpu.pipeline_mode<synchronous>, transform_indices = @transform_1, window_bounds = array<i64: 10512, 64>}, {pipeline_mode = #tpu.pipeline_mode<synchronous>, transform_indices = @transform_2, window_bounds = array<i64: 25, 64>}, {pipeline_mode = #tpu.pipeline_mode<synchronous>, transform_indices = @transform_3, window_bounds = array<i64: 1, 64>}, {pipeline_mode = #tpu.pipeline_mode<synchronous>, transform_indices = @transform_4, window_bounds = array<i64: 64, 64>}, {pipeline_mode = #tpu.pipeline_mode<synchronous>, transform_indices = @transform_5, window_bounds = array<i64: 1, 64>}, {pipeline_mode = #tpu.pipeline_mode<synchronous>, transform_indices = @transform_6, window_bounds = array<i64: 64, 64>}, {pipeline_mode = #tpu.pipeline_mode<synchronous>, transform_indices = @transform_7, window_bounds = array<i64: 1, 64>}, {pipeline_mode = #tpu.pipeline_mode<synchronous>, transform_indices = @transform_8, window_bounds = array<i64: 64, 64>}, {pipeline_mode = #tpu.pipeline_mode<synchronous>, transform_indices = @transform_9, window_bounds = array<i64: 1, 64>}, {pipeline_mode = #tpu.pipeline_mode<synchronous>, transform_indices = @transform_10, window_bounds = array<i64: 64, 64>}, {pipeline_mode = #tpu.pipeline_mode<synchronous>, transform_indices = @transform_11, window_bounds = array<i64: 1, 64>}, {pipeline_mode = #tpu.pipeline_mode<synchronous>, transform_indices = @transform_12, window_bounds = array<i64: 64, 64>}, {pipeline_mode = #tpu.pipeline_mode<synchronous>, transform_indices = @transform_13, window_bounds = array<i64: 1, 64>}, {pipeline_mode = #tpu.pipeline_mode<synchronous>, transform_indices = @transform_14, window_bounds = array<i64: 64, 64>}, {pipeline_mode = #tpu.pipeline_mode<synchronous>, transform_indices = @transform_15, window_bounds = array<i64: 1, 64>}, {pipeline_mode = #tpu.pipeline_mode<synchronous>, transform_indices = @transform_16, window_bounds = array<i64: 64, 64>}, {pipeline_mode = #tpu.pipeline_mode<synchronous>, transform_indices = @transform_17, window_bounds = array<i64: 1, 64>}, {pipeline_mode = #tpu.pipeline_mode<synchronous>, transform_indices = @transform_18, window_bounds = array<i64: 64, 64>}, {pipeline_mode = #tpu.pipeline_mode<synchronous>, transform_indices = @transform_19, window_bounds = array<i64: 1, 64>}, {pipeline_mode = #tpu.pipeline_mode<synchronous>, transform_indices = @transform_20, window_bounds = array<i64: 64, 64>}, {pipeline_mode = #tpu.pipeline_mode<synchronous>, transform_indices = @transform_21, window_bounds = array<i64: 1, 64>}, {pipeline_mode = #tpu.pipeline_mode<synchronous>, transform_indices = @transform_22, window_bounds = array<i64: 64, 64>}, {pipeline_mode = #tpu.pipeline_mode<synchronous>, transform_indices = @transform_23, window_bounds = array<i64: 1, 64>}, {pipeline_mode = #tpu.pipeline_mode<synchronous>, transform_indices = @transform_24, window_bounds = array<i64: 64, 32>}, {pipeline_mode = #tpu.pipeline_mode<synchronous>, transform_indices = @transform_25, window_bounds = array<i64: 1, 32>}, {pipeline_mode = #tpu.pipeline_mode<synchronous>, transform_indices = @transform_26, window_bounds = array<i64: 32, 16>}, {pipeline_mode = #tpu.pipeline_mode<synchronous>, transform_indices = @transform_27, window_bounds = array<i64: 1, 16>}, {pipeline_mode = #tpu.pipeline_mode<synchronous>, transform_indices = @transform_28, window_bounds = array<i64: 16, 128>}, {pipeline_mode = #tpu.pipeline_mode<synchronous>, transform_indices = @transform_29, window_bounds = array<i64: 1, 128>}, {pipeline_mode = #tpu.pipeline_mode<synchronous>, transform_indices = @transform_30, window_bounds = array<i64: 100, 128>}]} {
    %get3A = arith.constant 0 : index
    %get3A_0 = arith.constant 0 : index
    %get3A_1 = vector.load %arg6[%get3A, %get3A_0] : memref<64x64xf32, #tpu.memory_space<vmem>>, vector<64x64xf32>
    %get3A_2 = arith.constant 0 : index
    %get3A_3 = arith.constant 0 : index
    %get3A_4 = vector.load %arg7[%get3A_2, %get3A_3] : memref<1x64xf32, #tpu.memory_space<vmem>>, vector<1x64xf32>
    %get3A_5 = arith.constant 0 : index
    %get3A_6 = arith.constant 0 : index
    %get3A_7 = vector.load %arg8[%get3A_5, %get3A_6] : memref<64x64xf32, #tpu.memory_space<vmem>>, vector<64x64xf32>
    %get3A_8 = arith.constant 0 : index
    %get3A_9 = arith.constant 0 : index
    %get3A_10 = vector.load %arg9[%get3A_8, %get3A_9] : memref<1x64xf32, #tpu.memory_space<vmem>>, vector<1x64xf32>
    %get3A_11 = arith.constant 0 : index
    %get3A_12 = arith.constant 0 : index
    %get3A_13 = vector.load %arg10[%get3A_11, %get3A_12] : memref<64x64xf32, #tpu.memory_space<vmem>>, vector<64x64xf32>
    %get3A_14 = arith.constant 0 : index
    %get3A_15 = arith.constant 0 : index
    %get3A_16 = vector.load %arg11[%get3A_14, %get3A_15] : memref<1x64xf32, #tpu.memory_space<vmem>>, vector<1x64xf32>
    %get3A_17 = arith.constant 0 : index
    %get3A_18 = arith.constant 0 : index
    %get3A_19 = vector.load %arg12[%get3A_17, %get3A_18] : memref<64x64xf32, #tpu.memory_space<vmem>>, vector<64x64xf32>
    %get3A_20 = arith.constant 0 : index
    %get3A_21 = arith.constant 0 : index
    %get3A_22 = vector.load %arg13[%get3A_20, %get3A_21] : memref<1x64xf32, #tpu.memory_space<vmem>>, vector<1x64xf32>
    %get3A_23 = arith.constant 0 : index
    %get3A_24 = arith.constant 0 : index
    %get3A_25 = vector.load %arg14[%get3A_23, %get3A_24] : memref<64x64xf32, #tpu.memory_space<vmem>>, vector<64x64xf32>
    %get3A_26 = arith.constant 0 : index
    %get3A_27 = arith.constant 0 : index
    %get3A_28 = vector.load %arg15[%get3A_26, %get3A_27] : memref<1x64xf32, #tpu.memory_space<vmem>>, vector<1x64xf32>
    %get3A_29 = arith.constant 0 : index
    %get3A_30 = arith.constant 0 : index
    %get3A_31 = vector.load %arg16[%get3A_29, %get3A_30] : memref<64x64xf32, #tpu.memory_space<vmem>>, vector<64x64xf32>
    %get3A_32 = arith.constant 0 : index
    %get3A_33 = arith.constant 0 : index
    %get3A_34 = vector.load %arg17[%get3A_32, %get3A_33] : memref<1x64xf32, #tpu.memory_space<vmem>>, vector<1x64xf32>
    %get3A_35 = arith.constant 0 : index
    %get3A_36 = arith.constant 0 : index
    %get3A_37 = vector.load %arg18[%get3A_35, %get3A_36] : memref<64x64xf32, #tpu.memory_space<vmem>>, vector<64x64xf32>
    %get3A_38 = arith.constant 0 : index
    %get3A_39 = arith.constant 0 : index
    %get3A_40 = vector.load %arg19[%get3A_38, %get3A_39] : memref<1x64xf32, #tpu.memory_space<vmem>>, vector<1x64xf32>
    %get3A_41 = arith.constant 0 : index
    %get3A_42 = arith.constant 0 : index
    %get3A_43 = vector.load %arg20[%get3A_41, %get3A_42] : memref<64x64xf32, #tpu.memory_space<vmem>>, vector<64x64xf32>
    %get3A_44 = arith.constant 0 : index
    %get3A_45 = arith.constant 0 : index
    %get3A_46 = vector.load %arg21[%get3A_44, %get3A_45] : memref<1x64xf32, #tpu.memory_space<vmem>>, vector<1x64xf32>
    %get3A_47 = arith.constant 0 : index
    %get3A_48 = arith.constant 0 : index
    %get3A_49 = vector.load %arg22[%get3A_47, %get3A_48] : memref<64x64xf32, #tpu.memory_space<vmem>>, vector<64x64xf32>
    %get3A_50 = arith.constant 0 : index
    %get3A_51 = arith.constant 0 : index
    %get3A_52 = vector.load %arg23[%get3A_50, %get3A_51] : memref<1x64xf32, #tpu.memory_space<vmem>>, vector<1x64xf32>
    %get3A_53 = arith.constant 0 : index
    %get3A_54 = arith.constant 0 : index
    %get3A_55 = vector.load %arg24[%get3A_53, %get3A_54] : memref<64x64xf32, #tpu.memory_space<vmem>>, vector<64x64xf32>
    %get3A_56 = arith.constant 0 : index
    %get3A_57 = arith.constant 0 : index
    %get3A_58 = vector.load %arg25[%get3A_56, %get3A_57] : memref<1x64xf32, #tpu.memory_space<vmem>>, vector<1x64xf32>
    %get3A_59 = arith.constant 0 : index
    %get3A_60 = arith.constant 0 : index
    %get3A_61 = vector.load %arg26[%get3A_59, %get3A_60] : memref<64x32xf32, #tpu.memory_space<vmem>>, vector<64x32xf32>
    %get3A_62 = arith.constant 0 : index
    %get3A_63 = arith.constant 0 : index
    %get3A_64 = vector.load %arg27[%get3A_62, %get3A_63] : memref<1x32xf32, #tpu.memory_space<vmem>>, vector<1x32xf32>
    %get3A_65 = arith.constant 0 : index
    %get3A_66 = arith.constant 0 : index
    %get3A_67 = vector.load %arg28[%get3A_65, %get3A_66] : memref<32x16xf32, #tpu.memory_space<vmem>>, vector<32x16xf32>
    %get3A_68 = arith.constant 0 : index
    %get3A_69 = arith.constant 0 : index
    %get3A_70 = vector.load %arg29[%get3A_68, %get3A_69] : memref<1x16xf32, #tpu.memory_space<vmem>>, vector<1x16xf32>
    %get3A_71 = arith.index_cast %arg0 : i32 to index
    %get3A_72 = memref.load %arg1[%get3A_71] : memref<101xi32, #tpu.memory_space<smem>>
    %add3A = arith.constant 1 : i32
    %add3A_73 = arith.addi %arg0, %add3A : i32
    %get3A_74 = arith.index_cast %add3A_73 : i32 to index
    %get3A_75 = memref.load %arg1[%get3A_74] : memref<101xi32, #tpu.memory_space<smem>>
    %sub3A = arith.subi %get3A_75, %get3A_72 : i32
    %get3A_76 = arith.constant 0 : index
    %get3A_77 = arith.constant 0 : index
    %get3A_78 = vector.load %arg4[%get3A_76, %get3A_77] : memref<25x64xf32, #tpu.memory_space<vmem>>, vector<25x64xf32>
    %dot_general3A = arith.constant dense<0.000000e+00> : vector<25x64xf32>
    %dot_general3A_79 = tpu.matmul %get3A_78, %get3A_1, %dot_general3A {dimension_numbers = #tpu.dot_dimension_numbers<[1], [0], [0], [1], [0, 0, 1, 1], [], []>, transpose_lhs_hint = false} : vector<25x64xf32>, vector<64x64xf32>, vector<25x64xf32> -> vector<25x64xf32>
    %add3A_80 = vector.broadcast %get3A_4 : vector<1x64xf32> to vector<25x64xf32>
    %add3A_81 = arith.addf %dot_general3A_79, %add3A_80 : vector<25x64xf32>
    %slice3A = vector.extract_strided_slice %add3A_81 {offsets = [0, 0], sizes = [25, 16], strides = [1, 1]} : vector<25x64xf32> to vector<25x16xf32>
    %mul3A = arith.constant 1.250000e-01 : f32
    %mul3A_82 = vector.broadcast %mul3A : f32 to vector<25x16xf32>
    %mul3A_83 = arith.mulf %slice3A, %mul3A_82 : vector<25x16xf32>
    %broadcast_in_dim3A = arith.constant -1.000000e+30 : f32
    %broadcast_in_dim3A_84 = vector.broadcast %broadcast_in_dim3A : f32 to vector<25x1xf32>
    %broadcast_in_dim3A_85 = arith.constant 0.000000e+00 : f32
    %broadcast_in_dim3A_86 = vector.broadcast %broadcast_in_dim3A_85 : f32 to vector<25x1xf32>
    %broadcast_in_dim3A_87 = arith.constant 0.000000e+00 : f32
    %broadcast_in_dim3A_88 = vector.broadcast %broadcast_in_dim3A_87 : f32 to vector<25x16xf32>
    %add3A_89 = arith.constant 0 : i32
    %add3A_90 = arith.addi %get3A_72, %add3A_89 : i32
    %get3A_91 = arith.index_cast %add3A_90 : i32 to index
    %get3A_92 = arith.constant 0 : index
    %get3A_93 = vector.load %arg2[%get3A_91, %get3A_92] : memref<10512x64xf32, #tpu.memory_space<vmem>>, vector<512x16xf32>
    %get3A_94 = arith.index_cast %add3A_90 : i32 to index
    %get3A_95 = arith.constant 0 : index
    %get3A_96 = vector.load %arg3[%get3A_94, %get3A_95] : memref<10512x64xf32, #tpu.memory_space<vmem>>, vector<512x16xf32>
    %dot_general3A_97 = arith.constant dense<0.000000e+00> : vector<25x512xf32>
    %dot_general3A_98 = tpu.matmul %mul3A_83, %get3A_93, %dot_general3A_97 {dimension_numbers = #tpu.dot_dimension_numbers<[1], [1], [0], [0], [0, 0, 1, 0], [], []>, transpose_lhs_hint = false} : vector<25x16xf32>, vector<512x16xf32>, vector<25x512xf32> -> vector<25x512xf32>
    %iota3A = tpu.iota {dimensions = array<i32: 1>} : vector<1x512xi32>
    %add3A_99 = arith.constant 0 : i32
    %add3A_100 = vector.broadcast %add3A_99 : i32 to vector<1x512xi32>
    %add3A_101 = arith.addi %add3A_100, %iota3A : vector<1x512xi32>
    %lt3A = vector.broadcast %sub3A : i32 to vector<1x512xi32>
    %lt3A_102 = arith.cmpi slt, %add3A_101, %lt3A : vector<1x512xi32>
    %jit3A = arith.constant -1.000000e+30 : f32
    %broadcast_in_dim3A_103 = vector.shape_cast %lt3A_102 : vector<1x512xi1> to vector<1x512xi1>
    %broadcast_in_dim3A_104 = vector.broadcast %broadcast_in_dim3A_103 : vector<1x512xi1> to vector<25x512xi1>
    %broadcast_in_dim3A_105 = vector.broadcast %jit3A : f32 to vector<25x512xf32>
    %select_n3A = arith.select %broadcast_in_dim3A_104, %dot_general3A_98, %broadcast_in_dim3A_105 : vector<25x512xi1>, vector<25x512xf32>
    %reduce_max3A = arith.constant dense<0xFF800000> : vector<25xf32>
    %reduce_max3A_106 = vector.multi_reduction <maximumf>, %select_n3A, %reduce_max3A [1] : vector<25x512xf32> to vector<25xf32>
    %broadcast_in_dim3A_107 = vector.shape_cast %reduce_max3A_106 : vector<25xf32> to vector<25x1xf32>
    %max3A = arith.maximumf %broadcast_in_dim3A_84, %broadcast_in_dim3A_107 : vector<25x1xf32>
    %sub3A_108 = arith.subf %broadcast_in_dim3A_84, %max3A : vector<25x1xf32>
    %exp3A = math.exp %sub3A_108 : vector<25x1xf32>
    %sub3A_109 = vector.broadcast %max3A : vector<25x1xf32> to vector<25x512xf32>
    %sub3A_110 = arith.subf %select_n3A, %sub3A_109 : vector<25x512xf32>
    %exp3A_111 = math.exp %sub3A_110 : vector<25x512xf32>
    %jit3A_112 = arith.constant 0.000000e+00 : f32
    %broadcast_in_dim3A_113 = vector.shape_cast %lt3A_102 : vector<1x512xi1> to vector<1x512xi1>
    %broadcast_in_dim3A_114 = vector.broadcast %broadcast_in_dim3A_113 : vector<1x512xi1> to vector<25x512xi1>
    %broadcast_in_dim3A_115 = vector.broadcast %jit3A_112 : f32 to vector<25x512xf32>
    %select_n3A_116 = arith.select %broadcast_in_dim3A_114, %exp3A_111, %broadcast_in_dim3A_115 : vector<25x512xi1>, vector<25x512xf32>
    %mul3A_117 = arith.mulf %broadcast_in_dim3A_86, %exp3A : vector<25x1xf32>
    %reduce_sum3A = arith.constant dense<0.000000e+00> : vector<25xf32>
    %reduce_sum3A_118 = vector.multi_reduction <add>, %select_n3A_116, %reduce_sum3A [1] : vector<25x512xf32> to vector<25xf32>
    %broadcast_in_dim3A_119 = vector.shape_cast %reduce_sum3A_118 : vector<25xf32> to vector<25x1xf32>
    %add3A_120 = arith.addf %mul3A_117, %broadcast_in_dim3A_119 : vector<25x1xf32>
    %mul3A_121 = vector.broadcast %exp3A : vector<25x1xf32> to vector<25x16xf32>
    %mul3A_122 = arith.mulf %broadcast_in_dim3A_88, %mul3A_121 : vector<25x16xf32>
    %dot_general3A_123 = arith.constant dense<0.000000e+00> : vector<25x16xf32>
    %dot_general3A_124 = tpu.matmul %select_n3A_116, %get3A_96, %dot_general3A_123 {dimension_numbers = #tpu.dot_dimension_numbers<[1], [0], [0], [1], [0, 0, 1, 1], [], []>, transpose_lhs_hint = false} : vector<25x512xf32>, vector<512x16xf32>, vector<25x16xf32> -> vector<25x16xf32>
    %add3A_125 = arith.addf %mul3A_122, %dot_general3A_124 : vector<25x16xf32>
    %add3A_126 = arith.constant 512 : i32
    %add3A_127 = arith.addi %sub3A, %add3A_126 : i32
    %sub3A_128 = arith.constant 1 : i32
    %sub3A_129 = arith.subi %add3A_127, %sub3A_128 : i32
    %jit3A_130 = arith.constant 512 : i32
    %div3A = arith.divsi %sub3A_129, %jit3A_130 : i32
    %sign3A = arith.constant 0 : i32
    %sign3A_131 = arith.cmpi sgt, %sub3A_129, %sign3A : i32
    %sign3A_132 = arith.extui %sign3A_131 : i1 to i32
    %sign3A_133 = arith.constant 0 : i32
    %sign3A_134 = arith.cmpi slt, %sub3A_129, %sign3A_133 : i32
    %sign3A_135 = arith.extui %sign3A_134 : i1 to i32
    %sign3A_136 = arith.subi %sign3A_132, %sign3A_135 : i32
    %sign3A_137 = arith.constant 0 : i32
    %sign3A_138 = arith.cmpi sgt, %jit3A_130, %sign3A_137 : i32
    %sign3A_139 = arith.extui %sign3A_138 : i1 to i32
    %sign3A_140 = arith.constant 0 : i32
    %sign3A_141 = arith.cmpi slt, %jit3A_130, %sign3A_140 : i32
    %sign3A_142 = arith.extui %sign3A_141 : i1 to i32
    %sign3A_143 = arith.subi %sign3A_139, %sign3A_142 : i32
    %ne3A = arith.cmpi ne, %sign3A_136, %sign3A_143 : i32
    %rem3A = arith.remsi %sub3A_129, %jit3A_130 : i32
    %ne3A_144 = arith.constant 0 : i32
    %ne3A_145 = arith.cmpi ne, %rem3A, %ne3A_144 : i32
    %and3A = arith.andi %ne3A, %ne3A_145 : i1
    %sub3A_146 = arith.constant 1 : i32
    %sub3A_147 = arith.subi %div3A, %sub3A_146 : i32
    %select_n3A_148 = arith.select %and3A, %sub3A_147, %div3A : i32
    %while3A = arith.constant 1 : i32
    %while3A_149 = arith.subi %select_n3A_148, %while3A : i32
    %while3A_150 = arith.addi %while3A, %while3A_149 : i32
    %while3A_151 = arith.constant 1 : i32
    %while3A_152 = arith.divsi %while3A_149, %while3A_151 : i32
    %while3A_153 = arith.muli %while3A_152, %while3A_151 : i32
    %while3A_154 = arith.addi %while3A, %while3A_153 : i32
    %while3A_155 = arith.constant 1 : i32
    %while3A_156:3 = scf.for %while3A_742 = %while3A to %while3A_154 step %while3A_155 iter_args(%while3A_743 = %max3A, %while3A_744 = %add3A_120, %while3A_745 = %add3A_125) -> (vector<25x1xf32>, vector<25x1xf32>, vector<25x16xf32>)  : i32 {
      %mul3A_746 = arith.constant 512 : i32
      %mul3A_747 = arith.muli %while3A_742, %mul3A_746 : i32
      %add3A_748 = arith.addi %get3A_72, %mul3A_747 : i32
      %get3A_749 = arith.index_cast %add3A_748 : i32 to index
      %get3A_750 = arith.constant 0 : index
      %get3A_751 = vector.load %arg2[%get3A_749, %get3A_750] : memref<10512x64xf32, #tpu.memory_space<vmem>>, vector<512x16xf32>
      %get3A_752 = arith.index_cast %add3A_748 : i32 to index
      %get3A_753 = arith.constant 0 : index
      %get3A_754 = vector.load %arg3[%get3A_752, %get3A_753] : memref<10512x64xf32, #tpu.memory_space<vmem>>, vector<512x16xf32>
      %dot_general3A_755 = arith.constant dense<0.000000e+00> : vector<25x512xf32>
      %dot_general3A_756 = tpu.matmul %mul3A_83, %get3A_751, %dot_general3A_755 {dimension_numbers = #tpu.dot_dimension_numbers<[1], [1], [0], [0], [0, 0, 1, 0], [], []>, transpose_lhs_hint = false} : vector<25x16xf32>, vector<512x16xf32>, vector<25x512xf32> -> vector<25x512xf32>
      %mul3A_757 = arith.constant 512 : i32
      %mul3A_758 = arith.muli %while3A_742, %mul3A_757 : i32
      %iota3A_759 = tpu.iota {dimensions = array<i32: 1>} : vector<1x512xi32>
      %add3A_760 = vector.broadcast %mul3A_758 : i32 to vector<1x512xi32>
      %add3A_761 = arith.addi %add3A_760, %iota3A_759 : vector<1x512xi32>
      %lt3A_762 = vector.broadcast %sub3A : i32 to vector<1x512xi32>
      %lt3A_763 = arith.cmpi slt, %add3A_761, %lt3A_762 : vector<1x512xi32>
      %jit3A_764 = arith.constant -1.000000e+30 : f32
      %broadcast_in_dim3A_765 = vector.shape_cast %lt3A_763 : vector<1x512xi1> to vector<1x512xi1>
      %broadcast_in_dim3A_766 = vector.broadcast %broadcast_in_dim3A_765 : vector<1x512xi1> to vector<25x512xi1>
      %broadcast_in_dim3A_767 = vector.broadcast %jit3A_764 : f32 to vector<25x512xf32>
      %select_n3A_768 = arith.select %broadcast_in_dim3A_766, %dot_general3A_756, %broadcast_in_dim3A_767 : vector<25x512xi1>, vector<25x512xf32>
      %reduce_max3A_769 = arith.constant dense<0xFF800000> : vector<25xf32>
      %reduce_max3A_770 = vector.multi_reduction <maximumf>, %select_n3A_768, %reduce_max3A_769 [1] : vector<25x512xf32> to vector<25xf32>
      %broadcast_in_dim3A_771 = vector.shape_cast %reduce_max3A_770 : vector<25xf32> to vector<25x1xf32>
      %max3A_772 = arith.maximumf %while3A_743, %broadcast_in_dim3A_771 : vector<25x1xf32>
      %sub3A_773 = arith.subf %while3A_743, %max3A_772 : vector<25x1xf32>
      %exp3A_774 = math.exp %sub3A_773 : vector<25x1xf32>
      %sub3A_775 = vector.broadcast %max3A_772 : vector<25x1xf32> to vector<25x512xf32>
      %sub3A_776 = arith.subf %select_n3A_768, %sub3A_775 : vector<25x512xf32>
      %exp3A_777 = math.exp %sub3A_776 : vector<25x512xf32>
      %jit3A_778 = arith.constant 0.000000e+00 : f32
      %broadcast_in_dim3A_779 = vector.shape_cast %lt3A_763 : vector<1x512xi1> to vector<1x512xi1>
      %broadcast_in_dim3A_780 = vector.broadcast %broadcast_in_dim3A_779 : vector<1x512xi1> to vector<25x512xi1>
      %broadcast_in_dim3A_781 = vector.broadcast %jit3A_778 : f32 to vector<25x512xf32>
      %select_n3A_782 = arith.select %broadcast_in_dim3A_780, %exp3A_777, %broadcast_in_dim3A_781 : vector<25x512xi1>, vector<25x512xf32>
      %mul3A_783 = arith.mulf %while3A_744, %exp3A_774 : vector<25x1xf32>
      %reduce_sum3A_784 = arith.constant dense<0.000000e+00> : vector<25xf32>
      %reduce_sum3A_785 = vector.multi_reduction <add>, %select_n3A_782, %reduce_sum3A_784 [1] : vector<25x512xf32> to vector<25xf32>
      %broadcast_in_dim3A_786 = vector.shape_cast %reduce_sum3A_785 : vector<25xf32> to vector<25x1xf32>
      %add3A_787 = arith.addf %mul3A_783, %broadcast_in_dim3A_786 : vector<25x1xf32>
      %mul3A_788 = vector.broadcast %exp3A_774 : vector<25x1xf32> to vector<25x16xf32>
      %mul3A_789 = arith.mulf %while3A_745, %mul3A_788 : vector<25x16xf32>
      %dot_general3A_790 = arith.constant dense<0.000000e+00> : vector<25x16xf32>
      %dot_general3A_791 = tpu.matmul %select_n3A_782, %get3A_754, %dot_general3A_790 {dimension_numbers = #tpu.dot_dimension_numbers<[1], [0], [0], [1], [0, 0, 1, 1], [], []>, transpose_lhs_hint = false} : vector<25x512xf32>, vector<512x16xf32>, vector<25x16xf32> -> vector<25x16xf32>
      %add3A_792 = arith.addf %mul3A_789, %dot_general3A_791 : vector<25x16xf32>
      scf.yield %max3A_772, %add3A_787, %add3A_792 : vector<25x1xf32>, vector<25x1xf32>, vector<25x16xf32>
    }
    %while3A_157 = arith.constant 1 : i32
    %while3A_158:3 = scf.for %while3A_742 = %while3A_154 to %while3A_150 step %while3A_157 iter_args(%while3A_743 = %while3A_156#0, %while3A_744 = %while3A_156#1, %while3A_745 = %while3A_156#2) -> (vector<25x1xf32>, vector<25x1xf32>, vector<25x16xf32>)  : i32 {
      %mul3A_746 = arith.constant 512 : i32
      %mul3A_747 = arith.muli %while3A_742, %mul3A_746 : i32
      %add3A_748 = arith.addi %get3A_72, %mul3A_747 : i32
      %get3A_749 = arith.index_cast %add3A_748 : i32 to index
      %get3A_750 = arith.constant 0 : index
      %get3A_751 = vector.load %arg2[%get3A_749, %get3A_750] : memref<10512x64xf32, #tpu.memory_space<vmem>>, vector<512x16xf32>
      %get3A_752 = arith.index_cast %add3A_748 : i32 to index
      %get3A_753 = arith.constant 0 : index
      %get3A_754 = vector.load %arg3[%get3A_752, %get3A_753] : memref<10512x64xf32, #tpu.memory_space<vmem>>, vector<512x16xf32>
      %dot_general3A_755 = arith.constant dense<0.000000e+00> : vector<25x512xf32>
      %dot_general3A_756 = tpu.matmul %mul3A_83, %get3A_751, %dot_general3A_755 {dimension_numbers = #tpu.dot_dimension_numbers<[1], [1], [0], [0], [0, 0, 1, 0], [], []>, transpose_lhs_hint = false} : vector<25x16xf32>, vector<512x16xf32>, vector<25x512xf32> -> vector<25x512xf32>
      %mul3A_757 = arith.constant 512 : i32
      %mul3A_758 = arith.muli %while3A_742, %mul3A_757 : i32
      %iota3A_759 = tpu.iota {dimensions = array<i32: 1>} : vector<1x512xi32>
      %add3A_760 = vector.broadcast %mul3A_758 : i32 to vector<1x512xi32>
      %add3A_761 = arith.addi %add3A_760, %iota3A_759 : vector<1x512xi32>
      %lt3A_762 = vector.broadcast %sub3A : i32 to vector<1x512xi32>
      %lt3A_763 = arith.cmpi slt, %add3A_761, %lt3A_762 : vector<1x512xi32>
      %jit3A_764 = arith.constant -1.000000e+30 : f32
      %broadcast_in_dim3A_765 = vector.shape_cast %lt3A_763 : vector<1x512xi1> to vector<1x512xi1>
      %broadcast_in_dim3A_766 = vector.broadcast %broadcast_in_dim3A_765 : vector<1x512xi1> to vector<25x512xi1>
      %broadcast_in_dim3A_767 = vector.broadcast %jit3A_764 : f32 to vector<25x512xf32>
      %select_n3A_768 = arith.select %broadcast_in_dim3A_766, %dot_general3A_756, %broadcast_in_dim3A_767 : vector<25x512xi1>, vector<25x512xf32>
      %reduce_max3A_769 = arith.constant dense<0xFF800000> : vector<25xf32>
      %reduce_max3A_770 = vector.multi_reduction <maximumf>, %select_n3A_768, %reduce_max3A_769 [1] : vector<25x512xf32> to vector<25xf32>
      %broadcast_in_dim3A_771 = vector.shape_cast %reduce_max3A_770 : vector<25xf32> to vector<25x1xf32>
      %max3A_772 = arith.maximumf %while3A_743, %broadcast_in_dim3A_771 : vector<25x1xf32>
      %sub3A_773 = arith.subf %while3A_743, %max3A_772 : vector<25x1xf32>
      %exp3A_774 = math.exp %sub3A_773 : vector<25x1xf32>
      %sub3A_775 = vector.broadcast %max3A_772 : vector<25x1xf32> to vector<25x512xf32>
      %sub3A_776 = arith.subf %select_n3A_768, %sub3A_775 : vector<25x512xf32>
      %exp3A_777 = math.exp %sub3A_776 : vector<25x512xf32>
      %jit3A_778 = arith.constant 0.000000e+00 : f32
      %broadcast_in_dim3A_779 = vector.shape_cast %lt3A_763 : vector<1x512xi1> to vector<1x512xi1>
      %broadcast_in_dim3A_780 = vector.broadcast %broadcast_in_dim3A_779 : vector<1x512xi1> to vector<25x512xi1>
      %broadcast_in_dim3A_781 = vector.broadcast %jit3A_778 : f32 to vector<25x512xf32>
      %select_n3A_782 = arith.select %broadcast_in_dim3A_780, %exp3A_777, %broadcast_in_dim3A_781 : vector<25x512xi1>, vector<25x512xf32>
      %mul3A_783 = arith.mulf %while3A_744, %exp3A_774 : vector<25x1xf32>
      %reduce_sum3A_784 = arith.constant dense<0.000000e+00> : vector<25xf32>
      %reduce_sum3A_785 = vector.multi_reduction <add>, %select_n3A_782, %reduce_sum3A_784 [1] : vector<25x512xf32> to vector<25xf32>
      %broadcast_in_dim3A_786 = vector.shape_cast %reduce_sum3A_785 : vector<25xf32> to vector<25x1xf32>
      %add3A_787 = arith.addf %mul3A_783, %broadcast_in_dim3A_786 : vector<25x1xf32>
      %mul3A_788 = vector.broadcast %exp3A_774 : vector<25x1xf32> to vector<25x16xf32>
      %mul3A_789 = arith.mulf %while3A_745, %mul3A_788 : vector<25x16xf32>
      %dot_general3A_790 = arith.constant dense<0.000000e+00> : vector<25x16xf32>
      %dot_general3A_791 = tpu.matmul %select_n3A_782, %get3A_754, %dot_general3A_790 {dimension_numbers = #tpu.dot_dimension_numbers<[1], [0], [0], [1], [0, 0, 1, 1], [], []>, transpose_lhs_hint = false} : vector<25x512xf32>, vector<512x16xf32>, vector<25x16xf32> -> vector<25x16xf32>
      %add3A_792 = arith.addf %mul3A_789, %dot_general3A_791 : vector<25x16xf32>
      scf.yield %max3A_772, %add3A_787, %add3A_792 : vector<25x1xf32>, vector<25x1xf32>, vector<25x16xf32>
    }
    %gt3A = arith.constant 0.000000e+00 : f32
    %gt3A_159 = vector.broadcast %gt3A : f32 to vector<25x1xf32>
    %gt3A_160 = arith.cmpf ogt, %while3A_158#1, %gt3A_159 : vector<25x1xf32>
    %jit3A_161 = arith.constant 1.000000e+00 : f32
    %broadcast_in_dim3A_162 = vector.broadcast %jit3A_161 : f32 to vector<25x1xf32>
    %select_n3A_163 = arith.select %gt3A_160, %while3A_158#1, %broadcast_in_dim3A_162 : vector<25x1xi1>, vector<25x1xf32>
    %div3A_164 = vector.broadcast %select_n3A_163 : vector<25x1xf32> to vector<25x16xf32>
    %div3A_165 = arith.divf %while3A_158#2, %div3A_164 : vector<25x16xf32>
    %add3A_166 = arith.addf %slice3A, %div3A_165 : vector<25x16xf32>
    %slice3A_167 = vector.extract_strided_slice %add3A_81 {offsets = [0, 16], sizes = [25, 16], strides = [1, 1]} : vector<25x64xf32> to vector<25x16xf32>
    %mul3A_168 = arith.constant 1.250000e-01 : f32
    %mul3A_169 = vector.broadcast %mul3A_168 : f32 to vector<25x16xf32>
    %mul3A_170 = arith.mulf %slice3A_167, %mul3A_169 : vector<25x16xf32>
    %broadcast_in_dim3A_171 = arith.constant -1.000000e+30 : f32
    %broadcast_in_dim3A_172 = vector.broadcast %broadcast_in_dim3A_171 : f32 to vector<25x1xf32>
    %broadcast_in_dim3A_173 = arith.constant 0.000000e+00 : f32
    %broadcast_in_dim3A_174 = vector.broadcast %broadcast_in_dim3A_173 : f32 to vector<25x1xf32>
    %broadcast_in_dim3A_175 = arith.constant 0.000000e+00 : f32
    %broadcast_in_dim3A_176 = vector.broadcast %broadcast_in_dim3A_175 : f32 to vector<25x16xf32>
    %add3A_177 = arith.constant 0 : i32
    %add3A_178 = arith.addi %get3A_72, %add3A_177 : i32
    %get3A_179 = arith.index_cast %add3A_178 : i32 to index
    %get3A_180 = arith.constant 16 : index
    %get3A_181 = vector.load %arg2[%get3A_179, %get3A_180] : memref<10512x64xf32, #tpu.memory_space<vmem>>, vector<512x16xf32>
    %get3A_182 = arith.index_cast %add3A_178 : i32 to index
    %get3A_183 = arith.constant 16 : index
    %get3A_184 = vector.load %arg3[%get3A_182, %get3A_183] : memref<10512x64xf32, #tpu.memory_space<vmem>>, vector<512x16xf32>
    %dot_general3A_185 = arith.constant dense<0.000000e+00> : vector<25x512xf32>
    %dot_general3A_186 = tpu.matmul %mul3A_170, %get3A_181, %dot_general3A_185 {dimension_numbers = #tpu.dot_dimension_numbers<[1], [1], [0], [0], [0, 0, 1, 0], [], []>, transpose_lhs_hint = false} : vector<25x16xf32>, vector<512x16xf32>, vector<25x512xf32> -> vector<25x512xf32>
    %iota3A_187 = tpu.iota {dimensions = array<i32: 1>} : vector<1x512xi32>
    %add3A_188 = arith.constant 0 : i32
    %add3A_189 = vector.broadcast %add3A_188 : i32 to vector<1x512xi32>
    %add3A_190 = arith.addi %add3A_189, %iota3A_187 : vector<1x512xi32>
    %lt3A_191 = vector.broadcast %sub3A : i32 to vector<1x512xi32>
    %lt3A_192 = arith.cmpi slt, %add3A_190, %lt3A_191 : vector<1x512xi32>
    %jit3A_193 = arith.constant -1.000000e+30 : f32
    %broadcast_in_dim3A_194 = vector.shape_cast %lt3A_192 : vector<1x512xi1> to vector<1x512xi1>
    %broadcast_in_dim3A_195 = vector.broadcast %broadcast_in_dim3A_194 : vector<1x512xi1> to vector<25x512xi1>
    %broadcast_in_dim3A_196 = vector.broadcast %jit3A_193 : f32 to vector<25x512xf32>
    %select_n3A_197 = arith.select %broadcast_in_dim3A_195, %dot_general3A_186, %broadcast_in_dim3A_196 : vector<25x512xi1>, vector<25x512xf32>
    %reduce_max3A_198 = arith.constant dense<0xFF800000> : vector<25xf32>
    %reduce_max3A_199 = vector.multi_reduction <maximumf>, %select_n3A_197, %reduce_max3A_198 [1] : vector<25x512xf32> to vector<25xf32>
    %broadcast_in_dim3A_200 = vector.shape_cast %reduce_max3A_199 : vector<25xf32> to vector<25x1xf32>
    %max3A_201 = arith.maximumf %broadcast_in_dim3A_172, %broadcast_in_dim3A_200 : vector<25x1xf32>
    %sub3A_202 = arith.subf %broadcast_in_dim3A_172, %max3A_201 : vector<25x1xf32>
    %exp3A_203 = math.exp %sub3A_202 : vector<25x1xf32>
    %sub3A_204 = vector.broadcast %max3A_201 : vector<25x1xf32> to vector<25x512xf32>
    %sub3A_205 = arith.subf %select_n3A_197, %sub3A_204 : vector<25x512xf32>
    %exp3A_206 = math.exp %sub3A_205 : vector<25x512xf32>
    %jit3A_207 = arith.constant 0.000000e+00 : f32
    %broadcast_in_dim3A_208 = vector.shape_cast %lt3A_192 : vector<1x512xi1> to vector<1x512xi1>
    %broadcast_in_dim3A_209 = vector.broadcast %broadcast_in_dim3A_208 : vector<1x512xi1> to vector<25x512xi1>
    %broadcast_in_dim3A_210 = vector.broadcast %jit3A_207 : f32 to vector<25x512xf32>
    %select_n3A_211 = arith.select %broadcast_in_dim3A_209, %exp3A_206, %broadcast_in_dim3A_210 : vector<25x512xi1>, vector<25x512xf32>
    %mul3A_212 = arith.mulf %broadcast_in_dim3A_174, %exp3A_203 : vector<25x1xf32>
    %reduce_sum3A_213 = arith.constant dense<0.000000e+00> : vector<25xf32>
    %reduce_sum3A_214 = vector.multi_reduction <add>, %select_n3A_211, %reduce_sum3A_213 [1] : vector<25x512xf32> to vector<25xf32>
    %broadcast_in_dim3A_215 = vector.shape_cast %reduce_sum3A_214 : vector<25xf32> to vector<25x1xf32>
    %add3A_216 = arith.addf %mul3A_212, %broadcast_in_dim3A_215 : vector<25x1xf32>
    %mul3A_217 = vector.broadcast %exp3A_203 : vector<25x1xf32> to vector<25x16xf32>
    %mul3A_218 = arith.mulf %broadcast_in_dim3A_176, %mul3A_217 : vector<25x16xf32>
    %dot_general3A_219 = arith.constant dense<0.000000e+00> : vector<25x16xf32>
    %dot_general3A_220 = tpu.matmul %select_n3A_211, %get3A_184, %dot_general3A_219 {dimension_numbers = #tpu.dot_dimension_numbers<[1], [0], [0], [1], [0, 0, 1, 1], [], []>, transpose_lhs_hint = false} : vector<25x512xf32>, vector<512x16xf32>, vector<25x16xf32> -> vector<25x16xf32>
    %add3A_221 = arith.addf %mul3A_218, %dot_general3A_220 : vector<25x16xf32>
    %add3A_222 = arith.constant 512 : i32
    %add3A_223 = arith.addi %sub3A, %add3A_222 : i32
    %sub3A_224 = arith.constant 1 : i32
    %sub3A_225 = arith.subi %add3A_223, %sub3A_224 : i32
    %jit3A_226 = arith.constant 512 : i32
    %div3A_227 = arith.divsi %sub3A_225, %jit3A_226 : i32
    %sign3A_228 = arith.constant 0 : i32
    %sign3A_229 = arith.cmpi sgt, %sub3A_225, %sign3A_228 : i32
    %sign3A_230 = arith.extui %sign3A_229 : i1 to i32
    %sign3A_231 = arith.constant 0 : i32
    %sign3A_232 = arith.cmpi slt, %sub3A_225, %sign3A_231 : i32
    %sign3A_233 = arith.extui %sign3A_232 : i1 to i32
    %sign3A_234 = arith.subi %sign3A_230, %sign3A_233 : i32
    %sign3A_235 = arith.constant 0 : i32
    %sign3A_236 = arith.cmpi sgt, %jit3A_226, %sign3A_235 : i32
    %sign3A_237 = arith.extui %sign3A_236 : i1 to i32
    %sign3A_238 = arith.constant 0 : i32
    %sign3A_239 = arith.cmpi slt, %jit3A_226, %sign3A_238 : i32
    %sign3A_240 = arith.extui %sign3A_239 : i1 to i32
    %sign3A_241 = arith.subi %sign3A_237, %sign3A_240 : i32
    %ne3A_242 = arith.cmpi ne, %sign3A_234, %sign3A_241 : i32
    %rem3A_243 = arith.remsi %sub3A_225, %jit3A_226 : i32
    %ne3A_244 = arith.constant 0 : i32
    %ne3A_245 = arith.cmpi ne, %rem3A_243, %ne3A_244 : i32
    %and3A_246 = arith.andi %ne3A_242, %ne3A_245 : i1
    %sub3A_247 = arith.constant 1 : i32
    %sub3A_248 = arith.subi %div3A_227, %sub3A_247 : i32
    %select_n3A_249 = arith.select %and3A_246, %sub3A_248, %div3A_227 : i32
    %while3A_250 = arith.constant 1 : i32
    %while3A_251 = arith.subi %select_n3A_249, %while3A_250 : i32
    %while3A_252 = arith.addi %while3A_250, %while3A_251 : i32
    %while3A_253 = arith.constant 1 : i32
    %while3A_254 = arith.divsi %while3A_251, %while3A_253 : i32
    %while3A_255 = arith.muli %while3A_254, %while3A_253 : i32
    %while3A_256 = arith.addi %while3A_250, %while3A_255 : i32
    %while3A_257 = arith.constant 1 : i32
    %while3A_258:3 = scf.for %while3A_742 = %while3A_250 to %while3A_256 step %while3A_257 iter_args(%while3A_743 = %max3A_201, %while3A_744 = %add3A_216, %while3A_745 = %add3A_221) -> (vector<25x1xf32>, vector<25x1xf32>, vector<25x16xf32>)  : i32 {
      %mul3A_746 = arith.constant 512 : i32
      %mul3A_747 = arith.muli %while3A_742, %mul3A_746 : i32
      %add3A_748 = arith.addi %get3A_72, %mul3A_747 : i32
      %get3A_749 = arith.index_cast %add3A_748 : i32 to index
      %get3A_750 = arith.constant 16 : index
      %get3A_751 = vector.load %arg2[%get3A_749, %get3A_750] : memref<10512x64xf32, #tpu.memory_space<vmem>>, vector<512x16xf32>
      %get3A_752 = arith.index_cast %add3A_748 : i32 to index
      %get3A_753 = arith.constant 16 : index
      %get3A_754 = vector.load %arg3[%get3A_752, %get3A_753] : memref<10512x64xf32, #tpu.memory_space<vmem>>, vector<512x16xf32>
      %dot_general3A_755 = arith.constant dense<0.000000e+00> : vector<25x512xf32>
      %dot_general3A_756 = tpu.matmul %mul3A_170, %get3A_751, %dot_general3A_755 {dimension_numbers = #tpu.dot_dimension_numbers<[1], [1], [0], [0], [0, 0, 1, 0], [], []>, transpose_lhs_hint = false} : vector<25x16xf32>, vector<512x16xf32>, vector<25x512xf32> -> vector<25x512xf32>
      %mul3A_757 = arith.constant 512 : i32
      %mul3A_758 = arith.muli %while3A_742, %mul3A_757 : i32
      %iota3A_759 = tpu.iota {dimensions = array<i32: 1>} : vector<1x512xi32>
      %add3A_760 = vector.broadcast %mul3A_758 : i32 to vector<1x512xi32>
      %add3A_761 = arith.addi %add3A_760, %iota3A_759 : vector<1x512xi32>
      %lt3A_762 = vector.broadcast %sub3A : i32 to vector<1x512xi32>
      %lt3A_763 = arith.cmpi slt, %add3A_761, %lt3A_762 : vector<1x512xi32>
      %jit3A_764 = arith.constant -1.000000e+30 : f32
      %broadcast_in_dim3A_765 = vector.shape_cast %lt3A_763 : vector<1x512xi1> to vector<1x512xi1>
      %broadcast_in_dim3A_766 = vector.broadcast %broadcast_in_dim3A_765 : vector<1x512xi1> to vector<25x512xi1>
      %broadcast_in_dim3A_767 = vector.broadcast %jit3A_764 : f32 to vector<25x512xf32>
      %select_n3A_768 = arith.select %broadcast_in_dim3A_766, %dot_general3A_756, %broadcast_in_dim3A_767 : vector<25x512xi1>, vector<25x512xf32>
      %reduce_max3A_769 = arith.constant dense<0xFF800000> : vector<25xf32>
      %reduce_max3A_770 = vector.multi_reduction <maximumf>, %select_n3A_768, %reduce_max3A_769 [1] : vector<25x512xf32> to vector<25xf32>
      %broadcast_in_dim3A_771 = vector.shape_cast %reduce_max3A_770 : vector<25xf32> to vector<25x1xf32>
      %max3A_772 = arith.maximumf %while3A_743, %broadcast_in_dim3A_771 : vector<25x1xf32>
      %sub3A_773 = arith.subf %while3A_743, %max3A_772 : vector<25x1xf32>
      %exp3A_774 = math.exp %sub3A_773 : vector<25x1xf32>
      %sub3A_775 = vector.broadcast %max3A_772 : vector<25x1xf32> to vector<25x512xf32>
      %sub3A_776 = arith.subf %select_n3A_768, %sub3A_775 : vector<25x512xf32>
      %exp3A_777 = math.exp %sub3A_776 : vector<25x512xf32>
      %jit3A_778 = arith.constant 0.000000e+00 : f32
      %broadcast_in_dim3A_779 = vector.shape_cast %lt3A_763 : vector<1x512xi1> to vector<1x512xi1>
      %broadcast_in_dim3A_780 = vector.broadcast %broadcast_in_dim3A_779 : vector<1x512xi1> to vector<25x512xi1>
      %broadcast_in_dim3A_781 = vector.broadcast %jit3A_778 : f32 to vector<25x512xf32>
      %select_n3A_782 = arith.select %broadcast_in_dim3A_780, %exp3A_777, %broadcast_in_dim3A_781 : vector<25x512xi1>, vector<25x512xf32>
      %mul3A_783 = arith.mulf %while3A_744, %exp3A_774 : vector<25x1xf32>
      %reduce_sum3A_784 = arith.constant dense<0.000000e+00> : vector<25xf32>
      %reduce_sum3A_785 = vector.multi_reduction <add>, %select_n3A_782, %reduce_sum3A_784 [1] : vector<25x512xf32> to vector<25xf32>
      %broadcast_in_dim3A_786 = vector.shape_cast %reduce_sum3A_785 : vector<25xf32> to vector<25x1xf32>
      %add3A_787 = arith.addf %mul3A_783, %broadcast_in_dim3A_786 : vector<25x1xf32>
      %mul3A_788 = vector.broadcast %exp3A_774 : vector<25x1xf32> to vector<25x16xf32>
      %mul3A_789 = arith.mulf %while3A_745, %mul3A_788 : vector<25x16xf32>
      %dot_general3A_790 = arith.constant dense<0.000000e+00> : vector<25x16xf32>
      %dot_general3A_791 = tpu.matmul %select_n3A_782, %get3A_754, %dot_general3A_790 {dimension_numbers = #tpu.dot_dimension_numbers<[1], [0], [0], [1], [0, 0, 1, 1], [], []>, transpose_lhs_hint = false} : vector<25x512xf32>, vector<512x16xf32>, vector<25x16xf32> -> vector<25x16xf32>
      %add3A_792 = arith.addf %mul3A_789, %dot_general3A_791 : vector<25x16xf32>
      scf.yield %max3A_772, %add3A_787, %add3A_792 : vector<25x1xf32>, vector<25x1xf32>, vector<25x16xf32>
    }
    %while3A_259 = arith.constant 1 : i32
    %while3A_260:3 = scf.for %while3A_742 = %while3A_256 to %while3A_252 step %while3A_259 iter_args(%while3A_743 = %while3A_258#0, %while3A_744 = %while3A_258#1, %while3A_745 = %while3A_258#2) -> (vector<25x1xf32>, vector<25x1xf32>, vector<25x16xf32>)  : i32 {
      %mul3A_746 = arith.constant 512 : i32
      %mul3A_747 = arith.muli %while3A_742, %mul3A_746 : i32
      %add3A_748 = arith.addi %get3A_72, %mul3A_747 : i32
      %get3A_749 = arith.index_cast %add3A_748 : i32 to index
      %get3A_750 = arith.constant 16 : index
      %get3A_751 = vector.load %arg2[%get3A_749, %get3A_750] : memref<10512x64xf32, #tpu.memory_space<vmem>>, vector<512x16xf32>
      %get3A_752 = arith.index_cast %add3A_748 : i32 to index
      %get3A_753 = arith.constant 16 : index
      %get3A_754 = vector.load %arg3[%get3A_752, %get3A_753] : memref<10512x64xf32, #tpu.memory_space<vmem>>, vector<512x16xf32>
      %dot_general3A_755 = arith.constant dense<0.000000e+00> : vector<25x512xf32>
      %dot_general3A_756 = tpu.matmul %mul3A_170, %get3A_751, %dot_general3A_755 {dimension_numbers = #tpu.dot_dimension_numbers<[1], [1], [0], [0], [0, 0, 1, 0], [], []>, transpose_lhs_hint = false} : vector<25x16xf32>, vector<512x16xf32>, vector<25x512xf32> -> vector<25x512xf32>
      %mul3A_757 = arith.constant 512 : i32
      %mul3A_758 = arith.muli %while3A_742, %mul3A_757 : i32
      %iota3A_759 = tpu.iota {dimensions = array<i32: 1>} : vector<1x512xi32>
      %add3A_760 = vector.broadcast %mul3A_758 : i32 to vector<1x512xi32>
      %add3A_761 = arith.addi %add3A_760, %iota3A_759 : vector<1x512xi32>
      %lt3A_762 = vector.broadcast %sub3A : i32 to vector<1x512xi32>
      %lt3A_763 = arith.cmpi slt, %add3A_761, %lt3A_762 : vector<1x512xi32>
      %jit3A_764 = arith.constant -1.000000e+30 : f32
      %broadcast_in_dim3A_765 = vector.shape_cast %lt3A_763 : vector<1x512xi1> to vector<1x512xi1>
      %broadcast_in_dim3A_766 = vector.broadcast %broadcast_in_dim3A_765 : vector<1x512xi1> to vector<25x512xi1>
      %broadcast_in_dim3A_767 = vector.broadcast %jit3A_764 : f32 to vector<25x512xf32>
      %select_n3A_768 = arith.select %broadcast_in_dim3A_766, %dot_general3A_756, %broadcast_in_dim3A_767 : vector<25x512xi1>, vector<25x512xf32>
      %reduce_max3A_769 = arith.constant dense<0xFF800000> : vector<25xf32>
      %reduce_max3A_770 = vector.multi_reduction <maximumf>, %select_n3A_768, %reduce_max3A_769 [1] : vector<25x512xf32> to vector<25xf32>
      %broadcast_in_dim3A_771 = vector.shape_cast %reduce_max3A_770 : vector<25xf32> to vector<25x1xf32>
      %max3A_772 = arith.maximumf %while3A_743, %broadcast_in_dim3A_771 : vector<25x1xf32>
      %sub3A_773 = arith.subf %while3A_743, %max3A_772 : vector<25x1xf32>
      %exp3A_774 = math.exp %sub3A_773 : vector<25x1xf32>
      %sub3A_775 = vector.broadcast %max3A_772 : vector<25x1xf32> to vector<25x512xf32>
      %sub3A_776 = arith.subf %select_n3A_768, %sub3A_775 : vector<25x512xf32>
      %exp3A_777 = math.exp %sub3A_776 : vector<25x512xf32>
      %jit3A_778 = arith.constant 0.000000e+00 : f32
      %broadcast_in_dim3A_779 = vector.shape_cast %lt3A_763 : vector<1x512xi1> to vector<1x512xi1>
      %broadcast_in_dim3A_780 = vector.broadcast %broadcast_in_dim3A_779 : vector<1x512xi1> to vector<25x512xi1>
      %broadcast_in_dim3A_781 = vector.broadcast %jit3A_778 : f32 to vector<25x512xf32>
      %select_n3A_782 = arith.select %broadcast_in_dim3A_780, %exp3A_777, %broadcast_in_dim3A_781 : vector<25x512xi1>, vector<25x512xf32>
      %mul3A_783 = arith.mulf %while3A_744, %exp3A_774 : vector<25x1xf32>
      %reduce_sum3A_784 = arith.constant dense<0.000000e+00> : vector<25xf32>
      %reduce_sum3A_785 = vector.multi_reduction <add>, %select_n3A_782, %reduce_sum3A_784 [1] : vector<25x512xf32> to vector<25xf32>
      %broadcast_in_dim3A_786 = vector.shape_cast %reduce_sum3A_785 : vector<25xf32> to vector<25x1xf32>
      %add3A_787 = arith.addf %mul3A_783, %broadcast_in_dim3A_786 : vector<25x1xf32>
      %mul3A_788 = vector.broadcast %exp3A_774 : vector<25x1xf32> to vector<25x16xf32>
      %mul3A_789 = arith.mulf %while3A_745, %mul3A_788 : vector<25x16xf32>
      %dot_general3A_790 = arith.constant dense<0.000000e+00> : vector<25x16xf32>
      %dot_general3A_791 = tpu.matmul %select_n3A_782, %get3A_754, %dot_general3A_790 {dimension_numbers = #tpu.dot_dimension_numbers<[1], [0], [0], [1], [0, 0, 1, 1], [], []>, transpose_lhs_hint = false} : vector<25x512xf32>, vector<512x16xf32>, vector<25x16xf32> -> vector<25x16xf32>
      %add3A_792 = arith.addf %mul3A_789, %dot_general3A_791 : vector<25x16xf32>
      scf.yield %max3A_772, %add3A_787, %add3A_792 : vector<25x1xf32>, vector<25x1xf32>, vector<25x16xf32>
    }
    %gt3A_261 = arith.constant 0.000000e+00 : f32
    %gt3A_262 = vector.broadcast %gt3A_261 : f32 to vector<25x1xf32>
    %gt3A_263 = arith.cmpf ogt, %while3A_260#1, %gt3A_262 : vector<25x1xf32>
    %jit3A_264 = arith.constant 1.000000e+00 : f32
    %broadcast_in_dim3A_265 = vector.broadcast %jit3A_264 : f32 to vector<25x1xf32>
    %select_n3A_266 = arith.select %gt3A_263, %while3A_260#1, %broadcast_in_dim3A_265 : vector<25x1xi1>, vector<25x1xf32>
    %div3A_267 = vector.broadcast %select_n3A_266 : vector<25x1xf32> to vector<25x16xf32>
    %div3A_268 = arith.divf %while3A_260#2, %div3A_267 : vector<25x16xf32>
    %add3A_269 = arith.addf %slice3A_167, %div3A_268 : vector<25x16xf32>
    %slice3A_270 = vector.extract_strided_slice %add3A_81 {offsets = [0, 32], sizes = [25, 16], strides = [1, 1]} : vector<25x64xf32> to vector<25x16xf32>
    %mul3A_271 = arith.constant 1.250000e-01 : f32
    %mul3A_272 = vector.broadcast %mul3A_271 : f32 to vector<25x16xf32>
    %mul3A_273 = arith.mulf %slice3A_270, %mul3A_272 : vector<25x16xf32>
    %broadcast_in_dim3A_274 = arith.constant -1.000000e+30 : f32
    %broadcast_in_dim3A_275 = vector.broadcast %broadcast_in_dim3A_274 : f32 to vector<25x1xf32>
    %broadcast_in_dim3A_276 = arith.constant 0.000000e+00 : f32
    %broadcast_in_dim3A_277 = vector.broadcast %broadcast_in_dim3A_276 : f32 to vector<25x1xf32>
    %broadcast_in_dim3A_278 = arith.constant 0.000000e+00 : f32
    %broadcast_in_dim3A_279 = vector.broadcast %broadcast_in_dim3A_278 : f32 to vector<25x16xf32>
    %add3A_280 = arith.constant 0 : i32
    %add3A_281 = arith.addi %get3A_72, %add3A_280 : i32
    %get3A_282 = arith.index_cast %add3A_281 : i32 to index
    %get3A_283 = arith.constant 32 : index
    %get3A_284 = vector.load %arg2[%get3A_282, %get3A_283] : memref<10512x64xf32, #tpu.memory_space<vmem>>, vector<512x16xf32>
    %get3A_285 = arith.index_cast %add3A_281 : i32 to index
    %get3A_286 = arith.constant 32 : index
    %get3A_287 = vector.load %arg3[%get3A_285, %get3A_286] : memref<10512x64xf32, #tpu.memory_space<vmem>>, vector<512x16xf32>
    %dot_general3A_288 = arith.constant dense<0.000000e+00> : vector<25x512xf32>
    %dot_general3A_289 = tpu.matmul %mul3A_273, %get3A_284, %dot_general3A_288 {dimension_numbers = #tpu.dot_dimension_numbers<[1], [1], [0], [0], [0, 0, 1, 0], [], []>, transpose_lhs_hint = false} : vector<25x16xf32>, vector<512x16xf32>, vector<25x512xf32> -> vector<25x512xf32>
    %iota3A_290 = tpu.iota {dimensions = array<i32: 1>} : vector<1x512xi32>
    %add3A_291 = arith.constant 0 : i32
    %add3A_292 = vector.broadcast %add3A_291 : i32 to vector<1x512xi32>
    %add3A_293 = arith.addi %add3A_292, %iota3A_290 : vector<1x512xi32>
    %lt3A_294 = vector.broadcast %sub3A : i32 to vector<1x512xi32>
    %lt3A_295 = arith.cmpi slt, %add3A_293, %lt3A_294 : vector<1x512xi32>
    %jit3A_296 = arith.constant -1.000000e+30 : f32
    %broadcast_in_dim3A_297 = vector.shape_cast %lt3A_295 : vector<1x512xi1> to vector<1x512xi1>
    %broadcast_in_dim3A_298 = vector.broadcast %broadcast_in_dim3A_297 : vector<1x512xi1> to vector<25x512xi1>
    %broadcast_in_dim3A_299 = vector.broadcast %jit3A_296 : f32 to vector<25x512xf32>
    %select_n3A_300 = arith.select %broadcast_in_dim3A_298, %dot_general3A_289, %broadcast_in_dim3A_299 : vector<25x512xi1>, vector<25x512xf32>
    %reduce_max3A_301 = arith.constant dense<0xFF800000> : vector<25xf32>
    %reduce_max3A_302 = vector.multi_reduction <maximumf>, %select_n3A_300, %reduce_max3A_301 [1] : vector<25x512xf32> to vector<25xf32>
    %broadcast_in_dim3A_303 = vector.shape_cast %reduce_max3A_302 : vector<25xf32> to vector<25x1xf32>
    %max3A_304 = arith.maximumf %broadcast_in_dim3A_275, %broadcast_in_dim3A_303 : vector<25x1xf32>
    %sub3A_305 = arith.subf %broadcast_in_dim3A_275, %max3A_304 : vector<25x1xf32>
    %exp3A_306 = math.exp %sub3A_305 : vector<25x1xf32>
    %sub3A_307 = vector.broadcast %max3A_304 : vector<25x1xf32> to vector<25x512xf32>
    %sub3A_308 = arith.subf %select_n3A_300, %sub3A_307 : vector<25x512xf32>
    %exp3A_309 = math.exp %sub3A_308 : vector<25x512xf32>
    %jit3A_310 = arith.constant 0.000000e+00 : f32
    %broadcast_in_dim3A_311 = vector.shape_cast %lt3A_295 : vector<1x512xi1> to vector<1x512xi1>
    %broadcast_in_dim3A_312 = vector.broadcast %broadcast_in_dim3A_311 : vector<1x512xi1> to vector<25x512xi1>
    %broadcast_in_dim3A_313 = vector.broadcast %jit3A_310 : f32 to vector<25x512xf32>
    %select_n3A_314 = arith.select %broadcast_in_dim3A_312, %exp3A_309, %broadcast_in_dim3A_313 : vector<25x512xi1>, vector<25x512xf32>
    %mul3A_315 = arith.mulf %broadcast_in_dim3A_277, %exp3A_306 : vector<25x1xf32>
    %reduce_sum3A_316 = arith.constant dense<0.000000e+00> : vector<25xf32>
    %reduce_sum3A_317 = vector.multi_reduction <add>, %select_n3A_314, %reduce_sum3A_316 [1] : vector<25x512xf32> to vector<25xf32>
    %broadcast_in_dim3A_318 = vector.shape_cast %reduce_sum3A_317 : vector<25xf32> to vector<25x1xf32>
    %add3A_319 = arith.addf %mul3A_315, %broadcast_in_dim3A_318 : vector<25x1xf32>
    %mul3A_320 = vector.broadcast %exp3A_306 : vector<25x1xf32> to vector<25x16xf32>
    %mul3A_321 = arith.mulf %broadcast_in_dim3A_279, %mul3A_320 : vector<25x16xf32>
    %dot_general3A_322 = arith.constant dense<0.000000e+00> : vector<25x16xf32>
    %dot_general3A_323 = tpu.matmul %select_n3A_314, %get3A_287, %dot_general3A_322 {dimension_numbers = #tpu.dot_dimension_numbers<[1], [0], [0], [1], [0, 0, 1, 1], [], []>, transpose_lhs_hint = false} : vector<25x512xf32>, vector<512x16xf32>, vector<25x16xf32> -> vector<25x16xf32>
    %add3A_324 = arith.addf %mul3A_321, %dot_general3A_323 : vector<25x16xf32>
    %add3A_325 = arith.constant 512 : i32
    %add3A_326 = arith.addi %sub3A, %add3A_325 : i32
    %sub3A_327 = arith.constant 1 : i32
    %sub3A_328 = arith.subi %add3A_326, %sub3A_327 : i32
    %jit3A_329 = arith.constant 512 : i32
    %div3A_330 = arith.divsi %sub3A_328, %jit3A_329 : i32
    %sign3A_331 = arith.constant 0 : i32
    %sign3A_332 = arith.cmpi sgt, %sub3A_328, %sign3A_331 : i32
    %sign3A_333 = arith.extui %sign3A_332 : i1 to i32
    %sign3A_334 = arith.constant 0 : i32
    %sign3A_335 = arith.cmpi slt, %sub3A_328, %sign3A_334 : i32
    %sign3A_336 = arith.extui %sign3A_335 : i1 to i32
    %sign3A_337 = arith.subi %sign3A_333, %sign3A_336 : i32
    %sign3A_338 = arith.constant 0 : i32
    %sign3A_339 = arith.cmpi sgt, %jit3A_329, %sign3A_338 : i32
    %sign3A_340 = arith.extui %sign3A_339 : i1 to i32
    %sign3A_341 = arith.constant 0 : i32
    %sign3A_342 = arith.cmpi slt, %jit3A_329, %sign3A_341 : i32
    %sign3A_343 = arith.extui %sign3A_342 : i1 to i32
    %sign3A_344 = arith.subi %sign3A_340, %sign3A_343 : i32
    %ne3A_345 = arith.cmpi ne, %sign3A_337, %sign3A_344 : i32
    %rem3A_346 = arith.remsi %sub3A_328, %jit3A_329 : i32
    %ne3A_347 = arith.constant 0 : i32
    %ne3A_348 = arith.cmpi ne, %rem3A_346, %ne3A_347 : i32
    %and3A_349 = arith.andi %ne3A_345, %ne3A_348 : i1
    %sub3A_350 = arith.constant 1 : i32
    %sub3A_351 = arith.subi %div3A_330, %sub3A_350 : i32
    %select_n3A_352 = arith.select %and3A_349, %sub3A_351, %div3A_330 : i32
    %while3A_353 = arith.constant 1 : i32
    %while3A_354 = arith.subi %select_n3A_352, %while3A_353 : i32
    %while3A_355 = arith.addi %while3A_353, %while3A_354 : i32
    %while3A_356 = arith.constant 1 : i32
    %while3A_357 = arith.divsi %while3A_354, %while3A_356 : i32
    %while3A_358 = arith.muli %while3A_357, %while3A_356 : i32
    %while3A_359 = arith.addi %while3A_353, %while3A_358 : i32
    %while3A_360 = arith.constant 1 : i32
    %while3A_361:3 = scf.for %while3A_742 = %while3A_353 to %while3A_359 step %while3A_360 iter_args(%while3A_743 = %max3A_304, %while3A_744 = %add3A_319, %while3A_745 = %add3A_324) -> (vector<25x1xf32>, vector<25x1xf32>, vector<25x16xf32>)  : i32 {
      %mul3A_746 = arith.constant 512 : i32
      %mul3A_747 = arith.muli %while3A_742, %mul3A_746 : i32
      %add3A_748 = arith.addi %get3A_72, %mul3A_747 : i32
      %get3A_749 = arith.index_cast %add3A_748 : i32 to index
      %get3A_750 = arith.constant 32 : index
      %get3A_751 = vector.load %arg2[%get3A_749, %get3A_750] : memref<10512x64xf32, #tpu.memory_space<vmem>>, vector<512x16xf32>
      %get3A_752 = arith.index_cast %add3A_748 : i32 to index
      %get3A_753 = arith.constant 32 : index
      %get3A_754 = vector.load %arg3[%get3A_752, %get3A_753] : memref<10512x64xf32, #tpu.memory_space<vmem>>, vector<512x16xf32>
      %dot_general3A_755 = arith.constant dense<0.000000e+00> : vector<25x512xf32>
      %dot_general3A_756 = tpu.matmul %mul3A_273, %get3A_751, %dot_general3A_755 {dimension_numbers = #tpu.dot_dimension_numbers<[1], [1], [0], [0], [0, 0, 1, 0], [], []>, transpose_lhs_hint = false} : vector<25x16xf32>, vector<512x16xf32>, vector<25x512xf32> -> vector<25x512xf32>
      %mul3A_757 = arith.constant 512 : i32
      %mul3A_758 = arith.muli %while3A_742, %mul3A_757 : i32
      %iota3A_759 = tpu.iota {dimensions = array<i32: 1>} : vector<1x512xi32>
      %add3A_760 = vector.broadcast %mul3A_758 : i32 to vector<1x512xi32>
      %add3A_761 = arith.addi %add3A_760, %iota3A_759 : vector<1x512xi32>
      %lt3A_762 = vector.broadcast %sub3A : i32 to vector<1x512xi32>
      %lt3A_763 = arith.cmpi slt, %add3A_761, %lt3A_762 : vector<1x512xi32>
      %jit3A_764 = arith.constant -1.000000e+30 : f32
      %broadcast_in_dim3A_765 = vector.shape_cast %lt3A_763 : vector<1x512xi1> to vector<1x512xi1>
      %broadcast_in_dim3A_766 = vector.broadcast %broadcast_in_dim3A_765 : vector<1x512xi1> to vector<25x512xi1>
      %broadcast_in_dim3A_767 = vector.broadcast %jit3A_764 : f32 to vector<25x512xf32>
      %select_n3A_768 = arith.select %broadcast_in_dim3A_766, %dot_general3A_756, %broadcast_in_dim3A_767 : vector<25x512xi1>, vector<25x512xf32>
      %reduce_max3A_769 = arith.constant dense<0xFF800000> : vector<25xf32>
      %reduce_max3A_770 = vector.multi_reduction <maximumf>, %select_n3A_768, %reduce_max3A_769 [1] : vector<25x512xf32> to vector<25xf32>
      %broadcast_in_dim3A_771 = vector.shape_cast %reduce_max3A_770 : vector<25xf32> to vector<25x1xf32>
      %max3A_772 = arith.maximumf %while3A_743, %broadcast_in_dim3A_771 : vector<25x1xf32>
      %sub3A_773 = arith.subf %while3A_743, %max3A_772 : vector<25x1xf32>
      %exp3A_774 = math.exp %sub3A_773 : vector<25x1xf32>
      %sub3A_775 = vector.broadcast %max3A_772 : vector<25x1xf32> to vector<25x512xf32>
      %sub3A_776 = arith.subf %select_n3A_768, %sub3A_775 : vector<25x512xf32>
      %exp3A_777 = math.exp %sub3A_776 : vector<25x512xf32>
      %jit3A_778 = arith.constant 0.000000e+00 : f32
      %broadcast_in_dim3A_779 = vector.shape_cast %lt3A_763 : vector<1x512xi1> to vector<1x512xi1>
      %broadcast_in_dim3A_780 = vector.broadcast %broadcast_in_dim3A_779 : vector<1x512xi1> to vector<25x512xi1>
      %broadcast_in_dim3A_781 = vector.broadcast %jit3A_778 : f32 to vector<25x512xf32>
      %select_n3A_782 = arith.select %broadcast_in_dim3A_780, %exp3A_777, %broadcast_in_dim3A_781 : vector<25x512xi1>, vector<25x512xf32>
      %mul3A_783 = arith.mulf %while3A_744, %exp3A_774 : vector<25x1xf32>
      %reduce_sum3A_784 = arith.constant dense<0.000000e+00> : vector<25xf32>
      %reduce_sum3A_785 = vector.multi_reduction <add>, %select_n3A_782, %reduce_sum3A_784 [1] : vector<25x512xf32> to vector<25xf32>
      %broadcast_in_dim3A_786 = vector.shape_cast %reduce_sum3A_785 : vector<25xf32> to vector<25x1xf32>
      %add3A_787 = arith.addf %mul3A_783, %broadcast_in_dim3A_786 : vector<25x1xf32>
      %mul3A_788 = vector.broadcast %exp3A_774 : vector<25x1xf32> to vector<25x16xf32>
      %mul3A_789 = arith.mulf %while3A_745, %mul3A_788 : vector<25x16xf32>
      %dot_general3A_790 = arith.constant dense<0.000000e+00> : vector<25x16xf32>
      %dot_general3A_791 = tpu.matmul %select_n3A_782, %get3A_754, %dot_general3A_790 {dimension_numbers = #tpu.dot_dimension_numbers<[1], [0], [0], [1], [0, 0, 1, 1], [], []>, transpose_lhs_hint = false} : vector<25x512xf32>, vector<512x16xf32>, vector<25x16xf32> -> vector<25x16xf32>
      %add3A_792 = arith.addf %mul3A_789, %dot_general3A_791 : vector<25x16xf32>
      scf.yield %max3A_772, %add3A_787, %add3A_792 : vector<25x1xf32>, vector<25x1xf32>, vector<25x16xf32>
    }
    %while3A_362 = arith.constant 1 : i32
    %while3A_363:3 = scf.for %while3A_742 = %while3A_359 to %while3A_355 step %while3A_362 iter_args(%while3A_743 = %while3A_361#0, %while3A_744 = %while3A_361#1, %while3A_745 = %while3A_361#2) -> (vector<25x1xf32>, vector<25x1xf32>, vector<25x16xf32>)  : i32 {
      %mul3A_746 = arith.constant 512 : i32
      %mul3A_747 = arith.muli %while3A_742, %mul3A_746 : i32
      %add3A_748 = arith.addi %get3A_72, %mul3A_747 : i32
      %get3A_749 = arith.index_cast %add3A_748 : i32 to index
      %get3A_750 = arith.constant 32 : index
      %get3A_751 = vector.load %arg2[%get3A_749, %get3A_750] : memref<10512x64xf32, #tpu.memory_space<vmem>>, vector<512x16xf32>
      %get3A_752 = arith.index_cast %add3A_748 : i32 to index
      %get3A_753 = arith.constant 32 : index
      %get3A_754 = vector.load %arg3[%get3A_752, %get3A_753] : memref<10512x64xf32, #tpu.memory_space<vmem>>, vector<512x16xf32>
      %dot_general3A_755 = arith.constant dense<0.000000e+00> : vector<25x512xf32>
      %dot_general3A_756 = tpu.matmul %mul3A_273, %get3A_751, %dot_general3A_755 {dimension_numbers = #tpu.dot_dimension_numbers<[1], [1], [0], [0], [0, 0, 1, 0], [], []>, transpose_lhs_hint = false} : vector<25x16xf32>, vector<512x16xf32>, vector<25x512xf32> -> vector<25x512xf32>
      %mul3A_757 = arith.constant 512 : i32
      %mul3A_758 = arith.muli %while3A_742, %mul3A_757 : i32
      %iota3A_759 = tpu.iota {dimensions = array<i32: 1>} : vector<1x512xi32>
      %add3A_760 = vector.broadcast %mul3A_758 : i32 to vector<1x512xi32>
      %add3A_761 = arith.addi %add3A_760, %iota3A_759 : vector<1x512xi32>
      %lt3A_762 = vector.broadcast %sub3A : i32 to vector<1x512xi32>
      %lt3A_763 = arith.cmpi slt, %add3A_761, %lt3A_762 : vector<1x512xi32>
      %jit3A_764 = arith.constant -1.000000e+30 : f32
      %broadcast_in_dim3A_765 = vector.shape_cast %lt3A_763 : vector<1x512xi1> to vector<1x512xi1>
      %broadcast_in_dim3A_766 = vector.broadcast %broadcast_in_dim3A_765 : vector<1x512xi1> to vector<25x512xi1>
      %broadcast_in_dim3A_767 = vector.broadcast %jit3A_764 : f32 to vector<25x512xf32>
      %select_n3A_768 = arith.select %broadcast_in_dim3A_766, %dot_general3A_756, %broadcast_in_dim3A_767 : vector<25x512xi1>, vector<25x512xf32>
      %reduce_max3A_769 = arith.constant dense<0xFF800000> : vector<25xf32>
      %reduce_max3A_770 = vector.multi_reduction <maximumf>, %select_n3A_768, %reduce_max3A_769 [1] : vector<25x512xf32> to vector<25xf32>
      %broadcast_in_dim3A_771 = vector.shape_cast %reduce_max3A_770 : vector<25xf32> to vector<25x1xf32>
      %max3A_772 = arith.maximumf %while3A_743, %broadcast_in_dim3A_771 : vector<25x1xf32>
      %sub3A_773 = arith.subf %while3A_743, %max3A_772 : vector<25x1xf32>
      %exp3A_774 = math.exp %sub3A_773 : vector<25x1xf32>
      %sub3A_775 = vector.broadcast %max3A_772 : vector<25x1xf32> to vector<25x512xf32>
      %sub3A_776 = arith.subf %select_n3A_768, %sub3A_775 : vector<25x512xf32>
      %exp3A_777 = math.exp %sub3A_776 : vector<25x512xf32>
      %jit3A_778 = arith.constant 0.000000e+00 : f32
      %broadcast_in_dim3A_779 = vector.shape_cast %lt3A_763 : vector<1x512xi1> to vector<1x512xi1>
      %broadcast_in_dim3A_780 = vector.broadcast %broadcast_in_dim3A_779 : vector<1x512xi1> to vector<25x512xi1>
      %broadcast_in_dim3A_781 = vector.broadcast %jit3A_778 : f32 to vector<25x512xf32>
      %select_n3A_782 = arith.select %broadcast_in_dim3A_780, %exp3A_777, %broadcast_in_dim3A_781 : vector<25x512xi1>, vector<25x512xf32>
      %mul3A_783 = arith.mulf %while3A_744, %exp3A_774 : vector<25x1xf32>
      %reduce_sum3A_784 = arith.constant dense<0.000000e+00> : vector<25xf32>
      %reduce_sum3A_785 = vector.multi_reduction <add>, %select_n3A_782, %reduce_sum3A_784 [1] : vector<25x512xf32> to vector<25xf32>
      %broadcast_in_dim3A_786 = vector.shape_cast %reduce_sum3A_785 : vector<25xf32> to vector<25x1xf32>
      %add3A_787 = arith.addf %mul3A_783, %broadcast_in_dim3A_786 : vector<25x1xf32>
      %mul3A_788 = vector.broadcast %exp3A_774 : vector<25x1xf32> to vector<25x16xf32>
      %mul3A_789 = arith.mulf %while3A_745, %mul3A_788 : vector<25x16xf32>
      %dot_general3A_790 = arith.constant dense<0.000000e+00> : vector<25x16xf32>
      %dot_general3A_791 = tpu.matmul %select_n3A_782, %get3A_754, %dot_general3A_790 {dimension_numbers = #tpu.dot_dimension_numbers<[1], [0], [0], [1], [0, 0, 1, 1], [], []>, transpose_lhs_hint = false} : vector<25x512xf32>, vector<512x16xf32>, vector<25x16xf32> -> vector<25x16xf32>
      %add3A_792 = arith.addf %mul3A_789, %dot_general3A_791 : vector<25x16xf32>
      scf.yield %max3A_772, %add3A_787, %add3A_792 : vector<25x1xf32>, vector<25x1xf32>, vector<25x16xf32>
    }
    %gt3A_364 = arith.constant 0.000000e+00 : f32
    %gt3A_365 = vector.broadcast %gt3A_364 : f32 to vector<25x1xf32>
    %gt3A_366 = arith.cmpf ogt, %while3A_363#1, %gt3A_365 : vector<25x1xf32>
    %jit3A_367 = arith.constant 1.000000e+00 : f32
    %broadcast_in_dim3A_368 = vector.broadcast %jit3A_367 : f32 to vector<25x1xf32>
    %select_n3A_369 = arith.select %gt3A_366, %while3A_363#1, %broadcast_in_dim3A_368 : vector<25x1xi1>, vector<25x1xf32>
    %div3A_370 = vector.broadcast %select_n3A_369 : vector<25x1xf32> to vector<25x16xf32>
    %div3A_371 = arith.divf %while3A_363#2, %div3A_370 : vector<25x16xf32>
    %add3A_372 = arith.addf %slice3A_270, %div3A_371 : vector<25x16xf32>
    %slice3A_373 = vector.extract_strided_slice %add3A_81 {offsets = [0, 48], sizes = [25, 16], strides = [1, 1]} : vector<25x64xf32> to vector<25x16xf32>
    %mul3A_374 = arith.constant 1.250000e-01 : f32
    %mul3A_375 = vector.broadcast %mul3A_374 : f32 to vector<25x16xf32>
    %mul3A_376 = arith.mulf %slice3A_373, %mul3A_375 : vector<25x16xf32>
    %broadcast_in_dim3A_377 = arith.constant -1.000000e+30 : f32
    %broadcast_in_dim3A_378 = vector.broadcast %broadcast_in_dim3A_377 : f32 to vector<25x1xf32>
    %broadcast_in_dim3A_379 = arith.constant 0.000000e+00 : f32
    %broadcast_in_dim3A_380 = vector.broadcast %broadcast_in_dim3A_379 : f32 to vector<25x1xf32>
    %broadcast_in_dim3A_381 = arith.constant 0.000000e+00 : f32
    %broadcast_in_dim3A_382 = vector.broadcast %broadcast_in_dim3A_381 : f32 to vector<25x16xf32>
    %add3A_383 = arith.constant 0 : i32
    %add3A_384 = arith.addi %get3A_72, %add3A_383 : i32
    %get3A_385 = arith.index_cast %add3A_384 : i32 to index
    %get3A_386 = arith.constant 48 : index
    %get3A_387 = vector.load %arg2[%get3A_385, %get3A_386] : memref<10512x64xf32, #tpu.memory_space<vmem>>, vector<512x16xf32>
    %get3A_388 = arith.index_cast %add3A_384 : i32 to index
    %get3A_389 = arith.constant 48 : index
    %get3A_390 = vector.load %arg3[%get3A_388, %get3A_389] : memref<10512x64xf32, #tpu.memory_space<vmem>>, vector<512x16xf32>
    %dot_general3A_391 = arith.constant dense<0.000000e+00> : vector<25x512xf32>
    %dot_general3A_392 = tpu.matmul %mul3A_376, %get3A_387, %dot_general3A_391 {dimension_numbers = #tpu.dot_dimension_numbers<[1], [1], [0], [0], [0, 0, 1, 0], [], []>, transpose_lhs_hint = false} : vector<25x16xf32>, vector<512x16xf32>, vector<25x512xf32> -> vector<25x512xf32>
    %iota3A_393 = tpu.iota {dimensions = array<i32: 1>} : vector<1x512xi32>
    %add3A_394 = arith.constant 0 : i32
    %add3A_395 = vector.broadcast %add3A_394 : i32 to vector<1x512xi32>
    %add3A_396 = arith.addi %add3A_395, %iota3A_393 : vector<1x512xi32>
    %lt3A_397 = vector.broadcast %sub3A : i32 to vector<1x512xi32>
    %lt3A_398 = arith.cmpi slt, %add3A_396, %lt3A_397 : vector<1x512xi32>
    %jit3A_399 = arith.constant -1.000000e+30 : f32
    %broadcast_in_dim3A_400 = vector.shape_cast %lt3A_398 : vector<1x512xi1> to vector<1x512xi1>
    %broadcast_in_dim3A_401 = vector.broadcast %broadcast_in_dim3A_400 : vector<1x512xi1> to vector<25x512xi1>
    %broadcast_in_dim3A_402 = vector.broadcast %jit3A_399 : f32 to vector<25x512xf32>
    %select_n3A_403 = arith.select %broadcast_in_dim3A_401, %dot_general3A_392, %broadcast_in_dim3A_402 : vector<25x512xi1>, vector<25x512xf32>
    %reduce_max3A_404 = arith.constant dense<0xFF800000> : vector<25xf32>
    %reduce_max3A_405 = vector.multi_reduction <maximumf>, %select_n3A_403, %reduce_max3A_404 [1] : vector<25x512xf32> to vector<25xf32>
    %broadcast_in_dim3A_406 = vector.shape_cast %reduce_max3A_405 : vector<25xf32> to vector<25x1xf32>
    %max3A_407 = arith.maximumf %broadcast_in_dim3A_378, %broadcast_in_dim3A_406 : vector<25x1xf32>
    %sub3A_408 = arith.subf %broadcast_in_dim3A_378, %max3A_407 : vector<25x1xf32>
    %exp3A_409 = math.exp %sub3A_408 : vector<25x1xf32>
    %sub3A_410 = vector.broadcast %max3A_407 : vector<25x1xf32> to vector<25x512xf32>
    %sub3A_411 = arith.subf %select_n3A_403, %sub3A_410 : vector<25x512xf32>
    %exp3A_412 = math.exp %sub3A_411 : vector<25x512xf32>
    %jit3A_413 = arith.constant 0.000000e+00 : f32
    %broadcast_in_dim3A_414 = vector.shape_cast %lt3A_398 : vector<1x512xi1> to vector<1x512xi1>
    %broadcast_in_dim3A_415 = vector.broadcast %broadcast_in_dim3A_414 : vector<1x512xi1> to vector<25x512xi1>
    %broadcast_in_dim3A_416 = vector.broadcast %jit3A_413 : f32 to vector<25x512xf32>
    %select_n3A_417 = arith.select %broadcast_in_dim3A_415, %exp3A_412, %broadcast_in_dim3A_416 : vector<25x512xi1>, vector<25x512xf32>
    %mul3A_418 = arith.mulf %broadcast_in_dim3A_380, %exp3A_409 : vector<25x1xf32>
    %reduce_sum3A_419 = arith.constant dense<0.000000e+00> : vector<25xf32>
    %reduce_sum3A_420 = vector.multi_reduction <add>, %select_n3A_417, %reduce_sum3A_419 [1] : vector<25x512xf32> to vector<25xf32>
    %broadcast_in_dim3A_421 = vector.shape_cast %reduce_sum3A_420 : vector<25xf32> to vector<25x1xf32>
    %add3A_422 = arith.addf %mul3A_418, %broadcast_in_dim3A_421 : vector<25x1xf32>
    %mul3A_423 = vector.broadcast %exp3A_409 : vector<25x1xf32> to vector<25x16xf32>
    %mul3A_424 = arith.mulf %broadcast_in_dim3A_382, %mul3A_423 : vector<25x16xf32>
    %dot_general3A_425 = arith.constant dense<0.000000e+00> : vector<25x16xf32>
    %dot_general3A_426 = tpu.matmul %select_n3A_417, %get3A_390, %dot_general3A_425 {dimension_numbers = #tpu.dot_dimension_numbers<[1], [0], [0], [1], [0, 0, 1, 1], [], []>, transpose_lhs_hint = false} : vector<25x512xf32>, vector<512x16xf32>, vector<25x16xf32> -> vector<25x16xf32>
    %add3A_427 = arith.addf %mul3A_424, %dot_general3A_426 : vector<25x16xf32>
    %add3A_428 = arith.constant 512 : i32
    %add3A_429 = arith.addi %sub3A, %add3A_428 : i32
    %sub3A_430 = arith.constant 1 : i32
    %sub3A_431 = arith.subi %add3A_429, %sub3A_430 : i32
    %jit3A_432 = arith.constant 512 : i32
    %div3A_433 = arith.divsi %sub3A_431, %jit3A_432 : i32
    %sign3A_434 = arith.constant 0 : i32
    %sign3A_435 = arith.cmpi sgt, %sub3A_431, %sign3A_434 : i32
    %sign3A_436 = arith.extui %sign3A_435 : i1 to i32
    %sign3A_437 = arith.constant 0 : i32
    %sign3A_438 = arith.cmpi slt, %sub3A_431, %sign3A_437 : i32
    %sign3A_439 = arith.extui %sign3A_438 : i1 to i32
    %sign3A_440 = arith.subi %sign3A_436, %sign3A_439 : i32
    %sign3A_441 = arith.constant 0 : i32
    %sign3A_442 = arith.cmpi sgt, %jit3A_432, %sign3A_441 : i32
    %sign3A_443 = arith.extui %sign3A_442 : i1 to i32
    %sign3A_444 = arith.constant 0 : i32
    %sign3A_445 = arith.cmpi slt, %jit3A_432, %sign3A_444 : i32
    %sign3A_446 = arith.extui %sign3A_445 : i1 to i32
    %sign3A_447 = arith.subi %sign3A_443, %sign3A_446 : i32
    %ne3A_448 = arith.cmpi ne, %sign3A_440, %sign3A_447 : i32
    %rem3A_449 = arith.remsi %sub3A_431, %jit3A_432 : i32
    %ne3A_450 = arith.constant 0 : i32
    %ne3A_451 = arith.cmpi ne, %rem3A_449, %ne3A_450 : i32
    %and3A_452 = arith.andi %ne3A_448, %ne3A_451 : i1
    %sub3A_453 = arith.constant 1 : i32
    %sub3A_454 = arith.subi %div3A_433, %sub3A_453 : i32
    %select_n3A_455 = arith.select %and3A_452, %sub3A_454, %div3A_433 : i32
    %while3A_456 = arith.constant 1 : i32
    %while3A_457 = arith.subi %select_n3A_455, %while3A_456 : i32
    %while3A_458 = arith.addi %while3A_456, %while3A_457 : i32
    %while3A_459 = arith.constant 1 : i32
    %while3A_460 = arith.divsi %while3A_457, %while3A_459 : i32
    %while3A_461 = arith.muli %while3A_460, %while3A_459 : i32
    %while3A_462 = arith.addi %while3A_456, %while3A_461 : i32
    %while3A_463 = arith.constant 1 : i32
    %while3A_464:3 = scf.for %while3A_742 = %while3A_456 to %while3A_462 step %while3A_463 iter_args(%while3A_743 = %max3A_407, %while3A_744 = %add3A_422, %while3A_745 = %add3A_427) -> (vector<25x1xf32>, vector<25x1xf32>, vector<25x16xf32>)  : i32 {
      %mul3A_746 = arith.constant 512 : i32
      %mul3A_747 = arith.muli %while3A_742, %mul3A_746 : i32
      %add3A_748 = arith.addi %get3A_72, %mul3A_747 : i32
      %get3A_749 = arith.index_cast %add3A_748 : i32 to index
      %get3A_750 = arith.constant 48 : index
      %get3A_751 = vector.load %arg2[%get3A_749, %get3A_750] : memref<10512x64xf32, #tpu.memory_space<vmem>>, vector<512x16xf32>
      %get3A_752 = arith.index_cast %add3A_748 : i32 to index
      %get3A_753 = arith.constant 48 : index
      %get3A_754 = vector.load %arg3[%get3A_752, %get3A_753] : memref<10512x64xf32, #tpu.memory_space<vmem>>, vector<512x16xf32>
      %dot_general3A_755 = arith.constant dense<0.000000e+00> : vector<25x512xf32>
      %dot_general3A_756 = tpu.matmul %mul3A_376, %get3A_751, %dot_general3A_755 {dimension_numbers = #tpu.dot_dimension_numbers<[1], [1], [0], [0], [0, 0, 1, 0], [], []>, transpose_lhs_hint = false} : vector<25x16xf32>, vector<512x16xf32>, vector<25x512xf32> -> vector<25x512xf32>
      %mul3A_757 = arith.constant 512 : i32
      %mul3A_758 = arith.muli %while3A_742, %mul3A_757 : i32
      %iota3A_759 = tpu.iota {dimensions = array<i32: 1>} : vector<1x512xi32>
      %add3A_760 = vector.broadcast %mul3A_758 : i32 to vector<1x512xi32>
      %add3A_761 = arith.addi %add3A_760, %iota3A_759 : vector<1x512xi32>
      %lt3A_762 = vector.broadcast %sub3A : i32 to vector<1x512xi32>
      %lt3A_763 = arith.cmpi slt, %add3A_761, %lt3A_762 : vector<1x512xi32>
      %jit3A_764 = arith.constant -1.000000e+30 : f32
      %broadcast_in_dim3A_765 = vector.shape_cast %lt3A_763 : vector<1x512xi1> to vector<1x512xi1>
      %broadcast_in_dim3A_766 = vector.broadcast %broadcast_in_dim3A_765 : vector<1x512xi1> to vector<25x512xi1>
      %broadcast_in_dim3A_767 = vector.broadcast %jit3A_764 : f32 to vector<25x512xf32>
      %select_n3A_768 = arith.select %broadcast_in_dim3A_766, %dot_general3A_756, %broadcast_in_dim3A_767 : vector<25x512xi1>, vector<25x512xf32>
      %reduce_max3A_769 = arith.constant dense<0xFF800000> : vector<25xf32>
      %reduce_max3A_770 = vector.multi_reduction <maximumf>, %select_n3A_768, %reduce_max3A_769 [1] : vector<25x512xf32> to vector<25xf32>
      %broadcast_in_dim3A_771 = vector.shape_cast %reduce_max3A_770 : vector<25xf32> to vector<25x1xf32>
      %max3A_772 = arith.maximumf %while3A_743, %broadcast_in_dim3A_771 : vector<25x1xf32>
      %sub3A_773 = arith.subf %while3A_743, %max3A_772 : vector<25x1xf32>
      %exp3A_774 = math.exp %sub3A_773 : vector<25x1xf32>
      %sub3A_775 = vector.broadcast %max3A_772 : vector<25x1xf32> to vector<25x512xf32>
      %sub3A_776 = arith.subf %select_n3A_768, %sub3A_775 : vector<25x512xf32>
      %exp3A_777 = math.exp %sub3A_776 : vector<25x512xf32>
      %jit3A_778 = arith.constant 0.000000e+00 : f32
      %broadcast_in_dim3A_779 = vector.shape_cast %lt3A_763 : vector<1x512xi1> to vector<1x512xi1>
      %broadcast_in_dim3A_780 = vector.broadcast %broadcast_in_dim3A_779 : vector<1x512xi1> to vector<25x512xi1>
      %broadcast_in_dim3A_781 = vector.broadcast %jit3A_778 : f32 to vector<25x512xf32>
      %select_n3A_782 = arith.select %broadcast_in_dim3A_780, %exp3A_777, %broadcast_in_dim3A_781 : vector<25x512xi1>, vector<25x512xf32>
      %mul3A_783 = arith.mulf %while3A_744, %exp3A_774 : vector<25x1xf32>
      %reduce_sum3A_784 = arith.constant dense<0.000000e+00> : vector<25xf32>
      %reduce_sum3A_785 = vector.multi_reduction <add>, %select_n3A_782, %reduce_sum3A_784 [1] : vector<25x512xf32> to vector<25xf32>
      %broadcast_in_dim3A_786 = vector.shape_cast %reduce_sum3A_785 : vector<25xf32> to vector<25x1xf32>
      %add3A_787 = arith.addf %mul3A_783, %broadcast_in_dim3A_786 : vector<25x1xf32>
      %mul3A_788 = vector.broadcast %exp3A_774 : vector<25x1xf32> to vector<25x16xf32>
      %mul3A_789 = arith.mulf %while3A_745, %mul3A_788 : vector<25x16xf32>
      %dot_general3A_790 = arith.constant dense<0.000000e+00> : vector<25x16xf32>
      %dot_general3A_791 = tpu.matmul %select_n3A_782, %get3A_754, %dot_general3A_790 {dimension_numbers = #tpu.dot_dimension_numbers<[1], [0], [0], [1], [0, 0, 1, 1], [], []>, transpose_lhs_hint = false} : vector<25x512xf32>, vector<512x16xf32>, vector<25x16xf32> -> vector<25x16xf32>
      %add3A_792 = arith.addf %mul3A_789, %dot_general3A_791 : vector<25x16xf32>
      scf.yield %max3A_772, %add3A_787, %add3A_792 : vector<25x1xf32>, vector<25x1xf32>, vector<25x16xf32>
    }
    %while3A_465 = arith.constant 1 : i32
    %while3A_466:3 = scf.for %while3A_742 = %while3A_462 to %while3A_458 step %while3A_465 iter_args(%while3A_743 = %while3A_464#0, %while3A_744 = %while3A_464#1, %while3A_745 = %while3A_464#2) -> (vector<25x1xf32>, vector<25x1xf32>, vector<25x16xf32>)  : i32 {
      %mul3A_746 = arith.constant 512 : i32
      %mul3A_747 = arith.muli %while3A_742, %mul3A_746 : i32
      %add3A_748 = arith.addi %get3A_72, %mul3A_747 : i32
      %get3A_749 = arith.index_cast %add3A_748 : i32 to index
      %get3A_750 = arith.constant 48 : index
      %get3A_751 = vector.load %arg2[%get3A_749, %get3A_750] : memref<10512x64xf32, #tpu.memory_space<vmem>>, vector<512x16xf32>
      %get3A_752 = arith.index_cast %add3A_748 : i32 to index
      %get3A_753 = arith.constant 48 : index
      %get3A_754 = vector.load %arg3[%get3A_752, %get3A_753] : memref<10512x64xf32, #tpu.memory_space<vmem>>, vector<512x16xf32>
      %dot_general3A_755 = arith.constant dense<0.000000e+00> : vector<25x512xf32>
      %dot_general3A_756 = tpu.matmul %mul3A_376, %get3A_751, %dot_general3A_755 {dimension_numbers = #tpu.dot_dimension_numbers<[1], [1], [0], [0], [0, 0, 1, 0], [], []>, transpose_lhs_hint = false} : vector<25x16xf32>, vector<512x16xf32>, vector<25x512xf32> -> vector<25x512xf32>
      %mul3A_757 = arith.constant 512 : i32
      %mul3A_758 = arith.muli %while3A_742, %mul3A_757 : i32
      %iota3A_759 = tpu.iota {dimensions = array<i32: 1>} : vector<1x512xi32>
      %add3A_760 = vector.broadcast %mul3A_758 : i32 to vector<1x512xi32>
      %add3A_761 = arith.addi %add3A_760, %iota3A_759 : vector<1x512xi32>
      %lt3A_762 = vector.broadcast %sub3A : i32 to vector<1x512xi32>
      %lt3A_763 = arith.cmpi slt, %add3A_761, %lt3A_762 : vector<1x512xi32>
      %jit3A_764 = arith.constant -1.000000e+30 : f32
      %broadcast_in_dim3A_765 = vector.shape_cast %lt3A_763 : vector<1x512xi1> to vector<1x512xi1>
      %broadcast_in_dim3A_766 = vector.broadcast %broadcast_in_dim3A_765 : vector<1x512xi1> to vector<25x512xi1>
      %broadcast_in_dim3A_767 = vector.broadcast %jit3A_764 : f32 to vector<25x512xf32>
      %select_n3A_768 = arith.select %broadcast_in_dim3A_766, %dot_general3A_756, %broadcast_in_dim3A_767 : vector<25x512xi1>, vector<25x512xf32>
      %reduce_max3A_769 = arith.constant dense<0xFF800000> : vector<25xf32>
      %reduce_max3A_770 = vector.multi_reduction <maximumf>, %select_n3A_768, %reduce_max3A_769 [1] : vector<25x512xf32> to vector<25xf32>
      %broadcast_in_dim3A_771 = vector.shape_cast %reduce_max3A_770 : vector<25xf32> to vector<25x1xf32>
      %max3A_772 = arith.maximumf %while3A_743, %broadcast_in_dim3A_771 : vector<25x1xf32>
      %sub3A_773 = arith.subf %while3A_743, %max3A_772 : vector<25x1xf32>
      %exp3A_774 = math.exp %sub3A_773 : vector<25x1xf32>
      %sub3A_775 = vector.broadcast %max3A_772 : vector<25x1xf32> to vector<25x512xf32>
      %sub3A_776 = arith.subf %select_n3A_768, %sub3A_775 : vector<25x512xf32>
      %exp3A_777 = math.exp %sub3A_776 : vector<25x512xf32>
      %jit3A_778 = arith.constant 0.000000e+00 : f32
      %broadcast_in_dim3A_779 = vector.shape_cast %lt3A_763 : vector<1x512xi1> to vector<1x512xi1>
      %broadcast_in_dim3A_780 = vector.broadcast %broadcast_in_dim3A_779 : vector<1x512xi1> to vector<25x512xi1>
      %broadcast_in_dim3A_781 = vector.broadcast %jit3A_778 : f32 to vector<25x512xf32>
      %select_n3A_782 = arith.select %broadcast_in_dim3A_780, %exp3A_777, %broadcast_in_dim3A_781 : vector<25x512xi1>, vector<25x512xf32>
      %mul3A_783 = arith.mulf %while3A_744, %exp3A_774 : vector<25x1xf32>
      %reduce_sum3A_784 = arith.constant dense<0.000000e+00> : vector<25xf32>
      %reduce_sum3A_785 = vector.multi_reduction <add>, %select_n3A_782, %reduce_sum3A_784 [1] : vector<25x512xf32> to vector<25xf32>
      %broadcast_in_dim3A_786 = vector.shape_cast %reduce_sum3A_785 : vector<25xf32> to vector<25x1xf32>
      %add3A_787 = arith.addf %mul3A_783, %broadcast_in_dim3A_786 : vector<25x1xf32>
      %mul3A_788 = vector.broadcast %exp3A_774 : vector<25x1xf32> to vector<25x16xf32>
      %mul3A_789 = arith.mulf %while3A_745, %mul3A_788 : vector<25x16xf32>
      %dot_general3A_790 = arith.constant dense<0.000000e+00> : vector<25x16xf32>
      %dot_general3A_791 = tpu.matmul %select_n3A_782, %get3A_754, %dot_general3A_790 {dimension_numbers = #tpu.dot_dimension_numbers<[1], [0], [0], [1], [0, 0, 1, 1], [], []>, transpose_lhs_hint = false} : vector<25x512xf32>, vector<512x16xf32>, vector<25x16xf32> -> vector<25x16xf32>
      %add3A_792 = arith.addf %mul3A_789, %dot_general3A_791 : vector<25x16xf32>
      scf.yield %max3A_772, %add3A_787, %add3A_792 : vector<25x1xf32>, vector<25x1xf32>, vector<25x16xf32>
    }
    %gt3A_467 = arith.constant 0.000000e+00 : f32
    %gt3A_468 = vector.broadcast %gt3A_467 : f32 to vector<25x1xf32>
    %gt3A_469 = arith.cmpf ogt, %while3A_466#1, %gt3A_468 : vector<25x1xf32>
    %jit3A_470 = arith.constant 1.000000e+00 : f32
    %broadcast_in_dim3A_471 = vector.broadcast %jit3A_470 : f32 to vector<25x1xf32>
    %select_n3A_472 = arith.select %gt3A_469, %while3A_466#1, %broadcast_in_dim3A_471 : vector<25x1xi1>, vector<25x1xf32>
    %div3A_473 = vector.broadcast %select_n3A_472 : vector<25x1xf32> to vector<25x16xf32>
    %div3A_474 = arith.divf %while3A_466#2, %div3A_473 : vector<25x16xf32>
    %add3A_475 = arith.addf %slice3A_373, %div3A_474 : vector<25x16xf32>
    %concatenate3A = tpu.concatenate %add3A_166, %add3A_269, %add3A_372, %add3A_475 in 1 : vector<25x16xf32>, vector<25x16xf32>, vector<25x16xf32>, vector<25x16xf32> -> vector<25x64xf32>
    %dot_general3A_476 = arith.constant dense<0.000000e+00> : vector<25x64xf32>
    %dot_general3A_477 = tpu.matmul %concatenate3A, %get3A_7, %dot_general3A_476 {dimension_numbers = #tpu.dot_dimension_numbers<[1], [0], [0], [1], [0, 0, 1, 1], [], []>, transpose_lhs_hint = false} : vector<25x64xf32>, vector<64x64xf32>, vector<25x64xf32> -> vector<25x64xf32>
    %add3A_478 = vector.broadcast %get3A_10 : vector<1x64xf32> to vector<25x64xf32>
    %add3A_479 = arith.addf %dot_general3A_477, %add3A_478 : vector<25x64xf32>
    %max3A_480 = arith.constant 0.000000e+00 : f32
    %max3A_481 = vector.broadcast %max3A_480 : f32 to vector<25x64xf32>
    %max3A_482 = arith.maximumf %add3A_479, %max3A_481 : vector<25x64xf32>
    %add3A_483 = arith.addf %concatenate3A, %max3A_482 : vector<25x64xf32>
    %dot_general3A_484 = arith.constant dense<0.000000e+00> : vector<25x64xf32>
    %dot_general3A_485 = tpu.matmul %add3A_483, %get3A_13, %dot_general3A_484 {dimension_numbers = #tpu.dot_dimension_numbers<[1], [0], [0], [1], [0, 0, 1, 1], [], []>, transpose_lhs_hint = false} : vector<25x64xf32>, vector<64x64xf32>, vector<25x64xf32> -> vector<25x64xf32>
    %add3A_486 = vector.broadcast %get3A_16 : vector<1x64xf32> to vector<25x64xf32>
    %add3A_487 = arith.addf %dot_general3A_485, %add3A_486 : vector<25x64xf32>
    %dot_general3A_488 = arith.constant dense<0.000000e+00> : vector<25x64xf32>
    %dot_general3A_489 = tpu.matmul %add3A_483, %get3A_19, %dot_general3A_488 {dimension_numbers = #tpu.dot_dimension_numbers<[1], [0], [0], [1], [0, 0, 1, 1], [], []>, transpose_lhs_hint = false} : vector<25x64xf32>, vector<64x64xf32>, vector<25x64xf32> -> vector<25x64xf32>
    %add3A_490 = vector.broadcast %get3A_22 : vector<1x64xf32> to vector<25x64xf32>
    %add3A_491 = arith.addf %dot_general3A_489, %add3A_490 : vector<25x64xf32>
    %dot_general3A_492 = arith.constant dense<0.000000e+00> : vector<25x64xf32>
    %dot_general3A_493 = tpu.matmul %add3A_483, %get3A_25, %dot_general3A_492 {dimension_numbers = #tpu.dot_dimension_numbers<[1], [0], [0], [1], [0, 0, 1, 1], [], []>, transpose_lhs_hint = false} : vector<25x64xf32>, vector<64x64xf32>, vector<25x64xf32> -> vector<25x64xf32>
    %add3A_494 = vector.broadcast %get3A_28 : vector<1x64xf32> to vector<25x64xf32>
    %add3A_495 = arith.addf %dot_general3A_493, %add3A_494 : vector<25x64xf32>
    %slice3A_496 = vector.extract_strided_slice %add3A_487 {offsets = [0, 0], sizes = [25, 16], strides = [1, 1]} : vector<25x64xf32> to vector<25x16xf32>
    %slice3A_497 = vector.extract_strided_slice %add3A_491 {offsets = [0, 0], sizes = [25, 16], strides = [1, 1]} : vector<25x64xf32> to vector<25x16xf32>
    %slice3A_498 = vector.extract_strided_slice %add3A_495 {offsets = [0, 0], sizes = [25, 16], strides = [1, 1]} : vector<25x64xf32> to vector<25x16xf32>
    %mul3A_499 = arith.constant 1.250000e-01 : f32
    %mul3A_500 = vector.broadcast %mul3A_499 : f32 to vector<25x16xf32>
    %mul3A_501 = arith.mulf %slice3A_496, %mul3A_500 : vector<25x16xf32>
    %dot_general3A_502 = arith.constant dense<0.000000e+00> : vector<25x25xf32>
    %dot_general3A_503 = tpu.matmul %mul3A_501, %slice3A_497, %dot_general3A_502 {dimension_numbers = #tpu.dot_dimension_numbers<[1], [1], [0], [0], [0, 0, 1, 0], [], []>, transpose_lhs_hint = false} : vector<25x16xf32>, vector<25x16xf32>, vector<25x25xf32> -> vector<25x25xf32>
    %reduce_max3A_504 = arith.constant dense<0xFF800000> : vector<25xf32>
    %reduce_max3A_505 = vector.multi_reduction <maximumf>, %dot_general3A_503, %reduce_max3A_504 [1] : vector<25x25xf32> to vector<25xf32>
    %broadcast_in_dim3A_506 = vector.shape_cast %reduce_max3A_505 : vector<25xf32> to vector<25x1xf32>
    %sub3A_507 = vector.broadcast %broadcast_in_dim3A_506 : vector<25x1xf32> to vector<25x25xf32>
    %sub3A_508 = arith.subf %dot_general3A_503, %sub3A_507 : vector<25x25xf32>
    %exp3A_509 = math.exp %sub3A_508 : vector<25x25xf32>
    %reduce_sum3A_510 = arith.constant dense<0.000000e+00> : vector<25xf32>
    %reduce_sum3A_511 = vector.multi_reduction <add>, %exp3A_509, %reduce_sum3A_510 [1] : vector<25x25xf32> to vector<25xf32>
    %broadcast_in_dim3A_512 = vector.shape_cast %reduce_sum3A_511 : vector<25xf32> to vector<25x1xf32>
    %div3A_513 = vector.broadcast %broadcast_in_dim3A_512 : vector<25x1xf32> to vector<25x25xf32>
    %div3A_514 = arith.divf %exp3A_509, %div3A_513 : vector<25x25xf32>
    %dot_general3A_515 = arith.constant dense<0.000000e+00> : vector<25x16xf32>
    %dot_general3A_516 = tpu.matmul %div3A_514, %slice3A_498, %dot_general3A_515 {dimension_numbers = #tpu.dot_dimension_numbers<[1], [0], [0], [1], [0, 0, 1, 1], [], []>, transpose_lhs_hint = false} : vector<25x25xf32>, vector<25x16xf32>, vector<25x16xf32> -> vector<25x16xf32>
    %add3A_517 = arith.addf %slice3A_496, %dot_general3A_516 : vector<25x16xf32>
    %slice3A_518 = vector.extract_strided_slice %add3A_487 {offsets = [0, 16], sizes = [25, 16], strides = [1, 1]} : vector<25x64xf32> to vector<25x16xf32>
    %slice3A_519 = vector.extract_strided_slice %add3A_491 {offsets = [0, 16], sizes = [25, 16], strides = [1, 1]} : vector<25x64xf32> to vector<25x16xf32>
    %slice3A_520 = vector.extract_strided_slice %add3A_495 {offsets = [0, 16], sizes = [25, 16], strides = [1, 1]} : vector<25x64xf32> to vector<25x16xf32>
    %mul3A_521 = arith.constant 1.250000e-01 : f32
    %mul3A_522 = vector.broadcast %mul3A_521 : f32 to vector<25x16xf32>
    %mul3A_523 = arith.mulf %slice3A_518, %mul3A_522 : vector<25x16xf32>
    %dot_general3A_524 = arith.constant dense<0.000000e+00> : vector<25x25xf32>
    %dot_general3A_525 = tpu.matmul %mul3A_523, %slice3A_519, %dot_general3A_524 {dimension_numbers = #tpu.dot_dimension_numbers<[1], [1], [0], [0], [0, 0, 1, 0], [], []>, transpose_lhs_hint = false} : vector<25x16xf32>, vector<25x16xf32>, vector<25x25xf32> -> vector<25x25xf32>
    %reduce_max3A_526 = arith.constant dense<0xFF800000> : vector<25xf32>
    %reduce_max3A_527 = vector.multi_reduction <maximumf>, %dot_general3A_525, %reduce_max3A_526 [1] : vector<25x25xf32> to vector<25xf32>
    %broadcast_in_dim3A_528 = vector.shape_cast %reduce_max3A_527 : vector<25xf32> to vector<25x1xf32>
    %sub3A_529 = vector.broadcast %broadcast_in_dim3A_528 : vector<25x1xf32> to vector<25x25xf32>
    %sub3A_530 = arith.subf %dot_general3A_525, %sub3A_529 : vector<25x25xf32>
    %exp3A_531 = math.exp %sub3A_530 : vector<25x25xf32>
    %reduce_sum3A_532 = arith.constant dense<0.000000e+00> : vector<25xf32>
    %reduce_sum3A_533 = vector.multi_reduction <add>, %exp3A_531, %reduce_sum3A_532 [1] : vector<25x25xf32> to vector<25xf32>
    %broadcast_in_dim3A_534 = vector.shape_cast %reduce_sum3A_533 : vector<25xf32> to vector<25x1xf32>
    %div3A_535 = vector.broadcast %broadcast_in_dim3A_534 : vector<25x1xf32> to vector<25x25xf32>
    %div3A_536 = arith.divf %exp3A_531, %div3A_535 : vector<25x25xf32>
    %dot_general3A_537 = arith.constant dense<0.000000e+00> : vector<25x16xf32>
    %dot_general3A_538 = tpu.matmul %div3A_536, %slice3A_520, %dot_general3A_537 {dimension_numbers = #tpu.dot_dimension_numbers<[1], [0], [0], [1], [0, 0, 1, 1], [], []>, transpose_lhs_hint = false} : vector<25x25xf32>, vector<25x16xf32>, vector<25x16xf32> -> vector<25x16xf32>
    %add3A_539 = arith.addf %slice3A_518, %dot_general3A_538 : vector<25x16xf32>
    %slice3A_540 = vector.extract_strided_slice %add3A_487 {offsets = [0, 32], sizes = [25, 16], strides = [1, 1]} : vector<25x64xf32> to vector<25x16xf32>
    %slice3A_541 = vector.extract_strided_slice %add3A_491 {offsets = [0, 32], sizes = [25, 16], strides = [1, 1]} : vector<25x64xf32> to vector<25x16xf32>
    %slice3A_542 = vector.extract_strided_slice %add3A_495 {offsets = [0, 32], sizes = [25, 16], strides = [1, 1]} : vector<25x64xf32> to vector<25x16xf32>
    %mul3A_543 = arith.constant 1.250000e-01 : f32
    %mul3A_544 = vector.broadcast %mul3A_543 : f32 to vector<25x16xf32>
    %mul3A_545 = arith.mulf %slice3A_540, %mul3A_544 : vector<25x16xf32>
    %dot_general3A_546 = arith.constant dense<0.000000e+00> : vector<25x25xf32>
    %dot_general3A_547 = tpu.matmul %mul3A_545, %slice3A_541, %dot_general3A_546 {dimension_numbers = #tpu.dot_dimension_numbers<[1], [1], [0], [0], [0, 0, 1, 0], [], []>, transpose_lhs_hint = false} : vector<25x16xf32>, vector<25x16xf32>, vector<25x25xf32> -> vector<25x25xf32>
    %reduce_max3A_548 = arith.constant dense<0xFF800000> : vector<25xf32>
    %reduce_max3A_549 = vector.multi_reduction <maximumf>, %dot_general3A_547, %reduce_max3A_548 [1] : vector<25x25xf32> to vector<25xf32>
    %broadcast_in_dim3A_550 = vector.shape_cast %reduce_max3A_549 : vector<25xf32> to vector<25x1xf32>
    %sub3A_551 = vector.broadcast %broadcast_in_dim3A_550 : vector<25x1xf32> to vector<25x25xf32>
    %sub3A_552 = arith.subf %dot_general3A_547, %sub3A_551 : vector<25x25xf32>
    %exp3A_553 = math.exp %sub3A_552 : vector<25x25xf32>
    %reduce_sum3A_554 = arith.constant dense<0.000000e+00> : vector<25xf32>
    %reduce_sum3A_555 = vector.multi_reduction <add>, %exp3A_553, %reduce_sum3A_554 [1] : vector<25x25xf32> to vector<25xf32>
    %broadcast_in_dim3A_556 = vector.shape_cast %reduce_sum3A_555 : vector<25xf32> to vector<25x1xf32>
    %div3A_557 = vector.broadcast %broadcast_in_dim3A_556 : vector<25x1xf32> to vector<25x25xf32>
    %div3A_558 = arith.divf %exp3A_553, %div3A_557 : vector<25x25xf32>
    %dot_general3A_559 = arith.constant dense<0.000000e+00> : vector<25x16xf32>
    %dot_general3A_560 = tpu.matmul %div3A_558, %slice3A_542, %dot_general3A_559 {dimension_numbers = #tpu.dot_dimension_numbers<[1], [0], [0], [1], [0, 0, 1, 1], [], []>, transpose_lhs_hint = false} : vector<25x25xf32>, vector<25x16xf32>, vector<25x16xf32> -> vector<25x16xf32>
    %add3A_561 = arith.addf %slice3A_540, %dot_general3A_560 : vector<25x16xf32>
    %slice3A_562 = vector.extract_strided_slice %add3A_487 {offsets = [0, 48], sizes = [25, 16], strides = [1, 1]} : vector<25x64xf32> to vector<25x16xf32>
    %slice3A_563 = vector.extract_strided_slice %add3A_491 {offsets = [0, 48], sizes = [25, 16], strides = [1, 1]} : vector<25x64xf32> to vector<25x16xf32>
    %slice3A_564 = vector.extract_strided_slice %add3A_495 {offsets = [0, 48], sizes = [25, 16], strides = [1, 1]} : vector<25x64xf32> to vector<25x16xf32>
    %mul3A_565 = arith.constant 1.250000e-01 : f32
    %mul3A_566 = vector.broadcast %mul3A_565 : f32 to vector<25x16xf32>
    %mul3A_567 = arith.mulf %slice3A_562, %mul3A_566 : vector<25x16xf32>
    %dot_general3A_568 = arith.constant dense<0.000000e+00> : vector<25x25xf32>
    %dot_general3A_569 = tpu.matmul %mul3A_567, %slice3A_563, %dot_general3A_568 {dimension_numbers = #tpu.dot_dimension_numbers<[1], [1], [0], [0], [0, 0, 1, 0], [], []>, transpose_lhs_hint = false} : vector<25x16xf32>, vector<25x16xf32>, vector<25x25xf32> -> vector<25x25xf32>
    %reduce_max3A_570 = arith.constant dense<0xFF800000> : vector<25xf32>
    %reduce_max3A_571 = vector.multi_reduction <maximumf>, %dot_general3A_569, %reduce_max3A_570 [1] : vector<25x25xf32> to vector<25xf32>
    %broadcast_in_dim3A_572 = vector.shape_cast %reduce_max3A_571 : vector<25xf32> to vector<25x1xf32>
    %sub3A_573 = vector.broadcast %broadcast_in_dim3A_572 : vector<25x1xf32> to vector<25x25xf32>
    %sub3A_574 = arith.subf %dot_general3A_569, %sub3A_573 : vector<25x25xf32>
    %exp3A_575 = math.exp %sub3A_574 : vector<25x25xf32>
    %reduce_sum3A_576 = arith.constant dense<0.000000e+00> : vector<25xf32>
    %reduce_sum3A_577 = vector.multi_reduction <add>, %exp3A_575, %reduce_sum3A_576 [1] : vector<25x25xf32> to vector<25xf32>
    %broadcast_in_dim3A_578 = vector.shape_cast %reduce_sum3A_577 : vector<25xf32> to vector<25x1xf32>
    %div3A_579 = vector.broadcast %broadcast_in_dim3A_578 : vector<25x1xf32> to vector<25x25xf32>
    %div3A_580 = arith.divf %exp3A_575, %div3A_579 : vector<25x25xf32>
    %dot_general3A_581 = arith.constant dense<0.000000e+00> : vector<25x16xf32>
    %dot_general3A_582 = tpu.matmul %div3A_580, %slice3A_564, %dot_general3A_581 {dimension_numbers = #tpu.dot_dimension_numbers<[1], [0], [0], [1], [0, 0, 1, 1], [], []>, transpose_lhs_hint = false} : vector<25x25xf32>, vector<25x16xf32>, vector<25x16xf32> -> vector<25x16xf32>
    %add3A_583 = arith.addf %slice3A_562, %dot_general3A_582 : vector<25x16xf32>
    %concatenate3A_584 = tpu.concatenate %add3A_517, %add3A_539, %add3A_561, %add3A_583 in 1 : vector<25x16xf32>, vector<25x16xf32>, vector<25x16xf32>, vector<25x16xf32> -> vector<25x64xf32>
    %dot_general3A_585 = arith.constant dense<0.000000e+00> : vector<25x64xf32>
    %dot_general3A_586 = tpu.matmul %concatenate3A_584, %get3A_31, %dot_general3A_585 {dimension_numbers = #tpu.dot_dimension_numbers<[1], [0], [0], [1], [0, 0, 1, 1], [], []>, transpose_lhs_hint = false} : vector<25x64xf32>, vector<64x64xf32>, vector<25x64xf32> -> vector<25x64xf32>
    %add3A_587 = vector.broadcast %get3A_34 : vector<1x64xf32> to vector<25x64xf32>
    %add3A_588 = arith.addf %dot_general3A_586, %add3A_587 : vector<25x64xf32>
    %max3A_589 = arith.constant 0.000000e+00 : f32
    %max3A_590 = vector.broadcast %max3A_589 : f32 to vector<25x64xf32>
    %max3A_591 = arith.maximumf %add3A_588, %max3A_590 : vector<25x64xf32>
    %add3A_592 = arith.addf %concatenate3A_584, %max3A_591 : vector<25x64xf32>
    %get3A_593 = arith.constant 0 : index
    %get3A_594 = arith.constant 0 : index
    %get3A_595 = vector.load %arg5[%get3A_593, %get3A_594] : memref<1x64xf32, #tpu.memory_space<vmem>>, vector<1x64xf32>
    %dot_general3A_596 = arith.constant dense<0.000000e+00> : vector<1x64xf32>
    %dot_general3A_597 = tpu.matmul %get3A_595, %get3A_37, %dot_general3A_596 {dimension_numbers = #tpu.dot_dimension_numbers<[1], [0], [0], [1], [0, 0, 1, 1], [], []>, transpose_lhs_hint = false} : vector<1x64xf32>, vector<64x64xf32>, vector<1x64xf32> -> vector<1x64xf32>
    %add3A_598 = arith.addf %dot_general3A_597, %get3A_40 : vector<1x64xf32>
    %dot_general3A_599 = arith.constant dense<0.000000e+00> : vector<25x64xf32>
    %dot_general3A_600 = tpu.matmul %add3A_592, %get3A_43, %dot_general3A_599 {dimension_numbers = #tpu.dot_dimension_numbers<[1], [0], [0], [1], [0, 0, 1, 1], [], []>, transpose_lhs_hint = false} : vector<25x64xf32>, vector<64x64xf32>, vector<25x64xf32> -> vector<25x64xf32>
    %add3A_601 = vector.broadcast %get3A_46 : vector<1x64xf32> to vector<25x64xf32>
    %add3A_602 = arith.addf %dot_general3A_600, %add3A_601 : vector<25x64xf32>
    %dot_general3A_603 = arith.constant dense<0.000000e+00> : vector<25x64xf32>
    %dot_general3A_604 = tpu.matmul %add3A_592, %get3A_49, %dot_general3A_603 {dimension_numbers = #tpu.dot_dimension_numbers<[1], [0], [0], [1], [0, 0, 1, 1], [], []>, transpose_lhs_hint = false} : vector<25x64xf32>, vector<64x64xf32>, vector<25x64xf32> -> vector<25x64xf32>
    %add3A_605 = vector.broadcast %get3A_52 : vector<1x64xf32> to vector<25x64xf32>
    %add3A_606 = arith.addf %dot_general3A_604, %add3A_605 : vector<25x64xf32>
    %slice3A_607 = vector.extract_strided_slice %add3A_598 {offsets = [0, 0], sizes = [1, 16], strides = [1, 1]} : vector<1x64xf32> to vector<1x16xf32>
    %slice3A_608 = vector.extract_strided_slice %add3A_602 {offsets = [0, 0], sizes = [25, 16], strides = [1, 1]} : vector<25x64xf32> to vector<25x16xf32>
    %slice3A_609 = vector.extract_strided_slice %add3A_606 {offsets = [0, 0], sizes = [25, 16], strides = [1, 1]} : vector<25x64xf32> to vector<25x16xf32>
    %mul3A_610 = arith.constant 1.250000e-01 : f32
    %mul3A_611 = vector.broadcast %mul3A_610 : f32 to vector<1x16xf32>
    %mul3A_612 = arith.mulf %slice3A_607, %mul3A_611 : vector<1x16xf32>
    %dot_general3A_613 = arith.constant dense<0.000000e+00> : vector<1x25xf32>
    %dot_general3A_614 = tpu.matmul %mul3A_612, %slice3A_608, %dot_general3A_613 {dimension_numbers = #tpu.dot_dimension_numbers<[1], [1], [0], [0], [0, 0, 1, 0], [], []>, transpose_lhs_hint = false} : vector<1x16xf32>, vector<25x16xf32>, vector<1x25xf32> -> vector<1x25xf32>
    %reduce_max3A_615 = arith.constant dense<0xFF800000> : vector<1xf32>
    %reduce_max3A_616 = vector.multi_reduction <maximumf>, %dot_general3A_614, %reduce_max3A_615 [1] : vector<1x25xf32> to vector<1xf32>
    %broadcast_in_dim3A_617 = vector.shape_cast %reduce_max3A_616 : vector<1xf32> to vector<1x1xf32>
    %sub3A_618 = vector.broadcast %broadcast_in_dim3A_617 : vector<1x1xf32> to vector<1x25xf32>
    %sub3A_619 = arith.subf %dot_general3A_614, %sub3A_618 : vector<1x25xf32>
    %exp3A_620 = math.exp %sub3A_619 : vector<1x25xf32>
    %reduce_sum3A_621 = arith.constant dense<0.000000e+00> : vector<1xf32>
    %reduce_sum3A_622 = vector.multi_reduction <add>, %exp3A_620, %reduce_sum3A_621 [1] : vector<1x25xf32> to vector<1xf32>
    %broadcast_in_dim3A_623 = vector.shape_cast %reduce_sum3A_622 : vector<1xf32> to vector<1x1xf32>
    %div3A_624 = vector.broadcast %broadcast_in_dim3A_623 : vector<1x1xf32> to vector<1x25xf32>
    %div3A_625 = arith.divf %exp3A_620, %div3A_624 : vector<1x25xf32>
    %dot_general3A_626 = arith.constant dense<0.000000e+00> : vector<1x16xf32>
    %dot_general3A_627 = tpu.matmul %div3A_625, %slice3A_609, %dot_general3A_626 {dimension_numbers = #tpu.dot_dimension_numbers<[1], [0], [0], [1], [0, 0, 1, 1], [], []>, transpose_lhs_hint = false} : vector<1x25xf32>, vector<25x16xf32>, vector<1x16xf32> -> vector<1x16xf32>
    %add3A_628 = arith.addf %slice3A_607, %dot_general3A_627 : vector<1x16xf32>
    %slice3A_629 = vector.extract_strided_slice %add3A_598 {offsets = [0, 16], sizes = [1, 16], strides = [1, 1]} : vector<1x64xf32> to vector<1x16xf32>
    %slice3A_630 = vector.extract_strided_slice %add3A_602 {offsets = [0, 16], sizes = [25, 16], strides = [1, 1]} : vector<25x64xf32> to vector<25x16xf32>
    %slice3A_631 = vector.extract_strided_slice %add3A_606 {offsets = [0, 16], sizes = [25, 16], strides = [1, 1]} : vector<25x64xf32> to vector<25x16xf32>
    %mul3A_632 = arith.constant 1.250000e-01 : f32
    %mul3A_633 = vector.broadcast %mul3A_632 : f32 to vector<1x16xf32>
    %mul3A_634 = arith.mulf %slice3A_629, %mul3A_633 : vector<1x16xf32>
    %dot_general3A_635 = arith.constant dense<0.000000e+00> : vector<1x25xf32>
    %dot_general3A_636 = tpu.matmul %mul3A_634, %slice3A_630, %dot_general3A_635 {dimension_numbers = #tpu.dot_dimension_numbers<[1], [1], [0], [0], [0, 0, 1, 0], [], []>, transpose_lhs_hint = false} : vector<1x16xf32>, vector<25x16xf32>, vector<1x25xf32> -> vector<1x25xf32>
    %reduce_max3A_637 = arith.constant dense<0xFF800000> : vector<1xf32>
    %reduce_max3A_638 = vector.multi_reduction <maximumf>, %dot_general3A_636, %reduce_max3A_637 [1] : vector<1x25xf32> to vector<1xf32>
    %broadcast_in_dim3A_639 = vector.shape_cast %reduce_max3A_638 : vector<1xf32> to vector<1x1xf32>
    %sub3A_640 = vector.broadcast %broadcast_in_dim3A_639 : vector<1x1xf32> to vector<1x25xf32>
    %sub3A_641 = arith.subf %dot_general3A_636, %sub3A_640 : vector<1x25xf32>
    %exp3A_642 = math.exp %sub3A_641 : vector<1x25xf32>
    %reduce_sum3A_643 = arith.constant dense<0.000000e+00> : vector<1xf32>
    %reduce_sum3A_644 = vector.multi_reduction <add>, %exp3A_642, %reduce_sum3A_643 [1] : vector<1x25xf32> to vector<1xf32>
    %broadcast_in_dim3A_645 = vector.shape_cast %reduce_sum3A_644 : vector<1xf32> to vector<1x1xf32>
    %div3A_646 = vector.broadcast %broadcast_in_dim3A_645 : vector<1x1xf32> to vector<1x25xf32>
    %div3A_647 = arith.divf %exp3A_642, %div3A_646 : vector<1x25xf32>
    %dot_general3A_648 = arith.constant dense<0.000000e+00> : vector<1x16xf32>
    %dot_general3A_649 = tpu.matmul %div3A_647, %slice3A_631, %dot_general3A_648 {dimension_numbers = #tpu.dot_dimension_numbers<[1], [0], [0], [1], [0, 0, 1, 1], [], []>, transpose_lhs_hint = false} : vector<1x25xf32>, vector<25x16xf32>, vector<1x16xf32> -> vector<1x16xf32>
    %add3A_650 = arith.addf %slice3A_629, %dot_general3A_649 : vector<1x16xf32>
    %slice3A_651 = vector.extract_strided_slice %add3A_598 {offsets = [0, 32], sizes = [1, 16], strides = [1, 1]} : vector<1x64xf32> to vector<1x16xf32>
    %slice3A_652 = vector.extract_strided_slice %add3A_602 {offsets = [0, 32], sizes = [25, 16], strides = [1, 1]} : vector<25x64xf32> to vector<25x16xf32>
    %slice3A_653 = vector.extract_strided_slice %add3A_606 {offsets = [0, 32], sizes = [25, 16], strides = [1, 1]} : vector<25x64xf32> to vector<25x16xf32>
    %mul3A_654 = arith.constant 1.250000e-01 : f32
    %mul3A_655 = vector.broadcast %mul3A_654 : f32 to vector<1x16xf32>
    %mul3A_656 = arith.mulf %slice3A_651, %mul3A_655 : vector<1x16xf32>
    %dot_general3A_657 = arith.constant dense<0.000000e+00> : vector<1x25xf32>
    %dot_general3A_658 = tpu.matmul %mul3A_656, %slice3A_652, %dot_general3A_657 {dimension_numbers = #tpu.dot_dimension_numbers<[1], [1], [0], [0], [0, 0, 1, 0], [], []>, transpose_lhs_hint = false} : vector<1x16xf32>, vector<25x16xf32>, vector<1x25xf32> -> vector<1x25xf32>
    %reduce_max3A_659 = arith.constant dense<0xFF800000> : vector<1xf32>
    %reduce_max3A_660 = vector.multi_reduction <maximumf>, %dot_general3A_658, %reduce_max3A_659 [1] : vector<1x25xf32> to vector<1xf32>
    %broadcast_in_dim3A_661 = vector.shape_cast %reduce_max3A_660 : vector<1xf32> to vector<1x1xf32>
    %sub3A_662 = vector.broadcast %broadcast_in_dim3A_661 : vector<1x1xf32> to vector<1x25xf32>
    %sub3A_663 = arith.subf %dot_general3A_658, %sub3A_662 : vector<1x25xf32>
    %exp3A_664 = math.exp %sub3A_663 : vector<1x25xf32>
    %reduce_sum3A_665 = arith.constant dense<0.000000e+00> : vector<1xf32>
    %reduce_sum3A_666 = vector.multi_reduction <add>, %exp3A_664, %reduce_sum3A_665 [1] : vector<1x25xf32> to vector<1xf32>
    %broadcast_in_dim3A_667 = vector.shape_cast %reduce_sum3A_666 : vector<1xf32> to vector<1x1xf32>
    %div3A_668 = vector.broadcast %broadcast_in_dim3A_667 : vector<1x1xf32> to vector<1x25xf32>
    %div3A_669 = arith.divf %exp3A_664, %div3A_668 : vector<1x25xf32>
    %dot_general3A_670 = arith.constant dense<0.000000e+00> : vector<1x16xf32>
    %dot_general3A_671 = tpu.matmul %div3A_669, %slice3A_653, %dot_general3A_670 {dimension_numbers = #tpu.dot_dimension_numbers<[1], [0], [0], [1], [0, 0, 1, 1], [], []>, transpose_lhs_hint = false} : vector<1x25xf32>, vector<25x16xf32>, vector<1x16xf32> -> vector<1x16xf32>
    %add3A_672 = arith.addf %slice3A_651, %dot_general3A_671 : vector<1x16xf32>
    %slice3A_673 = vector.extract_strided_slice %add3A_598 {offsets = [0, 48], sizes = [1, 16], strides = [1, 1]} : vector<1x64xf32> to vector<1x16xf32>
    %slice3A_674 = vector.extract_strided_slice %add3A_602 {offsets = [0, 48], sizes = [25, 16], strides = [1, 1]} : vector<25x64xf32> to vector<25x16xf32>
    %slice3A_675 = vector.extract_strided_slice %add3A_606 {offsets = [0, 48], sizes = [25, 16], strides = [1, 1]} : vector<25x64xf32> to vector<25x16xf32>
    %mul3A_676 = arith.constant 1.250000e-01 : f32
    %mul3A_677 = vector.broadcast %mul3A_676 : f32 to vector<1x16xf32>
    %mul3A_678 = arith.mulf %slice3A_673, %mul3A_677 : vector<1x16xf32>
    %dot_general3A_679 = arith.constant dense<0.000000e+00> : vector<1x25xf32>
    %dot_general3A_680 = tpu.matmul %mul3A_678, %slice3A_674, %dot_general3A_679 {dimension_numbers = #tpu.dot_dimension_numbers<[1], [1], [0], [0], [0, 0, 1, 0], [], []>, transpose_lhs_hint = false} : vector<1x16xf32>, vector<25x16xf32>, vector<1x25xf32> -> vector<1x25xf32>
    %reduce_max3A_681 = arith.constant dense<0xFF800000> : vector<1xf32>
    %reduce_max3A_682 = vector.multi_reduction <maximumf>, %dot_general3A_680, %reduce_max3A_681 [1] : vector<1x25xf32> to vector<1xf32>
    %broadcast_in_dim3A_683 = vector.shape_cast %reduce_max3A_682 : vector<1xf32> to vector<1x1xf32>
    %sub3A_684 = vector.broadcast %broadcast_in_dim3A_683 : vector<1x1xf32> to vector<1x25xf32>
    %sub3A_685 = arith.subf %dot_general3A_680, %sub3A_684 : vector<1x25xf32>
    %exp3A_686 = math.exp %sub3A_685 : vector<1x25xf32>
    %reduce_sum3A_687 = arith.constant dense<0.000000e+00> : vector<1xf32>
    %reduce_sum3A_688 = vector.multi_reduction <add>, %exp3A_686, %reduce_sum3A_687 [1] : vector<1x25xf32> to vector<1xf32>
    %broadcast_in_dim3A_689 = vector.shape_cast %reduce_sum3A_688 : vector<1xf32> to vector<1x1xf32>
    %div3A_690 = vector.broadcast %broadcast_in_dim3A_689 : vector<1x1xf32> to vector<1x25xf32>
    %div3A_691 = arith.divf %exp3A_686, %div3A_690 : vector<1x25xf32>
    %dot_general3A_692 = arith.constant dense<0.000000e+00> : vector<1x16xf32>
    %dot_general3A_693 = tpu.matmul %div3A_691, %slice3A_675, %dot_general3A_692 {dimension_numbers = #tpu.dot_dimension_numbers<[1], [0], [0], [1], [0, 0, 1, 1], [], []>, transpose_lhs_hint = false} : vector<1x25xf32>, vector<25x16xf32>, vector<1x16xf32> -> vector<1x16xf32>
    %add3A_694 = arith.addf %slice3A_673, %dot_general3A_693 : vector<1x16xf32>
    %concatenate3A_695 = tpu.concatenate %add3A_628, %add3A_650, %add3A_672, %add3A_694 in 1 : vector<1x16xf32>, vector<1x16xf32>, vector<1x16xf32>, vector<1x16xf32> -> vector<1x64xf32>
    %dot_general3A_696 = arith.constant dense<0.000000e+00> : vector<1x64xf32>
    %dot_general3A_697 = tpu.matmul %concatenate3A_695, %get3A_55, %dot_general3A_696 {dimension_numbers = #tpu.dot_dimension_numbers<[1], [0], [0], [1], [0, 0, 1, 1], [], []>, transpose_lhs_hint = false} : vector<1x64xf32>, vector<64x64xf32>, vector<1x64xf32> -> vector<1x64xf32>
    %add3A_698 = arith.addf %dot_general3A_697, %get3A_58 : vector<1x64xf32>
    %max3A_699 = arith.constant 0.000000e+00 : f32
    %max3A_700 = vector.broadcast %max3A_699 : f32 to vector<1x64xf32>
    %max3A_701 = arith.maximumf %add3A_698, %max3A_700 : vector<1x64xf32>
    %add3A_702 = arith.addf %concatenate3A_695, %max3A_701 : vector<1x64xf32>
    %dot_general3A_703 = arith.constant dense<0.000000e+00> : vector<1x32xf32>
    %dot_general3A_704 = tpu.matmul %add3A_702, %get3A_61, %dot_general3A_703 {dimension_numbers = #tpu.dot_dimension_numbers<[1], [0], [0], [1], [0, 0, 1, 1], [], []>, transpose_lhs_hint = false} : vector<1x64xf32>, vector<64x32xf32>, vector<1x32xf32> -> vector<1x32xf32>
    %add3A_705 = arith.addf %dot_general3A_704, %get3A_64 : vector<1x32xf32>
    %dot_general3A_706 = arith.constant dense<0.000000e+00> : vector<1x16xf32>
    %dot_general3A_707 = tpu.matmul %add3A_705, %get3A_67, %dot_general3A_706 {dimension_numbers = #tpu.dot_dimension_numbers<[1], [0], [0], [1], [0, 0, 1, 1], [], []>, transpose_lhs_hint = false} : vector<1x32xf32>, vector<32x16xf32>, vector<1x16xf32> -> vector<1x16xf32>
    %add3A_708 = arith.addf %dot_general3A_707, %get3A_70 : vector<1x16xf32>
    %max3A_709 = arith.constant 0.000000e+00 : f32
    %max3A_710 = vector.broadcast %max3A_709 : f32 to vector<1x16xf32>
    %max3A_711 = arith.maximumf %add3A_708, %max3A_710 : vector<1x16xf32>
    %get3A_712 = arith.constant 0 : index
    %get3A_713 = arith.constant 0 : index
    %get3A_714 = vector.load %arg30[%get3A_712, %get3A_713] : memref<16x128xf32, #tpu.memory_space<vmem>>, vector<16x128xf32>
    %dot_general3A_715 = arith.constant dense<0.000000e+00> : vector<1x128xf32>
    %dot_general3A_716 = tpu.matmul %max3A_711, %get3A_714, %dot_general3A_715 {dimension_numbers = #tpu.dot_dimension_numbers<[1], [0], [0], [1], [0, 0, 1, 1], [], []>, transpose_lhs_hint = false} : vector<1x16xf32>, vector<16x128xf32>, vector<1x128xf32> -> vector<1x128xf32>
    %get3A_717 = arith.constant 0 : index
    %get3A_718 = arith.constant 0 : index
    %get3A_719 = vector.load %arg31[%get3A_717, %get3A_718] : memref<1x128xf32, #tpu.memory_space<vmem>>, vector<1x128xf32>
    %add3A_720 = arith.addf %dot_general3A_716, %get3A_719 : vector<1x128xf32>
    %iota3A_721 = tpu.iota {dimensions = array<i32: 1>} : vector<1x128xi32>
    %lt3A_722 = arith.constant 6 : i32
    %lt3A_723 = vector.broadcast %lt3A_722 : i32 to vector<1x128xi32>
    %lt3A_724 = arith.cmpi slt, %iota3A_721, %lt3A_723 : vector<1x128xi32>
    %jit3A_725 = arith.constant -1.000000e+30 : f32
    %broadcast_in_dim3A_726 = vector.broadcast %jit3A_725 : f32 to vector<1x128xf32>
    %select_n3A_727 = arith.select %lt3A_724, %add3A_720, %broadcast_in_dim3A_726 : vector<1x128xi1>, vector<1x128xf32>
    %reduce_max3A_728 = arith.constant dense<0xFF800000> : vector<1xf32>
    %reduce_max3A_729 = vector.multi_reduction <maximumf>, %select_n3A_727, %reduce_max3A_728 [1] : vector<1x128xf32> to vector<1xf32>
    %broadcast_in_dim3A_730 = vector.shape_cast %reduce_max3A_729 : vector<1xf32> to vector<1x1xf32>
    %sub3A_731 = vector.broadcast %broadcast_in_dim3A_730 : vector<1x1xf32> to vector<1x128xf32>
    %sub3A_732 = arith.subf %select_n3A_727, %sub3A_731 : vector<1x128xf32>
    %exp3A_733 = math.exp %sub3A_732 : vector<1x128xf32>
    %reduce_sum3A_734 = arith.constant dense<0.000000e+00> : vector<1xf32>
    %reduce_sum3A_735 = vector.multi_reduction <add>, %exp3A_733, %reduce_sum3A_734 [1] : vector<1x128xf32> to vector<1xf32>
    %broadcast_in_dim3A_736 = vector.shape_cast %reduce_sum3A_735 : vector<1xf32> to vector<1x1xf32>
    %log3A = math.log %broadcast_in_dim3A_736 : vector<1x1xf32>
    %add3A_737 = arith.addf %log3A, %broadcast_in_dim3A_730 : vector<1x1xf32>
    %sub3A_738 = vector.broadcast %add3A_737 : vector<1x1xf32> to vector<1x128xf32>
    %sub3A_739 = arith.subf %select_n3A_727, %sub3A_738 : vector<1x128xf32>
    %swap3A = arith.index_cast %arg0 : i32 to index
    %swap3A_740 = arith.constant 0 : index
    %swap3A_741 = vector.load %arg32[%swap3A, %swap3A_740] : memref<100x128xf32, #tpu.memory_space<vmem>>, vector<1x128xf32>
    tpu.vector_store %arg32[%swap3A, %swap3A_740], %sub3A_739 {strides = array<i32>} : memref<100x128xf32, #tpu.memory_space<vmem>>, vector<1x128xf32>,
    return
  }
  func.func @transform_0(%arg0: i32, %arg1: memref<101xi32, #tpu.memory_space<smem>>) -> (i32, i32) {
    %c0_i32 = arith.constant 0 : i32
    %c0_i32_0 = arith.constant 0 : i32
    %c0_i32_1 = arith.constant 0 : i32
    return %c0_i32, %c0_i32_0 : i32, i32
  }
  func.func @transform_1(%arg0: i32, %arg1: memref<101xi32, #tpu.memory_space<smem>>) -> (i32, i32) {
    %c0_i32 = arith.constant 0 : i32
    %c0_i32_0 = arith.constant 0 : i32
    %c0_i32_1 = arith.constant 0 : i32
    return %c0_i32, %c0_i32_0 : i32, i32
  }
  func.func @transform_2(%arg0: i32, %arg1: memref<101xi32, #tpu.memory_space<smem>>) -> (i32, i32) {
    %c0_i32 = arith.constant 0 : i32
    %c0_i32_0 = arith.constant 0 : i32
    %c0_i32_1 = arith.constant 0 : i32
    return %c0_i32, %c0_i32_0 : i32, i32
  }
  func.func @transform_3(%arg0: i32, %arg1: memref<101xi32, #tpu.memory_space<smem>>) -> (i32, i32) {
    %c0_i32 = arith.constant 0 : i32
    %c0_i32_0 = arith.constant 0 : i32
    %c0_i32_1 = arith.constant 0 : i32
    return %c0_i32, %c0_i32_0 : i32, i32
  }
  func.func @transform_4(%arg0: i32, %arg1: memref<101xi32, #tpu.memory_space<smem>>) -> (i32, i32) {
    %c0_i32 = arith.constant 0 : i32
    %c0_i32_0 = arith.constant 0 : i32
    %c0_i32_1 = arith.constant 0 : i32
    return %c0_i32, %c0_i32_0 : i32, i32
  }
  func.func @transform_5(%arg0: i32, %arg1: memref<101xi32, #tpu.memory_space<smem>>) -> (i32, i32) {
    %c0_i32 = arith.constant 0 : i32
    %c0_i32_0 = arith.constant 0 : i32
    %c0_i32_1 = arith.constant 0 : i32
    return %c0_i32, %c0_i32_0 : i32, i32
  }
  func.func @transform_6(%arg0: i32, %arg1: memref<101xi32, #tpu.memory_space<smem>>) -> (i32, i32) {
    %c0_i32 = arith.constant 0 : i32
    %c0_i32_0 = arith.constant 0 : i32
    %c0_i32_1 = arith.constant 0 : i32
    return %c0_i32, %c0_i32_0 : i32, i32
  }
  func.func @transform_7(%arg0: i32, %arg1: memref<101xi32, #tpu.memory_space<smem>>) -> (i32, i32) {
    %c0_i32 = arith.constant 0 : i32
    %c0_i32_0 = arith.constant 0 : i32
    %c0_i32_1 = arith.constant 0 : i32
    return %c0_i32, %c0_i32_0 : i32, i32
  }
  func.func @transform_8(%arg0: i32, %arg1: memref<101xi32, #tpu.memory_space<smem>>) -> (i32, i32) {
    %c0_i32 = arith.constant 0 : i32
    %c0_i32_0 = arith.constant 0 : i32
    %c0_i32_1 = arith.constant 0 : i32
    return %c0_i32, %c0_i32_0 : i32, i32
  }
  func.func @transform_9(%arg0: i32, %arg1: memref<101xi32, #tpu.memory_space<smem>>) -> (i32, i32) {
    %c0_i32 = arith.constant 0 : i32
    %c0_i32_0 = arith.constant 0 : i32
    %c0_i32_1 = arith.constant 0 : i32
    return %c0_i32, %c0_i32_0 : i32, i32
  }
  func.func @transform_10(%arg0: i32, %arg1: memref<101xi32, #tpu.memory_space<smem>>) -> (i32, i32) {
    %c0_i32 = arith.constant 0 : i32
    %c0_i32_0 = arith.constant 0 : i32
    %c0_i32_1 = arith.constant 0 : i32
    return %c0_i32, %c0_i32_0 : i32, i32
  }
  func.func @transform_11(%arg0: i32, %arg1: memref<101xi32, #tpu.memory_space<smem>>) -> (i32, i32) {
    %c0_i32 = arith.constant 0 : i32
    %c0_i32_0 = arith.constant 0 : i32
    %c0_i32_1 = arith.constant 0 : i32
    return %c0_i32, %c0_i32_0 : i32, i32
  }
  func.func @transform_12(%arg0: i32, %arg1: memref<101xi32, #tpu.memory_space<smem>>) -> (i32, i32) {
    %c0_i32 = arith.constant 0 : i32
    %c0_i32_0 = arith.constant 0 : i32
    %c0_i32_1 = arith.constant 0 : i32
    return %c0_i32, %c0_i32_0 : i32, i32
  }
  func.func @transform_13(%arg0: i32, %arg1: memref<101xi32, #tpu.memory_space<smem>>) -> (i32, i32) {
    %c0_i32 = arith.constant 0 : i32
    %c0_i32_0 = arith.constant 0 : i32
    %c0_i32_1 = arith.constant 0 : i32
    return %c0_i32, %c0_i32_0 : i32, i32
  }
  func.func @transform_14(%arg0: i32, %arg1: memref<101xi32, #tpu.memory_space<smem>>) -> (i32, i32) {
    %c0_i32 = arith.constant 0 : i32
    %c0_i32_0 = arith.constant 0 : i32
    %c0_i32_1 = arith.constant 0 : i32
    return %c0_i32, %c0_i32_0 : i32, i32
  }
  func.func @transform_15(%arg0: i32, %arg1: memref<101xi32, #tpu.memory_space<smem>>) -> (i32, i32) {
    %c0_i32 = arith.constant 0 : i32
    %c0_i32_0 = arith.constant 0 : i32
    %c0_i32_1 = arith.constant 0 : i32
    return %c0_i32, %c0_i32_0 : i32, i32
  }
  func.func @transform_16(%arg0: i32, %arg1: memref<101xi32, #tpu.memory_space<smem>>) -> (i32, i32) {
    %c0_i32 = arith.constant 0 : i32
    %c0_i32_0 = arith.constant 0 : i32
    %c0_i32_1 = arith.constant 0 : i32
    return %c0_i32, %c0_i32_0 : i32, i32
  }
  func.func @transform_17(%arg0: i32, %arg1: memref<101xi32, #tpu.memory_space<smem>>) -> (i32, i32) {
    %c0_i32 = arith.constant 0 : i32
    %c0_i32_0 = arith.constant 0 : i32
    %c0_i32_1 = arith.constant 0 : i32
    return %c0_i32, %c0_i32_0 : i32, i32
  }
  func.func @transform_18(%arg0: i32, %arg1: memref<101xi32, #tpu.memory_space<smem>>) -> (i32, i32) {
    %c0_i32 = arith.constant 0 : i32
    %c0_i32_0 = arith.constant 0 : i32
    %c0_i32_1 = arith.constant 0 : i32
    return %c0_i32, %c0_i32_0 : i32, i32
  }
  func.func @transform_19(%arg0: i32, %arg1: memref<101xi32, #tpu.memory_space<smem>>) -> (i32, i32) {
    %c0_i32 = arith.constant 0 : i32
    %c0_i32_0 = arith.constant 0 : i32
    %c0_i32_1 = arith.constant 0 : i32
    return %c0_i32, %c0_i32_0 : i32, i32
  }
  func.func @transform_20(%arg0: i32, %arg1: memref<101xi32, #tpu.memory_space<smem>>) -> (i32, i32) {
    %c0_i32 = arith.constant 0 : i32
    %c0_i32_0 = arith.constant 0 : i32
    %c0_i32_1 = arith.constant 0 : i32
    return %c0_i32, %c0_i32_0 : i32, i32
  }
  func.func @transform_21(%arg0: i32, %arg1: memref<101xi32, #tpu.memory_space<smem>>) -> (i32, i32) {
    %c0_i32 = arith.constant 0 : i32
    %c0_i32_0 = arith.constant 0 : i32
    %c0_i32_1 = arith.constant 0 : i32
    return %c0_i32, %c0_i32_0 : i32, i32
  }
  func.func @transform_22(%arg0: i32, %arg1: memref<101xi32, #tpu.memory_space<smem>>) -> (i32, i32) {
    %c0_i32 = arith.constant 0 : i32
    %c0_i32_0 = arith.constant 0 : i32
    %c0_i32_1 = arith.constant 0 : i32
    return %c0_i32, %c0_i32_0 : i32, i32
  }
  func.func @transform_23(%arg0: i32, %arg1: memref<101xi32, #tpu.memory_space<smem>>) -> (i32, i32) {
    %c0_i32 = arith.constant 0 : i32
    %c0_i32_0 = arith.constant 0 : i32
    %c0_i32_1 = arith.constant 0 : i32
    return %c0_i32, %c0_i32_0 : i32, i32
  }
  func.func @transform_24(%arg0: i32, %arg1: memref<101xi32, #tpu.memory_space<smem>>) -> (i32, i32) {
    %c0_i32 = arith.constant 0 : i32
    %c0_i32_0 = arith.constant 0 : i32
    %c0_i32_1 = arith.constant 0 : i32
    return %c0_i32, %c0_i32_0 : i32, i32
  }
  func.func @transform_25(%arg0: i32, %arg1: memref<101xi32, #tpu.memory_space<smem>>) -> (i32, i32) {
    %c0_i32 = arith.constant 0 : i32
    %c0_i32_0 = arith.constant 0 : i32
    %c0_i32_1 = arith.constant 0 : i32
    return %c0_i32, %c0_i32_0 : i32, i32
  }
  func.func @transform_26(%arg0: i32, %arg1: memref<101xi32, #tpu.memory_space<smem>>) -> (i32, i32) {
    %c0_i32 = arith.constant 0 : i32
    %c0_i32_0 = arith.constant 0 : i32
    %c0_i32_1 = arith.constant 0 : i32
    return %c0_i32, %c0_i32_0 : i32, i32
  }
  func.func @transform_27(%arg0: i32, %arg1: memref<101xi32, #tpu.memory_space<smem>>) -> (i32, i32) {
    %c0_i32 = arith.constant 0 : i32
    %c0_i32_0 = arith.constant 0 : i32
    %c0_i32_1 = arith.constant 0 : i32
    return %c0_i32, %c0_i32_0 : i32, i32
  }
  func.func @transform_28(%arg0: i32, %arg1: memref<101xi32, #tpu.memory_space<smem>>) -> (i32, i32) {
    %c0_i32 = arith.constant 0 : i32
    %c0_i32_0 = arith.constant 0 : i32
    %c0_i32_1 = arith.constant 0 : i32
    return %c0_i32, %c0_i32_0 : i32, i32
  }
  func.func @transform_29(%arg0: i32, %arg1: memref<101xi32, #tpu.memory_space<smem>>) -> (i32, i32) {
    %c0_i32 = arith.constant 0 : i32
    %c0_i32_0 = arith.constant 0 : i32
    %c0_i32_1 = arith.constant 0 : i32
    return %c0_i32, %c0_i32_0 : i32, i32
  }
  func.func @transform_30(%arg0: i32, %arg1: memref<101xi32, #tpu.memory_space<smem>>) -> (i32, i32) {
    %c0_i32 = arith.constant 0 : i32
    %c0_i32_0 = arith.constant 0 : i32
    %c0_i32_1 = arith.constant 0 : i32
    return %c0_i32, %c0_i32_0 : i32, i32
  }
}

</mosaic_0001>

<sc_bundles>
// kernel: kernel.13.cloned.1.call-start
scs
__scs_entry_jumppad:
0x0: {  	(pc) =	sbr.rel $0x88, $3  }
0x1: {  	(tag) =	ssettag $0x0;
	lr =	simm.s32 $0x1  }
0x2: {  	[smem:$0x3F76] =	sst lr;
	_ =	strace $0xD0000000  }
0x3: {  	_ = 	snop  }
0x4: {  	_ = 	snop  }
0x5: {  	_ = 	snop  }
0x6: {  	_ = 	snop  }
0x7: {  	_ = 	snop  }
__scs_overlays_trampoline_lowered:
0x8: {  	[smem:$0x3F85] =	sst s0  }
0x9: {  	[smem:$0x3F86] =	sst s1  }
0xa: {  	[smem:$0x3F87] =	sst s2  }
0xb: {  	[smem:$0x3F88] =	sst s3  }
0xc: {  	[smem:$0x3F89] =	sst s4  }
0xd: {  	[smem:$0x3F8A] =	sst s5  }
0xe: {  	[smem:$0x3F8B] =	sst s6  }
0xf: {  	[smem:$0x3F8C] =	sst s7  }
0x10: {  	[smem:$0x3F8D] =	sst s8  }
0x11: {  	[smem:$0x3F8E] =	sst s9;
	s0 =	simm.s32 @!p0 $0x0  }
0x12: {  	s1 =	sld [smem:$0x3F74];
	s0 =	simm.s32 @p0 $0x1  }
0x13: {  	[smem:$0x3F8F] =	sst s0;
	s0 =	simm.s32 @!p1 $0x0  }
0x14: {  	s2 =	sld [smem:$0x3F73];
	s0 =	simm.s32 @p1 $0x1  }
0x15: {  	[smem:$0x3F90] =	sst s0;
	s0 =	simm.s32 @!p2 $0x0  }
0x16: {  	s3 =	sld [smem:$0x3FDB];
	s0 =	simm.s32 @p2 $0x1  }
0x17: {  	s4 =	simm.s32 $0x1BF5;
	[smem:$0x3F92] =	sst s0  }
0x18: {  	s0 =	sld [smem:$0x3F75];
	_ =	swait.ge [sflag:s4], $0x0  }
0x19: {  	s7 =	sld [smem:$0x3F76]  }
0x1a: {  	s8 =	sadd.s32 $0xFFFFE003, lr  }
0x1b: {  	s9 =	sadd.s32 $0xFFFFFEF7, lr;
	s5 =	simm.s32 $0xFFFFFFFF;
	p2 =	slt.u32 s8, $0xFFFFF086  }
0x1c: {  	p1 =	slt.u32 s9, $0xF7A;
	s5 =	simm.s32 @!p2 $0x0  }
0x1d: {  	s5 =	simm.s32 @p1 $0x1;
	p0 =	seq.s32 s7, s2  }
0x1e: {  	s7 =	smul.u32 @!p0 $0xF7A, s2;
	p2 =	seq.s32 @!p0 s5, $0x0  }
0x1f: {  	s9 =	smul.u32 $0xF7A, s1;
	s8 =	simm.s32 @!p0 $0x1BF5;
	p2 =	por !p2, p0  }
0x20: {  	[sflag:s8] =	ssyncset.s32 @!p0 $0xFFFFF086;
	s6 =	sadd.s32 @!p0 s3, s7;
	s7 =	simm.s32 @!p0 $0x108  }
0x21: {  	s3 =	sadd.s32 s3, s9;
	s6 =	sadd.s32 @!p0 $0x88, s6;
	s7 =	simm.s32 @p2 $0x1082  }
0x22: {  	[simem:s7], [sflag:s8] =	dma.local @!p0 [hbm:s6], $0xF7A  }
0x23: {  	s9 =	sor.u32 $0xD0000000, s2;
	s6 =	simm.s32 $0x108;
	_ =	swait.ge @!p0 [sflag:s8], $0x0  }
0x24: {  	s3 =	sadd.s32 $0x88, s3;
	s6 =	simm.s32 @!p1 $0x1082;
	[sflag:s4] =	ssyncset.s32 $0xFFFFF086  }
0x25: {  	[simem:s6], [sflag:s4] =	dma.local [hbm:s3], $0xF7A  }
0x26: {  	[smem:$0x3F76] =	sst s1;
	(tag) =	ssettag s2;
	_ =	strace s9  }
0x27: {  	s1 =	sld [smem:$0x3F86]  }
0x28: {  	s2 =	sld [smem:$0x3F87]  }
0x29: {  	s4 =	sld [smem:$0x3F89]  }
0x2a: {  	p0 =	seq.s32 s5, $0x0;
	s5 =	sld [smem:$0x3F8A]  }
0x2b: {  	s6 =	sld [smem:$0x3F8B]  }
0x2c: {  	s7 =	sld [smem:$0x3F8C]  }
0x2d: {  	s3 =	simm.s32 $0x108;
	s8 =	sld [smem:$0x3F8D]  }
0x2e: {  	s3 =	simm.s32 @!p0 $0x1082;
	s9 =	sld [smem:$0x3F8E]  }
0x2f: {  	lr =	sadd.s32 s0, s3;
	s0 =	sld [smem:$0x3F85]  }
0x30: {  	s3 =	sld [smem:$0x3F88]  }
0x31: {  	[smem:$0x3F91] =	sst s10  }
0x32: {  	s10 =	sld [smem:$0x3F8F];
	_ =	sdelay $0x3  }
0x33: {  	p0 =	seq.s32 s10, $0x1;
	s10 =	sld [smem:$0x3F91];
	_ =	sdelay $0x3  }
0x34: {  	[smem:$0x3F91] =	sst s10  }
0x35: {  	s10 =	sld [smem:$0x3F90];
	_ =	sdelay $0x3  }
0x36: {  	p1 =	seq.s32 s10, $0x1;
	s10 =	sld [smem:$0x3F91];
	_ =	sdelay $0x3  }
0x37: {  	[smem:$0x3F91] =	sst s10  }
0x38: {  	s10 =	sld [smem:$0x3F92]  }
0x39: {  	_ = 	snop;
	(pc) =	sbr.ind lr, $3  }
0x3a: {  	_ = 	snop  }
0x3b: {  	_ = 	snop  }
0x3c: {  	p2 =	seq.s32 s10, $0x1;
	s10 =	sld [smem:$0x3F91]  }
0x3d: {  	_ =	shalt  }
0x3e: {  	_ =	shalt  }
0x3f: {  	_ =	shalt  }
0x40: {  	_ =	shalt  }
0x41: {  	_ =	shalt  }
0x42: {  	_ =	shalt  }
0x43: {  	_ =	shalt  }
0x44: {  	_ =	shalt  }
0x45: {  	_ =	shalt  }
0x46: {  	_ =	shalt  }
0x47: {  	_ =	shalt  }
0x48: {  	_ =	shalt  }
0x49: {  	_ =	shalt  }
0x4a: {  	_ =	shalt  }
0x4b: {  	_ =	shalt  }
0x4c: {  	_ =	shalt  }
0x4d: {  	_ =	shalt  }
0x4e: {  	_ =	shalt  }
0x4f: {  	_ =	shalt  }
0x50: {  	_ =	shalt  }
0x51: {  	_ =	shalt  }
0x52: {  	_ =	shalt  }
0x53: {  	_ =	shalt  }
0x54: {  	_ =	shalt  }
0x55: {  	_ =	shalt  }
0x56: {  	_ =	shalt  }
0x57: {  	_ =	shalt  }
0x58: {  	_ =	shalt  }
0x59: {  	_ =	shalt  }
0x5a: {  	_ =	shalt  }
0x5b: {  	_ =	shalt  }
0x5c: {  	_ =	shalt  }
0x5d: {  	_ =	shalt  }
0x5e: {  	_ =	shalt  }
0x5f: {  	_ =	shalt  }
0x60: {  	_ =	shalt  }
0x61: {  	_ =	shalt  }
0x62: {  	_ =	shalt  }
0x63: {  	_ =	shalt  }
0x64: {  	_ =	shalt  }
0x65: {  	_ =	shalt  }
0x66: {  	_ =	shalt  }
0x67: {  	_ =	shalt  }
0x68: {  	_ =	shalt  }
0x69: {  	_ =	shalt  }
0x6a: {  	_ =	shalt  }
0x6b: {  	_ =	shalt  }
0x6c: {  	_ =	shalt  }
0x6d: {  	_ =	shalt  }
0x6e: {  	_ =	shalt  }
0x6f: {  	_ =	shalt  }
0x70: {  	_ =	shalt  }
0x71: {  	_ =	shalt  }
0x72: {  	_ =	shalt  }
0x73: {  	_ =	shalt  }
0x74: {  	_ =	shalt  }
0x75: {  	_ =	shalt  }
0x76: {  	_ =	shalt  }
0x77: {  	_ =	shalt  }
0x78: {  	_ =	shalt  }
0x79: {  	_ =	shalt  }
0x7a: {  	_ =	shalt  }
0x7b: {  	_ =	shalt  }
0x7c: {  	_ =	shalt  }
0x7d: {  	_ =	shalt  }
0x7e: {  	_ =	shalt  }
0x7f: {  	_ =	shalt  }
0x80: {  	_ =	shalt  }
0x81: {  	_ =	shalt  }
0x82: {  	_ =	shalt  }
0x83: {  	_ =	shalt  }
0x84: {  	_ =	shalt  }
0x85: {  	_ =	shalt  }
0x86: {  	_ =	shalt  }
0x87: {  	_ =	shalt  }
.Lfunc_end0:
.L_simem_size_0:
called_computation_lowered:
.L_overlay_start_0:
0x88: {  	s2 =	sld [smem:$0x3FD9]  }
0x89: {  	s3 =	sld [smem:$0x3FFE];
	_ =	sdelay $0x1  }
0x8a: {  	s1 =	srdreg.scid  }
0x8b: {  	s0 =	sand.u32 $0x1, s1  }
0x8c: {  	s17 =	sshll.u32 s0, $0xA;
	s2 =	sadd.s32 s3, s2  }
0x8d: {  	s2 =	sadd.s32 s2, s17  }
0x8e: {  	[smem:$0x3F9D] =	sst s2  }
0x8f: {  	_ = 	snop  }
0x90: {  	s2 =	sld [smem:$0x3FD0];
	(tm) =	ssettm $0x1  }
0x91: {  	s18 =	sld [smem:$0x3FFB];
	_ =	sdelay $0x3  }
0x92: {  	_ =	strace s18  }
0x93: {  	s3 =	sld [smem:$0x3FFC];
	_ =	sdelay $0x3  }
0x94: {  	_ =	strace s3  }
0x95: {  	s3 =	sld [smem:$0x3FFD];
	_ =	sdelay $0x3  }
0x96: {  	_ =	strace s3  }
0x97: {  	_ =	strace $0x8FFFFFFF  }
0x98: {  	s19 =	sld [smem:$0x3FDB];
	_ =	sdelay $0x1  }
0x99: {  	s4 =	simm.s32 $_scs_section_size  }
0x9a: {  	s5 =	simm.s32 $_size__tile_overlayer_lowered;
	s6 =	simm.s32 $_tile_overlayer_lowered  }
0x9b: {  	s22 =	simm.s32 $0x1BFF;
	s21 =	sshll.u32 s6, $0x1;
	s3 =	sadd.s32 s4, s19  }
0x9c: {  	s7 =	simm.s32 $0x0;
	s20 =	sshll.u32 s5, $0x1;
	s5 =	sadd.s32 s21, s3  }
0x9d: {  	[timem:s7], [sflag:s22] =	dma.local [hbm:s5], s20  }
0x9e: {  	_ =	swait.ge [sflag:s22], s20  }
0x9f: {  	s4 =	ssub.s32 $0x0, s20;
	[sflag:s22] =	ssyncset.done $0x0  }
0xa0: {  	[sflag:s22] =	ssyncadd.s32 s4;
	_ =	sdelay $0x1  }
0xa1: {  	s23 =	simm.s32 $0x1B8B  }
0xa2: {  	_ =	swait.ge [sflag:s23], $0x1  }
0xa3: {  	[sflag:s23] =	ssyncset.done $0x0  }
0xa4: {  	s25 =	simm.s32 $0x1B8E;
	s24 =	sld [smem:$0x3FFE];
	[sflag:s23] =	ssyncadd.s32 $0xFFFFFFFF  }
0xa5: {  	s26 =	simm.s32 $execute0_lowered;
	[smem:$0x3FD2] =	sst s25  }
0xa6: {  	s5 =	sshll.u32 s26, $0x1;
	_ =	strace $0x80000046;
	[dreg:$0x1] =	wrdreg $0xFFFFFFFF  }
0xa7: {  	s28 =	simm.s32 $_size_execute0_lowered;
	s3 =	sadd.s32 s3, s5;
	[dreg:$0x0] =	wrdreg $0x0  }
0xa8: {  	s5 =	sshll.u32 s28, $0x1;
	[dreg:$0x2] =	wrdreg s3  }
0xa9: {  	[dreg:$0x3] =	wrdreg s5  }
0xaa: {  	[dreg:$0x4] =	wrdreg $0xC0  }
0xab: {  	_ =	task [dreg:s7], $0x5FFFF  }
0xac: {  	[dreg:$0x1] =	wrdreg $0xFFFFFFFF  }
0xad: {  	[dreg:$0x0] =	wrdreg $0x60  }
0xae: {  	[dreg:$0x2] =	wrdreg s24  }
0xaf: {  	[dreg:$0x3] =	wrdreg s2  }
0xb0: {  	[dreg:$0x4] =	wrdreg $0x3F900  }
0xb1: {  	[dreg:$0x5] =	wrdreg $0x9  }
0xb2: {  	_ =	task.clear_ibuf [dreg:s7], $0x6FFFF;
	_ =	strace $0x90000046  }
0xb3: {  	s29 =	simm.s32 $0x9;
	_ =	strace $0x80000048  }
0xb4: {  	_ =	swait.ge [sflag:s29], $0x1  }
0xb5: {  	[sflag:s29] =	ssyncadd.s32 $0xFFFFFFFF  }
0xb6: {  	_ =	strace $0x90000048  }
0xb7: {  	_ =	sfence  }
0xb8: {  	s30 =	sld [smem:$0x0];
	_ =	sdelay $0x2  }
0xb9: {  	s31 =	sshll.u32 s1, $0xD;
	s1 =	sshrl.u32 s1, $0x2  }
0xba: {  	s3 =	sand.u32 $0x4000, s31;
	s1 =	sadd.s32 s1, s30  }
0xbb: {  	s0 =	sor.u32 s3, s0;
	s1 =	sshll.u32 s1, $0x11  }
0xbc: {  	s0 =	sor.u32 s1, s0  }
0xbd: {  	s0 =	sadd.s32 $0x8F2B, s0  }
0xbe: {  	[sflag:s0] =	ssyncadd.remote.s32 $0x1  }
0xbf: {  	_ =	sfence.sel $0xFFFF  }
0xc0: {  	[dreg:$0x0] =	wrdreg $0xFFFFFFFF;
	(pc) =	sbr.abs _section_cstart, $3  }
0xc1: {  	[dreg:$0x1] =	wrdreg $0xFFFFFFFF  }
0xc2: {  	_ =	task.clear_ibuf [dreg:s7], $0x2FFFF;
	_ =	strace $0x9FFFFFFF  }
0xc3: {  	(tm) =	ssettm $0x7FFFFFFF  }
tec
execute0_lowered:
.L_overlay_start_1:
0x0: {  	(tag) =	ssettag $0x1  }
0x1: {  	s6 =	rddreg [dreg:$0x0]  }
0x2: {  	s2 =	rddreg [dreg:$0x1];
	s0 =	srdreg.scid  }
0x3: {  	s3 =	rddreg [dreg:$0x2];
	s1 =	stileid.u32  }
0x4: {  	s4 =	simm.s32 $0x0;
	s12 =	simm.s32 $0x2C00;
	s13 =	simm.s32 $0x80  }
0x5: {  	s14 =	simm.s32 $0x0;
	s5 =	sand.u32 $0x1, s0;
	s0 =	rddreg [dreg:$0x3]  }
0x6: {  	s8 =	smul.u32 $0x1390, s1;
	[smem:$0x7FF] =	sst s4;
	s7 =	sshll.u32 s5, $0x4  }
0x7: {  	s9 =	smul.u32 $0x13900, s5;
	s10 =	ssub.s32 $0x2, s5;
	s7 =	sor.u32 s1, s7  }
0x8: {  	_ =	strace $0x80000047;
	s11 =	sshrl.u32 s10, $0x1;
	s7 =	smul.u32 $0x500, s7  }
0x9: {  	s5 =	sadd.s32 $0x12400, s6;
	s9 =	sadd.s32 s8, s9;
	s10 =	ssub.s32 s10, s11  }
0xa: {  	s11 =	simm.s32 $0x2800;
	s9 =	sshrl.u32 s9, $0x3;
	s7 =	sadd.s32 s7, s6  }
0xb: {  	s9 =	sadd.s32 s9, s6;
	s6 =	sadd.s32 $0x8400, s7;
	s7 =	sadd.s32 s8, s3  }
0xc: {  	s8 =	sadd.s32 $0x12800, s9;
	s9 =	smax.u32 s10, $0x1;
	s10 =	simm.s32 $0x1  }
.LBB2_1:
0xd: {  	[tilespmem:s4], [sflag:$0x1] =	stream.linear.gather [hbm4b:s6+s4], $0x2800, $0x38;
	[tilespmem:$0x5320] =	vst v63  }
0xe: {  	_ =	swait.ge [sflag:s10], $0x2800  }
0xf: {  	[sflag:s10] =	ssyncset.done $0x0  }
0x10: {  	[sflag:s10] =	ssyncadd.s32 $0xFFFFD800  }
0x11: {  	[tilespmem:s11], [sflag:$0x1] =	stream.linear.gather [hbm4b:s2+s4], $0x400, $0x38;
	[tilespmem:$0x5320] =	vst v63  }
0x12: {  	_ =	swait.ge [sflag:s10], $0x400  }
0x13: {  	[sflag:s10] =	ssyncset.done $0x0  }
0x14: {  	[sflag:s10] =	ssyncadd.s32 $0xFFFFFC00  }
0x15: {  	[tilespmem:s12], [sflag:$0x1] =	stream.linear.gather [hbm4b:s5+s4], $0x1390, $0x38;
	[tilespmem:$0x5320] =	vst v63  }
0x16: {  	_ =	swait.ge [sflag:s10], $0x1390  }
0x17: {  	[sflag:s10] =	ssyncset.done $0x0  }
0x18: {  	[sflag:s10] =	ssyncadd.s32 $0xFFFFEC70  }
0x19: {  	[spmem:s7] =	stream.linear.scatter [tilespmem:s12], [sflag:$0x1], $0x1390, $0x38;
	[tilespmem:$0x5320] =	vst v63  }
0x1a: {  	_ =	swait.ge [sflag:s10], $0x1390  }
0x1b: {  	[sflag:s10] =	ssyncset.done $0x0  }
0x1c: {  	[sflag:s10] =	ssyncadd.s32 $0xFFFFEC70  }
0x1d: {  	s15 =	simm.s32 $0x0;
	[bflag:$0x0] =	sbarrier.arrive $0xFFFF  }
0x1e: {  	[spmem:s3] =	stream.indirect.scatter.add.f32 [tilespmem:s11], [sflag:$0x1], $0x8, s15, s13, $0xb8;
	[tilespmem:$0x5320] =	vst v63  }
0x1f: {  	_ =	swait.ge [sflag:s10], $0x400  }
0x20: {  	s15 =	simm.s32 $0x200;
	[sflag:s10] =	ssyncset.done $0x0  }
.LBB2_2:
0x21: {  	s16 =	sshra.s32 s15, $0x2;
	[sflag:s10] =	ssyncadd.s32 $0xFFFFFC00;
	p0 =	sne.s32 s15, $0x9E00  }
0x22: {  	[spmem:s3] =	stream.indirect.scatter.add.f32 [tilespmem:s11], [sflag:$0x1], $0x8, s16, s13, $0xb8;
	[tilespmem:$0x5320] =	vst v63  }
.Ltmp0:
0x23: {  	_ = 	snop;
	(pc) =	sbr.rel @p0 .LBB2_2-.Ltmp0, $4  }
0x24: {  	_ = 	snop  }
0x25: {  	s15 =	sadd.s32 $0x200, s15  }
0x26: {  	_ =	swait.ge [sflag:s10], $0x400  }
0x27: {  	[sflag:s10] =	ssyncset.done $0x0  }
0x28: {  	[sflag:s10] =	ssyncadd.s32 $0xFFFFFC00  }
0x29: {  	[bflag:$0x0] =	sbarrier.arrive $0xFFFF  }
0x2a: {  	[tilespmem:s12], [sflag:$0x1] =	stream.linear.gather [spmem:s7], $0x1390, $0x38;
	[tilespmem:$0x5320] =	vst v63  }
0x2b: {  	s14 =	sadd.s32 $0x1, s14;
	_ =	swait.ge [sflag:s10], $0x1390  }
0x2c: {  	p0 =	sne.s32 s14, s9;
	[sflag:s10] =	ssyncset.done $0x0  }
.Ltmp1:
0x2d: {  	[sflag:s10] =	ssyncadd.s32 $0xFFFFEC70;
	(pc) =	sbr.rel @p0 .LBB2_1-.Ltmp1, $4  }
0x2e: {  	[hbm4b:s8+s4] =	stream.linear.scatter [tilespmem:s12], [sflag:$0x1], $0x1390, $0x38;
	[tilespmem:$0x5320] =	vst v63  }
0x2f: {  	_ =	swait.ge [sflag:s10], $0x1390  }
0x30: {  	[sflag:s10] =	ssyncset.done $0x0  }
0x31: {  	[sflag:s10] =	ssyncadd.s32 $0xFFFFEC70  }
0x32: {  	_ =	sfence.sel $0x180000  }
0x33: {  	[bflag:$0x0] =	sbarrier.arrive $0xFFFF  }
0x34: {  	p0 =	sne.s32 s1, $0x0;
	_ =	strace $0x90000047  }
0x35: {  	s0 =	sadd.s32 @!p0 $0x100000, s0;
	[bflag:$0x2] =	sbarrier.arrive $0xFFFF  }
0x36: {  	[sflag:s0] =	ssyncadd.tile.s32 @!p0 $0x1;
	_ =	shalt  }
.Lfunc_end2:
_tile_overlayer_lowered:
.L_overlay_start_2:
0x37: {  	(tag) =	ssettag $0x2  }
0x38: {  	s0 =	rddreg [dreg:$0x0];
	s2 =	stileid.u32  }
0x39: {  	s1 =	rddreg [dreg:$0x1];
	p0 =	sne.s32 s2, $0x0  }
0x3a: {  	s3 =	rddreg [dreg:$0x2];
	[bflag:$0x3] =	sbarrier.arrive $0xFFFF;
	s2 =	simm.s32 @!p0 $0x1C01  }
0x3b: {  	[timem:s3], [sflag:s2] =	dma.local @!p0 [hbm:s0], s1  }
0x3c: {  	s0 =	simm.s32 @!p0 $0x1  }
0x3d: {  	_ =	swait.ge @!p0 [sflag:s0], s1  }
0x3e: {  	s1 =	ssub.s32 @!p0 $0x0, s1;
	[sflag:s0] =	ssyncset.done @!p0 $0x0  }
0x3f: {  	[sflag:s0] =	ssyncadd.s32 @!p0 s1  }
0x40: {  	[bflag:$0x3] =	sbarrier.arrive $0xFFFF  }
0x41: {  	_ =	shalt  }

// kernel: kernel.16.cloned.1.call-start
scs
__scs_entry_jumppad:
0x0: {  	(pc) =	sbr.rel $0x88, $3  }
0x1: {  	(tag) =	ssettag $0x0;
	lr =	simm.s32 $0x1  }
0x2: {  	[smem:$0x3F76] =	sst lr;
	_ =	strace $0xD0000000  }
0x3: {  	_ = 	snop  }
0x4: {  	_ = 	snop  }
0x5: {  	_ = 	snop  }
0x6: {  	_ = 	snop  }
0x7: {  	_ = 	snop  }
__scs_overlays_trampoline_lowered:
0x8: {  	[smem:$0x3F85] =	sst s0  }
0x9: {  	[smem:$0x3F86] =	sst s1  }
0xa: {  	[smem:$0x3F87] =	sst s2  }
0xb: {  	[smem:$0x3F88] =	sst s3  }
0xc: {  	[smem:$0x3F89] =	sst s4  }
0xd: {  	[smem:$0x3F8A] =	sst s5  }
0xe: {  	[smem:$0x3F8B] =	sst s6  }
0xf: {  	[smem:$0x3F8C] =	sst s7  }
0x10: {  	[smem:$0x3F8D] =	sst s8  }
0x11: {  	[smem:$0x3F8E] =	sst s9;
	s0 =	simm.s32 @!p0 $0x0  }
0x12: {  	s1 =	sld [smem:$0x3F74];
	s0 =	simm.s32 @p0 $0x1  }
0x13: {  	[smem:$0x3F8F] =	sst s0;
	s0 =	simm.s32 @!p1 $0x0  }
0x14: {  	s2 =	sld [smem:$0x3F73];
	s0 =	simm.s32 @p1 $0x1  }
0x15: {  	[smem:$0x3F90] =	sst s0;
	s0 =	simm.s32 @!p2 $0x0  }
0x16: {  	s3 =	sld [smem:$0x3FDB];
	s0 =	simm.s32 @p2 $0x1  }
0x17: {  	s4 =	simm.s32 $0x1BF5;
	[smem:$0x3F92] =	sst s0  }
0x18: {  	s0 =	sld [smem:$0x3F75];
	_ =	swait.ge [sflag:s4], $0x0  }
0x19: {  	s7 =	sld [smem:$0x3F76]  }
0x1a: {  	s8 =	sadd.s32 $0xFFFFE003, lr  }
0x1b: {  	s9 =	sadd.s32 $0xFFFFFEF7, lr;
	s5 =	simm.s32 $0xFFFFFFFF;
	p2 =	slt.u32 s8, $0xFFFFF086  }
0x1c: {  	p1 =	slt.u32 s9, $0xF7A;
	s5 =	simm.s32 @!p2 $0x0  }
0x1d: {  	s5 =	simm.s32 @p1 $0x1;
	p0 =	seq.s32 s7, s2  }
0x1e: {  	s7 =	smul.u32 @!p0 $0xF7A, s2;
	p2 =	seq.s32 @!p0 s5, $0x0  }
0x1f: {  	s9 =	smul.u32 $0xF7A, s1;
	s8 =	simm.s32 @!p0 $0x1BF5;
	p2 =	por !p2, p0  }
0x20: {  	[sflag:s8] =	ssyncset.s32 @!p0 $0xFFFFF086;
	s6 =	sadd.s32 @!p0 s3, s7;
	s7 =	simm.s32 @!p0 $0x108  }
0x21: {  	s3 =	sadd.s32 s3, s9;
	s6 =	sadd.s32 @!p0 $0x88, s6;
	s7 =	simm.s32 @p2 $0x1082  }
0x22: {  	[simem:s7], [sflag:s8] =	dma.local @!p0 [hbm:s6], $0xF7A  }
0x23: {  	s9 =	sor.u32 $0xD0000000, s2;
	s6 =	simm.s32 $0x108;
	_ =	swait.ge @!p0 [sflag:s8], $0x0  }
0x24: {  	s3 =	sadd.s32 $0x88, s3;
	s6 =	simm.s32 @!p1 $0x1082;
	[sflag:s4] =	ssyncset.s32 $0xFFFFF086  }
0x25: {  	[simem:s6], [sflag:s4] =	dma.local [hbm:s3], $0xF7A  }
0x26: {  	[smem:$0x3F76] =	sst s1;
	(tag) =	ssettag s2;
	_ =	strace s9  }
0x27: {  	s1 =	sld [smem:$0x3F86]  }
0x28: {  	s2 =	sld [smem:$0x3F87]  }
0x29: {  	s4 =	sld [smem:$0x3F89]  }
0x2a: {  	p0 =	seq.s32 s5, $0x0;
	s5 =	sld [smem:$0x3F8A]  }
0x2b: {  	s6 =	sld [smem:$0x3F8B]  }
0x2c: {  	s7 =	sld [smem:$0x3F8C]  }
0x2d: {  	s3 =	simm.s32 $0x108;
	s8 =	sld [smem:$0x3F8D]  }
0x2e: {  	s3 =	simm.s32 @!p0 $0x1082;
	s9 =	sld [smem:$0x3F8E]  }
0x2f: {  	lr =	sadd.s32 s0, s3;
	s0 =	sld [smem:$0x3F85]  }
0x30: {  	s3 =	sld [smem:$0x3F88]  }
0x31: {  	[smem:$0x3F91] =	sst s10  }
0x32: {  	s10 =	sld [smem:$0x3F8F];
	_ =	sdelay $0x3  }
0x33: {  	p0 =	seq.s32 s10, $0x1;
	s10 =	sld [smem:$0x3F91];
	_ =	sdelay $0x3  }
0x34: {  	[smem:$0x3F91] =	sst s10  }
0x35: {  	s10 =	sld [smem:$0x3F90];
	_ =	sdelay $0x3  }
0x36: {  	p1 =	seq.s32 s10, $0x1;
	s10 =	sld [smem:$0x3F91];
	_ =	sdelay $0x3  }
0x37: {  	[smem:$0x3F91] =	sst s10  }
0x38: {  	s10 =	sld [smem:$0x3F92]  }
0x39: {  	_ = 	snop;
	(pc) =	sbr.ind lr, $3  }
0x3a: {  	_ = 	snop  }
0x3b: {  	_ = 	snop  }
0x3c: {  	p2 =	seq.s32 s10, $0x1;
	s10 =	sld [smem:$0x3F91]  }
0x3d: {  	_ =	shalt  }
0x3e: {  	_ =	shalt  }
0x3f: {  	_ =	shalt  }
0x40: {  	_ =	shalt  }
0x41: {  	_ =	shalt  }
0x42: {  	_ =	shalt  }
0x43: {  	_ =	shalt  }
0x44: {  	_ =	shalt  }
0x45: {  	_ =	shalt  }
0x46: {  	_ =	shalt  }
0x47: {  	_ =	shalt  }
0x48: {  	_ =	shalt  }
0x49: {  	_ =	shalt  }
0x4a: {  	_ =	shalt  }
0x4b: {  	_ =	shalt  }
0x4c: {  	_ =	shalt  }
0x4d: {  	_ =	shalt  }
0x4e: {  	_ =	shalt  }
0x4f: {  	_ =	shalt  }
0x50: {  	_ =	shalt  }
0x51: {  	_ =	shalt  }
0x52: {  	_ =	shalt  }
0x53: {  	_ =	shalt  }
0x54: {  	_ =	shalt  }
0x55: {  	_ =	shalt  }
0x56: {  	_ =	shalt  }
0x57: {  	_ =	shalt  }
0x58: {  	_ =	shalt  }
0x59: {  	_ =	shalt  }
0x5a: {  	_ =	shalt  }
0x5b: {  	_ =	shalt  }
0x5c: {  	_ =	shalt  }
0x5d: {  	_ =	shalt  }
0x5e: {  	_ =	shalt  }
0x5f: {  	_ =	shalt  }
0x60: {  	_ =	shalt  }
0x61: {  	_ =	shalt  }
0x62: {  	_ =	shalt  }
0x63: {  	_ =	shalt  }
0x64: {  	_ =	shalt  }
0x65: {  	_ =	shalt  }
0x66: {  	_ =	shalt  }
0x67: {  	_ =	shalt  }
0x68: {  	_ =	shalt  }
0x69: {  	_ =	shalt  }
0x6a: {  	_ =	shalt  }
0x6b: {  	_ =	shalt  }
0x6c: {  	_ =	shalt  }
0x6d: {  	_ =	shalt  }
0x6e: {  	_ =	shalt  }
0x6f: {  	_ =	shalt  }
0x70: {  	_ =	shalt  }
0x71: {  	_ =	shalt  }
0x72: {  	_ =	shalt  }
0x73: {  	_ =	shalt  }
0x74: {  	_ =	shalt  }
0x75: {  	_ =	shalt  }
0x76: {  	_ =	shalt  }
0x77: {  	_ =	shalt  }
0x78: {  	_ =	shalt  }
0x79: {  	_ =	shalt  }
0x7a: {  	_ =	shalt  }
0x7b: {  	_ =	shalt  }
0x7c: {  	_ =	shalt  }
0x7d: {  	_ =	shalt  }
0x7e: {  	_ =	shalt  }
0x7f: {  	_ =	shalt  }
0x80: {  	_ =	shalt  }
0x81: {  	_ =	shalt  }
0x82: {  	_ =	shalt  }
0x83: {  	_ =	shalt  }
0x84: {  	_ =	shalt  }
0x85: {  	_ =	shalt  }
0x86: {  	_ =	shalt  }
0x87: {  	_ =	shalt  }
.Lfunc_end0:
.L_simem_size_0:
called_computation.1_lowered:
.L_overlay_start_0:
0x88: {  	s2 =	sld [smem:$0x3FD9]  }
0x89: {  	s3 =	sld [smem:$0x3FFE];
	_ =	sdelay $0x1  }
0x8a: {  	s1 =	srdreg.scid  }
0x8b: {  	s0 =	sand.u32 $0x1, s1  }
0x8c: {  	s16 =	sshll.u32 s0, $0xA;
	s2 =	sadd.s32 s3, s2  }
0x8d: {  	s2 =	sadd.s32 s2, s16  }
0x8e: {  	[smem:$0x3F9D] =	sst s2  }
0x8f: {  	_ = 	snop  }
0x90: {  	(tm) =	ssettm $0x1  }
0x91: {  	s17 =	sld [smem:$0x3FFB];
	_ =	sdelay $0x3  }
0x92: {  	_ =	strace s17  }
0x93: {  	s2 =	sld [smem:$0x3FFC];
	_ =	sdelay $0x3  }
0x94: {  	_ =	strace s2  }
0x95: {  	s2 =	sld [smem:$0x3FFD];
	_ =	sdelay $0x3  }
0x96: {  	_ =	strace s2  }
0x97: {  	_ =	strace $0x8FFFFFFF  }
0x98: {  	s18 =	sld [smem:$0x3FDB];
	_ =	sdelay $0x1  }
0x99: {  	s19 =	simm.s32 $_scs_section_size  }
0x9a: {  	s4 =	simm.s32 $_size__tile_overlayer_lowered;
	s5 =	simm.s32 $_tile_overlayer_lowered  }
0x9b: {  	s22 =	simm.s32 $0x1BFF;
	s21 =	sshll.u32 s5, $0x1;
	s2 =	sadd.s32 s19, s18  }
0x9c: {  	s6 =	simm.s32 $0x0;
	s20 =	sshll.u32 s4, $0x1;
	s4 =	sadd.s32 s21, s2  }
0x9d: {  	[timem:s6], [sflag:s22] =	dma.local [hbm:s4], s20  }
0x9e: {  	_ =	swait.ge [sflag:s22], s20  }
0x9f: {  	s3 =	ssub.s32 $0x0, s20;
	[sflag:s22] =	ssyncset.done $0x0  }
0xa0: {  	[sflag:s22] =	ssyncadd.s32 s3;
	_ =	sdelay $0x1  }
0xa1: {  	s23 =	simm.s32 $0x1B8B  }
0xa2: {  	_ =	swait.ge [sflag:s23], $0x1  }
0xa3: {  	[sflag:s23] =	ssyncset.done $0x0  }
0xa4: {  	s25 =	simm.s32 $0x1B8E;
	s24 =	sld [smem:$0x3FFE];
	[sflag:s23] =	ssyncadd.s32 $0xFFFFFFFF  }
0xa5: {  	s26 =	simm.s32 $execute0_lowered;
	[smem:$0x3FD2] =	sst s25  }
0xa6: {  	s4 =	sshll.u32 s26, $0x1;
	_ =	strace $0x80000049;
	[dreg:$0x1] =	wrdreg $0xFFFFFFFF  }
0xa7: {  	s28 =	simm.s32 $_size_execute0_lowered;
	s2 =	sadd.s32 s2, s4;
	[dreg:$0x0] =	wrdreg $0x0  }
0xa8: {  	s4 =	sshll.u32 s28, $0x1;
	[dreg:$0x2] =	wrdreg s2  }
0xa9: {  	[dreg:$0x3] =	wrdreg s4  }
0xaa: {  	[dreg:$0x4] =	wrdreg $0xC0  }
0xab: {  	_ =	task [dreg:s6], $0x5FFFF  }
0xac: {  	[dreg:$0x1] =	wrdreg $0xFFFFFFFF  }
0xad: {  	[dreg:$0x0] =	wrdreg $0x60  }
0xae: {  	[dreg:$0x2] =	wrdreg s24  }
0xaf: {  	[dreg:$0x3] =	wrdreg $0xDE400  }
0xb0: {  	[dreg:$0x4] =	wrdreg $0x9  }
0xb1: {  	_ =	task.clear_ibuf [dreg:s6], $0x5FFFF;
	_ =	strace $0x90000049  }
0xb2: {  	s29 =	simm.s32 $0x9;
	_ =	strace $0x8000004B  }
0xb3: {  	_ =	swait.ge [sflag:s29], $0x1  }
0xb4: {  	[sflag:s29] =	ssyncadd.s32 $0xFFFFFFFF  }
0xb5: {  	_ =	strace $0x9000004B  }
0xb6: {  	_ =	sfence  }
0xb7: {  	s30 =	sld [smem:$0x0];
	_ =	sdelay $0x2  }
0xb8: {  	s31 =	sshll.u32 s1, $0xD;
	s1 =	sshrl.u32 s1, $0x2  }
0xb9: {  	s3 =	sand.u32 $0x4000, s31;
	s1 =	sadd.s32 s1, s30  }
0xba: {  	s0 =	sor.u32 s3, s0;
	s1 =	sshll.u32 s1, $0x11  }
0xbb: {  	s0 =	sor.u32 s1, s0  }
0xbc: {  	s0 =	sadd.s32 $0x8F2B, s0  }
0xbd: {  	[sflag:s0] =	ssyncadd.remote.s32 $0x1  }
0xbe: {  	_ =	sfence.sel $0xFFFF  }
0xbf: {  	[dreg:$0x0] =	wrdreg $0xFFFFFFFF;
	(pc) =	sbr.abs _section_cstart, $3  }
0xc0: {  	[dreg:$0x1] =	wrdreg $0xFFFFFFFF  }
0xc1: {  	_ =	task.clear_ibuf [dreg:s6], $0x2FFFF;
	_ =	strace $0x9FFFFFFF  }
0xc2: {  	(tm) =	ssettm $0x7FFFFFFF  }
0xc3: {  	_ =	shalt  }
tec
execute0_lowered:
.L_overlay_start_1:
0x0: {  	(tag) =	ssettag $0x1  }
0x1: {  	s0 =	srdreg.scid;
	s6 =	rddreg [dreg:$0x0]  }
0x2: {  	s2 =	rddreg [dreg:$0x1];
	s3 =	simm.s32 $0x0;
	s12 =	simm.s32 $0x2800  }
0x3: {  	s13 =	simm.s32 $0x9000;
	s14 =	simm.s32 $0x80;
	s15 =	simm.s32 $0x5000  }
0x4: {  	s16 =	simm.s32 $0x6000;
	s17 =	simm.s32 $0x7000;
	s18 =	simm.s32 $0x8000  }
0x5: {  	s19 =	simm.s32 $0x1;
	s20 =	simm.s32 $0x2;
	s21 =	simm.s32 $0x3  }
0x6: {  	s22 =	simm.s32 $0x4;
	s23 =	simm.s32 $0x5;
	s24 =	simm.s32 $0x6  }
0x7: {  	s25 =	simm.s32 $0x7;
	s26 =	simm.s32 $0x8;
	s28 =	simm.s32 $0x0  }
0x8: {  	s5 =	sand.u32 $0x1, s0;
	s0 =	stileid.u32;
	[smem:$0x7FF] =	sst s3  }
0x9: {  	s4 =	sadd.s32 $0x48A00, s6;
	s1 =	sshll.u32 s5, $0x4;
	s8 =	smul.u32 $0x4E40, s0  }
0xa: {  	s9 =	smul.u32 $0x4E400, s5;
	_ =	strace $0x8000004A;
	s10 =	ssub.s32 $0x2, s5  }
0xb: {  	s5 =	sadd.s32 $0x12400, s6;
	s1 =	sor.u32 s0, s1;
	s11 =	sshrl.u32 s10, $0x1  }
0xc: {  	s7 =	smul.u32 $0x500, s1;
	s9 =	sadd.s32 s8, s9;
	s10 =	ssub.s32 s10, s11  }
0xd: {  	s8 =	sadd.s32 s8, s2;
	s11 =	simm.s32 $0x9;
	s9 =	sshrl.u32 s9, $0x3  }
0xe: {  	s10 =	smax.u32 s10, $0x1;
	s7 =	sadd.s32 s7, s6;
	s9 =	sadd.s32 s9, s6  }
0xf: {  	s6 =	sadd.s32 $0x17800, s7;
	s7 =	sadd.s32 $0x8400, s7;
	s9 =	sadd.s32 $0x52800, s9  }
.LBB2_1:
0x10: {  	[tilespmem:s3], [sflag:$0x9] =	stream.linear.gather [hbm4b:s6+s3], $0x2800, $0x38;
	[tilespmem:$0x12C80] =	vst v63  }
0x11: {  	_ =	swait.ge [sflag:s11], $0x2800  }
0x12: {  	[sflag:s11] =	ssyncset.done $0x0  }
0x13: {  	[sflag:s11] =	ssyncadd.s32 $0xFFFFD800  }
0x14: {  	[tilespmem:s12], [sflag:$0x9] =	stream.linear.gather [hbm4b:s7+s3], $0x2800, $0x38;
	[tilespmem:$0x12C80] =	vst v63  }
0x15: {  	_ =	swait.ge [sflag:s11], $0x2800  }
0x16: {  	[sflag:s11] =	ssyncset.done $0x0  }
0x17: {  	[sflag:s11] =	ssyncadd.s32 $0xFFFFD800  }
0x18: {  	[tilespmem:s13], [sflag:$0x9] =	stream.linear.gather [hbm4b:s5+s3], $0x4E40, $0x38;
	[tilespmem:$0x12C80] =	vst v63  }
0x19: {  	_ =	swait.ge [sflag:s11], $0x4E40  }
0x1a: {  	[sflag:s11] =	ssyncset.done $0x0  }
0x1b: {  	[sflag:s11] =	ssyncadd.s32 $0xFFFFB1C0  }
0x1c: {  	[spmem:s8] =	stream.linear.scatter [tilespmem:s13], [sflag:$0x9], $0x4E40, $0x38;
	[tilespmem:$0x12C80] =	vst v63  }
0x1d: {  	_ =	swait.ge [sflag:s11], $0x4E40  }
0x1e: {  	[sflag:s11] =	ssyncset.done $0x0  }
0x1f: {  	[sflag:s11] =	ssyncadd.s32 $0xFFFFB1C0  }
0x20: {  	s29 =	simm.s32 $0x0;
	[bflag:$0x0] =	sbarrier.arrive $0xFFFF  }
0x21: {  	[tilespmem:s15], [sflag:$0x1] =	stream.indirect.gather [hbm4b:s4+s14], $0x20, s29, s14, $0xb8;
	[tilespmem:$0x12C80] =	vst v63  }
0x22: {  	s29 =	simm.s32 $0x80  }
0x23: {  	[tilespmem:s16], [sflag:$0x2] =	stream.indirect.gather [hbm4b:s4+s14], $0x20, s29, s14, $0xb8;
	[tilespmem:$0x12C80] =	vst v63  }
0x24: {  	s29 =	simm.s32 $0x100  }
0x25: {  	[tilespmem:s17], [sflag:$0x3] =	stream.indirect.gather [hbm4b:s4+s14], $0x20, s29, s14, $0xb8;
	[tilespmem:$0x12C80] =	vst v63  }
0x26: {  	s29 =	simm.s32 $0x180  }
0x27: {  	[tilespmem:s18], [sflag:$0x4] =	stream.indirect.gather [hbm4b:s4+s14], $0x20, s29, s14, $0xb8;
	[tilespmem:$0x12C80] =	vst v63  }
0x28: {  	_ =	swait.ge [sflag:s19], $0x1000  }
0x29: {  	[sflag:s19] =	ssyncset.done $0x0  }
0x2a: {  	s29 =	simm.s32 $0x2800;
	[sflag:s19] =	ssyncadd.s32 $0xFFFFF000  }
0x2b: {  	[spmem:s2] =	stream.indirect.scatter.add.f32 [tilespmem:s15], [sflag:$0x5], $0x20, s29, s14, $0xb8;
	[tilespmem:$0x12C80] =	vst v63  }
0x2c: {  	_ =	swait.ge [sflag:s20], $0x1000  }
0x2d: {  	[sflag:s20] =	ssyncset.done $0x0  }
0x2e: {  	s29 =	simm.s32 $0x2880;
	[sflag:s20] =	ssyncadd.s32 $0xFFFFF000  }
0x2f: {  	[spmem:s2] =	stream.indirect.scatter.add.f32 [tilespmem:s16], [sflag:$0x6], $0x20, s29, s14, $0xb8;
	[tilespmem:$0x12C80] =	vst v63  }
0x30: {  	_ =	swait.ge [sflag:s21], $0x1000  }
0x31: {  	[sflag:s21] =	ssyncset.done $0x0  }
0x32: {  	s29 =	simm.s32 $0x2900;
	[sflag:s21] =	ssyncadd.s32 $0xFFFFF000  }
0x33: {  	[spmem:s2] =	stream.indirect.scatter.add.f32 [tilespmem:s17], [sflag:$0x7], $0x20, s29, s14, $0xb8;
	[tilespmem:$0x12C80] =	vst v63  }
0x34: {  	_ =	swait.ge [sflag:s22], $0x1000  }
0x35: {  	[sflag:s22] =	ssyncset.done $0x0  }
0x36: {  	s29 =	simm.s32 $0x2980;
	[sflag:s22] =	ssyncadd.s32 $0xFFFFF000  }
0x37: {  	[spmem:s2] =	stream.indirect.scatter.add.f32 [tilespmem:s18], [sflag:$0x8], $0x20, s29, s14, $0xb8;
	[tilespmem:$0x12C80] =	vst v63  }
0x38: {  	_ =	swait.ge [sflag:s23], $0x1000  }
0x39: {  	[sflag:s23] =	ssyncset.done $0x0  }
0x3a: {  	[sflag:s23] =	ssyncadd.s32 $0xFFFFF000  }
0x3b: {  	_ =	swait.ge [sflag:s24], $0x1000  }
0x3c: {  	[sflag:s24] =	ssyncset.done $0x0  }
0x3d: {  	[sflag:s24] =	ssyncadd.s32 $0xFFFFF000  }
0x3e: {  	_ =	swait.ge [sflag:s25], $0x1000  }
0x3f: {  	[sflag:s25] =	ssyncset.done $0x0  }
0x40: {  	[sflag:s25] =	ssyncadd.s32 $0xFFFFF000  }
0x41: {  	_ =	swait.ge [sflag:s26], $0x1000  }
0x42: {  	s31 =	simm.s32 $0x1000;
	s29 =	simm.s32 $0x800;
	[sflag:s26] =	ssyncset.done $0x0  }
.LBB2_2:
0x43: {  	s1 =	sshra.s32 s29, $0x2  }
0x44: {  	[sflag:s26] =	ssyncadd.s32 $0xFFFFF000;
	s29 =	smov.u32 s31;
	s30 =	sadd.s32 $0x800, s31  }
0x45: {  	[tilespmem:s15], [sflag:$0x1] =	stream.indirect.gather [hbm4b:s4+s14], $0x20, s1, s14, $0xb8;
	[tilespmem:$0x12C80] =	vst v63  }
0x46: {  	p0 =	sne.s32 s31, $0x9800;
	s31 =	sadd.s32 $0x80, s1  }
0x47: {  	[tilespmem:s16], [sflag:$0x2] =	stream.indirect.gather [hbm4b:s4+s14], $0x20, s31, s14, $0xb8;
	[tilespmem:$0x12C80] =	vst v63  }
0x48: {  	s31 =	sadd.s32 $0x100, s1  }
0x49: {  	[tilespmem:s17], [sflag:$0x3] =	stream.indirect.gather [hbm4b:s4+s14], $0x20, s31, s14, $0xb8;
	[tilespmem:$0x12C80] =	vst v63  }
0x4a: {  	s31 =	sadd.s32 $0x180, s1  }
0x4b: {  	[tilespmem:s18], [sflag:$0x4] =	stream.indirect.gather [hbm4b:s4+s14], $0x20, s31, s14, $0xb8;
	[tilespmem:$0x12C80] =	vst v63  }
0x4c: {  	_ =	swait.ge [sflag:s19], $0x1000  }
0x4d: {  	[sflag:s19] =	ssyncset.done $0x0  }
0x4e: {  	s31 =	sadd.s32 $0x2800, s1;
	[sflag:s19] =	ssyncadd.s32 $0xFFFFF000  }
0x4f: {  	[spmem:s2] =	stream.indirect.scatter.add.f32 [tilespmem:s15], [sflag:$0x5], $0x20, s31, s14, $0xb8;
	[tilespmem:$0x12C80] =	vst v63  }
0x50: {  	_ =	swait.ge [sflag:s20], $0x1000  }
0x51: {  	[sflag:s20] =	ssyncset.done $0x0  }
0x52: {  	s31 =	sadd.s32 $0x2880, s1;
	[sflag:s20] =	ssyncadd.s32 $0xFFFFF000  }
0x53: {  	[spmem:s2] =	stream.indirect.scatter.add.f32 [tilespmem:s16], [sflag:$0x6], $0x20, s31, s14, $0xb8;
	[tilespmem:$0x12C80] =	vst v63  }
0x54: {  	_ =	swait.ge [sflag:s21], $0x1000  }
0x55: {  	[sflag:s21] =	ssyncset.done $0x0  }
0x56: {  	s31 =	sadd.s32 $0x2900, s1;
	[sflag:s21] =	ssyncadd.s32 $0xFFFFF000  }
0x57: {  	[spmem:s2] =	stream.indirect.scatter.add.f32 [tilespmem:s17], [sflag:$0x7], $0x20, s31, s14, $0xb8;
	[tilespmem:$0x12C80] =	vst v63  }
0x58: {  	_ =	swait.ge [sflag:s22], $0x1000  }
0x59: {  	[sflag:s22] =	ssyncset.done $0x0  }
0x5a: {  	s1 =	sadd.s32 $0x2980, s1;
	[sflag:s22] =	ssyncadd.s32 $0xFFFFF000  }
0x5b: {  	[spmem:s2] =	stream.indirect.scatter.add.f32 [tilespmem:s18], [sflag:$0x8], $0x20, s1, s14, $0xb8;
	[tilespmem:$0x12C80] =	vst v63  }
0x5c: {  	_ =	swait.ge [sflag:s23], $0x1000  }
0x5d: {  	[sflag:s23] =	ssyncset.done $0x0  }
0x5e: {  	[sflag:s23] =	ssyncadd.s32 $0xFFFFF000  }
0x5f: {  	_ =	swait.ge [sflag:s24], $0x1000  }
0x60: {  	[sflag:s24] =	ssyncset.done $0x0  }
0x61: {  	[sflag:s24] =	ssyncadd.s32 $0xFFFFF000  }
.Ltmp0:
0x62: {  	_ =	swait.ge [sflag:s25], $0x1000;
	(pc) =	sbr.rel @p0 .LBB2_2-.Ltmp0, $4  }
0x63: {  	[sflag:s25] =	ssyncset.done $0x0  }
0x64: {  	[sflag:s25] =	ssyncadd.s32 $0xFFFFF000  }
0x65: {  	_ =	swait.ge [sflag:s26], $0x1000  }
0x66: {  	s31 =	smov.u32 s30;
	[sflag:s26] =	ssyncset.done $0x0  }
0x67: {  	s1 =	sshra.s32 s29, $0x2;
	[sflag:s26] =	ssyncadd.s32 $0xFFFFF000  }
0x68: {  	[tilespmem:s15], [sflag:$0x1] =	stream.indirect.gather [hbm4b:s4+s14], $0x20, s1, s14, $0xb8;
	[tilespmem:$0x12C80] =	vst v63  }
0x69: {  	s29 =	sadd.s32 $0x80, s1  }
0x6a: {  	[tilespmem:s16], [sflag:$0x2] =	stream.indirect.gather [hbm4b:s4+s14], $0x20, s29, s14, $0xb8;
	[tilespmem:$0x12C80] =	vst v63  }
0x6b: {  	s31 =	sadd.s32 $0x100, s1  }
0x6c: {  	[tilespmem:s17], [sflag:$0x3] =	stream.indirect.gather [hbm4b:s4+s14], $0x20, s31, s14, $0xb8;
	[tilespmem:$0x12C80] =	vst v63  }
0x6d: {  	s30 =	sadd.s32 $0x180, s1  }
0x6e: {  	[tilespmem:s18], [sflag:$0x4] =	stream.indirect.gather [hbm4b:s4+s14], $0x20, s30, s14, $0xb8;
	[tilespmem:$0x12C80] =	vst v63  }
0x6f: {  	_ =	swait.ge [sflag:s19], $0x1000  }
0x70: {  	[sflag:s19] =	ssyncset.done $0x0  }
0x71: {  	s31 =	sadd.s32 $0x2800, s1;
	[sflag:s19] =	ssyncadd.s32 $0xFFFFF000  }
0x72: {  	[spmem:s2] =	stream.indirect.scatter.add.f32 [tilespmem:s15], [sflag:$0x5], $0x20, s31, s14, $0xb8;
	[tilespmem:$0x12C80] =	vst v63  }
0x73: {  	_ =	swait.ge [sflag:s20], $0x1000  }
0x74: {  	[sflag:s20] =	ssyncset.done $0x0  }
0x75: {  	s30 =	sadd.s32 $0x2880, s1;
	[sflag:s20] =	ssyncadd.s32 $0xFFFFF000  }
0x76: {  	[spmem:s2] =	stream.indirect.scatter.add.f32 [tilespmem:s16], [sflag:$0x6], $0x20, s30, s14, $0xb8;
	[tilespmem:$0x12C80] =	vst v63  }
0x77: {  	_ =	swait.ge [sflag:s21], $0x1000  }
0x78: {  	[sflag:s21] =	ssyncset.done $0x0  }
0x79: {  	s31 =	sadd.s32 $0x2900, s1;
	[sflag:s21] =	ssyncadd.s32 $0xFFFFF000  }
0x7a: {  	[spmem:s2] =	stream.indirect.scatter.add.f32 [tilespmem:s17], [sflag:$0x7], $0x20, s31, s14, $0xb8;
	[tilespmem:$0x12C80] =	vst v63  }
0x7b: {  	_ =	swait.ge [sflag:s22], $0x1000  }
0x7c: {  	[sflag:s22] =	ssyncset.done $0x0  }
0x7d: {  	s1 =	sadd.s32 $0x2980, s1;
	[sflag:s22] =	ssyncadd.s32 $0xFFFFF000  }
0x7e: {  	[spmem:s2] =	stream.indirect.scatter.add.f32 [tilespmem:s18], [sflag:$0x8], $0x20, s1, s14, $0xb8;
	[tilespmem:$0x12C80] =	vst v63  }
0x7f: {  	_ =	swait.ge [sflag:s23], $0x1000  }
0x80: {  	[sflag:s23] =	ssyncset.done $0x0  }
0x81: {  	[sflag:s23] =	ssyncadd.s32 $0xFFFFF000  }
0x82: {  	_ =	swait.ge [sflag:s24], $0x1000  }
0x83: {  	[sflag:s24] =	ssyncset.done $0x0  }
0x84: {  	[sflag:s24] =	ssyncadd.s32 $0xFFFFF000  }
0x85: {  	_ =	swait.ge [sflag:s25], $0x1000  }
0x86: {  	[sflag:s25] =	ssyncset.done $0x0  }
0x87: {  	[sflag:s25] =	ssyncadd.s32 $0xFFFFF000  }
0x88: {  	_ =	swait.ge [sflag:s26], $0x1000  }
0x89: {  	[sflag:s26] =	ssyncset.done $0x0  }
0x8a: {  	[sflag:s26] =	ssyncadd.s32 $0xFFFFF000  }
0x8b: {  	[bflag:$0x0] =	sbarrier.arrive $0xFFFF  }
0x8c: {  	[tilespmem:s13], [sflag:$0x9] =	stream.linear.gather [spmem:s8], $0x4E40, $0x38;
	[tilespmem:$0x12C80] =	vst v63  }
0x8d: {  	s28 =	sadd.s32 $0x1, s28;
	_ =	swait.ge [sflag:s11], $0x4E40  }
0x8e: {  	p0 =	sne.s32 s28, s10;
	[sflag:s11] =	ssyncset.done $0x0  }
.Ltmp1:
0x8f: {  	[sflag:s11] =	ssyncadd.s32 $0xFFFFB1C0;
	(pc) =	sbr.rel @p0 .LBB2_1-.Ltmp1, $4  }
0x90: {  	[hbm4b:s9+s3] =	stream.linear.scatter [tilespmem:s13], [sflag:$0x9], $0x4E40, $0x38;
	[tilespmem:$0x12C80] =	vst v63  }
0x91: {  	_ =	swait.ge [sflag:s11], $0x4E40  }
0x92: {  	[sflag:s11] =	ssyncset.done $0x0  }
0x93: {  	[sflag:s11] =	ssyncadd.s32 $0xFFFFB1C0  }
0x94: {  	_ =	sfence.sel $0x180000  }
0x95: {  	[bflag:$0x0] =	sbarrier.arrive $0xFFFF  }
0x96: {  	_ =	strace $0x9000004A  }
0x97: {  	[bflag:$0x2] =	sbarrier.arrive $0xFFFF  }
0x98: {  	p0 =	sne.s32 s0, $0x0;
	s0 =	rddreg [dreg:$0x2]  }
0x99: {  	s0 =	sadd.s32 @!p0 $0x100000, s0  }
0x9a: {  	[sflag:s0] =	ssyncadd.tile.s32 @!p0 $0x1;
	_ =	shalt  }
.Lfunc_end2:
_tile_overlayer_lowered:
.L_overlay_start_2:
0x9b: {  	(tag) =	ssettag $0x2  }
0x9c: {  	s0 =	rddreg [dreg:$0x0];
	s2 =	stileid.u32  }
0x9d: {  	s1 =	rddreg [dreg:$0x1];
	p0 =	sne.s32 s2, $0x0  }
0x9e: {  	s3 =	rddreg [dreg:$0x2];
	[bflag:$0x3] =	sbarrier.arrive $0xFFFF;
	s2 =	simm.s32 @!p0 $0x1C09  }
0x9f: {  	[timem:s3], [sflag:s2] =	dma.local @!p0 [hbm:s0], s1  }
0xa0: {  	s0 =	simm.s32 @!p0 $0x9  }
0xa1: {  	_ =	swait.ge @!p0 [sflag:s0], s1  }
0xa2: {  	s1 =	ssub.s32 @!p0 $0x0, s1;
	[sflag:s0] =	ssyncset.done @!p0 $0x0  }
0xa3: {  	[sflag:s0] =	ssyncadd.s32 @!p0 s1  }
0xa4: {  	[bflag:$0x3] =	sbarrier.arrive $0xFFFF  }
0xa5: {  	_ =	shalt  }

// kernel: kernel.19.cloned.1.call-start
scs
__scs_entry_jumppad:
0x0: {  	(pc) =	sbr.rel $0x88, $3  }
0x1: {  	(tag) =	ssettag $0x0;
	lr =	simm.s32 $0x1  }
0x2: {  	[smem:$0x3F76] =	sst lr;
	_ =	strace $0xD0000000  }
0x3: {  	_ = 	snop  }
0x4: {  	_ = 	snop  }
0x5: {  	_ = 	snop  }
0x6: {  	_ = 	snop  }
0x7: {  	_ = 	snop  }
__scs_overlays_trampoline_lowered:
0x8: {  	[smem:$0x3F85] =	sst s0  }
0x9: {  	[smem:$0x3F86] =	sst s1  }
0xa: {  	[smem:$0x3F87] =	sst s2  }
0xb: {  	[smem:$0x3F88] =	sst s3  }
0xc: {  	[smem:$0x3F89] =	sst s4  }
0xd: {  	[smem:$0x3F8A] =	sst s5  }
0xe: {  	[smem:$0x3F8B] =	sst s6  }
0xf: {  	[smem:$0x3F8C] =	sst s7  }
0x10: {  	[smem:$0x3F8D] =	sst s8  }
0x11: {  	[smem:$0x3F8E] =	sst s9;
	s0 =	simm.s32 @!p0 $0x0  }
0x12: {  	s1 =	sld [smem:$0x3F74];
	s0 =	simm.s32 @p0 $0x1  }
0x13: {  	[smem:$0x3F8F] =	sst s0;
	s0 =	simm.s32 @!p1 $0x0  }
0x14: {  	s2 =	sld [smem:$0x3F73];
	s0 =	simm.s32 @p1 $0x1  }
0x15: {  	[smem:$0x3F90] =	sst s0;
	s0 =	simm.s32 @!p2 $0x0  }
0x16: {  	s3 =	sld [smem:$0x3FDB];
	s0 =	simm.s32 @p2 $0x1  }
0x17: {  	s4 =	simm.s32 $0x1BF5;
	[smem:$0x3F92] =	sst s0  }
0x18: {  	s0 =	sld [smem:$0x3F75];
	_ =	swait.ge [sflag:s4], $0x0  }
0x19: {  	s7 =	sld [smem:$0x3F76]  }
0x1a: {  	s8 =	sadd.s32 $0xFFFFE003, lr  }
0x1b: {  	s9 =	sadd.s32 $0xFFFFFEF7, lr;
	s5 =	simm.s32 $0xFFFFFFFF;
	p2 =	slt.u32 s8, $0xFFFFF086  }
0x1c: {  	p1 =	slt.u32 s9, $0xF7A;
	s5 =	simm.s32 @!p2 $0x0  }
0x1d: {  	s5 =	simm.s32 @p1 $0x1;
	p0 =	seq.s32 s7, s2  }
0x1e: {  	s7 =	smul.u32 @!p0 $0xF7A, s2;
	p2 =	seq.s32 @!p0 s5, $0x0  }
0x1f: {  	s9 =	smul.u32 $0xF7A, s1;
	s8 =	simm.s32 @!p0 $0x1BF5;
	p2 =	por !p2, p0  }
0x20: {  	[sflag:s8] =	ssyncset.s32 @!p0 $0xFFFFF086;
	s6 =	sadd.s32 @!p0 s3, s7;
	s7 =	simm.s32 @!p0 $0x108  }
0x21: {  	s3 =	sadd.s32 s3, s9;
	s6 =	sadd.s32 @!p0 $0x88, s6;
	s7 =	simm.s32 @p2 $0x1082  }
0x22: {  	[simem:s7], [sflag:s8] =	dma.local @!p0 [hbm:s6], $0xF7A  }
0x23: {  	s9 =	sor.u32 $0xD0000000, s2;
	s6 =	simm.s32 $0x108;
	_ =	swait.ge @!p0 [sflag:s8], $0x0  }
0x24: {  	s3 =	sadd.s32 $0x88, s3;
	s6 =	simm.s32 @!p1 $0x1082;
	[sflag:s4] =	ssyncset.s32 $0xFFFFF086  }
0x25: {  	[simem:s6], [sflag:s4] =	dma.local [hbm:s3], $0xF7A  }
0x26: {  	[smem:$0x3F76] =	sst s1;
	(tag) =	ssettag s2;
	_ =	strace s9  }
0x27: {  	s1 =	sld [smem:$0x3F86]  }
0x28: {  	s2 =	sld [smem:$0x3F87]  }
0x29: {  	s4 =	sld [smem:$0x3F89]  }
0x2a: {  	p0 =	seq.s32 s5, $0x0;
	s5 =	sld [smem:$0x3F8A]  }
0x2b: {  	s6 =	sld [smem:$0x3F8B]  }
0x2c: {  	s7 =	sld [smem:$0x3F8C]  }
0x2d: {  	s3 =	simm.s32 $0x108;
	s8 =	sld [smem:$0x3F8D]  }
0x2e: {  	s3 =	simm.s32 @!p0 $0x1082;
	s9 =	sld [smem:$0x3F8E]  }
0x2f: {  	lr =	sadd.s32 s0, s3;
	s0 =	sld [smem:$0x3F85]  }
0x30: {  	s3 =	sld [smem:$0x3F88]  }
0x31: {  	[smem:$0x3F91] =	sst s10  }
0x32: {  	s10 =	sld [smem:$0x3F8F];
	_ =	sdelay $0x3  }
0x33: {  	p0 =	seq.s32 s10, $0x1;
	s10 =	sld [smem:$0x3F91];
	_ =	sdelay $0x3  }
0x34: {  	[smem:$0x3F91] =	sst s10  }
0x35: {  	s10 =	sld [smem:$0x3F90];
	_ =	sdelay $0x3  }
0x36: {  	p1 =	seq.s32 s10, $0x1;
	s10 =	sld [smem:$0x3F91];
	_ =	sdelay $0x3  }
0x37: {  	[smem:$0x3F91] =	sst s10  }
0x38: {  	s10 =	sld [smem:$0x3F92]  }
0x39: {  	_ = 	snop;
	(pc) =	sbr.ind lr, $3  }
0x3a: {  	_ = 	snop  }
0x3b: {  	_ = 	snop  }
0x3c: {  	p2 =	seq.s32 s10, $0x1;
	s10 =	sld [smem:$0x3F91]  }
0x3d: {  	_ =	shalt  }
0x3e: {  	_ =	shalt  }
0x3f: {  	_ =	shalt  }
0x40: {  	_ =	shalt  }
0x41: {  	_ =	shalt  }
0x42: {  	_ =	shalt  }
0x43: {  	_ =	shalt  }
0x44: {  	_ =	shalt  }
0x45: {  	_ =	shalt  }
0x46: {  	_ =	shalt  }
0x47: {  	_ =	shalt  }
0x48: {  	_ =	shalt  }
0x49: {  	_ =	shalt  }
0x4a: {  	_ =	shalt  }
0x4b: {  	_ =	shalt  }
0x4c: {  	_ =	shalt  }
0x4d: {  	_ =	shalt  }
0x4e: {  	_ =	shalt  }
0x4f: {  	_ =	shalt  }
0x50: {  	_ =	shalt  }
0x51: {  	_ =	shalt  }
0x52: {  	_ =	shalt  }
0x53: {  	_ =	shalt  }
0x54: {  	_ =	shalt  }
0x55: {  	_ =	shalt  }
0x56: {  	_ =	shalt  }
0x57: {  	_ =	shalt  }
0x58: {  	_ =	shalt  }
0x59: {  	_ =	shalt  }
0x5a: {  	_ =	shalt  }
0x5b: {  	_ =	shalt  }
0x5c: {  	_ =	shalt  }
0x5d: {  	_ =	shalt  }
0x5e: {  	_ =	shalt  }
0x5f: {  	_ =	shalt  }
0x60: {  	_ =	shalt  }
0x61: {  	_ =	shalt  }
0x62: {  	_ =	shalt  }
0x63: {  	_ =	shalt  }
0x64: {  	_ =	shalt  }
0x65: {  	_ =	shalt  }
0x66: {  	_ =	shalt  }
0x67: {  	_ =	shalt  }
0x68: {  	_ =	shalt  }
0x69: {  	_ =	shalt  }
0x6a: {  	_ =	shalt  }
0x6b: {  	_ =	shalt  }
0x6c: {  	_ =	shalt  }
0x6d: {  	_ =	shalt  }
0x6e: {  	_ =	shalt  }
0x6f: {  	_ =	shalt  }
0x70: {  	_ =	shalt  }
0x71: {  	_ =	shalt  }
0x72: {  	_ =	shalt  }
0x73: {  	_ =	shalt  }
0x74: {  	_ =	shalt  }
0x75: {  	_ =	shalt  }
0x76: {  	_ =	shalt  }
0x77: {  	_ =	shalt  }
0x78: {  	_ =	shalt  }
0x79: {  	_ =	shalt  }
0x7a: {  	_ =	shalt  }
0x7b: {  	_ =	shalt  }
0x7c: {  	_ =	shalt  }
0x7d: {  	_ =	shalt  }
0x7e: {  	_ =	shalt  }
0x7f: {  	_ =	shalt  }
0x80: {  	_ =	shalt  }
0x81: {  	_ =	shalt  }
0x82: {  	_ =	shalt  }
0x83: {  	_ =	shalt  }
0x84: {  	_ =	shalt  }
0x85: {  	_ =	shalt  }
0x86: {  	_ =	shalt  }
0x87: {  	_ =	shalt  }
.Lfunc_end0:
.L_simem_size_0:
called_computation.2_lowered:
.L_overlay_start_0:
0x88: {  	s2 =	sld [smem:$0x3FD9]  }
0x89: {  	s3 =	sld [smem:$0x3FFE];
	_ =	sdelay $0x1  }
0x8a: {  	s1 =	srdreg.scid  }
0x8b: {  	s0 =	sand.u32 $0x1, s1  }
0x8c: {  	s16 =	sshll.u32 s0, $0xA;
	s2 =	sadd.s32 s3, s2  }
0x8d: {  	s2 =	sadd.s32 s2, s16  }
0x8e: {  	[smem:$0x3F9D] =	sst s2  }
0x8f: {  	_ = 	snop  }
0x90: {  	(tm) =	ssettm $0x1  }
0x91: {  	s17 =	sld [smem:$0x3FFB];
	_ =	sdelay $0x3  }
0x92: {  	_ =	strace s17  }
0x93: {  	s2 =	sld [smem:$0x3FFC];
	_ =	sdelay $0x3  }
0x94: {  	_ =	strace s2  }
0x95: {  	s2 =	sld [smem:$0x3FFD];
	_ =	sdelay $0x3  }
0x96: {  	_ =	strace s2  }
0x97: {  	_ =	strace $0x8FFFFFFF  }
0x98: {  	s18 =	sld [smem:$0x3FDB];
	_ =	sdelay $0x1  }
0x99: {  	s19 =	simm.s32 $_scs_section_size  }
0x9a: {  	s4 =	simm.s32 $_size__tile_overlayer_lowered;
	s5 =	simm.s32 $_tile_overlayer_lowered  }
0x9b: {  	s22 =	simm.s32 $0x1BFF;
	s21 =	sshll.u32 s5, $0x1;
	s2 =	sadd.s32 s19, s18  }
0x9c: {  	s6 =	simm.s32 $0x0;
	s20 =	sshll.u32 s4, $0x1;
	s4 =	sadd.s32 s21, s2  }
0x9d: {  	[timem:s6], [sflag:s22] =	dma.local [hbm:s4], s20  }
0x9e: {  	_ =	swait.ge [sflag:s22], s20  }
0x9f: {  	s3 =	ssub.s32 $0x0, s20;
	[sflag:s22] =	ssyncset.done $0x0  }
0xa0: {  	[sflag:s22] =	ssyncadd.s32 s3;
	_ =	sdelay $0x1  }
0xa1: {  	s23 =	simm.s32 $0x1B8B  }
0xa2: {  	_ =	swait.ge [sflag:s23], $0x1  }
0xa3: {  	[sflag:s23] =	ssyncset.done $0x0  }
0xa4: {  	s25 =	simm.s32 $0x1B8E;
	s24 =	sld [smem:$0x3FFE];
	[sflag:s23] =	ssyncadd.s32 $0xFFFFFFFF  }
0xa5: {  	s26 =	simm.s32 $execute0_lowered;
	[smem:$0x3FD2] =	sst s25  }
0xa6: {  	s4 =	sshll.u32 s26, $0x1;
	_ =	strace $0x8000004C;
	[dreg:$0x1] =	wrdreg $0xFFFFFFFF  }
0xa7: {  	s28 =	simm.s32 $_size_execute0_lowered;
	s2 =	sadd.s32 s2, s4;
	[dreg:$0x0] =	wrdreg $0x0  }
0xa8: {  	s4 =	sshll.u32 s28, $0x1;
	[dreg:$0x2] =	wrdreg s2  }
0xa9: {  	[dreg:$0x3] =	wrdreg s4  }
0xaa: {  	[dreg:$0x4] =	wrdreg $0xC0  }
0xab: {  	_ =	task [dreg:s6], $0x5FFFF  }
0xac: {  	[dreg:$0x1] =	wrdreg $0xFFFFFFFF  }
0xad: {  	[dreg:$0x0] =	wrdreg $0x60  }
0xae: {  	[dreg:$0x2] =	wrdreg s24  }
0xaf: {  	[dreg:$0x3] =	wrdreg $0xDE400  }
0xb0: {  	[dreg:$0x4] =	wrdreg $0x9  }
0xb1: {  	_ =	task.clear_ibuf [dreg:s6], $0x5FFFF;
	_ =	strace $0x9000004C  }
0xb2: {  	s29 =	simm.s32 $0x9;
	_ =	strace $0x8000004E  }
0xb3: {  	_ =	swait.ge [sflag:s29], $0x1  }
0xb4: {  	[sflag:s29] =	ssyncadd.s32 $0xFFFFFFFF  }
0xb5: {  	_ =	strace $0x9000004E  }
0xb6: {  	_ =	sfence  }
0xb7: {  	s30 =	sld [smem:$0x0];
	_ =	sdelay $0x2  }
0xb8: {  	s31 =	sshll.u32 s1, $0xD;
	s1 =	sshrl.u32 s1, $0x2  }
0xb9: {  	s3 =	sand.u32 $0x4000, s31;
	s1 =	sadd.s32 s1, s30  }
0xba: {  	s0 =	sor.u32 s3, s0;
	s1 =	sshll.u32 s1, $0x11  }
0xbb: {  	s0 =	sor.u32 s1, s0  }
0xbc: {  	s0 =	sadd.s32 $0x8F2B, s0  }
0xbd: {  	[sflag:s0] =	ssyncadd.remote.s32 $0x1  }
0xbe: {  	_ =	sfence.sel $0xFFFF  }
0xbf: {  	[dreg:$0x0] =	wrdreg $0xFFFFFFFF;
	(pc) =	sbr.abs _section_cstart, $3  }
0xc0: {  	[dreg:$0x1] =	wrdreg $0xFFFFFFFF  }
0xc1: {  	_ =	task.clear_ibuf [dreg:s6], $0x2FFFF;
	_ =	strace $0x9FFFFFFF  }
0xc2: {  	(tm) =	ssettm $0x7FFFFFFF  }
0xc3: {  	_ =	shalt  }
tec
execute0_lowered:
.L_overlay_start_1:
0x0: {  	(tag) =	ssettag $0x1  }
0x1: {  	s0 =	srdreg.scid;
	s6 =	rddreg [dreg:$0x0]  }
0x2: {  	s2 =	rddreg [dreg:$0x1];
	s3 =	simm.s32 $0x0;
	s12 =	simm.s32 $0x2800  }
0x3: {  	s13 =	simm.s32 $0x9000;
	s14 =	simm.s32 $0x80;
	s15 =	simm.s32 $0x5000  }
0x4: {  	s16 =	simm.s32 $0x6000;
	s17 =	simm.s32 $0x7000;
	s18 =	simm.s32 $0x8000  }
0x5: {  	s19 =	simm.s32 $0x1;
	s20 =	simm.s32 $0x2;
	s21 =	simm.s32 $0x3  }
0x6: {  	s22 =	simm.s32 $0x4;
	s23 =	simm.s32 $0x5;
	s24 =	simm.s32 $0x6  }
0x7: {  	s25 =	simm.s32 $0x7;
	s26 =	simm.s32 $0x8;
	s28 =	simm.s32 $0x0  }
0x8: {  	s5 =	sand.u32 $0x1, s0;
	s0 =	stileid.u32;
	[smem:$0x7FF] =	sst s3  }
0x9: {  	s4 =	sadd.s32 $0x48A00, s6;
	s1 =	sshll.u32 s5, $0x4;
	s8 =	smul.u32 $0x4E40, s0  }
0xa: {  	s9 =	smul.u32 $0x4E400, s5;
	_ =	strace $0x8000004D;
	s10 =	ssub.s32 $0x2, s5  }
0xb: {  	s5 =	sadd.s32 $0x12400, s6;
	s1 =	sor.u32 s0, s1;
	s11 =	sshrl.u32 s10, $0x1  }
0xc: {  	s7 =	smul.u32 $0x500, s1;
	s9 =	sadd.s32 s8, s9;
	s10 =	ssub.s32 s10, s11  }
0xd: {  	s8 =	sadd.s32 s8, s2;
	s11 =	simm.s32 $0x9;
	s9 =	sshrl.u32 s9, $0x3  }
0xe: {  	s10 =	smax.u32 s10, $0x1;
	s7 =	sadd.s32 s7, s6;
	s9 =	sadd.s32 s9, s6  }
0xf: {  	s6 =	sadd.s32 $0x17800, s7;
	s7 =	sadd.s32 $0x8400, s7;
	s9 =	sadd.s32 $0x52800, s9  }
.LBB2_1:
0x10: {  	[tilespmem:s3], [sflag:$0x9] =	stream.linear.gather [hbm4b:s6+s3], $0x2800, $0x38;
	[tilespmem:$0x12C80] =	vst v63  }
0x11: {  	_ =	swait.ge [sflag:s11], $0x2800  }
0x12: {  	[sflag:s11] =	ssyncset.done $0x0  }
0x13: {  	[sflag:s11] =	ssyncadd.s32 $0xFFFFD800  }
0x14: {  	[tilespmem:s12], [sflag:$0x9] =	stream.linear.gather [hbm4b:s7+s3], $0x2800, $0x38;
	[tilespmem:$0x12C80] =	vst v63  }
0x15: {  	_ =	swait.ge [sflag:s11], $0x2800  }
0x16: {  	[sflag:s11] =	ssyncset.done $0x0  }
0x17: {  	[sflag:s11] =	ssyncadd.s32 $0xFFFFD800  }
0x18: {  	[tilespmem:s13], [sflag:$0x9] =	stream.linear.gather [hbm4b:s5+s3], $0x4E40, $0x38;
	[tilespmem:$0x12C80] =	vst v63  }
0x19: {  	_ =	swait.ge [sflag:s11], $0x4E40  }
0x1a: {  	[sflag:s11] =	ssyncset.done $0x0  }
0x1b: {  	[sflag:s11] =	ssyncadd.s32 $0xFFFFB1C0  }
0x1c: {  	[spmem:s8] =	stream.linear.scatter [tilespmem:s13], [sflag:$0x9], $0x4E40, $0x38;
	[tilespmem:$0x12C80] =	vst v63  }
0x1d: {  	_ =	swait.ge [sflag:s11], $0x4E40  }
0x1e: {  	[sflag:s11] =	ssyncset.done $0x0  }
0x1f: {  	[sflag:s11] =	ssyncadd.s32 $0xFFFFB1C0  }
0x20: {  	s29 =	simm.s32 $0x0;
	[bflag:$0x0] =	sbarrier.arrive $0xFFFF  }
0x21: {  	[tilespmem:s15], [sflag:$0x1] =	stream.indirect.gather [hbm4b:s4+s14], $0x20, s29, s14, $0xb8;
	[tilespmem:$0x12C80] =	vst v63  }
0x22: {  	s29 =	simm.s32 $0x80  }
0x23: {  	[tilespmem:s16], [sflag:$0x2] =	stream.indirect.gather [hbm4b:s4+s14], $0x20, s29, s14, $0xb8;
	[tilespmem:$0x12C80] =	vst v63  }
0x24: {  	s29 =	simm.s32 $0x100  }
0x25: {  	[tilespmem:s17], [sflag:$0x3] =	stream.indirect.gather [hbm4b:s4+s14], $0x20, s29, s14, $0xb8;
	[tilespmem:$0x12C80] =	vst v63  }
0x26: {  	s29 =	simm.s32 $0x180  }
0x27: {  	[tilespmem:s18], [sflag:$0x4] =	stream.indirect.gather [hbm4b:s4+s14], $0x20, s29, s14, $0xb8;
	[tilespmem:$0x12C80] =	vst v63  }
0x28: {  	_ =	swait.ge [sflag:s19], $0x1000  }
0x29: {  	[sflag:s19] =	ssyncset.done $0x0  }
0x2a: {  	s29 =	simm.s32 $0x2800;
	[sflag:s19] =	ssyncadd.s32 $0xFFFFF000  }
0x2b: {  	[spmem:s2] =	stream.indirect.scatter.add.f32 [tilespmem:s15], [sflag:$0x5], $0x20, s29, s14, $0xb8;
	[tilespmem:$0x12C80] =	vst v63  }
0x2c: {  	_ =	swait.ge [sflag:s20], $0x1000  }
0x2d: {  	[sflag:s20] =	ssyncset.done $0x0  }
0x2e: {  	s29 =	simm.s32 $0x2880;
	[sflag:s20] =	ssyncadd.s32 $0xFFFFF000  }
0x2f: {  	[spmem:s2] =	stream.indirect.scatter.add.f32 [tilespmem:s16], [sflag:$0x6], $0x20, s29, s14, $0xb8;
	[tilespmem:$0x12C80] =	vst v63  }
0x30: {  	_ =	swait.ge [sflag:s21], $0x1000  }
0x31: {  	[sflag:s21] =	ssyncset.done $0x0  }
0x32: {  	s29 =	simm.s32 $0x2900;
	[sflag:s21] =	ssyncadd.s32 $0xFFFFF000  }
0x33: {  	[spmem:s2] =	stream.indirect.scatter.add.f32 [tilespmem:s17], [sflag:$0x7], $0x20, s29, s14, $0xb8;
	[tilespmem:$0x12C80] =	vst v63  }
0x34: {  	_ =	swait.ge [sflag:s22], $0x1000  }
0x35: {  	[sflag:s22] =	ssyncset.done $0x0  }
0x36: {  	s29 =	simm.s32 $0x2980;
	[sflag:s22] =	ssyncadd.s32 $0xFFFFF000  }
0x37: {  	[spmem:s2] =	stream.indirect.scatter.add.f32 [tilespmem:s18], [sflag:$0x8], $0x20, s29, s14, $0xb8;
	[tilespmem:$0x12C80] =	vst v63  }
0x38: {  	_ =	swait.ge [sflag:s23], $0x1000  }
0x39: {  	[sflag:s23] =	ssyncset.done $0x0  }
0x3a: {  	[sflag:s23] =	ssyncadd.s32 $0xFFFFF000  }
0x3b: {  	_ =	swait.ge [sflag:s24], $0x1000  }
0x3c: {  	[sflag:s24] =	ssyncset.done $0x0  }
0x3d: {  	[sflag:s24] =	ssyncadd.s32 $0xFFFFF000  }
0x3e: {  	_ =	swait.ge [sflag:s25], $0x1000  }
0x3f: {  	[sflag:s25] =	ssyncset.done $0x0  }
0x40: {  	[sflag:s25] =	ssyncadd.s32 $0xFFFFF000  }
0x41: {  	_ =	swait.ge [sflag:s26], $0x1000  }
0x42: {  	s31 =	simm.s32 $0x1000;
	s29 =	simm.s32 $0x800;
	[sflag:s26] =	ssyncset.done $0x0  }
.LBB2_2:
0x43: {  	s1 =	sshra.s32 s29, $0x2  }
0x44: {  	[sflag:s26] =	ssyncadd.s32 $0xFFFFF000;
	s29 =	smov.u32 s31;
	s30 =	sadd.s32 $0x800, s31  }
0x45: {  	[tilespmem:s15], [sflag:$0x1] =	stream.indirect.gather [hbm4b:s4+s14], $0x20, s1, s14, $0xb8;
	[tilespmem:$0x12C80] =	vst v63  }
0x46: {  	p0 =	sne.s32 s31, $0x9800;
	s31 =	sadd.s32 $0x80, s1  }
0x47: {  	[tilespmem:s16], [sflag:$0x2] =	stream.indirect.gather [hbm4b:s4+s14], $0x20, s31, s14, $0xb8;
	[tilespmem:$0x12C80] =	vst v63  }
0x48: {  	s31 =	sadd.s32 $0x100, s1  }
0x49: {  	[tilespmem:s17], [sflag:$0x3] =	stream.indirect.gather [hbm4b:s4+s14], $0x20, s31, s14, $0xb8;
	[tilespmem:$0x12C80] =	vst v63  }
0x4a: {  	s31 =	sadd.s32 $0x180, s1  }
0x4b: {  	[tilespmem:s18], [sflag:$0x4] =	stream.indirect.gather [hbm4b:s4+s14], $0x20, s31, s14, $0xb8;
	[tilespmem:$0x12C80] =	vst v63  }
0x4c: {  	_ =	swait.ge [sflag:s19], $0x1000  }
0x4d: {  	[sflag:s19] =	ssyncset.done $0x0  }
0x4e: {  	s31 =	sadd.s32 $0x2800, s1;
	[sflag:s19] =	ssyncadd.s32 $0xFFFFF000  }
0x4f: {  	[spmem:s2] =	stream.indirect.scatter.add.f32 [tilespmem:s15], [sflag:$0x5], $0x20, s31, s14, $0xb8;
	[tilespmem:$0x12C80] =	vst v63  }
0x50: {  	_ =	swait.ge [sflag:s20], $0x1000  }
0x51: {  	[sflag:s20] =	ssyncset.done $0x0  }
0x52: {  	s31 =	sadd.s32 $0x2880, s1;
	[sflag:s20] =	ssyncadd.s32 $0xFFFFF000  }
0x53: {  	[spmem:s2] =	stream.indirect.scatter.add.f32 [tilespmem:s16], [sflag:$0x6], $0x20, s31, s14, $0xb8;
	[tilespmem:$0x12C80] =	vst v63  }
0x54: {  	_ =	swait.ge [sflag:s21], $0x1000  }
0x55: {  	[sflag:s21] =	ssyncset.done $0x0  }
0x56: {  	s31 =	sadd.s32 $0x2900, s1;
	[sflag:s21] =	ssyncadd.s32 $0xFFFFF000  }
0x57: {  	[spmem:s2] =	stream.indirect.scatter.add.f32 [tilespmem:s17], [sflag:$0x7], $0x20, s31, s14, $0xb8;
	[tilespmem:$0x12C80] =	vst v63  }
0x58: {  	_ =	swait.ge [sflag:s22], $0x1000  }
0x59: {  	[sflag:s22] =	ssyncset.done $0x0  }
0x5a: {  	s1 =	sadd.s32 $0x2980, s1;
	[sflag:s22] =	ssyncadd.s32 $0xFFFFF000  }
0x5b: {  	[spmem:s2] =	stream.indirect.scatter.add.f32 [tilespmem:s18], [sflag:$0x8], $0x20, s1, s14, $0xb8;
	[tilespmem:$0x12C80] =	vst v63  }
0x5c: {  	_ =	swait.ge [sflag:s23], $0x1000  }
0x5d: {  	[sflag:s23] =	ssyncset.done $0x0  }
0x5e: {  	[sflag:s23] =	ssyncadd.s32 $0xFFFFF000  }
0x5f: {  	_ =	swait.ge [sflag:s24], $0x1000  }
0x60: {  	[sflag:s24] =	ssyncset.done $0x0  }
0x61: {  	[sflag:s24] =	ssyncadd.s32 $0xFFFFF000  }
.Ltmp0:
0x62: {  	_ =	swait.ge [sflag:s25], $0x1000;
	(pc) =	sbr.rel @p0 .LBB2_2-.Ltmp0, $4  }
0x63: {  	[sflag:s25] =	ssyncset.done $0x0  }
0x64: {  	[sflag:s25] =	ssyncadd.s32 $0xFFFFF000  }
0x65: {  	_ =	swait.ge [sflag:s26], $0x1000  }
0x66: {  	s31 =	smov.u32 s30;
	[sflag:s26] =	ssyncset.done $0x0  }
0x67: {  	s1 =	sshra.s32 s29, $0x2;
	[sflag:s26] =	ssyncadd.s32 $0xFFFFF000  }
0x68: {  	[tilespmem:s15], [sflag:$0x1] =	stream.indirect.gather [hbm4b:s4+s14], $0x20, s1, s14, $0xb8;
	[tilespmem:$0x12C80] =	vst v63  }
0x69: {  	s29 =	sadd.s32 $0x80, s1  }
0x6a: {  	[tilespmem:s16], [sflag:$0x2] =	stream.indirect.gather [hbm4b:s4+s14], $0x20, s29, s14, $0xb8;
	[tilespmem:$0x12C80] =	vst v63  }
0x6b: {  	s31 =	sadd.s32 $0x100, s1  }
0x6c: {  	[tilespmem:s17], [sflag:$0x3] =	stream.indirect.gather [hbm4b:s4+s14], $0x20, s31, s14, $0xb8;
	[tilespmem:$0x12C80] =	vst v63  }
0x6d: {  	s30 =	sadd.s32 $0x180, s1  }
0x6e: {  	[tilespmem:s18], [sflag:$0x4] =	stream.indirect.gather [hbm4b:s4+s14], $0x20, s30, s14, $0xb8;
	[tilespmem:$0x12C80] =	vst v63  }
0x6f: {  	_ =	swait.ge [sflag:s19], $0x1000  }
0x70: {  	[sflag:s19] =	ssyncset.done $0x0  }
0x71: {  	s31 =	sadd.s32 $0x2800, s1;
	[sflag:s19] =	ssyncadd.s32 $0xFFFFF000  }
0x72: {  	[spmem:s2] =	stream.indirect.scatter.add.f32 [tilespmem:s15], [sflag:$0x5], $0x20, s31, s14, $0xb8;
	[tilespmem:$0x12C80] =	vst v63  }
0x73: {  	_ =	swait.ge [sflag:s20], $0x1000  }
0x74: {  	[sflag:s20] =	ssyncset.done $0x0  }
0x75: {  	s30 =	sadd.s32 $0x2880, s1;
	[sflag:s20] =	ssyncadd.s32 $0xFFFFF000  }
0x76: {  	[spmem:s2] =	stream.indirect.scatter.add.f32 [tilespmem:s16], [sflag:$0x6], $0x20, s30, s14, $0xb8;
	[tilespmem:$0x12C80] =	vst v63  }
0x77: {  	_ =	swait.ge [sflag:s21], $0x1000  }
0x78: {  	[sflag:s21] =	ssyncset.done $0x0  }
0x79: {  	s31 =	sadd.s32 $0x2900, s1;
	[sflag:s21] =	ssyncadd.s32 $0xFFFFF000  }
0x7a: {  	[spmem:s2] =	stream.indirect.scatter.add.f32 [tilespmem:s17], [sflag:$0x7], $0x20, s31, s14, $0xb8;
	[tilespmem:$0x12C80] =	vst v63  }
0x7b: {  	_ =	swait.ge [sflag:s22], $0x1000  }
0x7c: {  	[sflag:s22] =	ssyncset.done $0x0  }
0x7d: {  	s1 =	sadd.s32 $0x2980, s1;
	[sflag:s22] =	ssyncadd.s32 $0xFFFFF000  }
0x7e: {  	[spmem:s2] =	stream.indirect.scatter.add.f32 [tilespmem:s18], [sflag:$0x8], $0x20, s1, s14, $0xb8;
	[tilespmem:$0x12C80] =	vst v63  }
0x7f: {  	_ =	swait.ge [sflag:s23], $0x1000  }
0x80: {  	[sflag:s23] =	ssyncset.done $0x0  }
0x81: {  	[sflag:s23] =	ssyncadd.s32 $0xFFFFF000  }
0x82: {  	_ =	swait.ge [sflag:s24], $0x1000  }
0x83: {  	[sflag:s24] =	ssyncset.done $0x0  }
0x84: {  	[sflag:s24] =	ssyncadd.s32 $0xFFFFF000  }
0x85: {  	_ =	swait.ge [sflag:s25], $0x1000  }
0x86: {  	[sflag:s25] =	ssyncset.done $0x0  }
0x87: {  	[sflag:s25] =	ssyncadd.s32 $0xFFFFF000  }
0x88: {  	_ =	swait.ge [sflag:s26], $0x1000  }
0x89: {  	[sflag:s26] =	ssyncset.done $0x0  }
0x8a: {  	[sflag:s26] =	ssyncadd.s32 $0xFFFFF000  }
0x8b: {  	[bflag:$0x0] =	sbarrier.arrive $0xFFFF  }
0x8c: {  	[tilespmem:s13], [sflag:$0x9] =	stream.linear.gather [spmem:s8], $0x4E40, $0x38;
	[tilespmem:$0x12C80] =	vst v63  }
0x8d: {  	s28 =	sadd.s32 $0x1, s28;
	_ =	swait.ge [sflag:s11], $0x4E40  }
0x8e: {  	p0 =	sne.s32 s28, s10;
	[sflag:s11] =	ssyncset.done $0x0  }
.Ltmp1:
0x8f: {  	[sflag:s11] =	ssyncadd.s32 $0xFFFFB1C0;
	(pc) =	sbr.rel @p0 .LBB2_1-.Ltmp1, $4  }
0x90: {  	[hbm4b:s9+s3] =	stream.linear.scatter [tilespmem:s13], [sflag:$0x9], $0x4E40, $0x38;
	[tilespmem:$0x12C80] =	vst v63  }
0x91: {  	_ =	swait.ge [sflag:s11], $0x4E40  }
0x92: {  	[sflag:s11] =	ssyncset.done $0x0  }
0x93: {  	[sflag:s11] =	ssyncadd.s32 $0xFFFFB1C0  }
0x94: {  	_ =	sfence.sel $0x180000  }
0x95: {  	[bflag:$0x0] =	sbarrier.arrive $0xFFFF  }
0x96: {  	_ =	strace $0x9000004D  }
0x97: {  	[bflag:$0x2] =	sbarrier.arrive $0xFFFF  }
0x98: {  	p0 =	sne.s32 s0, $0x0;
	s0 =	rddreg [dreg:$0x2]  }
0x99: {  	s0 =	sadd.s32 @!p0 $0x100000, s0  }
0x9a: {  	[sflag:s0] =	ssyncadd.tile.s32 @!p0 $0x1;
	_ =	shalt  }
.Lfunc_end2:
_tile_overlayer_lowered:
.L_overlay_start_2:
0x9b: {  	(tag) =	ssettag $0x2  }
0x9c: {  	s0 =	rddreg [dreg:$0x0];
	s2 =	stileid.u32  }
0x9d: {  	s1 =	rddreg [dreg:$0x1];
	p0 =	sne.s32 s2, $0x0  }
0x9e: {  	s3 =	rddreg [dreg:$0x2];
	[bflag:$0x3] =	sbarrier.arrive $0xFFFF;
	s2 =	simm.s32 @!p0 $0x1C09  }
0x9f: {  	[timem:s3], [sflag:s2] =	dma.local @!p0 [hbm:s0], s1  }
0xa0: {  	s0 =	simm.s32 @!p0 $0x9  }
0xa1: {  	_ =	swait.ge @!p0 [sflag:s0], s1  }
0xa2: {  	s1 =	ssub.s32 @!p0 $0x0, s1;
	[sflag:s0] =	ssyncset.done @!p0 $0x0  }
0xa3: {  	[sflag:s0] =	ssyncadd.s32 @!p0 s1  }
0xa4: {  	[bflag:$0x3] =	sbarrier.arrive $0xFFFF  }
0xa5: {  	_ =	shalt  }

// kernel: kernel.22.cloned.1.call-start
scs
__scs_entry_jumppad:
0x0: {  	(pc) =	sbr.rel $0x88, $3  }
0x1: {  	(tag) =	ssettag $0x0;
	lr =	simm.s32 $0x1  }
0x2: {  	[smem:$0x3F76] =	sst lr;
	_ =	strace $0xD0000000  }
0x3: {  	_ = 	snop  }
0x4: {  	_ = 	snop  }
0x5: {  	_ = 	snop  }
0x6: {  	_ = 	snop  }
0x7: {  	_ = 	snop  }
__scs_overlays_trampoline_lowered:
0x8: {  	[smem:$0x3F85] =	sst s0  }
0x9: {  	[smem:$0x3F86] =	sst s1  }
0xa: {  	[smem:$0x3F87] =	sst s2  }
0xb: {  	[smem:$0x3F88] =	sst s3  }
0xc: {  	[smem:$0x3F89] =	sst s4  }
0xd: {  	[smem:$0x3F8A] =	sst s5  }
0xe: {  	[smem:$0x3F8B] =	sst s6  }
0xf: {  	[smem:$0x3F8C] =	sst s7  }
0x10: {  	[smem:$0x3F8D] =	sst s8  }
0x11: {  	[smem:$0x3F8E] =	sst s9;
	s0 =	simm.s32 @!p0 $0x0  }
0x12: {  	s1 =	sld [smem:$0x3F74];
	s0 =	simm.s32 @p0 $0x1  }
0x13: {  	[smem:$0x3F8F] =	sst s0;
	s0 =	simm.s32 @!p1 $0x0  }
0x14: {  	s2 =	sld [smem:$0x3F73];
	s0 =	simm.s32 @p1 $0x1  }
0x15: {  	[smem:$0x3F90] =	sst s0;
	s0 =	simm.s32 @!p2 $0x0  }
0x16: {  	s3 =	sld [smem:$0x3FDB];
	s0 =	simm.s32 @p2 $0x1  }
0x17: {  	s4 =	simm.s32 $0x1BF5;
	[smem:$0x3F92] =	sst s0  }
0x18: {  	s0 =	sld [smem:$0x3F75];
	_ =	swait.ge [sflag:s4], $0x0  }
0x19: {  	s7 =	sld [smem:$0x3F76]  }
0x1a: {  	s8 =	sadd.s32 $0xFFFFE003, lr  }
0x1b: {  	s9 =	sadd.s32 $0xFFFFFEF7, lr;
	s5 =	simm.s32 $0xFFFFFFFF;
	p2 =	slt.u32 s8, $0xFFFFF086  }
0x1c: {  	p1 =	slt.u32 s9, $0xF7A;
	s5 =	simm.s32 @!p2 $0x0  }
0x1d: {  	s5 =	simm.s32 @p1 $0x1;
	p0 =	seq.s32 s7, s2  }
0x1e: {  	s7 =	smul.u32 @!p0 $0xF7A, s2;
	p2 =	seq.s32 @!p0 s5, $0x0  }
0x1f: {  	s9 =	smul.u32 $0xF7A, s1;
	s8 =	simm.s32 @!p0 $0x1BF5;
	p2 =	por !p2, p0  }
0x20: {  	[sflag:s8] =	ssyncset.s32 @!p0 $0xFFFFF086;
	s6 =	sadd.s32 @!p0 s3, s7;
	s7 =	simm.s32 @!p0 $0x108  }
0x21: {  	s3 =	sadd.s32 s3, s9;
	s6 =	sadd.s32 @!p0 $0x88, s6;
	s7 =	simm.s32 @p2 $0x1082  }
0x22: {  	[simem:s7], [sflag:s8] =	dma.local @!p0 [hbm:s6], $0xF7A  }
0x23: {  	s9 =	sor.u32 $0xD0000000, s2;
	s6 =	simm.s32 $0x108;
	_ =	swait.ge @!p0 [sflag:s8], $0x0  }
0x24: {  	s3 =	sadd.s32 $0x88, s3;
	s6 =	simm.s32 @!p1 $0x1082;
	[sflag:s4] =	ssyncset.s32 $0xFFFFF086  }
0x25: {  	[simem:s6], [sflag:s4] =	dma.local [hbm:s3], $0xF7A  }
0x26: {  	[smem:$0x3F76] =	sst s1;
	(tag) =	ssettag s2;
	_ =	strace s9  }
0x27: {  	s1 =	sld [smem:$0x3F86]  }
0x28: {  	s2 =	sld [smem:$0x3F87]  }
0x29: {  	s4 =	sld [smem:$0x3F89]  }
0x2a: {  	p0 =	seq.s32 s5, $0x0;
	s5 =	sld [smem:$0x3F8A]  }
0x2b: {  	s6 =	sld [smem:$0x3F8B]  }
0x2c: {  	s7 =	sld [smem:$0x3F8C]  }
0x2d: {  	s3 =	simm.s32 $0x108;
	s8 =	sld [smem:$0x3F8D]  }
0x2e: {  	s3 =	simm.s32 @!p0 $0x1082;
	s9 =	sld [smem:$0x3F8E]  }
0x2f: {  	lr =	sadd.s32 s0, s3;
	s0 =	sld [smem:$0x3F85]  }
0x30: {  	s3 =	sld [smem:$0x3F88]  }
0x31: {  	[smem:$0x3F91] =	sst s10  }
0x32: {  	s10 =	sld [smem:$0x3F8F];
	_ =	sdelay $0x3  }
0x33: {  	p0 =	seq.s32 s10, $0x1;
	s10 =	sld [smem:$0x3F91];
	_ =	sdelay $0x3  }
0x34: {  	[smem:$0x3F91] =	sst s10  }
0x35: {  	s10 =	sld [smem:$0x3F90];
	_ =	sdelay $0x3  }
0x36: {  	p1 =	seq.s32 s10, $0x1;
	s10 =	sld [smem:$0x3F91];
	_ =	sdelay $0x3  }
0x37: {  	[smem:$0x3F91] =	sst s10  }
0x38: {  	s10 =	sld [smem:$0x3F92]  }
0x39: {  	_ = 	snop;
	(pc) =	sbr.ind lr, $3  }
0x3a: {  	_ = 	snop  }
0x3b: {  	_ = 	snop  }
0x3c: {  	p2 =	seq.s32 s10, $0x1;
	s10 =	sld [smem:$0x3F91]  }
0x3d: {  	_ =	shalt  }
0x3e: {  	_ =	shalt  }
0x3f: {  	_ =	shalt  }
0x40: {  	_ =	shalt  }
0x41: {  	_ =	shalt  }
0x42: {  	_ =	shalt  }
0x43: {  	_ =	shalt  }
0x44: {  	_ =	shalt  }
0x45: {  	_ =	shalt  }
0x46: {  	_ =	shalt  }
0x47: {  	_ =	shalt  }
0x48: {  	_ =	shalt  }
0x49: {  	_ =	shalt  }
0x4a: {  	_ =	shalt  }
0x4b: {  	_ =	shalt  }
0x4c: {  	_ =	shalt  }
0x4d: {  	_ =	shalt  }
0x4e: {  	_ =	shalt  }
0x4f: {  	_ =	shalt  }
0x50: {  	_ =	shalt  }
0x51: {  	_ =	shalt  }
0x52: {  	_ =	shalt  }
0x53: {  	_ =	shalt  }
0x54: {  	_ =	shalt  }
0x55: {  	_ =	shalt  }
0x56: {  	_ =	shalt  }
0x57: {  	_ =	shalt  }
0x58: {  	_ =	shalt  }
0x59: {  	_ =	shalt  }
0x5a: {  	_ =	shalt  }
0x5b: {  	_ =	shalt  }
0x5c: {  	_ =	shalt  }
0x5d: {  	_ =	shalt  }
0x5e: {  	_ =	shalt  }
0x5f: {  	_ =	shalt  }
0x60: {  	_ =	shalt  }
0x61: {  	_ =	shalt  }
0x62: {  	_ =	shalt  }
0x63: {  	_ =	shalt  }
0x64: {  	_ =	shalt  }
0x65: {  	_ =	shalt  }
0x66: {  	_ =	shalt  }
0x67: {  	_ =	shalt  }
0x68: {  	_ =	shalt  }
0x69: {  	_ =	shalt  }
0x6a: {  	_ =	shalt  }
0x6b: {  	_ =	shalt  }
0x6c: {  	_ =	shalt  }
0x6d: {  	_ =	shalt  }
0x6e: {  	_ =	shalt  }
0x6f: {  	_ =	shalt  }
0x70: {  	_ =	shalt  }
0x71: {  	_ =	shalt  }
0x72: {  	_ =	shalt  }
0x73: {  	_ =	shalt  }
0x74: {  	_ =	shalt  }
0x75: {  	_ =	shalt  }
0x76: {  	_ =	shalt  }
0x77: {  	_ =	shalt  }
0x78: {  	_ =	shalt  }
0x79: {  	_ =	shalt  }
0x7a: {  	_ =	shalt  }
0x7b: {  	_ =	shalt  }
0x7c: {  	_ =	shalt  }
0x7d: {  	_ =	shalt  }
0x7e: {  	_ =	shalt  }
0x7f: {  	_ =	shalt  }
0x80: {  	_ =	shalt  }
0x81: {  	_ =	shalt  }
0x82: {  	_ =	shalt  }
0x83: {  	_ =	shalt  }
0x84: {  	_ =	shalt  }
0x85: {  	_ =	shalt  }
0x86: {  	_ =	shalt  }
0x87: {  	_ =	shalt  }
.Lfunc_end0:
.L_simem_size_0:
called_computation.3_lowered:
.L_overlay_start_0:
0x88: {  	s2 =	sld [smem:$0x3FD9]  }
0x89: {  	s3 =	sld [smem:$0x3FFE];
	_ =	sdelay $0x1  }
0x8a: {  	s1 =	srdreg.scid  }
0x8b: {  	s0 =	sand.u32 $0x1, s1  }
0x8c: {  	s16 =	sshll.u32 s0, $0xA;
	s2 =	sadd.s32 s3, s2  }
0x8d: {  	s2 =	sadd.s32 s2, s16  }
0x8e: {  	[smem:$0x3F9D] =	sst s2  }
0x8f: {  	_ = 	snop  }
0x90: {  	(tm) =	ssettm $0x1  }
0x91: {  	s17 =	sld [smem:$0x3FFB];
	_ =	sdelay $0x3  }
0x92: {  	_ =	strace s17  }
0x93: {  	s2 =	sld [smem:$0x3FFC];
	_ =	sdelay $0x3  }
0x94: {  	_ =	strace s2  }
0x95: {  	s2 =	sld [smem:$0x3FFD];
	_ =	sdelay $0x3  }
0x96: {  	_ =	strace s2  }
0x97: {  	_ =	strace $0x8FFFFFFF  }
0x98: {  	s18 =	sld [smem:$0x3FDB];
	_ =	sdelay $0x1  }
0x99: {  	s19 =	simm.s32 $_scs_section_size  }
0x9a: {  	s4 =	simm.s32 $_size__tile_overlayer_lowered;
	s5 =	simm.s32 $_tile_overlayer_lowered  }
0x9b: {  	s22 =	simm.s32 $0x1BFF;
	s21 =	sshll.u32 s5, $0x1;
	s2 =	sadd.s32 s19, s18  }
0x9c: {  	s6 =	simm.s32 $0x0;
	s20 =	sshll.u32 s4, $0x1;
	s4 =	sadd.s32 s21, s2  }
0x9d: {  	[timem:s6], [sflag:s22] =	dma.local [hbm:s4], s20  }
0x9e: {  	_ =	swait.ge [sflag:s22], s20  }
0x9f: {  	s3 =	ssub.s32 $0x0, s20;
	[sflag:s22] =	ssyncset.done $0x0  }
0xa0: {  	[sflag:s22] =	ssyncadd.s32 s3;
	_ =	sdelay $0x1  }
0xa1: {  	s23 =	simm.s32 $0x1B8B  }
0xa2: {  	_ =	swait.ge [sflag:s23], $0x1  }
0xa3: {  	[sflag:s23] =	ssyncset.done $0x0  }
0xa4: {  	s25 =	simm.s32 $0x1B8E;
	s24 =	sld [smem:$0x3FFE];
	[sflag:s23] =	ssyncadd.s32 $0xFFFFFFFF  }
0xa5: {  	s26 =	simm.s32 $execute0_lowered;
	[smem:$0x3FD2] =	sst s25  }
0xa6: {  	s4 =	sshll.u32 s26, $0x1;
	_ =	strace $0x8000004F;
	[dreg:$0x1] =	wrdreg $0xFFFFFFFF  }
0xa7: {  	s28 =	simm.s32 $_size_execute0_lowered;
	s2 =	sadd.s32 s2, s4;
	[dreg:$0x0] =	wrdreg $0x0  }
0xa8: {  	s4 =	sshll.u32 s28, $0x1;
	[dreg:$0x2] =	wrdreg s2  }
0xa9: {  	[dreg:$0x3] =	wrdreg s4  }
0xaa: {  	[dreg:$0x4] =	wrdreg $0xC0  }
0xab: {  	_ =	task [dreg:s6], $0x5FFFF  }
0xac: {  	[dreg:$0x1] =	wrdreg $0xFFFFFFFF  }
0xad: {  	[dreg:$0x0] =	wrdreg $0x60  }
0xae: {  	[dreg:$0x2] =	wrdreg s24  }
0xaf: {  	[dreg:$0x3] =	wrdreg $0xDE400  }
0xb0: {  	[dreg:$0x4] =	wrdreg $0x9  }
0xb1: {  	_ =	task.clear_ibuf [dreg:s6], $0x5FFFF;
	_ =	strace $0x9000004F  }
0xb2: {  	s29 =	simm.s32 $0x9;
	_ =	strace $0x80000051  }
0xb3: {  	_ =	swait.ge [sflag:s29], $0x1  }
0xb4: {  	[sflag:s29] =	ssyncadd.s32 $0xFFFFFFFF  }
0xb5: {  	_ =	strace $0x90000051  }
0xb6: {  	_ =	sfence  }
0xb7: {  	s30 =	sld [smem:$0x0];
	_ =	sdelay $0x2  }
0xb8: {  	s31 =	sshll.u32 s1, $0xD;
	s1 =	sshrl.u32 s1, $0x2  }
0xb9: {  	s3 =	sand.u32 $0x4000, s31;
	s1 =	sadd.s32 s1, s30  }
0xba: {  	s0 =	sor.u32 s3, s0;
	s1 =	sshll.u32 s1, $0x11  }
0xbb: {  	s0 =	sor.u32 s1, s0  }
0xbc: {  	s0 =	sadd.s32 $0x8F2B, s0  }
0xbd: {  	[sflag:s0] =	ssyncadd.remote.s32 $0x1  }
0xbe: {  	_ =	sfence.sel $0xFFFF  }
0xbf: {  	[dreg:$0x0] =	wrdreg $0xFFFFFFFF;
	(pc) =	sbr.abs _section_cstart, $3  }
0xc0: {  	[dreg:$0x1] =	wrdreg $0xFFFFFFFF  }
0xc1: {  	_ =	task.clear_ibuf [dreg:s6], $0x2FFFF;
	_ =	strace $0x9FFFFFFF  }
0xc2: {  	(tm) =	ssettm $0x7FFFFFFF  }
0xc3: {  	_ =	shalt  }
tec
execute0_lowered:
.L_overlay_start_1:
0x0: {  	(tag) =	ssettag $0x1  }
0x1: {  	s0 =	srdreg.scid;
	s6 =	rddreg [dreg:$0x0]  }
0x2: {  	s2 =	rddreg [dreg:$0x1];
	s3 =	simm.s32 $0x0;
	s12 =	simm.s32 $0x2800  }
0x3: {  	s13 =	simm.s32 $0x9000;
	s14 =	simm.s32 $0x80;
	s15 =	simm.s32 $0x5000  }
0x4: {  	s16 =	simm.s32 $0x6000;
	s17 =	simm.s32 $0x7000;
	s18 =	simm.s32 $0x8000  }
0x5: {  	s19 =	simm.s32 $0x1;
	s20 =	simm.s32 $0x2;
	s21 =	simm.s32 $0x3  }
0x6: {  	s22 =	simm.s32 $0x4;
	s23 =	simm.s32 $0x5;
	s24 =	simm.s32 $0x6  }
0x7: {  	s25 =	simm.s32 $0x7;
	s26 =	simm.s32 $0x8;
	s28 =	simm.s32 $0x0  }
0x8: {  	s5 =	sand.u32 $0x1, s0;
	s0 =	stileid.u32;
	[smem:$0x7FF] =	sst s3  }
0x9: {  	s4 =	sadd.s32 $0x96E00, s6;
	s1 =	sshll.u32 s5, $0x4;
	s8 =	smul.u32 $0x4E40, s0  }
0xa: {  	s9 =	smul.u32 $0x4E400, s5;
	_ =	strace $0x80000050;
	s10 =	ssub.s32 $0x2, s5  }
0xb: {  	s5 =	sadd.s32 $0x12400, s6;
	s1 =	sor.u32 s0, s1;
	s11 =	sshrl.u32 s10, $0x1  }
0xc: {  	s7 =	smul.u32 $0x500, s1;
	s9 =	sadd.s32 s8, s9;
	s10 =	ssub.s32 s10, s11  }
0xd: {  	s8 =	sadd.s32 s8, s2;
	s11 =	simm.s32 $0x9;
	s9 =	sshrl.u32 s9, $0x3  }
0xe: {  	s10 =	smax.u32 s10, $0x1;
	s7 =	sadd.s32 s7, s6;
	s9 =	sadd.s32 s9, s6  }
0xf: {  	s6 =	sadd.s32 $0x17800, s7;
	s7 =	sadd.s32 $0x8400, s7;
	s9 =	sadd.s32 $0xA0C00, s9  }
.LBB2_1:
0x10: {  	[tilespmem:s3], [sflag:$0x9] =	stream.linear.gather [hbm4b:s6+s3], $0x2800, $0x38;
	[tilespmem:$0x12C80] =	vst v63  }
0x11: {  	_ =	swait.ge [sflag:s11], $0x2800  }
0x12: {  	[sflag:s11] =	ssyncset.done $0x0  }
0x13: {  	[sflag:s11] =	ssyncadd.s32 $0xFFFFD800  }
0x14: {  	[tilespmem:s12], [sflag:$0x9] =	stream.linear.gather [hbm4b:s7+s3], $0x2800, $0x38;
	[tilespmem:$0x12C80] =	vst v63  }
0x15: {  	_ =	swait.ge [sflag:s11], $0x2800  }
0x16: {  	[sflag:s11] =	ssyncset.done $0x0  }
0x17: {  	[sflag:s11] =	ssyncadd.s32 $0xFFFFD800  }
0x18: {  	[tilespmem:s13], [sflag:$0x9] =	stream.linear.gather [hbm4b:s5+s3], $0x4E40, $0x38;
	[tilespmem:$0x12C80] =	vst v63  }
0x19: {  	_ =	swait.ge [sflag:s11], $0x4E40  }
0x1a: {  	[sflag:s11] =	ssyncset.done $0x0  }
0x1b: {  	[sflag:s11] =	ssyncadd.s32 $0xFFFFB1C0  }
0x1c: {  	[spmem:s8] =	stream.linear.scatter [tilespmem:s13], [sflag:$0x9], $0x4E40, $0x38;
	[tilespmem:$0x12C80] =	vst v63  }
0x1d: {  	_ =	swait.ge [sflag:s11], $0x4E40  }
0x1e: {  	[sflag:s11] =	ssyncset.done $0x0  }
0x1f: {  	[sflag:s11] =	ssyncadd.s32 $0xFFFFB1C0  }
0x20: {  	s29 =	simm.s32 $0x0;
	[bflag:$0x0] =	sbarrier.arrive $0xFFFF  }
0x21: {  	[tilespmem:s15], [sflag:$0x1] =	stream.indirect.gather [hbm4b:s4+s14], $0x20, s29, s14, $0xb8;
	[tilespmem:$0x12C80] =	vst v63  }
0x22: {  	s29 =	simm.s32 $0x80  }
0x23: {  	[tilespmem:s16], [sflag:$0x2] =	stream.indirect.gather [hbm4b:s4+s14], $0x20, s29, s14, $0xb8;
	[tilespmem:$0x12C80] =	vst v63  }
0x24: {  	s29 =	simm.s32 $0x100  }
0x25: {  	[tilespmem:s17], [sflag:$0x3] =	stream.indirect.gather [hbm4b:s4+s14], $0x20, s29, s14, $0xb8;
	[tilespmem:$0x12C80] =	vst v63  }
0x26: {  	s29 =	simm.s32 $0x180  }
0x27: {  	[tilespmem:s18], [sflag:$0x4] =	stream.indirect.gather [hbm4b:s4+s14], $0x20, s29, s14, $0xb8;
	[tilespmem:$0x12C80] =	vst v63  }
0x28: {  	_ =	swait.ge [sflag:s19], $0x1000  }
0x29: {  	[sflag:s19] =	ssyncset.done $0x0  }
0x2a: {  	s29 =	simm.s32 $0x2800;
	[sflag:s19] =	ssyncadd.s32 $0xFFFFF000  }
0x2b: {  	[spmem:s2] =	stream.indirect.scatter.add.f32 [tilespmem:s15], [sflag:$0x5], $0x20, s29, s14, $0xb8;
	[tilespmem:$0x12C80] =	vst v63  }
0x2c: {  	_ =	swait.ge [sflag:s20], $0x1000  }
0x2d: {  	[sflag:s20] =	ssyncset.done $0x0  }
0x2e: {  	s29 =	simm.s32 $0x2880;
	[sflag:s20] =	ssyncadd.s32 $0xFFFFF000  }
0x2f: {  	[spmem:s2] =	stream.indirect.scatter.add.f32 [tilespmem:s16], [sflag:$0x6], $0x20, s29, s14, $0xb8;
	[tilespmem:$0x12C80] =	vst v63  }
0x30: {  	_ =	swait.ge [sflag:s21], $0x1000  }
0x31: {  	[sflag:s21] =	ssyncset.done $0x0  }
0x32: {  	s29 =	simm.s32 $0x2900;
	[sflag:s21] =	ssyncadd.s32 $0xFFFFF000  }
0x33: {  	[spmem:s2] =	stream.indirect.scatter.add.f32 [tilespmem:s17], [sflag:$0x7], $0x20, s29, s14, $0xb8;
	[tilespmem:$0x12C80] =	vst v63  }
0x34: {  	_ =	swait.ge [sflag:s22], $0x1000  }
0x35: {  	[sflag:s22] =	ssyncset.done $0x0  }
0x36: {  	s29 =	simm.s32 $0x2980;
	[sflag:s22] =	ssyncadd.s32 $0xFFFFF000  }
0x37: {  	[spmem:s2] =	stream.indirect.scatter.add.f32 [tilespmem:s18], [sflag:$0x8], $0x20, s29, s14, $0xb8;
	[tilespmem:$0x12C80] =	vst v63  }
0x38: {  	_ =	swait.ge [sflag:s23], $0x1000  }
0x39: {  	[sflag:s23] =	ssyncset.done $0x0  }
0x3a: {  	[sflag:s23] =	ssyncadd.s32 $0xFFFFF000  }
0x3b: {  	_ =	swait.ge [sflag:s24], $0x1000  }
0x3c: {  	[sflag:s24] =	ssyncset.done $0x0  }
0x3d: {  	[sflag:s24] =	ssyncadd.s32 $0xFFFFF000  }
0x3e: {  	_ =	swait.ge [sflag:s25], $0x1000  }
0x3f: {  	[sflag:s25] =	ssyncset.done $0x0  }
0x40: {  	[sflag:s25] =	ssyncadd.s32 $0xFFFFF000  }
0x41: {  	_ =	swait.ge [sflag:s26], $0x1000  }
0x42: {  	s31 =	simm.s32 $0x1000;
	s29 =	simm.s32 $0x800;
	[sflag:s26] =	ssyncset.done $0x0  }
.LBB2_2:
0x43: {  	s1 =	sshra.s32 s29, $0x2  }
0x44: {  	[sflag:s26] =	ssyncadd.s32 $0xFFFFF000;
	s29 =	smov.u32 s31;
	s30 =	sadd.s32 $0x800, s31  }
0x45: {  	[tilespmem:s15], [sflag:$0x1] =	stream.indirect.gather [hbm4b:s4+s14], $0x20, s1, s14, $0xb8;
	[tilespmem:$0x12C80] =	vst v63  }
0x46: {  	p0 =	sne.s32 s31, $0x9800;
	s31 =	sadd.s32 $0x80, s1  }
0x47: {  	[tilespmem:s16], [sflag:$0x2] =	stream.indirect.gather [hbm4b:s4+s14], $0x20, s31, s14, $0xb8;
	[tilespmem:$0x12C80] =	vst v63  }
0x48: {  	s31 =	sadd.s32 $0x100, s1  }
0x49: {  	[tilespmem:s17], [sflag:$0x3] =	stream.indirect.gather [hbm4b:s4+s14], $0x20, s31, s14, $0xb8;
	[tilespmem:$0x12C80] =	vst v63  }
0x4a: {  	s31 =	sadd.s32 $0x180, s1  }
0x4b: {  	[tilespmem:s18], [sflag:$0x4] =	stream.indirect.gather [hbm4b:s4+s14], $0x20, s31, s14, $0xb8;
	[tilespmem:$0x12C80] =	vst v63  }
0x4c: {  	_ =	swait.ge [sflag:s19], $0x1000  }
0x4d: {  	[sflag:s19] =	ssyncset.done $0x0  }
0x4e: {  	s31 =	sadd.s32 $0x2800, s1;
	[sflag:s19] =	ssyncadd.s32 $0xFFFFF000  }
0x4f: {  	[spmem:s2] =	stream.indirect.scatter.add.f32 [tilespmem:s15], [sflag:$0x5], $0x20, s31, s14, $0xb8;
	[tilespmem:$0x12C80] =	vst v63  }
0x50: {  	_ =	swait.ge [sflag:s20], $0x1000  }
0x51: {  	[sflag:s20] =	ssyncset.done $0x0  }
0x52: {  	s31 =	sadd.s32 $0x2880, s1;
	[sflag:s20] =	ssyncadd.s32 $0xFFFFF000  }
0x53: {  	[spmem:s2] =	stream.indirect.scatter.add.f32 [tilespmem:s16], [sflag:$0x6], $0x20, s31, s14, $0xb8;
	[tilespmem:$0x12C80] =	vst v63  }
0x54: {  	_ =	swait.ge [sflag:s21], $0x1000  }
0x55: {  	[sflag:s21] =	ssyncset.done $0x0  }
0x56: {  	s31 =	sadd.s32 $0x2900, s1;
	[sflag:s21] =	ssyncadd.s32 $0xFFFFF000  }
0x57: {  	[spmem:s2] =	stream.indirect.scatter.add.f32 [tilespmem:s17], [sflag:$0x7], $0x20, s31, s14, $0xb8;
	[tilespmem:$0x12C80] =	vst v63  }
0x58: {  	_ =	swait.ge [sflag:s22], $0x1000  }
0x59: {  	[sflag:s22] =	ssyncset.done $0x0  }
0x5a: {  	s1 =	sadd.s32 $0x2980, s1;
	[sflag:s22] =	ssyncadd.s32 $0xFFFFF000  }
0x5b: {  	[spmem:s2] =	stream.indirect.scatter.add.f32 [tilespmem:s18], [sflag:$0x8], $0x20, s1, s14, $0xb8;
	[tilespmem:$0x12C80] =	vst v63  }
0x5c: {  	_ =	swait.ge [sflag:s23], $0x1000  }
0x5d: {  	[sflag:s23] =	ssyncset.done $0x0  }
0x5e: {  	[sflag:s23] =	ssyncadd.s32 $0xFFFFF000  }
0x5f: {  	_ =	swait.ge [sflag:s24], $0x1000  }
0x60: {  	[sflag:s24] =	ssyncset.done $0x0  }
0x61: {  	[sflag:s24] =	ssyncadd.s32 $0xFFFFF000  }
.Ltmp0:
0x62: {  	_ =	swait.ge [sflag:s25], $0x1000;
	(pc) =	sbr.rel @p0 .LBB2_2-.Ltmp0, $4  }
0x63: {  	[sflag:s25] =	ssyncset.done $0x0  }
0x64: {  	[sflag:s25] =	ssyncadd.s32 $0xFFFFF000  }
0x65: {  	_ =	swait.ge [sflag:s26], $0x1000  }
0x66: {  	s31 =	smov.u32 s30;
	[sflag:s26] =	ssyncset.done $0x0  }
0x67: {  	s1 =	sshra.s32 s29, $0x2;
	[sflag:s26] =	ssyncadd.s32 $0xFFFFF000  }
0x68: {  	[tilespmem:s15], [sflag:$0x1] =	stream.indirect.gather [hbm4b:s4+s14], $0x20, s1, s14, $0xb8;
	[tilespmem:$0x12C80] =	vst v63  }
0x69: {  	s29 =	sadd.s32 $0x80, s1  }
0x6a: {  	[tilespmem:s16], [sflag:$0x2] =	stream.indirect.gather [hbm4b:s4+s14], $0x20, s29, s14, $0xb8;
	[tilespmem:$0x12C80] =	vst v63  }
0x6b: {  	s31 =	sadd.s32 $0x100, s1  }
0x6c: {  	[tilespmem:s17], [sflag:$0x3] =	stream.indirect.gather [hbm4b:s4+s14], $0x20, s31, s14, $0xb8;
	[tilespmem:$0x12C80] =	vst v63  }
0x6d: {  	s30 =	sadd.s32 $0x180, s1  }
0x6e: {  	[tilespmem:s18], [sflag:$0x4] =	stream.indirect.gather [hbm4b:s4+s14], $0x20, s30, s14, $0xb8;
	[tilespmem:$0x12C80] =	vst v63  }
0x6f: {  	_ =	swait.ge [sflag:s19], $0x1000  }
0x70: {  	[sflag:s19] =	ssyncset.done $0x0  }
0x71: {  	s31 =	sadd.s32 $0x2800, s1;
	[sflag:s19] =	ssyncadd.s32 $0xFFFFF000  }
0x72: {  	[spmem:s2] =	stream.indirect.scatter.add.f32 [tilespmem:s15], [sflag:$0x5], $0x20, s31, s14, $0xb8;
	[tilespmem:$0x12C80] =	vst v63  }
0x73: {  	_ =	swait.ge [sflag:s20], $0x1000  }
0x74: {  	[sflag:s20] =	ssyncset.done $0x0  }
0x75: {  	s30 =	sadd.s32 $0x2880, s1;
	[sflag:s20] =	ssyncadd.s32 $0xFFFFF000  }
0x76: {  	[spmem:s2] =	stream.indirect.scatter.add.f32 [tilespmem:s16], [sflag:$0x6], $0x20, s30, s14, $0xb8;
	[tilespmem:$0x12C80] =	vst v63  }
0x77: {  	_ =	swait.ge [sflag:s21], $0x1000  }
0x78: {  	[sflag:s21] =	ssyncset.done $0x0  }
0x79: {  	s31 =	sadd.s32 $0x2900, s1;
	[sflag:s21] =	ssyncadd.s32 $0xFFFFF000  }
0x7a: {  	[spmem:s2] =	stream.indirect.scatter.add.f32 [tilespmem:s17], [sflag:$0x7], $0x20, s31, s14, $0xb8;
	[tilespmem:$0x12C80] =	vst v63  }
0x7b: {  	_ =	swait.ge [sflag:s22], $0x1000  }
0x7c: {  	[sflag:s22] =	ssyncset.done $0x0  }
0x7d: {  	s1 =	sadd.s32 $0x2980, s1;
	[sflag:s22] =	ssyncadd.s32 $0xFFFFF000  }
0x7e: {  	[spmem:s2] =	stream.indirect.scatter.add.f32 [tilespmem:s18], [sflag:$0x8], $0x20, s1, s14, $0xb8;
	[tilespmem:$0x12C80] =	vst v63  }
0x7f: {  	_ =	swait.ge [sflag:s23], $0x1000  }
0x80: {  	[sflag:s23] =	ssyncset.done $0x0  }
0x81: {  	[sflag:s23] =	ssyncadd.s32 $0xFFFFF000  }
0x82: {  	_ =	swait.ge [sflag:s24], $0x1000  }
0x83: {  	[sflag:s24] =	ssyncset.done $0x0  }
0x84: {  	[sflag:s24] =	ssyncadd.s32 $0xFFFFF000  }
0x85: {  	_ =	swait.ge [sflag:s25], $0x1000  }
0x86: {  	[sflag:s25] =	ssyncset.done $0x0  }
0x87: {  	[sflag:s25] =	ssyncadd.s32 $0xFFFFF000  }
0x88: {  	_ =	swait.ge [sflag:s26], $0x1000  }
0x89: {  	[sflag:s26] =	ssyncset.done $0x0  }
0x8a: {  	[sflag:s26] =	ssyncadd.s32 $0xFFFFF000  }
0x8b: {  	[bflag:$0x0] =	sbarrier.arrive $0xFFFF  }
0x8c: {  	[tilespmem:s13], [sflag:$0x9] =	stream.linear.gather [spmem:s8], $0x4E40, $0x38;
	[tilespmem:$0x12C80] =	vst v63  }
0x8d: {  	s28 =	sadd.s32 $0x1, s28;
	_ =	swait.ge [sflag:s11], $0x4E40  }
0x8e: {  	p0 =	sne.s32 s28, s10;
	[sflag:s11] =	ssyncset.done $0x0  }
.Ltmp1:
0x8f: {  	[sflag:s11] =	ssyncadd.s32 $0xFFFFB1C0;
	(pc) =	sbr.rel @p0 .LBB2_1-.Ltmp1, $4  }
0x90: {  	[hbm4b:s9+s3] =	stream.linear.scatter [tilespmem:s13], [sflag:$0x9], $0x4E40, $0x38;
	[tilespmem:$0x12C80] =	vst v63  }
0x91: {  	_ =	swait.ge [sflag:s11], $0x4E40  }
0x92: {  	[sflag:s11] =	ssyncset.done $0x0  }
0x93: {  	[sflag:s11] =	ssyncadd.s32 $0xFFFFB1C0  }
0x94: {  	_ =	sfence.sel $0x180000  }
0x95: {  	[bflag:$0x0] =	sbarrier.arrive $0xFFFF  }
0x96: {  	_ =	strace $0x90000050  }
0x97: {  	[bflag:$0x2] =	sbarrier.arrive $0xFFFF  }
0x98: {  	p0 =	sne.s32 s0, $0x0;
	s0 =	rddreg [dreg:$0x2]  }
0x99: {  	s0 =	sadd.s32 @!p0 $0x100000, s0  }
0x9a: {  	[sflag:s0] =	ssyncadd.tile.s32 @!p0 $0x1;
	_ =	shalt  }
.Lfunc_end2:
_tile_overlayer_lowered:
.L_overlay_start_2:
0x9b: {  	(tag) =	ssettag $0x2  }
0x9c: {  	s0 =	rddreg [dreg:$0x0];
	s2 =	stileid.u32  }
0x9d: {  	s1 =	rddreg [dreg:$0x1];
	p0 =	sne.s32 s2, $0x0  }
0x9e: {  	s3 =	rddreg [dreg:$0x2];
	[bflag:$0x3] =	sbarrier.arrive $0xFFFF;
	s2 =	simm.s32 @!p0 $0x1C09  }
0x9f: {  	[timem:s3], [sflag:s2] =	dma.local @!p0 [hbm:s0], s1  }
0xa0: {  	s0 =	simm.s32 @!p0 $0x9  }
0xa1: {  	_ =	swait.ge @!p0 [sflag:s0], s1  }
0xa2: {  	s1 =	ssub.s32 @!p0 $0x0, s1;
	[sflag:s0] =	ssyncset.done @!p0 $0x0  }
0xa3: {  	[sflag:s0] =	ssyncadd.s32 @!p0 s1  }
0xa4: {  	[bflag:$0x3] =	sbarrier.arrive $0xFFFF  }
0xa5: {  	_ =	shalt  }

// kernel: kernel.25.cloned.1.call-start
scs
__scs_entry_jumppad:
0x0: {  	(pc) =	sbr.rel $0x88, $3  }
0x1: {  	(tag) =	ssettag $0x0;
	lr =	simm.s32 $0x1  }
0x2: {  	[smem:$0x3F76] =	sst lr;
	_ =	strace $0xD0000000  }
0x3: {  	_ = 	snop  }
0x4: {  	_ = 	snop  }
0x5: {  	_ = 	snop  }
0x6: {  	_ = 	snop  }
0x7: {  	_ = 	snop  }
__scs_overlays_trampoline_lowered:
0x8: {  	[smem:$0x3F85] =	sst s0  }
0x9: {  	[smem:$0x3F86] =	sst s1  }
0xa: {  	[smem:$0x3F87] =	sst s2  }
0xb: {  	[smem:$0x3F88] =	sst s3  }
0xc: {  	[smem:$0x3F89] =	sst s4  }
0xd: {  	[smem:$0x3F8A] =	sst s5  }
0xe: {  	[smem:$0x3F8B] =	sst s6  }
0xf: {  	[smem:$0x3F8C] =	sst s7  }
0x10: {  	[smem:$0x3F8D] =	sst s8  }
0x11: {  	[smem:$0x3F8E] =	sst s9;
	s0 =	simm.s32 @!p0 $0x0  }
0x12: {  	s1 =	sld [smem:$0x3F74];
	s0 =	simm.s32 @p0 $0x1  }
0x13: {  	[smem:$0x3F8F] =	sst s0;
	s0 =	simm.s32 @!p1 $0x0  }
0x14: {  	s2 =	sld [smem:$0x3F73];
	s0 =	simm.s32 @p1 $0x1  }
0x15: {  	[smem:$0x3F90] =	sst s0;
	s0 =	simm.s32 @!p2 $0x0  }
0x16: {  	s3 =	sld [smem:$0x3FDB];
	s0 =	simm.s32 @p2 $0x1  }
0x17: {  	s4 =	simm.s32 $0x1BF5;
	[smem:$0x3F92] =	sst s0  }
0x18: {  	s0 =	sld [smem:$0x3F75];
	_ =	swait.ge [sflag:s4], $0x0  }
0x19: {  	s7 =	sld [smem:$0x3F76]  }
0x1a: {  	s8 =	sadd.s32 $0xFFFFE003, lr  }
0x1b: {  	s9 =	sadd.s32 $0xFFFFFEF7, lr;
	s5 =	simm.s32 $0xFFFFFFFF;
	p2 =	slt.u32 s8, $0xFFFFF086  }
0x1c: {  	p1 =	slt.u32 s9, $0xF7A;
	s5 =	simm.s32 @!p2 $0x0  }
0x1d: {  	s5 =	simm.s32 @p1 $0x1;
	p0 =	seq.s32 s7, s2  }
0x1e: {  	s7 =	smul.u32 @!p0 $0xF7A, s2;
	p2 =	seq.s32 @!p0 s5, $0x0  }
0x1f: {  	s9 =	smul.u32 $0xF7A, s1;
	s8 =	simm.s32 @!p0 $0x1BF5;
	p2 =	por !p2, p0  }
0x20: {  	[sflag:s8] =	ssyncset.s32 @!p0 $0xFFFFF086;
	s6 =	sadd.s32 @!p0 s3, s7;
	s7 =	simm.s32 @!p0 $0x108  }
0x21: {  	s3 =	sadd.s32 s3, s9;
	s6 =	sadd.s32 @!p0 $0x88, s6;
	s7 =	simm.s32 @p2 $0x1082  }
0x22: {  	[simem:s7], [sflag:s8] =	dma.local @!p0 [hbm:s6], $0xF7A  }
0x23: {  	s9 =	sor.u32 $0xD0000000, s2;
	s6 =	simm.s32 $0x108;
	_ =	swait.ge @!p0 [sflag:s8], $0x0  }
0x24: {  	s3 =	sadd.s32 $0x88, s3;
	s6 =	simm.s32 @!p1 $0x1082;
	[sflag:s4] =	ssyncset.s32 $0xFFFFF086  }
0x25: {  	[simem:s6], [sflag:s4] =	dma.local [hbm:s3], $0xF7A  }
0x26: {  	[smem:$0x3F76] =	sst s1;
	(tag) =	ssettag s2;
	_ =	strace s9  }
0x27: {  	s1 =	sld [smem:$0x3F86]  }
0x28: {  	s2 =	sld [smem:$0x3F87]  }
0x29: {  	s4 =	sld [smem:$0x3F89]  }
0x2a: {  	p0 =	seq.s32 s5, $0x0;
	s5 =	sld [smem:$0x3F8A]  }
0x2b: {  	s6 =	sld [smem:$0x3F8B]  }
0x2c: {  	s7 =	sld [smem:$0x3F8C]  }
0x2d: {  	s3 =	simm.s32 $0x108;
	s8 =	sld [smem:$0x3F8D]  }
0x2e: {  	s3 =	simm.s32 @!p0 $0x1082;
	s9 =	sld [smem:$0x3F8E]  }
0x2f: {  	lr =	sadd.s32 s0, s3;
	s0 =	sld [smem:$0x3F85]  }
0x30: {  	s3 =	sld [smem:$0x3F88]  }
0x31: {  	[smem:$0x3F91] =	sst s10  }
0x32: {  	s10 =	sld [smem:$0x3F8F];
	_ =	sdelay $0x3  }
0x33: {  	p0 =	seq.s32 s10, $0x1;
	s10 =	sld [smem:$0x3F91];
	_ =	sdelay $0x3  }
0x34: {  	[smem:$0x3F91] =	sst s10  }
0x35: {  	s10 =	sld [smem:$0x3F90];
	_ =	sdelay $0x3  }
0x36: {  	p1 =	seq.s32 s10, $0x1;
	s10 =	sld [smem:$0x3F91];
	_ =	sdelay $0x3  }
0x37: {  	[smem:$0x3F91] =	sst s10  }
0x38: {  	s10 =	sld [smem:$0x3F92]  }
0x39: {  	_ = 	snop;
	(pc) =	sbr.ind lr, $3  }
0x3a: {  	_ = 	snop  }
0x3b: {  	_ = 	snop  }
0x3c: {  	p2 =	seq.s32 s10, $0x1;
	s10 =	sld [smem:$0x3F91]  }
0x3d: {  	_ =	shalt  }
0x3e: {  	_ =	shalt  }
0x3f: {  	_ =	shalt  }
0x40: {  	_ =	shalt  }
0x41: {  	_ =	shalt  }
0x42: {  	_ =	shalt  }
0x43: {  	_ =	shalt  }
0x44: {  	_ =	shalt  }
0x45: {  	_ =	shalt  }
0x46: {  	_ =	shalt  }
0x47: {  	_ =	shalt  }
0x48: {  	_ =	shalt  }
0x49: {  	_ =	shalt  }
0x4a: {  	_ =	shalt  }
0x4b: {  	_ =	shalt  }
0x4c: {  	_ =	shalt  }
0x4d: {  	_ =	shalt  }
0x4e: {  	_ =	shalt  }
0x4f: {  	_ =	shalt  }
0x50: {  	_ =	shalt  }
0x51: {  	_ =	shalt  }
0x52: {  	_ =	shalt  }
0x53: {  	_ =	shalt  }
0x54: {  	_ =	shalt  }
0x55: {  	_ =	shalt  }
0x56: {  	_ =	shalt  }
0x57: {  	_ =	shalt  }
0x58: {  	_ =	shalt  }
0x59: {  	_ =	shalt  }
0x5a: {  	_ =	shalt  }
0x5b: {  	_ =	shalt  }
0x5c: {  	_ =	shalt  }
0x5d: {  	_ =	shalt  }
0x5e: {  	_ =	shalt  }
0x5f: {  	_ =	shalt  }
0x60: {  	_ =	shalt  }
0x61: {  	_ =	shalt  }
0x62: {  	_ =	shalt  }
0x63: {  	_ =	shalt  }
0x64: {  	_ =	shalt  }
0x65: {  	_ =	shalt  }
0x66: {  	_ =	shalt  }
0x67: {  	_ =	shalt  }
0x68: {  	_ =	shalt  }
0x69: {  	_ =	shalt  }
0x6a: {  	_ =	shalt  }
0x6b: {  	_ =	shalt  }
0x6c: {  	_ =	shalt  }
0x6d: {  	_ =	shalt  }
0x6e: {  	_ =	shalt  }
0x6f: {  	_ =	shalt  }
0x70: {  	_ =	shalt  }
0x71: {  	_ =	shalt  }
0x72: {  	_ =	shalt  }
0x73: {  	_ =	shalt  }
0x74: {  	_ =	shalt  }
0x75: {  	_ =	shalt  }
0x76: {  	_ =	shalt  }
0x77: {  	_ =	shalt  }
0x78: {  	_ =	shalt  }
0x79: {  	_ =	shalt  }
0x7a: {  	_ =	shalt  }
0x7b: {  	_ =	shalt  }
0x7c: {  	_ =	shalt  }
0x7d: {  	_ =	shalt  }
0x7e: {  	_ =	shalt  }
0x7f: {  	_ =	shalt  }
0x80: {  	_ =	shalt  }
0x81: {  	_ =	shalt  }
0x82: {  	_ =	shalt  }
0x83: {  	_ =	shalt  }
0x84: {  	_ =	shalt  }
0x85: {  	_ =	shalt  }
0x86: {  	_ =	shalt  }
0x87: {  	_ =	shalt  }
.Lfunc_end0:
.L_simem_size_0:
called_computation.4_lowered:
.L_overlay_start_0:
0x88: {  	s2 =	sld [smem:$0x3FD9]  }
0x89: {  	s3 =	sld [smem:$0x3FFE];
	_ =	sdelay $0x1  }
0x8a: {  	s1 =	srdreg.scid  }
0x8b: {  	s0 =	sand.u32 $0x1, s1  }
0x8c: {  	s16 =	sshll.u32 s0, $0xA;
	s2 =	sadd.s32 s3, s2  }
0x8d: {  	s2 =	sadd.s32 s2, s16  }
0x8e: {  	[smem:$0x3F9D] =	sst s2  }
0x8f: {  	_ = 	snop  }
0x90: {  	(tm) =	ssettm $0x1  }
0x91: {  	s17 =	sld [smem:$0x3FFB];
	_ =	sdelay $0x3  }
0x92: {  	_ =	strace s17  }
0x93: {  	s2 =	sld [smem:$0x3FFC];
	_ =	sdelay $0x3  }
0x94: {  	_ =	strace s2  }
0x95: {  	s2 =	sld [smem:$0x3FFD];
	_ =	sdelay $0x3  }
0x96: {  	_ =	strace s2  }
0x97: {  	_ =	strace $0x8FFFFFFF  }
0x98: {  	s18 =	sld [smem:$0x3FDB];
	_ =	sdelay $0x1  }
0x99: {  	s19 =	simm.s32 $_scs_section_size  }
0x9a: {  	s4 =	simm.s32 $_size__tile_overlayer_lowered;
	s5 =	simm.s32 $_tile_overlayer_lowered  }
0x9b: {  	s22 =	simm.s32 $0x1BFF;
	s21 =	sshll.u32 s5, $0x1;
	s2 =	sadd.s32 s19, s18  }
0x9c: {  	s6 =	simm.s32 $0x0;
	s20 =	sshll.u32 s4, $0x1;
	s4 =	sadd.s32 s21, s2  }
0x9d: {  	[timem:s6], [sflag:s22] =	dma.local [hbm:s4], s20  }
0x9e: {  	_ =	swait.ge [sflag:s22], s20  }
0x9f: {  	s3 =	ssub.s32 $0x0, s20;
	[sflag:s22] =	ssyncset.done $0x0  }
0xa0: {  	[sflag:s22] =	ssyncadd.s32 s3;
	_ =	sdelay $0x1  }
0xa1: {  	s23 =	simm.s32 $0x1B8B  }
0xa2: {  	_ =	swait.ge [sflag:s23], $0x1  }
0xa3: {  	[sflag:s23] =	ssyncset.done $0x0  }
0xa4: {  	s25 =	simm.s32 $0x1B8E;
	s24 =	sld [smem:$0x3FFE];
	[sflag:s23] =	ssyncadd.s32 $0xFFFFFFFF  }
0xa5: {  	s26 =	simm.s32 $execute0_lowered;
	[smem:$0x3FD2] =	sst s25  }
0xa6: {  	s4 =	sshll.u32 s26, $0x1;
	_ =	strace $0x80000052;
	[dreg:$0x1] =	wrdreg $0xFFFFFFFF  }
0xa7: {  	s28 =	simm.s32 $_size_execute0_lowered;
	s2 =	sadd.s32 s2, s4;
	[dreg:$0x0] =	wrdreg $0x0  }
0xa8: {  	s4 =	sshll.u32 s28, $0x1;
	[dreg:$0x2] =	wrdreg s2  }
0xa9: {  	[dreg:$0x3] =	wrdreg s4  }
0xaa: {  	[dreg:$0x4] =	wrdreg $0xC0  }
0xab: {  	_ =	task [dreg:s6], $0x5FFFF  }
0xac: {  	[dreg:$0x1] =	wrdreg $0xFFFFFFFF  }
0xad: {  	[dreg:$0x0] =	wrdreg $0x60  }
0xae: {  	[dreg:$0x2] =	wrdreg s24  }
0xaf: {  	[dreg:$0x3] =	wrdreg $0x12E400  }
0xb0: {  	[dreg:$0x4] =	wrdreg $0x9  }
0xb1: {  	_ =	task.clear_ibuf [dreg:s6], $0x5FFFF;
	_ =	strace $0x90000052  }
0xb2: {  	s29 =	simm.s32 $0x9;
	_ =	strace $0x80000054  }
0xb3: {  	_ =	swait.ge [sflag:s29], $0x1  }
0xb4: {  	[sflag:s29] =	ssyncadd.s32 $0xFFFFFFFF  }
0xb5: {  	_ =	strace $0x90000054  }
0xb6: {  	_ =	sfence  }
0xb7: {  	s30 =	sld [smem:$0x0];
	_ =	sdelay $0x2  }
0xb8: {  	s31 =	sshll.u32 s1, $0xD;
	s1 =	sshrl.u32 s1, $0x2  }
0xb9: {  	s3 =	sand.u32 $0x4000, s31;
	s1 =	sadd.s32 s1, s30  }
0xba: {  	s0 =	sor.u32 s3, s0;
	s1 =	sshll.u32 s1, $0x11  }
0xbb: {  	s0 =	sor.u32 s1, s0  }
0xbc: {  	s0 =	sadd.s32 $0x8F2B, s0  }
0xbd: {  	[sflag:s0] =	ssyncadd.remote.s32 $0x1  }
0xbe: {  	_ =	sfence.sel $0xFFFF  }
0xbf: {  	[dreg:$0x0] =	wrdreg $0xFFFFFFFF;
	(pc) =	sbr.abs _section_cstart, $3  }
0xc0: {  	[dreg:$0x1] =	wrdreg $0xFFFFFFFF  }
0xc1: {  	_ =	task.clear_ibuf [dreg:s6], $0x2FFFF;
	_ =	strace $0x9FFFFFFF  }
0xc2: {  	(tm) =	ssettm $0x7FFFFFFF  }
0xc3: {  	_ =	shalt  }
tec
execute0_lowered:
.L_overlay_start_1:
0x0: {  	(tag) =	ssettag $0x1  }
0x1: {  	s0 =	srdreg.scid;
	s5 =	rddreg [dreg:$0x0]  }
0x2: {  	s2 =	rddreg [dreg:$0x1];
	s3 =	simm.s32 $0x0;
	s13 =	simm.s32 $0xE000  }
0x3: {  	s14 =	simm.s32 $0x80;
	s15 =	simm.s32 $0xA000;
	s16 =	simm.s32 $0xB000  }
0x4: {  	s17 =	simm.s32 $0xC000;
	s18 =	simm.s32 $0xD000;
	s19 =	simm.s32 $0x1  }
0x5: {  	s20 =	simm.s32 $0x2;
	s21 =	simm.s32 $0x3;
	s4 =	sand.u32 $0x1, s0  }
0x6: {  	s22 =	simm.s32 $0x4;
	s0 =	stileid.u32;
	s6 =	smul.u32 $0x9C40, s4  }
0x7: {  	s23 =	simm.s32 $0x5;
	s24 =	simm.s32 $0x6;
	s7 =	smul.u32 $0x4E40, s0  }
0x8: {  	s25 =	simm.s32 $0x7;
	s28 =	simm.s32 $0x0;
	s8 =	smul.u32 $0x4E400, s4  }
0x9: {  	[smem:$0x7FF] =	sst s3;
	s9 =	smul.u32 $0xA00, s0;
	s30 =	ssub.s32 $0x2, s4  }
0xa: {  	_ =	strace $0x80000053;
	s4 =	sadd.s32 $0x12400, s5;
	s31 =	sshrl.u32 s30, $0x1  }
0xb: {  	s10 =	sadd.s32 s6, s5;
	s26 =	sadd.s32 s7, s8;
	s29 =	sadd.s32 s9, s5  }
0xc: {  	s12 =	ssub.s32 s30, s31;
	s7 =	sadd.s32 s7, s2;
	s6 =	sshrl.u32 s26, $0x3  }
0xd: {  	s8 =	sadd.s32 $0x21800, s10;
	s10 =	smax.u32 s12, $0x1;
	s12 =	simm.s32 $0x5000  }
0xe: {  	s26 =	simm.s32 $0x8;
	s11 =	sadd.s32 s6, s5;
	s5 =	sadd.s32 $0x17800, s29  }
0xf: {  	s6 =	sadd.s32 $0x8400, s29;
	s9 =	sadd.s32 $0x35200, s11;
	s11 =	simm.s32 $0x9  }
.LBB2_1:
0x10: {  	[tilespmem:s3], [sflag:$0x9] =	stream.linear.gather [hbm4b:s5+s3], $0x5000, $0x38;
	[tilespmem:$0x17C80] =	vst v63  }
0x11: {  	_ =	swait.ge [sflag:s11], $0x5000  }
0x12: {  	[sflag:s11] =	ssyncset.done $0x0  }
0x13: {  	[sflag:s11] =	ssyncadd.s32 $0xFFFFB000  }
0x14: {  	[tilespmem:s12], [sflag:$0x9] =	stream.linear.gather [hbm4b:s6+s3], $0x5000, $0x38;
	[tilespmem:$0x17C80] =	vst v63  }
0x15: {  	_ =	swait.ge [sflag:s11], $0x5000  }
0x16: {  	[sflag:s11] =	ssyncset.done $0x0  }
0x17: {  	[sflag:s11] =	ssyncadd.s32 $0xFFFFB000  }
0x18: {  	[tilespmem:s13], [sflag:$0x9] =	stream.linear.gather [hbm4b:s4+s3], $0x4E40, $0x38;
	[tilespmem:$0x17C80] =	vst v63  }
0x19: {  	_ =	swait.ge [sflag:s11], $0x4E40  }
0x1a: {  	[sflag:s11] =	ssyncset.done $0x0  }
0x1b: {  	[sflag:s11] =	ssyncadd.s32 $0xFFFFB1C0  }
0x1c: {  	[spmem:s7] =	stream.linear.scatter [tilespmem:s13], [sflag:$0x9], $0x4E40, $0x38;
	[tilespmem:$0x17C80] =	vst v63  }
0x1d: {  	_ =	swait.ge [sflag:s11], $0x4E40  }
0x1e: {  	[sflag:s11] =	ssyncset.done $0x0  }
0x1f: {  	[sflag:s11] =	ssyncadd.s32 $0xFFFFB1C0  }
0x20: {  	s29 =	simm.s32 $0x0;
	[bflag:$0x0] =	sbarrier.arrive $0xFFFF  }
0x21: {  	[tilespmem:s15], [sflag:$0x1] =	stream.indirect.gather [hbm4b:s8+s14], $0x20, s29, s14, $0xb8;
	[tilespmem:$0x17C80] =	vst v63  }
0x22: {  	s29 =	simm.s32 $0x80  }
0x23: {  	[tilespmem:s16], [sflag:$0x2] =	stream.indirect.gather [hbm4b:s8+s14], $0x20, s29, s14, $0xb8;
	[tilespmem:$0x17C80] =	vst v63  }
0x24: {  	s29 =	simm.s32 $0x100  }
0x25: {  	[tilespmem:s17], [sflag:$0x3] =	stream.indirect.gather [hbm4b:s8+s14], $0x20, s29, s14, $0xb8;
	[tilespmem:$0x17C80] =	vst v63  }
0x26: {  	s29 =	simm.s32 $0x180  }
0x27: {  	[tilespmem:s18], [sflag:$0x4] =	stream.indirect.gather [hbm4b:s8+s14], $0x20, s29, s14, $0xb8;
	[tilespmem:$0x17C80] =	vst v63  }
0x28: {  	_ =	swait.ge [sflag:s19], $0x1000  }
0x29: {  	[sflag:s19] =	ssyncset.done $0x0  }
0x2a: {  	s29 =	simm.s32 $0x5000;
	[sflag:s19] =	ssyncadd.s32 $0xFFFFF000  }
0x2b: {  	[spmem:s2] =	stream.indirect.scatter.add.f32 [tilespmem:s15], [sflag:$0x5], $0x20, s29, s14, $0xb8;
	[tilespmem:$0x17C80] =	vst v63  }
0x2c: {  	_ =	swait.ge [sflag:s20], $0x1000  }
0x2d: {  	[sflag:s20] =	ssyncset.done $0x0  }
0x2e: {  	s29 =	simm.s32 $0x5080;
	[sflag:s20] =	ssyncadd.s32 $0xFFFFF000  }
0x2f: {  	[spmem:s2] =	stream.indirect.scatter.add.f32 [tilespmem:s16], [sflag:$0x6], $0x20, s29, s14, $0xb8;
	[tilespmem:$0x17C80] =	vst v63  }
0x30: {  	_ =	swait.ge [sflag:s21], $0x1000  }
0x31: {  	[sflag:s21] =	ssyncset.done $0x0  }
0x32: {  	s29 =	simm.s32 $0x5100;
	[sflag:s21] =	ssyncadd.s32 $0xFFFFF000  }
0x33: {  	[spmem:s2] =	stream.indirect.scatter.add.f32 [tilespmem:s17], [sflag:$0x7], $0x20, s29, s14, $0xb8;
	[tilespmem:$0x17C80] =	vst v63  }
0x34: {  	_ =	swait.ge [sflag:s22], $0x1000  }
0x35: {  	[sflag:s22] =	ssyncset.done $0x0  }
0x36: {  	s29 =	simm.s32 $0x5180;
	[sflag:s22] =	ssyncadd.s32 $0xFFFFF000  }
0x37: {  	[spmem:s2] =	stream.indirect.scatter.add.f32 [tilespmem:s18], [sflag:$0x8], $0x20, s29, s14, $0xb8;
	[tilespmem:$0x17C80] =	vst v63  }
0x38: {  	_ =	swait.ge [sflag:s23], $0x1000  }
0x39: {  	[sflag:s23] =	ssyncset.done $0x0  }
0x3a: {  	[sflag:s23] =	ssyncadd.s32 $0xFFFFF000  }
0x3b: {  	_ =	swait.ge [sflag:s24], $0x1000  }
0x3c: {  	[sflag:s24] =	ssyncset.done $0x0  }
0x3d: {  	[sflag:s24] =	ssyncadd.s32 $0xFFFFF000  }
0x3e: {  	_ =	swait.ge [sflag:s25], $0x1000  }
0x3f: {  	[sflag:s25] =	ssyncset.done $0x0  }
0x40: {  	[sflag:s25] =	ssyncadd.s32 $0xFFFFF000  }
0x41: {  	_ =	swait.ge [sflag:s26], $0x1000  }
0x42: {  	s31 =	simm.s32 $0x1000;
	s29 =	simm.s32 $0x800;
	[sflag:s26] =	ssyncset.done $0x0  }
.LBB2_2:
0x43: {  	s1 =	sshra.s32 s29, $0x2  }
0x44: {  	[sflag:s26] =	ssyncadd.s32 $0xFFFFF000;
	s29 =	smov.u32 s31;
	s30 =	sadd.s32 $0x800, s31  }
0x45: {  	[tilespmem:s15], [sflag:$0x1] =	stream.indirect.gather [hbm4b:s8+s14], $0x20, s1, s14, $0xb8;
	[tilespmem:$0x17C80] =	vst v63  }
0x46: {  	p0 =	sne.s32 s31, $0x13800;
	s31 =	sadd.s32 $0x80, s1  }
0x47: {  	[tilespmem:s16], [sflag:$0x2] =	stream.indirect.gather [hbm4b:s8+s14], $0x20, s31, s14, $0xb8;
	[tilespmem:$0x17C80] =	vst v63  }
0x48: {  	s31 =	sadd.s32 $0x100, s1  }
0x49: {  	[tilespmem:s17], [sflag:$0x3] =	stream.indirect.gather [hbm4b:s8+s14], $0x20, s31, s14, $0xb8;
	[tilespmem:$0x17C80] =	vst v63  }
0x4a: {  	s31 =	sadd.s32 $0x180, s1  }
0x4b: {  	[tilespmem:s18], [sflag:$0x4] =	stream.indirect.gather [hbm4b:s8+s14], $0x20, s31, s14, $0xb8;
	[tilespmem:$0x17C80] =	vst v63  }
0x4c: {  	_ =	swait.ge [sflag:s19], $0x1000  }
0x4d: {  	[sflag:s19] =	ssyncset.done $0x0  }
0x4e: {  	s31 =	sadd.s32 $0x5000, s1;
	[sflag:s19] =	ssyncadd.s32 $0xFFFFF000  }
0x4f: {  	[spmem:s2] =	stream.indirect.scatter.add.f32 [tilespmem:s15], [sflag:$0x5], $0x20, s31, s14, $0xb8;
	[tilespmem:$0x17C80] =	vst v63  }
0x50: {  	_ =	swait.ge [sflag:s20], $0x1000  }
0x51: {  	[sflag:s20] =	ssyncset.done $0x0  }
0x52: {  	s31 =	sadd.s32 $0x5080, s1;
	[sflag:s20] =	ssyncadd.s32 $0xFFFFF000  }
0x53: {  	[spmem:s2] =	stream.indirect.scatter.add.f32 [tilespmem:s16], [sflag:$0x6], $0x20, s31, s14, $0xb8;
	[tilespmem:$0x17C80] =	vst v63  }
0x54: {  	_ =	swait.ge [sflag:s21], $0x1000  }
0x55: {  	[sflag:s21] =	ssyncset.done $0x0  }
0x56: {  	s31 =	sadd.s32 $0x5100, s1;
	[sflag:s21] =	ssyncadd.s32 $0xFFFFF000  }
0x57: {  	[spmem:s2] =	stream.indirect.scatter.add.f32 [tilespmem:s17], [sflag:$0x7], $0x20, s31, s14, $0xb8;
	[tilespmem:$0x17C80] =	vst v63  }
0x58: {  	_ =	swait.ge [sflag:s22], $0x1000  }
0x59: {  	[sflag:s22] =	ssyncset.done $0x0  }
0x5a: {  	s1 =	sadd.s32 $0x5180, s1;
	[sflag:s22] =	ssyncadd.s32 $0xFFFFF000  }
0x5b: {  	[spmem:s2] =	stream.indirect.scatter.add.f32 [tilespmem:s18], [sflag:$0x8], $0x20, s1, s14, $0xb8;
	[tilespmem:$0x17C80] =	vst v63  }
0x5c: {  	_ =	swait.ge [sflag:s23], $0x1000  }
0x5d: {  	[sflag:s23] =	ssyncset.done $0x0  }
0x5e: {  	[sflag:s23] =	ssyncadd.s32 $0xFFFFF000  }
0x5f: {  	_ =	swait.ge [sflag:s24], $0x1000  }
0x60: {  	[sflag:s24] =	ssyncset.done $0x0  }
0x61: {  	[sflag:s24] =	ssyncadd.s32 $0xFFFFF000  }
.Ltmp0:
0x62: {  	_ =	swait.ge [sflag:s25], $0x1000;
	(pc) =	sbr.rel @p0 .LBB2_2-.Ltmp0, $4  }
0x63: {  	[sflag:s25] =	ssyncset.done $0x0  }
0x64: {  	[sflag:s25] =	ssyncadd.s32 $0xFFFFF000  }
0x65: {  	_ =	swait.ge [sflag:s26], $0x1000  }
0x66: {  	s31 =	smov.u32 s30;
	[sflag:s26] =	ssyncset.done $0x0  }
0x67: {  	s1 =	sshra.s32 s29, $0x2;
	[sflag:s26] =	ssyncadd.s32 $0xFFFFF000  }
0x68: {  	[tilespmem:s15], [sflag:$0x1] =	stream.indirect.gather [hbm4b:s8+s14], $0x20, s1, s14, $0xb8;
	[tilespmem:$0x17C80] =	vst v63  }
0x69: {  	s29 =	sadd.s32 $0x80, s1  }
0x6a: {  	[tilespmem:s16], [sflag:$0x2] =	stream.indirect.gather [hbm4b:s8+s14], $0x20, s29, s14, $0xb8;
	[tilespmem:$0x17C80] =	vst v63  }
0x6b: {  	s31 =	sadd.s32 $0x100, s1  }
0x6c: {  	[tilespmem:s17], [sflag:$0x3] =	stream.indirect.gather [hbm4b:s8+s14], $0x20, s31, s14, $0xb8;
	[tilespmem:$0x17C80] =	vst v63  }
0x6d: {  	s30 =	sadd.s32 $0x180, s1  }
0x6e: {  	[tilespmem:s18], [sflag:$0x4] =	stream.indirect.gather [hbm4b:s8+s14], $0x20, s30, s14, $0xb8;
	[tilespmem:$0x17C80] =	vst v63  }
0x6f: {  	_ =	swait.ge [sflag:s19], $0x1000  }
0x70: {  	[sflag:s19] =	ssyncset.done $0x0  }
0x71: {  	s31 =	sadd.s32 $0x5000, s1;
	[sflag:s19] =	ssyncadd.s32 $0xFFFFF000  }
0x72: {  	[spmem:s2] =	stream.indirect.scatter.add.f32 [tilespmem:s15], [sflag:$0x5], $0x20, s31, s14, $0xb8;
	[tilespmem:$0x17C80] =	vst v63  }
0x73: {  	_ =	swait.ge [sflag:s20], $0x1000  }
0x74: {  	[sflag:s20] =	ssyncset.done $0x0  }
0x75: {  	s30 =	sadd.s32 $0x5080, s1;
	[sflag:s20] =	ssyncadd.s32 $0xFFFFF000  }
0x76: {  	[spmem:s2] =	stream.indirect.scatter.add.f32 [tilespmem:s16], [sflag:$0x6], $0x20, s30, s14, $0xb8;
	[tilespmem:$0x17C80] =	vst v63  }
0x77: {  	_ =	swait.ge [sflag:s21], $0x1000  }
0x78: {  	[sflag:s21] =	ssyncset.done $0x0  }
0x79: {  	s31 =	sadd.s32 $0x5100, s1;
	[sflag:s21] =	ssyncadd.s32 $0xFFFFF000  }
0x7a: {  	[spmem:s2] =	stream.indirect.scatter.add.f32 [tilespmem:s17], [sflag:$0x7], $0x20, s31, s14, $0xb8;
	[tilespmem:$0x17C80] =	vst v63  }
0x7b: {  	_ =	swait.ge [sflag:s22], $0x1000  }
0x7c: {  	[sflag:s22] =	ssyncset.done $0x0  }
0x7d: {  	s1 =	sadd.s32 $0x5180, s1;
	[sflag:s22] =	ssyncadd.s32 $0xFFFFF000  }
0x7e: {  	[spmem:s2] =	stream.indirect.scatter.add.f32 [tilespmem:s18], [sflag:$0x8], $0x20, s1, s14, $0xb8;
	[tilespmem:$0x17C80] =	vst v63  }
0x7f: {  	_ =	swait.ge [sflag:s23], $0x1000  }
0x80: {  	[sflag:s23] =	ssyncset.done $0x0  }
0x81: {  	[sflag:s23] =	ssyncadd.s32 $0xFFFFF000  }
0x82: {  	_ =	swait.ge [sflag:s24], $0x1000  }
0x83: {  	[sflag:s24] =	ssyncset.done $0x0  }
0x84: {  	[sflag:s24] =	ssyncadd.s32 $0xFFFFF000  }
0x85: {  	_ =	swait.ge [sflag:s25], $0x1000  }
0x86: {  	[sflag:s25] =	ssyncset.done $0x0  }
0x87: {  	[sflag:s25] =	ssyncadd.s32 $0xFFFFF000  }
0x88: {  	_ =	swait.ge [sflag:s26], $0x1000  }
0x89: {  	[sflag:s26] =	ssyncset.done $0x0  }
0x8a: {  	[sflag:s26] =	ssyncadd.s32 $0xFFFFF000  }
0x8b: {  	[bflag:$0x0] =	sbarrier.arrive $0xFFFF  }
0x8c: {  	[tilespmem:s13], [sflag:$0x9] =	stream.linear.gather [spmem:s7], $0x4E40, $0x38;
	[tilespmem:$0x17C80] =	vst v63  }
0x8d: {  	s28 =	sadd.s32 $0x1, s28;
	_ =	swait.ge [sflag:s11], $0x4E40  }
0x8e: {  	p0 =	sne.s32 s28, s10;
	[sflag:s11] =	ssyncset.done $0x0  }
.Ltmp1:
0x8f: {  	[sflag:s11] =	ssyncadd.s32 $0xFFFFB1C0;
	(pc) =	sbr.rel @p0 .LBB2_1-.Ltmp1, $4  }
0x90: {  	[hbm4b:s9+s3] =	stream.linear.scatter [tilespmem:s13], [sflag:$0x9], $0x4E40, $0x38;
	[tilespmem:$0x17C80] =	vst v63  }
0x91: {  	_ =	swait.ge [sflag:s11], $0x4E40  }
0x92: {  	[sflag:s11] =	ssyncset.done $0x0  }
0x93: {  	[sflag:s11] =	ssyncadd.s32 $0xFFFFB1C0  }
0x94: {  	_ =	sfence.sel $0x180000  }
0x95: {  	[bflag:$0x0] =	sbarrier.arrive $0xFFFF  }
0x96: {  	_ =	strace $0x90000053  }
0x97: {  	[bflag:$0x2] =	sbarrier.arrive $0xFFFF  }
0x98: {  	p0 =	sne.s32 s0, $0x0;
	s0 =	rddreg [dreg:$0x2]  }
0x99: {  	s0 =	sadd.s32 @!p0 $0x100000, s0  }
0x9a: {  	[sflag:s0] =	ssyncadd.tile.s32 @!p0 $0x1;
	_ =	shalt  }
.Lfunc_end2:
_tile_overlayer_lowered:
.L_overlay_start_2:
0x9b: {  	(tag) =	ssettag $0x2  }
0x9c: {  	s0 =	rddreg [dreg:$0x0];
	s2 =	stileid.u32  }
0x9d: {  	s1 =	rddreg [dreg:$0x1];
	p0 =	sne.s32 s2, $0x0  }
0x9e: {  	s3 =	rddreg [dreg:$0x2];
	[bflag:$0x3] =	sbarrier.arrive $0xFFFF;
	s2 =	simm.s32 @!p0 $0x1C09  }
0x9f: {  	[timem:s3], [sflag:s2] =	dma.local @!p0 [hbm:s0], s1  }
0xa0: {  	s0 =	simm.s32 @!p0 $0x9  }
0xa1: {  	_ =	swait.ge @!p0 [sflag:s0], s1  }
0xa2: {  	s1 =	ssub.s32 @!p0 $0x0, s1;
	[sflag:s0] =	ssyncset.done @!p0 $0x0  }
0xa3: {  	[sflag:s0] =	ssyncadd.s32 @!p0 s1  }
0xa4: {  	[bflag:$0x3] =	sbarrier.arrive $0xFFFF  }
0xa5: {  	_ =	shalt  }

</sc_bundles>
